<compile_context>
chip_gen: v7x
topology: tpu7x:2x2x1
jax: 0.10.2.dev20260603
libtpu: 0.0.44.dev20260713+nightly
codegen_flags: <defaults>
</compile_context>

<pallas_src>
import functools

import jax
import jax.numpy as jnp
from jax import lax
from jax.experimental import pallas as pl
from jax.experimental.pallas import tpu as pltpu
from jax.experimental.pallas import tpu_sc as plsc

NC = 2
NS = 16
LANES = 16
F = 128
BN = 2000


def _sc_mesh():
    return plsc.VectorSubcoreMesh(core_axis_name="c", subcore_axis_name="s")


_CH = 128
_CHP = 64


_DW = 128


def _degree_body(n_pad, nchd, dst_hbm, ones_hbm, z_hbm, olo_hbm, ohi_hbm,
                 didx, onesv, acc, sem0, sem1):
    c = lax.axis_index("c")
    s = lax.axis_index("s")
    wid = c * NS + s
    npw = n_pad // NS
    sems = (sem0, sem1)

    pltpu.sync_copy(ones_hbm, onesv)
    pltpu.sync_copy(dst_hbm.at[wid], didx)
    pltpu.sync_copy(z_hbm.at[pl.ds(s * npw, npw)], acc.at[pl.ds(s * npw, npw)])
    plsc.subcore_barrier()

    def gbody(g, carry):
        for b in range(2):
            k = g * 2 + b

            @pl.when(k >= 2)
            def _():
                pltpu.make_async_copy(onesv, acc.at[didx.at[k - 2]],
                                      sems[b]).wait()

            pltpu.async_copy(onesv, acc.at[didx.at[k]], sems[b], add=True)
        return carry

    lax.fori_loop(0, nchd // 2, gbody, 0)
    for b in range(2):
        pltpu.make_async_copy(onesv, acc.at[didx.at[nchd - 2 + b]],
                              sems[b]).wait()

    plsc.subcore_barrier()

    @pl.when(c == 0)
    def _():
        pltpu.sync_copy(acc.at[pl.ds(s * npw, npw)],
                        olo_hbm.at[pl.ds(s * npw, npw)])

    @pl.when(c == 1)
    def _():
        pltpu.sync_copy(acc.at[pl.ds(s * npw, npw)],
                        ohi_hbm.at[pl.ds(s * npw, npw)])


def _sc_degree(dst3d, ones, zeros2d, n_pad):
    nchd = dst3d.shape[1]
    kfn = pl.kernel(
        functools.partial(_degree_body, n_pad, nchd),
        out_type=(jax.ShapeDtypeStruct((n_pad, _DW), jnp.float32),
                  jax.ShapeDtypeStruct((n_pad, _DW), jnp.float32)),
        mesh=_sc_mesh(),
        scratch_types=[
            pltpu.VMEM((nchd, _CH), jnp.int32),
            pltpu.VMEM((_CH, _DW), jnp.float32),
            pltpu.VMEM_SHARED((n_pad, _DW), jnp.float32),
            pltpu.SemaphoreType.DMA,
            pltpu.SemaphoreType.DMA,
        ],
    )
    return kfn(dst3d, ones, zeros2d)


_RING = 3


def _prop_body(n_pad, nch, tlo_hbm, thi_hbm, src_hbm, dst_hbm, z_hbm, olo_hbm,
               ohi_hbm, didx, sidx, rows0, rows1, rows2, acc,
               gs0, gs1, gs2, ss0, ss1, ss2):
    c = lax.axis_index("c")
    s = lax.axis_index("s")
    rpt = n_pad // NS
    rows = (rows0, rows1, rows2)
    gsem = (gs0, gs1, gs2)
    ssem = (ss0, ss1, ss2)

    pltpu.sync_copy(dst_hbm.at[s], didx)
    pltpu.sync_copy(src_hbm.at[s], sidx)
    pltpu.sync_copy(z_hbm.at[pl.ds(s * rpt, rpt)], acc.at[pl.ds(s * rpt, rpt)])
    plsc.subcore_barrier()

    def svec(tbl, k):
        return tbl.at[k >> 1, pl.ds((k & 1) * _CHP, _CHP)]

    def edge_loop(table):
        def gbody(g, carry):
            for b in range(_RING):
                k = g * _RING + b
                bp = (b + _RING - 1) % _RING

                @pl.when(k >= _RING)
                def _():
                    pltpu.make_async_copy(rows[b], acc.at[svec(didx, k - _RING)],
                                          ssem[b]).wait()

                pltpu.async_copy(table.at[svec(sidx, k)], rows[b], gsem[b])

                @pl.when(k >= 1)
                def _():
                    pltpu.make_async_copy(table.at[svec(sidx, k - 1)], rows[bp],
                                          gsem[bp]).wait()
                    pltpu.async_copy(rows[bp], acc.at[svec(didx, k - 1)],
                                     ssem[bp], add=True)
            return carry

        lax.fori_loop(0, nch // _RING, gbody, 0)
        pltpu.make_async_copy(table.at[svec(sidx, nch - 1)], rows[_RING - 1],
                              gsem[_RING - 1]).wait()
        pltpu.async_copy(rows[_RING - 1], acc.at[svec(didx, nch - 1)],
                         ssem[_RING - 1], add=True)
        for b in range(_RING):
            pltpu.make_async_copy(rows[b], acc.at[svec(didx, b)],
                                  ssem[b]).wait()

    @pl.when(c == 0)
    def _():
        edge_loop(tlo_hbm)

    @pl.when(c == 1)
    def _():
        edge_loop(thi_hbm)

    plsc.subcore_barrier()

    @pl.when(c == 0)
    def _():
        pltpu.sync_copy(acc.at[pl.ds(s * rpt, rpt)],
                        olo_hbm.at[pl.ds(s * rpt, rpt)])

    @pl.when(c == 1)
    def _():
        pltpu.sync_copy(acc.at[pl.ds(s * rpt, rpt)],
                        ohi_hbm.at[pl.ds(s * rpt, rpt)])


def _sc_prop(tlo, thi, src4, dst3, zeros, n_pad):
    nch2 = src4.shape[1]
    kfn = pl.kernel(
        functools.partial(_prop_body, n_pad, 2 * nch2),
        out_type=(jax.ShapeDtypeStruct((n_pad, F), jnp.float32),
                  jax.ShapeDtypeStruct((n_pad, F), jnp.float32)),
        mesh=_sc_mesh(),
        scratch_types=[
            pltpu.VMEM((nch2, _CH), jnp.int32),
            pltpu.VMEM((nch2, _CH), jnp.int32),
            pltpu.VMEM((_CHP, F), jnp.float32),
            pltpu.VMEM((_CHP, F), jnp.float32),
            pltpu.VMEM((_CHP, F), jnp.float32),
            pltpu.VMEM_SHARED((n_pad, F), jnp.float32),
        ] + [pltpu.SemaphoreType.DMA] * 6,
    )
    return kfn(tlo, thi, src4, dst3, zeros)


def _prep_body(dlo_ref, dhi_ref, x_ref, t0lo_ref, t0hi_ref, norm_ref,
               norm2_ref):
    d = jnp.maximum(dlo_ref[:, :1] + dhi_ref[:, :1], 1.0)
    norm = lax.rsqrt(d)
    xb = x_ref[...]
    t0lo_ref[...] = xb[:, :F] * norm
    t0hi_ref[...] = xb[:, F:] * norm
    norm_ref[...] = norm
    norm2_ref[...] = 1.0 / d


def _tc_prep(dlo, dhi, x):
    n = x.shape[0]
    g = n // BN
    return pl.pallas_call(
        _prep_body,
        grid=(g,),
        in_specs=[
            pl.BlockSpec((BN, _DW), lambda i: (i, 0)),
            pl.BlockSpec((BN, _DW), lambda i: (i, 0)),
            pl.BlockSpec((BN, 2 * F), lambda i: (i, 0)),
        ],
        out_specs=[
            pl.BlockSpec((BN, F), lambda i: (i, 0)),
            pl.BlockSpec((BN, F), lambda i: (i, 0)),
            pl.BlockSpec((BN, 1), lambda i: (i, 0)),
            pl.BlockSpec((BN, 1), lambda i: (i, 0)),
        ],
        out_shape=[
            jax.ShapeDtypeStruct((n, F), jnp.float32),
            jax.ShapeDtypeStruct((n, F), jnp.float32),
            jax.ShapeDtypeStruct((n, 1), jnp.float32),
            jax.ShapeDtypeStruct((n, 1), jnp.float32),
        ],
    )(dlo, dhi, x)


def _scale_body(alo_ref, ahi_ref, s_ref, olo_ref, ohi_ref):
    sb = s_ref[...]
    olo_ref[...] = alo_ref[...] * sb
    ohi_ref[...] = ahi_ref[...] * sb


def _tc_scale(alo, ahi, s):
    n = alo.shape[0]
    g = n // BN
    return pl.pallas_call(
        _scale_body,
        grid=(g,),
        in_specs=[
            pl.BlockSpec((BN, F), lambda i: (i, 0)),
            pl.BlockSpec((BN, F), lambda i: (i, 0)),
            pl.BlockSpec((BN, 1), lambda i: (i, 0)),
        ],
        out_specs=[
            pl.BlockSpec((BN, F), lambda i: (i, 0)),
            pl.BlockSpec((BN, F), lambda i: (i, 0)),
        ],
        out_shape=[
            jax.ShapeDtypeStruct((n, F), jnp.float32),
            jax.ShapeDtypeStruct((n, F), jnp.float32),
        ],
    )(alo, ahi, s)


def _scale_add_body(alo_ref, ahi_ref, s_ref, blo_ref, bhi_ref, olo_ref,
                    ohi_ref):
    sb = s_ref[...]
    olo_ref[...] = alo_ref[...] * sb + blo_ref[...]
    ohi_ref[...] = ahi_ref[...] * sb + bhi_ref[...]


def _tc_scale_add(alo, ahi, s, blo, bhi):
    n = alo.shape[0]
    g = n // BN
    return pl.pallas_call(
        _scale_add_body,
        grid=(g,),
        in_specs=[pl.BlockSpec((BN, F), lambda i: (i, 0)),
                  pl.BlockSpec((BN, F), lambda i: (i, 0)),
                  pl.BlockSpec((BN, 1), lambda i: (i, 0)),
                  pl.BlockSpec((BN, F), lambda i: (i, 0)),
                  pl.BlockSpec((BN, F), lambda i: (i, 0))],
        out_specs=[pl.BlockSpec((BN, F), lambda i: (i, 0)),
                   pl.BlockSpec((BN, F), lambda i: (i, 0))],
        out_shape=[jax.ShapeDtypeStruct((n, F), jnp.float32),
                   jax.ShapeDtypeStruct((n, F), jnp.float32)],
    )(alo, ahi, s, blo, bhi)


def _mid_a_body(x_ref, p1lo_ref, p1hi_ref, p2lo_ref, p2hi_ref, n_ref, W1_ref,
                b1_ref, W2c_ref, h1_ref, t2lo_ref, t2hi_ref):
    nb = n_ref[...]
    cat = jnp.concatenate(
        [x_ref[...],
         p1lo_ref[...] * nb, p1hi_ref[...] * nb,
         p2lo_ref[...] * nb, p2hi_ref[...] * nb], axis=1)
    h1 = jnp.dot(cat, W1_ref[...], preferred_element_type=jnp.float32)
    h1 = jnp.maximum(h1 + b1_ref[...], 0.0)
    h1_ref[...] = h1
    v = jnp.dot(h1, W2c_ref[...], preferred_element_type=jnp.float32)
    t2lo_ref[...] = v[:, :F] * nb
    t2hi_ref[...] = v[:, F:] * nb


def _tc_mid_a(x, p1lo, p1hi, p2lo, p2hi, norm, W1, b1, W2c):
    n = x.shape[0]
    g = n // BN
    in_dim = x.shape[1]
    hid = W1.shape[1]
    return pl.pallas_call(
        _mid_a_body,
        grid=(g,),
        in_specs=[
            pl.BlockSpec((BN, in_dim), lambda i: (i, 0)),
            pl.BlockSpec((BN, F), lambda i: (i, 0)),
            pl.BlockSpec((BN, F), lambda i: (i, 0)),
            pl.BlockSpec((BN, F), lambda i: (i, 0)),
            pl.BlockSpec((BN, F), lambda i: (i, 0)),
            pl.BlockSpec((BN, 1), lambda i: (i, 0)),
            pl.BlockSpec(W1.shape, lambda i: (0, 0)),
            pl.BlockSpec((1, hid), lambda i: (0, 0)),
            pl.BlockSpec(W2c.shape, lambda i: (0, 0)),
        ],
        out_specs=[
            pl.BlockSpec((BN, hid), lambda i: (i, 0)),
            pl.BlockSpec((BN, F), lambda i: (i, 0)),
            pl.BlockSpec((BN, F), lambda i: (i, 0)),
        ],
        out_shape=[
            jax.ShapeDtypeStruct((n, hid), jnp.float32),
            jax.ShapeDtypeStruct((n, F), jnp.float32),
            jax.ShapeDtypeStruct((n, F), jnp.float32),
        ],
    )(x, p1lo, p1hi, p2lo, p2hi, norm, W1, b1, W2c)


def _mid_b_body(h1_ref, n_ref, W2ab_ref, v1_ref, v2nlo_ref, v2nhi_ref):
    nb = n_ref[...]
    v = jnp.dot(h1_ref[...], W2ab_ref[...], preferred_element_type=jnp.float32)
    v1_ref[...] = v[:, :2 * F]
    v2nlo_ref[...] = v[:, 2 * F:3 * F] * nb
    v2nhi_ref[...] = v[:, 3 * F:4 * F] * nb


def _tc_mid_b(h1, norm, W2ab):
    n = h1.shape[0]
    g = n // BN
    hid = h1.shape[1]
    return pl.pallas_call(
        _mid_b_body,
        grid=(g,),
        in_specs=[
            pl.BlockSpec((BN, hid), lambda i: (i, 0)),
            pl.BlockSpec((BN, 1), lambda i: (i, 0)),
            pl.BlockSpec(W2ab.shape, lambda i: (0, 0)),
        ],
        out_specs=[
            pl.BlockSpec((BN, 2 * F), lambda i: (i, 0)),
            pl.BlockSpec((BN, F), lambda i: (i, 0)),
            pl.BlockSpec((BN, F), lambda i: (i, 0)),
        ],
        out_shape=[
            jax.ShapeDtypeStruct((n, 2 * F), jnp.float32),
            jax.ShapeDtypeStruct((n, F), jnp.float32),
            jax.ShapeDtypeStruct((n, F), jnp.float32),
        ],
    )(h1, norm, W2ab)


def _head_body(g, n, v1_ref, qlo_ref, qhi_ref, n_ref, b2_ref, Wc_ref, bc_ref,
               y_ref, acc_ref):
    i = pl.program_id(0)
    nb = n_ref[...]
    h2 = jnp.concatenate([qlo_ref[...], qhi_ref[...]], axis=1) * nb
    h2 = jnp.maximum(h2 + v1_ref[...] + b2_ref[...], 0.0)
    part = jnp.sum(h2, axis=0, keepdims=True)

    @pl.when(i == 0)
    def _():
        acc_ref[...] = part

    @pl.when(i > 0)
    def _():
        acc_ref[...] = acc_ref[...] + part

    @pl.when(i == g - 1)
    def _():
        hg = acc_ref[...] * (1.0 / n)
        y_ref[...] = (jnp.dot(hg, Wc_ref[...],
                              preferred_element_type=jnp.float32)
                      + bc_ref[...])


def _tc_head(v1, qlo, qhi, norm, b2, Wc, bc):
    n = v1.shape[0]
    g = n // BN
    ncls = Wc.shape[1]
    return pl.pallas_call(
        functools.partial(_head_body, g, float(n)),
        grid=(g,),
        in_specs=[
            pl.BlockSpec((BN, 2 * F), lambda i: (i, 0)),
            pl.BlockSpec((BN, F), lambda i: (i, 0)),
            pl.BlockSpec((BN, F), lambda i: (i, 0)),
            pl.BlockSpec((BN, 1), lambda i: (i, 0)),
            pl.BlockSpec((1, 2 * F), lambda i: (0, 0)),
            pl.BlockSpec(Wc.shape, lambda i: (0, 0)),
            pl.BlockSpec((1, ncls), lambda i: (0, 0)),
        ],
        out_specs=pl.BlockSpec((1, ncls), lambda i: (0, 0)),
        out_shape=jax.ShapeDtypeStruct((1, ncls), jnp.float32),
        scratch_shapes=[pltpu.VMEM((1, 2 * F), jnp.float32)],
    )(v1, qlo, qhi, norm, b2, Wc, bc)


def kernel(x, edge_index, W1, b1, W2, b2, Wc, bc):
    n, in_dim = x.shape
    e = edge_index.shape[1]
    hid = W1.shape[1]
    out2 = W2.shape[1]
    assert in_dim == 2 * F and n % BN == 0 and n % NS == 0

    src = edge_index[0]
    dst = edge_index[1]
    n_pad = ((n + NS * LANES - 1) // (NS * LANES)) * NS * LANES
    assert n_pad > n
    zeros = jnp.zeros((n_pad, F), jnp.float32)

    nch2 = -(-e // (NS * _CH))
    while (2 * nch2) % _RING:
        nch2 += 1
    ep = NS * nch2 * _CH
    ar = jnp.arange(ep - e, dtype=jnp.int32)
    src_p = jnp.concatenate([src, ar % n])
    dst_p = jnp.concatenate([dst, n + ar % (n_pad - n)])
    src4 = src_p.reshape(NS, nch2, _CH)
    dst3 = dst_p.reshape(NS, nch2, _CH)

    nchd = -(-e // (NC * NS * _CH))
    nchd = ((nchd + 1) // 2) * 2
    epd = NC * NS * nchd * _CH
    ard = jnp.arange(epd - e, dtype=jnp.int32)
    dst_pd = jnp.concatenate([dst, n + ard % (n_pad - n)])
    dst3d = dst_pd.reshape(NC * NS, nchd, _CH)

    W2c = W2[2 * hid:]
    W2ab = jnp.concatenate([W2[:hid], W2[hid:2 * hid]], axis=1)

    deglo, deghi = _sc_degree(dst3d, jnp.ones((_CH, _DW), jnp.float32),
                              jnp.zeros((n_pad, _DW), jnp.float32), n_pad)
    t0lo, t0hi, norm, norm2 = _tc_prep(deglo, deghi, x)
    p1lo, p1hi = _sc_prop(t0lo, t0hi, src4, dst3, zeros, n_pad)
    t1lo, t1hi = _tc_scale(p1lo, p1hi, norm2)
    p2lo, p2hi = _sc_prop(t1lo, t1hi, src4, dst3, zeros, n_pad)
    h1, t2lo, t2hi = _tc_mid_a(
        x, p1lo, p1hi, p2lo, p2hi, norm, W1, b1.reshape(1, hid), W2c)
    q1lo, q1hi = _sc_prop(t2lo, t2hi, src4, dst3, zeros, n_pad)
    v1, v2nlo, v2nhi = _tc_mid_b(h1, norm, W2ab)
    t3lo, t3hi = _tc_scale_add(q1lo, q1hi, norm2, v2nlo, v2nhi)
    q2lo, q2hi = _sc_prop(t3lo, t3hi, src4, dst3, zeros, n_pad)
    y = _tc_head(v1, q2lo, q2hi, norm, b2.reshape(1, out2), Wc,
                 bc.reshape(1, -1))
    return y

# --- scband reference (transcript-rebuilt; emitter-appended) ---
"""Pipeline reference for scband-classifier-4389456576811 (READ-ONLY COPY).

The authoritative reference and input builder live on the scoring server;
editing this copy changes nothing except your own understanding.
"""

import jax, jax.numpy as jnp
import numpy as np

N = 10000
E = 160000
IN_DIM = 256
HID = 512
OUT2 = 256
N_CLASSES = 10
K = 2

def setup_inputs(seed: int = 0) -> dict:
    key = jax.random.key(seed)
    k1, k2, k3, k4, k5, k6 = jax.random.split(key, 6)
    x = jax.random.normal(k1, (N, IN_DIM), dtype=jnp.float32)
    edge_index = jax.random.randint(k2, (2, E), 0, N).astype(jnp.int32)
    # TAGConv1: Linear((K+1)*IN_DIM, HID)
    W1 = jax.random.normal(k3, ((K + 1) * IN_DIM, HID), dtype=jnp.float32) * 0.02
    b1 = jnp.zeros((HID,), dtype=jnp.float32)
    # TAGConv2: Linear((K+1)*HID, OUT2)
    W2 = jax.random.normal(k4, ((K + 1) * HID, OUT2), dtype=jnp.float32) * 0.02
    b2 = jnp.zeros((OUT2,), dtype=jnp.float32)
    # classify: Linear(OUT2, N_CLASSES)
    Wc = jax.random.normal(k5, (OUT2, N_CLASSES), dtype=jnp.float32) * 0.02
    bc = jnp.zeros((N_CLASSES,), dtype=jnp.float32)
    return {"x": x, "edge_index": edge_index, "W1": W1, "b1": b1, "W2": W2, "b2": b2, "Wc": Wc, "bc": bc}


def _tagconv(h, src, dst, norm, W, b, n_nodes):
    # DGL TAGConv with symmetric normalization: concat [h, A_hat h, A_hat^2 h] then linear
    fstack = [h]
    cur = h
    for _ in range(K):
        cur = cur * norm[:, None]
        agg = jnp.zeros((n_nodes, cur.shape[1]), dtype=cur.dtype).at[dst].add(cur[src])
        cur = agg * norm[:, None]
        fstack.append(cur)
    return jnp.concatenate(fstack, axis=1) @ W + b


def reference(x, edge_index, W1, b1, W2, b2, Wc, bc):
    n_nodes = x.shape[0]
    src = edge_index[0]
    dst = edge_index[1]
    # in-degree based symmetric norm, clamp(min=1) as in DGL TAGConv
    deg = jnp.zeros((n_nodes,), dtype=jnp.float32).at[dst].add(1.0)
    norm = jnp.power(jnp.clip(deg, 1.0, None), -0.5)
    h = jax.nn.relu(_tagconv(x, src, dst, norm, W1, b1, n_nodes))
    h = jax.nn.relu(_tagconv(h, src, dst, norm, W2, b2, n_nodes))
    # AvgPooling over the (single) graph -> [1, 256]
    hg = jnp.mean(h, axis=0, keepdims=True)
    y = hg @ Wc + bc
    return y

if __name__ == "__main__":
    import jax
    _d = setup_inputs()
    print(jax.jit(kernel)(*tuple(_d.values())))

</pallas_src>

<mosaic_0001>
#map = affine_map<(d0, d1) -> (0, 0, 0)>
#map1 = affine_map<(d0, d1) -> (0, 0)>
module attributes {stable_mosaic.version = 14 : i64} {
  func.func @_degree_body(%arg0: i32, %arg1: i32, %arg2: memref<32x40x128xi32, #tpu.memory_space<hbm>>, %arg3: memref<128x128xf32, #tpu.memory_space<hbm>>, %arg4: memref<10240x128xf32, #tpu.memory_space<hbm>>, %arg5: memref<10240x128xf32, #tpu.memory_space<hbm>>, %arg6: memref<10240x128xf32, #tpu.memory_space<hbm>>, %arg7: memref<40x128xi32, #tpu.memory_space<vmem>>, %arg8: memref<128x128xf32, #tpu.memory_space<vmem>>, %arg9: memref<10240x128xf32, #tpu.memory_space<vmem_shared>>, %arg10: memref<!tpu.dma_semaphore, #tpu.memory_space<semaphore_mem>>, %arg11: memref<!tpu.dma_semaphore, #tpu.memory_space<semaphore_mem>>) attributes {dimension_semantics = [#tpu.dimension_semantics<core_parallel>, #tpu.dimension_semantics<subcore_parallel>], iteration_bounds = array<i64: 2, 16>, scalar_prefetch = 0 : i64, scratch_operands = 5 : i64, tpu.core_type = #tpu.core_type<sc_vector_subcore>, window_params = [{transform_indices = #map}, {transform_indices = #map1}, {transform_indices = #map1}, {transform_indices = #map1}, {transform_indices = #map1}]} {
    %mul3A = arith.constant 16 : i32
    %mul3A_0 = arith.muli %arg0, %mul3A : i32
    %add3A = arith.addi %mul3A_0, %arg1 : i32
    "tpu.region"() ({
      %run_scoped3A = tpu.sem_alloc : memref<!tpu.dma_semaphore, #tpu.memory_space<semaphore_mem>>
      tpu.enqueue_dma source(%arg3 : memref<128x128xf32, #tpu.memory_space<hbm>>) target(%arg8 : memref<128x128xf32, #tpu.memory_space<vmem>>) target_semaphore(%run_scoped3A : memref<!tpu.dma_semaphore, #tpu.memory_space<semaphore_mem>>)
      tpu.wait_dma2 semaphore(%run_scoped3A : memref<!tpu.dma_semaphore, #tpu.memory_space<semaphore_mem>>) src(%arg3 : memref<128x128xf32, #tpu.memory_space<hbm>>) dst(%arg8 : memref<128x128xf32, #tpu.memory_space<vmem>>)
      tpu.yield
    }) : () -> ()
    "tpu.region"() ({
      %run_scoped3A = tpu.sem_alloc : memref<!tpu.dma_semaphore, #tpu.memory_space<semaphore_mem>>
      %dma_start3A = arith.constant 0 : i32
      %dma_start3A_31 = arith.constant 0 : i32
      %dma_start3A_32 = tpu.memref_slice %arg2[%add3A, %dma_start3A, %dma_start3A_31] : memref<32x40x128xi32, #tpu.memory_space<hbm>> -> memref<1x40x128xi32, #tpu.memory_space<hbm>>
      %dma_start3A_33 = tpu.memref_squeeze %dma_start3A_32 : memref<1x40x128xi32, #tpu.memory_space<hbm>> -> memref<40x128xi32, #tpu.memory_space<hbm>>
      %dma_start3A_34 = arith.constant 0 : i32
      %dma_start3A_35 = arith.constant 0 : i32
      %dma_start3A_36 = tpu.memref_slice %arg2[%add3A, %dma_start3A_34, %dma_start3A_35] : memref<32x40x128xi32, #tpu.memory_space<hbm>> -> memref<1x40x128xi32, #tpu.memory_space<hbm>>
      %dma_start3A_37 = tpu.memref_squeeze %dma_start3A_36 : memref<1x40x128xi32, #tpu.memory_space<hbm>> -> memref<40x128xi32, #tpu.memory_space<hbm>>
      tpu.enqueue_dma source(%dma_start3A_37 : memref<40x128xi32, #tpu.memory_space<hbm>>) target(%arg7 : memref<40x128xi32, #tpu.memory_space<vmem>>) target_semaphore(%run_scoped3A : memref<!tpu.dma_semaphore, #tpu.memory_space<semaphore_mem>>)
      %dma_wait3A_38 = arith.constant 0 : i32
      %dma_wait3A_39 = arith.constant 0 : i32
      %dma_wait3A_40 = tpu.memref_slice %arg2[%add3A, %dma_wait3A_38, %dma_wait3A_39] : memref<32x40x128xi32, #tpu.memory_space<hbm>> -> memref<1x40x128xi32, #tpu.memory_space<hbm>>
      %dma_wait3A_41 = tpu.memref_squeeze %dma_wait3A_40 : memref<1x40x128xi32, #tpu.memory_space<hbm>> -> memref<40x128xi32, #tpu.memory_space<hbm>>
      %dma_wait3A_42 = arith.constant 0 : i32
      %dma_wait3A_43 = arith.constant 0 : i32
      %dma_wait3A_44 = tpu.memref_slice %arg2[%add3A, %dma_wait3A_42, %dma_wait3A_43] : memref<32x40x128xi32, #tpu.memory_space<hbm>> -> memref<1x40x128xi32, #tpu.memory_space<hbm>>
      %dma_wait3A_45 = tpu.memref_squeeze %dma_wait3A_44 : memref<1x40x128xi32, #tpu.memory_space<hbm>> -> memref<40x128xi32, #tpu.memory_space<hbm>>
      tpu.wait_dma2 semaphore(%run_scoped3A : memref<!tpu.dma_semaphore, #tpu.memory_space<semaphore_mem>>) src(%dma_wait3A_45 : memref<40x128xi32, #tpu.memory_space<hbm>>) dst(%arg7 : memref<40x128xi32, #tpu.memory_space<vmem>>)
      tpu.yield
    }) : () -> ()
    %mul3A_1 = arith.constant 640 : i32
    %mul3A_2 = arith.muli %arg1, %mul3A_1 : i32
    %mul3A_3 = arith.constant 640 : i32
    %mul3A_4 = arith.muli %arg1, %mul3A_3 : i32
    "tpu.region"() ({
      %run_scoped3A = tpu.sem_alloc : memref<!tpu.dma_semaphore, #tpu.memory_space<semaphore_mem>>
      %dma_start3A = arith.constant 0 : i32
      %dma_start3A_31 = tpu.memref_slice %arg9[%mul3A_4, %dma_start3A] : memref<10240x128xf32, #tpu.memory_space<vmem_shared>> -> memref<640x128xf32, #tpu.memory_space<vmem_shared>>
      %dma_start3A_32 = arith.constant 0 : i32
      %dma_start3A_33 = tpu.memref_slice %arg4[%mul3A_2, %dma_start3A_32] : memref<10240x128xf32, #tpu.memory_space<hbm>> -> memref<640x128xf32, #tpu.memory_space<hbm>>
      tpu.enqueue_dma source(%dma_start3A_33 : memref<640x128xf32, #tpu.memory_space<hbm>>) target(%dma_start3A_31 : memref<640x128xf32, #tpu.memory_space<vmem_shared>>) target_semaphore(%run_scoped3A : memref<!tpu.dma_semaphore, #tpu.memory_space<semaphore_mem>>)
      %dma_wait3A_34 = arith.constant 0 : i32
      %dma_wait3A_35 = tpu.memref_slice %arg9[%mul3A_4, %dma_wait3A_34] : memref<10240x128xf32, #tpu.memory_space<vmem_shared>> -> memref<640x128xf32, #tpu.memory_space<vmem_shared>>
      %dma_wait3A_36 = arith.constant 0 : i32
      %dma_wait3A_37 = tpu.memref_slice %arg4[%mul3A_2, %dma_wait3A_36] : memref<10240x128xf32, #tpu.memory_space<hbm>> -> memref<640x128xf32, #tpu.memory_space<hbm>>
      tpu.wait_dma2 semaphore(%run_scoped3A : memref<!tpu.dma_semaphore, #tpu.memory_space<semaphore_mem>>) src(%dma_wait3A_37 : memref<640x128xf32, #tpu.memory_space<hbm>>) dst(%dma_wait3A_35 : memref<640x128xf32, #tpu.memory_space<vmem_shared>>)
      tpu.yield
    }) : () -> ()
    %barrier3A = arith.constant 0 : index
    tpu.barrier barrier_id(%barrier3A)
    %scan3A = arith.constant 0 : i32
    %scan3A_5 = arith.constant 0 : i32
    %scan3A_6 = arith.constant 20 : i32
    %scan3A_7 = arith.addi %scan3A_5, %scan3A_6 : i32
    %scan3A_8 = arith.constant 1 : i32
    scf.for %scan3A_31 = %scan3A_5 to %scan3A_7 step %scan3A_8  : i32 {
      %mul3A_32 = arith.constant 2 : i32
      %mul3A_33 = arith.muli %scan3A_31, %mul3A_32 : i32
      %add3A_34 = arith.constant 0 : i32
      %add3A_35 = arith.addi %mul3A_33, %add3A_34 : i32
      %ge3A = arith.constant 2 : i32
      %ge3A_36 = arith.cmpi sge, %add3A_35, %ge3A : i32
      %convert_element_type3A_37 = arith.extui %ge3A_36 : i1 to i32
      %cond3A_38 = arith.constant 0 : i32
      %cond3A_39 = arith.cmpi ne, %convert_element_type3A_37, %cond3A_38 : i32
      scf.if %cond3A_39 {
        %sub3A = arith.constant 2 : i32
        %sub3A_60 = arith.subi %add3A_35, %sub3A : i32
        %dma_wait3A_61 = arith.constant 0 : i32
        %dma_wait3A_62 = tpu.memref_slice %arg7[%sub3A_60, %dma_wait3A_61] : memref<40x128xi32, #tpu.memory_space<vmem>> -> memref<1x128xi32, #tpu.memory_space<vmem>>
        %dma_wait3A_63 = tpu.memref_squeeze %dma_wait3A_62 : memref<1x128xi32, #tpu.memory_space<vmem>> -> memref<128xi32, #tpu.memory_space<vmem>>
        %dma_wait3A_64 = arith.constant 0 : i32
        %dma_wait3A_65 = arith.constant 0 : i32
        %dma_wait3A_66 = tpu.memref_slice %arg9[%dma_wait3A_64, %dma_wait3A_65] : memref<10240x128xf32, #tpu.memory_space<vmem_shared>> -> memref<10240x128xf32, #tpu.memory_space<vmem_shared>>
        tpu.wait_indirect_dma semaphore(%arg10 : memref<!tpu.dma_semaphore, #tpu.memory_space<semaphore_mem>>) src(%arg8 : memref<128x128xf32, #tpu.memory_space<vmem>>) dst(%dma_wait3A_66 : memref<10240x128xf32, #tpu.memory_space<vmem_shared>>)
      } else {
      }
      %dma_start3A = arith.constant 0 : i32
      %dma_start3A_40 = tpu.memref_slice %arg7[%add3A_35, %dma_start3A] : memref<40x128xi32, #tpu.memory_space<vmem>> -> memref<1x128xi32, #tpu.memory_space<vmem>>
      %dma_start3A_41 = tpu.memref_squeeze %dma_start3A_40 : memref<1x128xi32, #tpu.memory_space<vmem>> -> memref<128xi32, #tpu.memory_space<vmem>>
      %dma_start3A_42 = arith.constant 0 : i32
      %dma_start3A_43 = arith.constant 0 : i32
      %dma_start3A_44 = tpu.memref_slice %arg9[%dma_start3A_42, %dma_start3A_43] : memref<10240x128xf32, #tpu.memory_space<vmem_shared>> -> memref<10240x128xf32, #tpu.memory_space<vmem_shared>>
      tpu.enqueue_indirect_dma source(%arg8 : memref<128x128xf32, #tpu.memory_space<vmem>>) target(%dma_start3A_44 : memref<10240x128xf32, #tpu.memory_space<vmem_shared>>) offsets(%dma_start3A_41 : memref<128xi32, #tpu.memory_space<vmem>>) semaphore(%arg10 : memref<!tpu.dma_semaphore, #tpu.memory_space<semaphore_mem>>) {add = true}
      %mul3A_45 = arith.constant 2 : i32
      %mul3A_46 = arith.muli %scan3A_31, %mul3A_45 : i32
      %add3A_47 = arith.constant 1 : i32
      %add3A_48 = arith.addi %mul3A_46, %add3A_47 : i32
      %ge3A_49 = arith.constant 2 : i32
      %ge3A_50 = arith.cmpi sge, %add3A_48, %ge3A_49 : i32
      %convert_element_type3A_51 = arith.extui %ge3A_50 : i1 to i32
      %cond3A_52 = arith.constant 0 : i32
      %cond3A_53 = arith.cmpi ne, %convert_element_type3A_51, %cond3A_52 : i32
      scf.if %cond3A_53 {
        %sub3A = arith.constant 2 : i32
        %sub3A_60 = arith.subi %add3A_48, %sub3A : i32
        %dma_wait3A_61 = arith.constant 0 : i32
        %dma_wait3A_62 = tpu.memref_slice %arg7[%sub3A_60, %dma_wait3A_61] : memref<40x128xi32, #tpu.memory_space<vmem>> -> memref<1x128xi32, #tpu.memory_space<vmem>>
        %dma_wait3A_63 = tpu.memref_squeeze %dma_wait3A_62 : memref<1x128xi32, #tpu.memory_space<vmem>> -> memref<128xi32, #tpu.memory_space<vmem>>
        %dma_wait3A_64 = arith.constant 0 : i32
        %dma_wait3A_65 = arith.constant 0 : i32
        %dma_wait3A_66 = tpu.memref_slice %arg9[%dma_wait3A_64, %dma_wait3A_65] : memref<10240x128xf32, #tpu.memory_space<vmem_shared>> -> memref<10240x128xf32, #tpu.memory_space<vmem_shared>>
        tpu.wait_indirect_dma semaphore(%arg11 : memref<!tpu.dma_semaphore, #tpu.memory_space<semaphore_mem>>) src(%arg8 : memref<128x128xf32, #tpu.memory_space<vmem>>) dst(%dma_wait3A_66 : memref<10240x128xf32, #tpu.memory_space<vmem_shared>>)
      } else {
      }
      %dma_start3A_54 = arith.constant 0 : i32
      %dma_start3A_55 = tpu.memref_slice %arg7[%add3A_48, %dma_start3A_54] : memref<40x128xi32, #tpu.memory_space<vmem>> -> memref<1x128xi32, #tpu.memory_space<vmem>>
      %dma_start3A_56 = tpu.memref_squeeze %dma_start3A_55 : memref<1x128xi32, #tpu.memory_space<vmem>> -> memref<128xi32, #tpu.memory_space<vmem>>
      %dma_start3A_57 = arith.constant 0 : i32
      %dma_start3A_58 = arith.constant 0 : i32
      %dma_start3A_59 = tpu.memref_slice %arg9[%dma_start3A_57, %dma_start3A_58] : memref<10240x128xf32, #tpu.memory_space<vmem_shared>> -> memref<10240x128xf32, #tpu.memory_space<vmem_shared>>
      tpu.enqueue_indirect_dma source(%arg8 : memref<128x128xf32, #tpu.memory_space<vmem>>) target(%dma_start3A_59 : memref<10240x128xf32, #tpu.memory_space<vmem_shared>>) offsets(%dma_start3A_56 : memref<128xi32, #tpu.memory_space<vmem>>) semaphore(%arg11 : memref<!tpu.dma_semaphore, #tpu.memory_space<semaphore_mem>>) {add = true}
    }
    %scan3A_9 = arith.constant 20 : i32
    %dma_wait3A = arith.constant 38 : i32
    %dma_wait3A_10 = arith.constant 0 : i32
    %dma_wait3A_11 = tpu.memref_slice %arg7[%dma_wait3A, %dma_wait3A_10] : memref<40x128xi32, #tpu.memory_space<vmem>> -> memref<1x128xi32, #tpu.memory_space<vmem>>
    %dma_wait3A_12 = tpu.memref_squeeze %dma_wait3A_11 : memref<1x128xi32, #tpu.memory_space<vmem>> -> memref<128xi32, #tpu.memory_space<vmem>>
    %dma_wait3A_13 = arith.constant 0 : i32
    %dma_wait3A_14 = arith.constant 0 : i32
    %dma_wait3A_15 = tpu.memref_slice %arg9[%dma_wait3A_13, %dma_wait3A_14] : memref<10240x128xf32, #tpu.memory_space<vmem_shared>> -> memref<10240x128xf32, #tpu.memory_space<vmem_shared>>
    tpu.wait_indirect_dma semaphore(%arg10 : memref<!tpu.dma_semaphore, #tpu.memory_space<semaphore_mem>>) src(%arg8 : memref<128x128xf32, #tpu.memory_space<vmem>>) dst(%dma_wait3A_15 : memref<10240x128xf32, #tpu.memory_space<vmem_shared>>)
    %dma_wait3A_16 = arith.constant 39 : i32
    %dma_wait3A_17 = arith.constant 0 : i32
    %dma_wait3A_18 = tpu.memref_slice %arg7[%dma_wait3A_16, %dma_wait3A_17] : memref<40x128xi32, #tpu.memory_space<vmem>> -> memref<1x128xi32, #tpu.memory_space<vmem>>
    %dma_wait3A_19 = tpu.memref_squeeze %dma_wait3A_18 : memref<1x128xi32, #tpu.memory_space<vmem>> -> memref<128xi32, #tpu.memory_space<vmem>>
    %dma_wait3A_20 = arith.constant 0 : i32
    %dma_wait3A_21 = arith.constant 0 : i32
    %dma_wait3A_22 = tpu.memref_slice %arg9[%dma_wait3A_20, %dma_wait3A_21] : memref<10240x128xf32, #tpu.memory_space<vmem_shared>> -> memref<10240x128xf32, #tpu.memory_space<vmem_shared>>
    tpu.wait_indirect_dma semaphore(%arg11 : memref<!tpu.dma_semaphore, #tpu.memory_space<semaphore_mem>>) src(%arg8 : memref<128x128xf32, #tpu.memory_space<vmem>>) dst(%dma_wait3A_22 : memref<10240x128xf32, #tpu.memory_space<vmem_shared>>)
    %barrier3A_23 = arith.constant 0 : index
    tpu.barrier barrier_id(%barrier3A_23)
    %eq3A = arith.constant 0 : i32
    %eq3A_24 = arith.cmpi eq, %arg0, %eq3A : i32
    %convert_element_type3A = arith.extui %eq3A_24 : i1 to i32
    %cond3A = arith.constant 0 : i32
    %cond3A_25 = arith.cmpi ne, %convert_element_type3A, %cond3A : i32
    scf.if %cond3A_25 {
      %mul3A_31 = arith.constant 640 : i32
      %mul3A_32 = arith.muli %arg1, %mul3A_31 : i32
      %mul3A_33 = arith.constant 640 : i32
      %mul3A_34 = arith.muli %arg1, %mul3A_33 : i32
      "tpu.region"() ({
        %run_scoped3A = tpu.sem_alloc : memref<!tpu.dma_semaphore, #tpu.memory_space<semaphore_mem>>
        %dma_start3A = arith.constant 0 : i32
        %dma_start3A_35 = tpu.memref_slice %arg5[%mul3A_34, %dma_start3A] : memref<10240x128xf32, #tpu.memory_space<hbm>> -> memref<640x128xf32, #tpu.memory_space<hbm>>
        %dma_start3A_36 = arith.constant 0 : i32
        %dma_start3A_37 = tpu.memref_slice %arg9[%mul3A_32, %dma_start3A_36] : memref<10240x128xf32, #tpu.memory_space<vmem_shared>> -> memref<640x128xf32, #tpu.memory_space<vmem_shared>>
        tpu.enqueue_dma source(%dma_start3A_37 : memref<640x128xf32, #tpu.memory_space<vmem_shared>>) target(%dma_start3A_35 : memref<640x128xf32, #tpu.memory_space<hbm>>) target_semaphore(%run_scoped3A : memref<!tpu.dma_semaphore, #tpu.memory_space<semaphore_mem>>)
        %dma_wait3A_38 = arith.constant 0 : i32
        %dma_wait3A_39 = tpu.memref_slice %arg5[%mul3A_34, %dma_wait3A_38] : memref<10240x128xf32, #tpu.memory_space<hbm>> -> memref<640x128xf32, #tpu.memory_space<hbm>>
        %dma_wait3A_40 = arith.constant 0 : i32
        %dma_wait3A_41 = tpu.memref_slice %arg9[%mul3A_32, %dma_wait3A_40] : memref<10240x128xf32, #tpu.memory_space<vmem_shared>> -> memref<640x128xf32, #tpu.memory_space<vmem_shared>>
        tpu.wait_dma2 semaphore(%run_scoped3A : memref<!tpu.dma_semaphore, #tpu.memory_space<semaphore_mem>>) src(%dma_wait3A_41 : memref<640x128xf32, #tpu.memory_space<vmem_shared>>) dst(%dma_wait3A_39 : memref<640x128xf32, #tpu.memory_space<hbm>>)
        tpu.yield
      }) : () -> ()
    } else {
    }
    %eq3A_26 = arith.constant 1 : i32
    %eq3A_27 = arith.cmpi eq, %arg0, %eq3A_26 : i32
    %convert_element_type3A_28 = arith.extui %eq3A_27 : i1 to i32
    %cond3A_29 = arith.constant 0 : i32
    %cond3A_30 = arith.cmpi ne, %convert_element_type3A_28, %cond3A_29 : i32
    scf.if %cond3A_30 {
      %mul3A_31 = arith.constant 640 : i32
      %mul3A_32 = arith.muli %arg1, %mul3A_31 : i32
      %mul3A_33 = arith.constant 640 : i32
      %mul3A_34 = arith.muli %arg1, %mul3A_33 : i32
      "tpu.region"() ({
        %run_scoped3A = tpu.sem_alloc : memref<!tpu.dma_semaphore, #tpu.memory_space<semaphore_mem>>
        %dma_start3A = arith.constant 0 : i32
        %dma_start3A_35 = tpu.memref_slice %arg6[%mul3A_34, %dma_start3A] : memref<10240x128xf32, #tpu.memory_space<hbm>> -> memref<640x128xf32, #tpu.memory_space<hbm>>
        %dma_start3A_36 = arith.constant 0 : i32
        %dma_start3A_37 = tpu.memref_slice %arg9[%mul3A_32, %dma_start3A_36] : memref<10240x128xf32, #tpu.memory_space<vmem_shared>> -> memref<640x128xf32, #tpu.memory_space<vmem_shared>>
        tpu.enqueue_dma source(%dma_start3A_37 : memref<640x128xf32, #tpu.memory_space<vmem_shared>>) target(%dma_start3A_35 : memref<640x128xf32, #tpu.memory_space<hbm>>) target_semaphore(%run_scoped3A : memref<!tpu.dma_semaphore, #tpu.memory_space<semaphore_mem>>)
        %dma_wait3A_38 = arith.constant 0 : i32
        %dma_wait3A_39 = tpu.memref_slice %arg6[%mul3A_34, %dma_wait3A_38] : memref<10240x128xf32, #tpu.memory_space<hbm>> -> memref<640x128xf32, #tpu.memory_space<hbm>>
        %dma_wait3A_40 = arith.constant 0 : i32
        %dma_wait3A_41 = tpu.memref_slice %arg9[%mul3A_32, %dma_wait3A_40] : memref<10240x128xf32, #tpu.memory_space<vmem_shared>> -> memref<640x128xf32, #tpu.memory_space<vmem_shared>>
        tpu.wait_dma2 semaphore(%run_scoped3A : memref<!tpu.dma_semaphore, #tpu.memory_space<semaphore_mem>>) src(%dma_wait3A_41 : memref<640x128xf32, #tpu.memory_space<vmem_shared>>) dst(%dma_wait3A_39 : memref<640x128xf32, #tpu.memory_space<hbm>>)
        tpu.yield
      }) : () -> ()
    } else {
    }
    return
  }
}

#map = affine_map<(d0, d1) -> (0, 0)>
#map1 = affine_map<(d0, d1) -> (0, 0, 0)>
module attributes {stable_mosaic.version = 14 : i64} {
  func.func @_prop_body(%arg0: i32, %arg1: i32, %arg2: memref<10000x128xf32, #tpu.memory_space<hbm>>, %arg3: memref<10000x128xf32, #tpu.memory_space<hbm>>, %arg4: memref<16x81x128xi32, #tpu.memory_space<hbm>>, %arg5: memref<16x81x128xi32, #tpu.memory_space<hbm>>, %arg6: memref<10240x128xf32, #tpu.memory_space<hbm>>, %arg7: memref<10240x128xf32, #tpu.memory_space<hbm>>, %arg8: memref<10240x128xf32, #tpu.memory_space<hbm>>, %arg9: memref<81x128xi32, #tpu.memory_space<vmem>>, %arg10: memref<81x128xi32, #tpu.memory_space<vmem>>, %arg11: memref<64x128xf32, #tpu.memory_space<vmem>>, %arg12: memref<64x128xf32, #tpu.memory_space<vmem>>, %arg13: memref<64x128xf32, #tpu.memory_space<vmem>>, %arg14: memref<10240x128xf32, #tpu.memory_space<vmem_shared>>, %arg15: memref<!tpu.dma_semaphore, #tpu.memory_space<semaphore_mem>>, %arg16: memref<!tpu.dma_semaphore, #tpu.memory_space<semaphore_mem>>, %arg17: memref<!tpu.dma_semaphore, #tpu.memory_space<semaphore_mem>>, %arg18: memref<!tpu.dma_semaphore, #tpu.memory_space<semaphore_mem>>, %arg19: memref<!tpu.dma_semaphore, #tpu.memory_space<semaphore_mem>>, %arg20: memref<!tpu.dma_semaphore, #tpu.memory_space<semaphore_mem>>) attributes {dimension_semantics = [#tpu.dimension_semantics<core_parallel>, #tpu.dimension_semantics<subcore_parallel>], iteration_bounds = array<i64: 2, 16>, scalar_prefetch = 0 : i64, scratch_operands = 12 : i64, tpu.core_type = #tpu.core_type<sc_vector_subcore>, window_params = [{transform_indices = #map}, {transform_indices = #map}, {transform_indices = #map1}, {transform_indices = #map1}, {transform_indices = #map}, {transform_indices = #map}, {transform_indices = #map}]} {
    "tpu.region"() ({
      %run_scoped3A = tpu.sem_alloc : memref<!tpu.dma_semaphore, #tpu.memory_space<semaphore_mem>>
      %dma_start3A = arith.constant 0 : i32
      %dma_start3A_21 = arith.constant 0 : i32
      %dma_start3A_22 = tpu.memref_slice %arg5[%arg1, %dma_start3A, %dma_start3A_21] : memref<16x81x128xi32, #tpu.memory_space<hbm>> -> memref<1x81x128xi32, #tpu.memory_space<hbm>>
      %dma_start3A_23 = tpu.memref_squeeze %dma_start3A_22 : memref<1x81x128xi32, #tpu.memory_space<hbm>> -> memref<81x128xi32, #tpu.memory_space<hbm>>
      %dma_start3A_24 = arith.constant 0 : i32
      %dma_start3A_25 = arith.constant 0 : i32
      %dma_start3A_26 = tpu.memref_slice %arg5[%arg1, %dma_start3A_24, %dma_start3A_25] : memref<16x81x128xi32, #tpu.memory_space<hbm>> -> memref<1x81x128xi32, #tpu.memory_space<hbm>>
      %dma_start3A_27 = tpu.memref_squeeze %dma_start3A_26 : memref<1x81x128xi32, #tpu.memory_space<hbm>> -> memref<81x128xi32, #tpu.memory_space<hbm>>
      tpu.enqueue_dma source(%dma_start3A_27 : memref<81x128xi32, #tpu.memory_space<hbm>>) target(%arg9 : memref<81x128xi32, #tpu.memory_space<vmem>>) target_semaphore(%run_scoped3A : memref<!tpu.dma_semaphore, #tpu.memory_space<semaphore_mem>>)
      %dma_wait3A = arith.constant 0 : i32
      %dma_wait3A_28 = arith.constant 0 : i32
      %dma_wait3A_29 = tpu.memref_slice %arg5[%arg1, %dma_wait3A, %dma_wait3A_28] : memref<16x81x128xi32, #tpu.memory_space<hbm>> -> memref<1x81x128xi32, #tpu.memory_space<hbm>>
      %dma_wait3A_30 = tpu.memref_squeeze %dma_wait3A_29 : memref<1x81x128xi32, #tpu.memory_space<hbm>> -> memref<81x128xi32, #tpu.memory_space<hbm>>
      %dma_wait3A_31 = arith.constant 0 : i32
      %dma_wait3A_32 = arith.constant 0 : i32
      %dma_wait3A_33 = tpu.memref_slice %arg5[%arg1, %dma_wait3A_31, %dma_wait3A_32] : memref<16x81x128xi32, #tpu.memory_space<hbm>> -> memref<1x81x128xi32, #tpu.memory_space<hbm>>
      %dma_wait3A_34 = tpu.memref_squeeze %dma_wait3A_33 : memref<1x81x128xi32, #tpu.memory_space<hbm>> -> memref<81x128xi32, #tpu.memory_space<hbm>>
      tpu.wait_dma2 semaphore(%run_scoped3A : memref<!tpu.dma_semaphore, #tpu.memory_space<semaphore_mem>>) src(%dma_wait3A_34 : memref<81x128xi32, #tpu.memory_space<hbm>>) dst(%arg9 : memref<81x128xi32, #tpu.memory_space<vmem>>)
      tpu.yield
    }) : () -> ()
    "tpu.region"() ({
      %run_scoped3A = tpu.sem_alloc : memref<!tpu.dma_semaphore, #tpu.memory_space<semaphore_mem>>
      %dma_start3A = arith.constant 0 : i32
      %dma_start3A_21 = arith.constant 0 : i32
      %dma_start3A_22 = tpu.memref_slice %arg4[%arg1, %dma_start3A, %dma_start3A_21] : memref<16x81x128xi32, #tpu.memory_space<hbm>> -> memref<1x81x128xi32, #tpu.memory_space<hbm>>
      %dma_start3A_23 = tpu.memref_squeeze %dma_start3A_22 : memref<1x81x128xi32, #tpu.memory_space<hbm>> -> memref<81x128xi32, #tpu.memory_space<hbm>>
      %dma_start3A_24 = arith.constant 0 : i32
      %dma_start3A_25 = arith.constant 0 : i32
      %dma_start3A_26 = tpu.memref_slice %arg4[%arg1, %dma_start3A_24, %dma_start3A_25] : memref<16x81x128xi32, #tpu.memory_space<hbm>> -> memref<1x81x128xi32, #tpu.memory_space<hbm>>
      %dma_start3A_27 = tpu.memref_squeeze %dma_start3A_26 : memref<1x81x128xi32, #tpu.memory_space<hbm>> -> memref<81x128xi32, #tpu.memory_space<hbm>>
      tpu.enqueue_dma source(%dma_start3A_27 : memref<81x128xi32, #tpu.memory_space<hbm>>) target(%arg10 : memref<81x128xi32, #tpu.memory_space<vmem>>) target_semaphore(%run_scoped3A : memref<!tpu.dma_semaphore, #tpu.memory_space<semaphore_mem>>)
      %dma_wait3A = arith.constant 0 : i32
      %dma_wait3A_28 = arith.constant 0 : i32
      %dma_wait3A_29 = tpu.memref_slice %arg4[%arg1, %dma_wait3A, %dma_wait3A_28] : memref<16x81x128xi32, #tpu.memory_space<hbm>> -> memref<1x81x128xi32, #tpu.memory_space<hbm>>
      %dma_wait3A_30 = tpu.memref_squeeze %dma_wait3A_29 : memref<1x81x128xi32, #tpu.memory_space<hbm>> -> memref<81x128xi32, #tpu.memory_space<hbm>>
      %dma_wait3A_31 = arith.constant 0 : i32
      %dma_wait3A_32 = arith.constant 0 : i32
      %dma_wait3A_33 = tpu.memref_slice %arg4[%arg1, %dma_wait3A_31, %dma_wait3A_32] : memref<16x81x128xi32, #tpu.memory_space<hbm>> -> memref<1x81x128xi32, #tpu.memory_space<hbm>>
      %dma_wait3A_34 = tpu.memref_squeeze %dma_wait3A_33 : memref<1x81x128xi32, #tpu.memory_space<hbm>> -> memref<81x128xi32, #tpu.memory_space<hbm>>
      tpu.wait_dma2 semaphore(%run_scoped3A : memref<!tpu.dma_semaphore, #tpu.memory_space<semaphore_mem>>) src(%dma_wait3A_34 : memref<81x128xi32, #tpu.memory_space<hbm>>) dst(%arg10 : memref<81x128xi32, #tpu.memory_space<vmem>>)
      tpu.yield
    }) : () -> ()
    %mul3A = arith.constant 640 : i32
    %mul3A_0 = arith.muli %arg1, %mul3A : i32
    %mul3A_1 = arith.constant 640 : i32
    %mul3A_2 = arith.muli %arg1, %mul3A_1 : i32
    "tpu.region"() ({
      %run_scoped3A = tpu.sem_alloc : memref<!tpu.dma_semaphore, #tpu.memory_space<semaphore_mem>>
      %dma_start3A = arith.constant 0 : i32
      %dma_start3A_21 = tpu.memref_slice %arg14[%mul3A_2, %dma_start3A] : memref<10240x128xf32, #tpu.memory_space<vmem_shared>> -> memref<640x128xf32, #tpu.memory_space<vmem_shared>>
      %dma_start3A_22 = arith.constant 0 : i32
      %dma_start3A_23 = tpu.memref_slice %arg6[%mul3A_0, %dma_start3A_22] : memref<10240x128xf32, #tpu.memory_space<hbm>> -> memref<640x128xf32, #tpu.memory_space<hbm>>
      tpu.enqueue_dma source(%dma_start3A_23 : memref<640x128xf32, #tpu.memory_space<hbm>>) target(%dma_start3A_21 : memref<640x128xf32, #tpu.memory_space<vmem_shared>>) target_semaphore(%run_scoped3A : memref<!tpu.dma_semaphore, #tpu.memory_space<semaphore_mem>>)
      %dma_wait3A = arith.constant 0 : i32
      %dma_wait3A_24 = tpu.memref_slice %arg14[%mul3A_2, %dma_wait3A] : memref<10240x128xf32, #tpu.memory_space<vmem_shared>> -> memref<640x128xf32, #tpu.memory_space<vmem_shared>>
      %dma_wait3A_25 = arith.constant 0 : i32
      %dma_wait3A_26 = tpu.memref_slice %arg6[%mul3A_0, %dma_wait3A_25] : memref<10240x128xf32, #tpu.memory_space<hbm>> -> memref<640x128xf32, #tpu.memory_space<hbm>>
      tpu.wait_dma2 semaphore(%run_scoped3A : memref<!tpu.dma_semaphore, #tpu.memory_space<semaphore_mem>>) src(%dma_wait3A_26 : memref<640x128xf32, #tpu.memory_space<hbm>>) dst(%dma_wait3A_24 : memref<640x128xf32, #tpu.memory_space<vmem_shared>>)
      tpu.yield
    }) : () -> ()
    %barrier3A = arith.constant 0 : index
    tpu.barrier barrier_id(%barrier3A)
    %eq3A = arith.constant 0 : i32
    %eq3A_3 = arith.cmpi eq, %arg0, %eq3A : i32
    %convert_element_type3A = arith.extui %eq3A_3 : i1 to i32
    %cond3A = arith.constant 0 : i32
    %cond3A_4 = arith.cmpi ne, %convert_element_type3A, %cond3A : i32
    scf.if %cond3A_4 {
      %scan3A = arith.constant 0 : i32
      %scan3A_21 = arith.constant 0 : i32
      %scan3A_22 = arith.constant 54 : i32
      %scan3A_23 = arith.addi %scan3A_21, %scan3A_22 : i32
      %scan3A_24 = arith.constant 1 : i32
      scf.for %scan3A_59 = %scan3A_21 to %scan3A_23 step %scan3A_24  : i32 {
        %mul3A_60 = arith.constant 3 : i32
        %mul3A_61 = arith.muli %scan3A_59, %mul3A_60 : i32
        %add3A = arith.constant 0 : i32
        %add3A_62 = arith.addi %mul3A_61, %add3A : i32
        %ge3A = arith.constant 3 : i32
        %ge3A_63 = arith.cmpi sge, %add3A_62, %ge3A : i32
        %convert_element_type3A_64 = arith.extui %ge3A_63 : i1 to i32
        %cond3A_65 = arith.constant 0 : i32
        %cond3A_66 = arith.cmpi ne, %convert_element_type3A_64, %cond3A_65 : i32
        scf.if %cond3A_66 {
          %sub3A = arith.constant 3 : i32
          %sub3A_131 = arith.subi %add3A_62, %sub3A : i32
          %shift_right_arithmetic3A_132 = arith.constant 1 : i32
          %shift_right_arithmetic3A_133 = arith.shrsi %sub3A_131, %shift_right_arithmetic3A_132 : i32
          %and3A_134 = arith.constant 1 : i32
          %and3A_135 = arith.andi %sub3A_131, %and3A_134 : i32
          %mul3A_136 = arith.constant 64 : i32
          %mul3A_137 = arith.muli %and3A_135, %mul3A_136 : i32
          %dma_wait3A_138 = tpu.memref_slice %arg9[%shift_right_arithmetic3A_133, %mul3A_137] : memref<81x128xi32, #tpu.memory_space<vmem>> -> memref<1x64xi32, #tpu.memory_space<vmem>>
          %dma_wait3A_139 = tpu.memref_squeeze %dma_wait3A_138 : memref<1x64xi32, #tpu.memory_space<vmem>> -> memref<64xi32, #tpu.memory_space<vmem>>
          %dma_wait3A_140 = arith.constant 0 : i32
          %dma_wait3A_141 = arith.constant 0 : i32
          %dma_wait3A_142 = tpu.memref_slice %arg14[%dma_wait3A_140, %dma_wait3A_141] : memref<10240x128xf32, #tpu.memory_space<vmem_shared>> -> memref<10240x128xf32, #tpu.memory_space<vmem_shared>>
          tpu.wait_indirect_dma semaphore(%arg18 : memref<!tpu.dma_semaphore, #tpu.memory_space<semaphore_mem>>) src(%arg11 : memref<64x128xf32, #tpu.memory_space<vmem>>) dst(%dma_wait3A_142 : memref<10240x128xf32, #tpu.memory_space<vmem_shared>>)
        } else {
        }
        %shift_right_arithmetic3A = arith.constant 1 : i32
        %shift_right_arithmetic3A_67 = arith.shrsi %add3A_62, %shift_right_arithmetic3A : i32
        %and3A = arith.constant 1 : i32
        %and3A_68 = arith.andi %add3A_62, %and3A : i32
        %mul3A_69 = arith.constant 64 : i32
        %mul3A_70 = arith.muli %and3A_68, %mul3A_69 : i32
        %dma_start3A_71 = tpu.memref_slice %arg10[%shift_right_arithmetic3A_67, %mul3A_70] : memref<81x128xi32, #tpu.memory_space<vmem>> -> memref<1x64xi32, #tpu.memory_space<vmem>>
        %dma_start3A_72 = tpu.memref_squeeze %dma_start3A_71 : memref<1x64xi32, #tpu.memory_space<vmem>> -> memref<64xi32, #tpu.memory_space<vmem>>
        %dma_start3A_73 = arith.constant 0 : i32
        %dma_start3A_74 = arith.constant 0 : i32
        %dma_start3A_75 = tpu.memref_slice %arg2[%dma_start3A_73, %dma_start3A_74] : memref<10000x128xf32, #tpu.memory_space<hbm>> -> memref<10000x128xf32, #tpu.memory_space<hbm>>
        tpu.enqueue_indirect_dma source(%dma_start3A_75 : memref<10000x128xf32, #tpu.memory_space<hbm>>) target(%arg11 : memref<64x128xf32, #tpu.memory_space<vmem>>) offsets(%dma_start3A_72 : memref<64xi32, #tpu.memory_space<vmem>>) semaphore(%arg15 : memref<!tpu.dma_semaphore, #tpu.memory_space<semaphore_mem>>)
        %ge3A_76 = arith.constant 1 : i32
        %ge3A_77 = arith.cmpi sge, %add3A_62, %ge3A_76 : i32
        %convert_element_type3A_78 = arith.extui %ge3A_77 : i1 to i32
        %cond3A_79 = arith.constant 0 : i32
        %cond3A_80 = arith.cmpi ne, %convert_element_type3A_78, %cond3A_79 : i32
        scf.if %cond3A_80 {
          %sub3A = arith.constant 1 : i32
          %sub3A_131 = arith.subi %add3A_62, %sub3A : i32
          %shift_right_arithmetic3A_132 = arith.constant 1 : i32
          %shift_right_arithmetic3A_133 = arith.shrsi %sub3A_131, %shift_right_arithmetic3A_132 : i32
          %and3A_134 = arith.constant 1 : i32
          %and3A_135 = arith.andi %sub3A_131, %and3A_134 : i32
          %mul3A_136 = arith.constant 64 : i32
          %mul3A_137 = arith.muli %and3A_135, %mul3A_136 : i32
          %dma_wait3A_138 = tpu.memref_slice %arg10[%shift_right_arithmetic3A_133, %mul3A_137] : memref<81x128xi32, #tpu.memory_space<vmem>> -> memref<1x64xi32, #tpu.memory_space<vmem>>
          %dma_wait3A_139 = tpu.memref_squeeze %dma_wait3A_138 : memref<1x64xi32, #tpu.memory_space<vmem>> -> memref<64xi32, #tpu.memory_space<vmem>>
          %dma_wait3A_140 = arith.constant 0 : i32
          %dma_wait3A_141 = arith.constant 0 : i32
          %dma_wait3A_142 = tpu.memref_slice %arg2[%dma_wait3A_140, %dma_wait3A_141] : memref<10000x128xf32, #tpu.memory_space<hbm>> -> memref<10000x128xf32, #tpu.memory_space<hbm>>
          tpu.wait_indirect_dma semaphore(%arg17 : memref<!tpu.dma_semaphore, #tpu.memory_space<semaphore_mem>>) src(%dma_wait3A_142 : memref<10000x128xf32, #tpu.memory_space<hbm>>) dst(%arg13 : memref<64x128xf32, #tpu.memory_space<vmem>>)
          %sub3A_143 = arith.constant 1 : i32
          %sub3A_144 = arith.subi %add3A_62, %sub3A_143 : i32
          %shift_right_arithmetic3A_145 = arith.constant 1 : i32
          %shift_right_arithmetic3A_146 = arith.shrsi %sub3A_144, %shift_right_arithmetic3A_145 : i32
          %and3A_147 = arith.constant 1 : i32
          %and3A_148 = arith.andi %sub3A_144, %and3A_147 : i32
          %mul3A_149 = arith.constant 64 : i32
          %mul3A_150 = arith.muli %and3A_148, %mul3A_149 : i32
          %dma_start3A_151 = tpu.memref_slice %arg9[%shift_right_arithmetic3A_146, %mul3A_150] : memref<81x128xi32, #tpu.memory_space<vmem>> -> memref<1x64xi32, #tpu.memory_space<vmem>>
          %dma_start3A_152 = tpu.memref_squeeze %dma_start3A_151 : memref<1x64xi32, #tpu.memory_space<vmem>> -> memref<64xi32, #tpu.memory_space<vmem>>
          %dma_start3A_153 = arith.constant 0 : i32
          %dma_start3A_154 = arith.constant 0 : i32
          %dma_start3A_155 = tpu.memref_slice %arg14[%dma_start3A_153, %dma_start3A_154] : memref<10240x128xf32, #tpu.memory_space<vmem_shared>> -> memref<10240x128xf32, #tpu.memory_space<vmem_shared>>
          tpu.enqueue_indirect_dma source(%arg13 : memref<64x128xf32, #tpu.memory_space<vmem>>) target(%dma_start3A_155 : memref<10240x128xf32, #tpu.memory_space<vmem_shared>>) offsets(%dma_start3A_152 : memref<64xi32, #tpu.memory_space<vmem>>) semaphore(%arg20 : memref<!tpu.dma_semaphore, #tpu.memory_space<semaphore_mem>>) {add = true}
        } else {
        }
        %mul3A_81 = arith.constant 3 : i32
        %mul3A_82 = arith.muli %scan3A_59, %mul3A_81 : i32
        %add3A_83 = arith.constant 1 : i32
        %add3A_84 = arith.addi %mul3A_82, %add3A_83 : i32
        %ge3A_85 = arith.constant 3 : i32
        %ge3A_86 = arith.cmpi sge, %add3A_84, %ge3A_85 : i32
        %convert_element_type3A_87 = arith.extui %ge3A_86 : i1 to i32
        %cond3A_88 = arith.constant 0 : i32
        %cond3A_89 = arith.cmpi ne, %convert_element_type3A_87, %cond3A_88 : i32
        scf.if %cond3A_89 {
          %sub3A = arith.constant 3 : i32
          %sub3A_131 = arith.subi %add3A_84, %sub3A : i32
          %shift_right_arithmetic3A_132 = arith.constant 1 : i32
          %shift_right_arithmetic3A_133 = arith.shrsi %sub3A_131, %shift_right_arithmetic3A_132 : i32
          %and3A_134 = arith.constant 1 : i32
          %and3A_135 = arith.andi %sub3A_131, %and3A_134 : i32
          %mul3A_136 = arith.constant 64 : i32
          %mul3A_137 = arith.muli %and3A_135, %mul3A_136 : i32
          %dma_wait3A_138 = tpu.memref_slice %arg9[%shift_right_arithmetic3A_133, %mul3A_137] : memref<81x128xi32, #tpu.memory_space<vmem>> -> memref<1x64xi32, #tpu.memory_space<vmem>>
          %dma_wait3A_139 = tpu.memref_squeeze %dma_wait3A_138 : memref<1x64xi32, #tpu.memory_space<vmem>> -> memref<64xi32, #tpu.memory_space<vmem>>
          %dma_wait3A_140 = arith.constant 0 : i32
          %dma_wait3A_141 = arith.constant 0 : i32
          %dma_wait3A_142 = tpu.memref_slice %arg14[%dma_wait3A_140, %dma_wait3A_141] : memref<10240x128xf32, #tpu.memory_space<vmem_shared>> -> memref<10240x128xf32, #tpu.memory_space<vmem_shared>>
          tpu.wait_indirect_dma semaphore(%arg19 : memref<!tpu.dma_semaphore, #tpu.memory_space<semaphore_mem>>) src(%arg12 : memref<64x128xf32, #tpu.memory_space<vmem>>) dst(%dma_wait3A_142 : memref<10240x128xf32, #tpu.memory_space<vmem_shared>>)
        } else {
        }
        %shift_right_arithmetic3A_90 = arith.constant 1 : i32
        %shift_right_arithmetic3A_91 = arith.shrsi %add3A_84, %shift_right_arithmetic3A_90 : i32
        %and3A_92 = arith.constant 1 : i32
        %and3A_93 = arith.andi %add3A_84, %and3A_92 : i32
        %mul3A_94 = arith.constant 64 : i32
        %mul3A_95 = arith.muli %and3A_93, %mul3A_94 : i32
        %dma_start3A_96 = tpu.memref_slice %arg10[%shift_right_arithmetic3A_91, %mul3A_95] : memref<81x128xi32, #tpu.memory_space<vmem>> -> memref<1x64xi32, #tpu.memory_space<vmem>>
        %dma_start3A_97 = tpu.memref_squeeze %dma_start3A_96 : memref<1x64xi32, #tpu.memory_space<vmem>> -> memref<64xi32, #tpu.memory_space<vmem>>
        %dma_start3A_98 = arith.constant 0 : i32
        %dma_start3A_99 = arith.constant 0 : i32
        %dma_start3A_100 = tpu.memref_slice %arg2[%dma_start3A_98, %dma_start3A_99] : memref<10000x128xf32, #tpu.memory_space<hbm>> -> memref<10000x128xf32, #tpu.memory_space<hbm>>
        tpu.enqueue_indirect_dma source(%dma_start3A_100 : memref<10000x128xf32, #tpu.memory_space<hbm>>) target(%arg12 : memref<64x128xf32, #tpu.memory_space<vmem>>) offsets(%dma_start3A_97 : memref<64xi32, #tpu.memory_space<vmem>>) semaphore(%arg16 : memref<!tpu.dma_semaphore, #tpu.memory_space<semaphore_mem>>)
        %ge3A_101 = arith.constant 1 : i32
        %ge3A_102 = arith.cmpi sge, %add3A_84, %ge3A_101 : i32
        %convert_element_type3A_103 = arith.extui %ge3A_102 : i1 to i32
        %cond3A_104 = arith.constant 0 : i32
        %cond3A_105 = arith.cmpi ne, %convert_element_type3A_103, %cond3A_104 : i32
        scf.if %cond3A_105 {
          %sub3A = arith.constant 1 : i32
          %sub3A_131 = arith.subi %add3A_84, %sub3A : i32
          %shift_right_arithmetic3A_132 = arith.constant 1 : i32
          %shift_right_arithmetic3A_133 = arith.shrsi %sub3A_131, %shift_right_arithmetic3A_132 : i32
          %and3A_134 = arith.constant 1 : i32
          %and3A_135 = arith.andi %sub3A_131, %and3A_134 : i32
          %mul3A_136 = arith.constant 64 : i32
          %mul3A_137 = arith.muli %and3A_135, %mul3A_136 : i32
          %dma_wait3A_138 = tpu.memref_slice %arg10[%shift_right_arithmetic3A_133, %mul3A_137] : memref<81x128xi32, #tpu.memory_space<vmem>> -> memref<1x64xi32, #tpu.memory_space<vmem>>
          %dma_wait3A_139 = tpu.memref_squeeze %dma_wait3A_138 : memref<1x64xi32, #tpu.memory_space<vmem>> -> memref<64xi32, #tpu.memory_space<vmem>>
          %dma_wait3A_140 = arith.constant 0 : i32
          %dma_wait3A_141 = arith.constant 0 : i32
          %dma_wait3A_142 = tpu.memref_slice %arg2[%dma_wait3A_140, %dma_wait3A_141] : memref<10000x128xf32, #tpu.memory_space<hbm>> -> memref<10000x128xf32, #tpu.memory_space<hbm>>
          tpu.wait_indirect_dma semaphore(%arg15 : memref<!tpu.dma_semaphore, #tpu.memory_space<semaphore_mem>>) src(%dma_wait3A_142 : memref<10000x128xf32, #tpu.memory_space<hbm>>) dst(%arg11 : memref<64x128xf32, #tpu.memory_space<vmem>>)
          %sub3A_143 = arith.constant 1 : i32
          %sub3A_144 = arith.subi %add3A_84, %sub3A_143 : i32
          %shift_right_arithmetic3A_145 = arith.constant 1 : i32
          %shift_right_arithmetic3A_146 = arith.shrsi %sub3A_144, %shift_right_arithmetic3A_145 : i32
          %and3A_147 = arith.constant 1 : i32
          %and3A_148 = arith.andi %sub3A_144, %and3A_147 : i32
          %mul3A_149 = arith.constant 64 : i32
          %mul3A_150 = arith.muli %and3A_148, %mul3A_149 : i32
          %dma_start3A_151 = tpu.memref_slice %arg9[%shift_right_arithmetic3A_146, %mul3A_150] : memref<81x128xi32, #tpu.memory_space<vmem>> -> memref<1x64xi32, #tpu.memory_space<vmem>>
          %dma_start3A_152 = tpu.memref_squeeze %dma_start3A_151 : memref<1x64xi32, #tpu.memory_space<vmem>> -> memref<64xi32, #tpu.memory_space<vmem>>
          %dma_start3A_153 = arith.constant 0 : i32
          %dma_start3A_154 = arith.constant 0 : i32
          %dma_start3A_155 = tpu.memref_slice %arg14[%dma_start3A_153, %dma_start3A_154] : memref<10240x128xf32, #tpu.memory_space<vmem_shared>> -> memref<10240x128xf32, #tpu.memory_space<vmem_shared>>
          tpu.enqueue_indirect_dma source(%arg11 : memref<64x128xf32, #tpu.memory_space<vmem>>) target(%dma_start3A_155 : memref<10240x128xf32, #tpu.memory_space<vmem_shared>>) offsets(%dma_start3A_152 : memref<64xi32, #tpu.memory_space<vmem>>) semaphore(%arg18 : memref<!tpu.dma_semaphore, #tpu.memory_space<semaphore_mem>>) {add = true}
        } else {
        }
        %mul3A_106 = arith.constant 3 : i32
        %mul3A_107 = arith.muli %scan3A_59, %mul3A_106 : i32
        %add3A_108 = arith.constant 2 : i32
        %add3A_109 = arith.addi %mul3A_107, %add3A_108 : i32
        %ge3A_110 = arith.constant 3 : i32
        %ge3A_111 = arith.cmpi sge, %add3A_109, %ge3A_110 : i32
        %convert_element_type3A_112 = arith.extui %ge3A_111 : i1 to i32
        %cond3A_113 = arith.constant 0 : i32
        %cond3A_114 = arith.cmpi ne, %convert_element_type3A_112, %cond3A_113 : i32
        scf.if %cond3A_114 {
          %sub3A = arith.constant 3 : i32
          %sub3A_131 = arith.subi %add3A_109, %sub3A : i32
          %shift_right_arithmetic3A_132 = arith.constant 1 : i32
          %shift_right_arithmetic3A_133 = arith.shrsi %sub3A_131, %shift_right_arithmetic3A_132 : i32
          %and3A_134 = arith.constant 1 : i32
          %and3A_135 = arith.andi %sub3A_131, %and3A_134 : i32
          %mul3A_136 = arith.constant 64 : i32
          %mul3A_137 = arith.muli %and3A_135, %mul3A_136 : i32
          %dma_wait3A_138 = tpu.memref_slice %arg9[%shift_right_arithmetic3A_133, %mul3A_137] : memref<81x128xi32, #tpu.memory_space<vmem>> -> memref<1x64xi32, #tpu.memory_space<vmem>>
          %dma_wait3A_139 = tpu.memref_squeeze %dma_wait3A_138 : memref<1x64xi32, #tpu.memory_space<vmem>> -> memref<64xi32, #tpu.memory_space<vmem>>
          %dma_wait3A_140 = arith.constant 0 : i32
          %dma_wait3A_141 = arith.constant 0 : i32
          %dma_wait3A_142 = tpu.memref_slice %arg14[%dma_wait3A_140, %dma_wait3A_141] : memref<10240x128xf32, #tpu.memory_space<vmem_shared>> -> memref<10240x128xf32, #tpu.memory_space<vmem_shared>>
          tpu.wait_indirect_dma semaphore(%arg20 : memref<!tpu.dma_semaphore, #tpu.memory_space<semaphore_mem>>) src(%arg13 : memref<64x128xf32, #tpu.memory_space<vmem>>) dst(%dma_wait3A_142 : memref<10240x128xf32, #tpu.memory_space<vmem_shared>>)
        } else {
        }
        %shift_right_arithmetic3A_115 = arith.constant 1 : i32
        %shift_right_arithmetic3A_116 = arith.shrsi %add3A_109, %shift_right_arithmetic3A_115 : i32
        %and3A_117 = arith.constant 1 : i32
        %and3A_118 = arith.andi %add3A_109, %and3A_117 : i32
        %mul3A_119 = arith.constant 64 : i32
        %mul3A_120 = arith.muli %and3A_118, %mul3A_119 : i32
        %dma_start3A_121 = tpu.memref_slice %arg10[%shift_right_arithmetic3A_116, %mul3A_120] : memref<81x128xi32, #tpu.memory_space<vmem>> -> memref<1x64xi32, #tpu.memory_space<vmem>>
        %dma_start3A_122 = tpu.memref_squeeze %dma_start3A_121 : memref<1x64xi32, #tpu.memory_space<vmem>> -> memref<64xi32, #tpu.memory_space<vmem>>
        %dma_start3A_123 = arith.constant 0 : i32
        %dma_start3A_124 = arith.constant 0 : i32
        %dma_start3A_125 = tpu.memref_slice %arg2[%dma_start3A_123, %dma_start3A_124] : memref<10000x128xf32, #tpu.memory_space<hbm>> -> memref<10000x128xf32, #tpu.memory_space<hbm>>
        tpu.enqueue_indirect_dma source(%dma_start3A_125 : memref<10000x128xf32, #tpu.memory_space<hbm>>) target(%arg13 : memref<64x128xf32, #tpu.memory_space<vmem>>) offsets(%dma_start3A_122 : memref<64xi32, #tpu.memory_space<vmem>>) semaphore(%arg17 : memref<!tpu.dma_semaphore, #tpu.memory_space<semaphore_mem>>)
        %ge3A_126 = arith.constant 1 : i32
        %ge3A_127 = arith.cmpi sge, %add3A_109, %ge3A_126 : i32
        %convert_element_type3A_128 = arith.extui %ge3A_127 : i1 to i32
        %cond3A_129 = arith.constant 0 : i32
        %cond3A_130 = arith.cmpi ne, %convert_element_type3A_128, %cond3A_129 : i32
        scf.if %cond3A_130 {
          %sub3A = arith.constant 1 : i32
          %sub3A_131 = arith.subi %add3A_109, %sub3A : i32
          %shift_right_arithmetic3A_132 = arith.constant 1 : i32
          %shift_right_arithmetic3A_133 = arith.shrsi %sub3A_131, %shift_right_arithmetic3A_132 : i32
          %and3A_134 = arith.constant 1 : i32
          %and3A_135 = arith.andi %sub3A_131, %and3A_134 : i32
          %mul3A_136 = arith.constant 64 : i32
          %mul3A_137 = arith.muli %and3A_135, %mul3A_136 : i32
          %dma_wait3A_138 = tpu.memref_slice %arg10[%shift_right_arithmetic3A_133, %mul3A_137] : memref<81x128xi32, #tpu.memory_space<vmem>> -> memref<1x64xi32, #tpu.memory_space<vmem>>
          %dma_wait3A_139 = tpu.memref_squeeze %dma_wait3A_138 : memref<1x64xi32, #tpu.memory_space<vmem>> -> memref<64xi32, #tpu.memory_space<vmem>>
          %dma_wait3A_140 = arith.constant 0 : i32
          %dma_wait3A_141 = arith.constant 0 : i32
          %dma_wait3A_142 = tpu.memref_slice %arg2[%dma_wait3A_140, %dma_wait3A_141] : memref<10000x128xf32, #tpu.memory_space<hbm>> -> memref<10000x128xf32, #tpu.memory_space<hbm>>
          tpu.wait_indirect_dma semaphore(%arg16 : memref<!tpu.dma_semaphore, #tpu.memory_space<semaphore_mem>>) src(%dma_wait3A_142 : memref<10000x128xf32, #tpu.memory_space<hbm>>) dst(%arg12 : memref<64x128xf32, #tpu.memory_space<vmem>>)
          %sub3A_143 = arith.constant 1 : i32
          %sub3A_144 = arith.subi %add3A_109, %sub3A_143 : i32
          %shift_right_arithmetic3A_145 = arith.constant 1 : i32
          %shift_right_arithmetic3A_146 = arith.shrsi %sub3A_144, %shift_right_arithmetic3A_145 : i32
          %and3A_147 = arith.constant 1 : i32
          %and3A_148 = arith.andi %sub3A_144, %and3A_147 : i32
          %mul3A_149 = arith.constant 64 : i32
          %mul3A_150 = arith.muli %and3A_148, %mul3A_149 : i32
          %dma_start3A_151 = tpu.memref_slice %arg9[%shift_right_arithmetic3A_146, %mul3A_150] : memref<81x128xi32, #tpu.memory_space<vmem>> -> memref<1x64xi32, #tpu.memory_space<vmem>>
          %dma_start3A_152 = tpu.memref_squeeze %dma_start3A_151 : memref<1x64xi32, #tpu.memory_space<vmem>> -> memref<64xi32, #tpu.memory_space<vmem>>
          %dma_start3A_153 = arith.constant 0 : i32
          %dma_start3A_154 = arith.constant 0 : i32
          %dma_start3A_155 = tpu.memref_slice %arg14[%dma_start3A_153, %dma_start3A_154] : memref<10240x128xf32, #tpu.memory_space<vmem_shared>> -> memref<10240x128xf32, #tpu.memory_space<vmem_shared>>
          tpu.enqueue_indirect_dma source(%arg12 : memref<64x128xf32, #tpu.memory_space<vmem>>) target(%dma_start3A_155 : memref<10240x128xf32, #tpu.memory_space<vmem_shared>>) offsets(%dma_start3A_152 : memref<64xi32, #tpu.memory_space<vmem>>) semaphore(%arg19 : memref<!tpu.dma_semaphore, #tpu.memory_space<semaphore_mem>>) {add = true}
        } else {
        }
      }
      %scan3A_25 = arith.constant 54 : i32
      %dma_wait3A = arith.constant 80 : i32
      %dma_wait3A_26 = arith.constant 64 : i32
      %dma_wait3A_27 = tpu.memref_slice %arg10[%dma_wait3A, %dma_wait3A_26] : memref<81x128xi32, #tpu.memory_space<vmem>> -> memref<1x64xi32, #tpu.memory_space<vmem>>
      %dma_wait3A_28 = tpu.memref_squeeze %dma_wait3A_27 : memref<1x64xi32, #tpu.memory_space<vmem>> -> memref<64xi32, #tpu.memory_space<vmem>>
      %dma_wait3A_29 = arith.constant 0 : i32
      %dma_wait3A_30 = arith.constant 0 : i32
      %dma_wait3A_31 = tpu.memref_slice %arg2[%dma_wait3A_29, %dma_wait3A_30] : memref<10000x128xf32, #tpu.memory_space<hbm>> -> memref<10000x128xf32, #tpu.memory_space<hbm>>
      tpu.wait_indirect_dma semaphore(%arg17 : memref<!tpu.dma_semaphore, #tpu.memory_space<semaphore_mem>>) src(%dma_wait3A_31 : memref<10000x128xf32, #tpu.memory_space<hbm>>) dst(%arg13 : memref<64x128xf32, #tpu.memory_space<vmem>>)
      %dma_start3A = arith.constant 80 : i32
      %dma_start3A_32 = arith.constant 64 : i32
      %dma_start3A_33 = tpu.memref_slice %arg9[%dma_start3A, %dma_start3A_32] : memref<81x128xi32, #tpu.memory_space<vmem>> -> memref<1x64xi32, #tpu.memory_space<vmem>>
      %dma_start3A_34 = tpu.memref_squeeze %dma_start3A_33 : memref<1x64xi32, #tpu.memory_space<vmem>> -> memref<64xi32, #tpu.memory_space<vmem>>
      %dma_start3A_35 = arith.constant 0 : i32
      %dma_start3A_36 = arith.constant 0 : i32
      %dma_start3A_37 = tpu.memref_slice %arg14[%dma_start3A_35, %dma_start3A_36] : memref<10240x128xf32, #tpu.memory_space<vmem_shared>> -> memref<10240x128xf32, #tpu.memory_space<vmem_shared>>
      tpu.enqueue_indirect_dma source(%arg13 : memref<64x128xf32, #tpu.memory_space<vmem>>) target(%dma_start3A_37 : memref<10240x128xf32, #tpu.memory_space<vmem_shared>>) offsets(%dma_start3A_34 : memref<64xi32, #tpu.memory_space<vmem>>) semaphore(%arg20 : memref<!tpu.dma_semaphore, #tpu.memory_space<semaphore_mem>>) {add = true}
      %dma_wait3A_38 = arith.constant 0 : i32
      %dma_wait3A_39 = arith.constant 0 : i32
      %dma_wait3A_40 = tpu.memref_slice %arg9[%dma_wait3A_38, %dma_wait3A_39] : memref<81x128xi32, #tpu.memory_space<vmem>> -> memref<1x64xi32, #tpu.memory_space<vmem>>
      %dma_wait3A_41 = tpu.memref_squeeze %dma_wait3A_40 : memref<1x64xi32, #tpu.memory_space<vmem>> -> memref<64xi32, #tpu.memory_space<vmem>>
      %dma_wait3A_42 = arith.constant 0 : i32
      %dma_wait3A_43 = arith.constant 0 : i32
      %dma_wait3A_44 = tpu.memref_slice %arg14[%dma_wait3A_42, %dma_wait3A_43] : memref<10240x128xf32, #tpu.memory_space<vmem_shared>> -> memref<10240x128xf32, #tpu.memory_space<vmem_shared>>
      tpu.wait_indirect_dma semaphore(%arg18 : memref<!tpu.dma_semaphore, #tpu.memory_space<semaphore_mem>>) src(%arg11 : memref<64x128xf32, #tpu.memory_space<vmem>>) dst(%dma_wait3A_44 : memref<10240x128xf32, #tpu.memory_space<vmem_shared>>)
      %dma_wait3A_45 = arith.constant 0 : i32
      %dma_wait3A_46 = arith.constant 64 : i32
      %dma_wait3A_47 = tpu.memref_slice %arg9[%dma_wait3A_45, %dma_wait3A_46] : memref<81x128xi32, #tpu.memory_space<vmem>> -> memref<1x64xi32, #tpu.memory_space<vmem>>
      %dma_wait3A_48 = tpu.memref_squeeze %dma_wait3A_47 : memref<1x64xi32, #tpu.memory_space<vmem>> -> memref<64xi32, #tpu.memory_space<vmem>>
      %dma_wait3A_49 = arith.constant 0 : i32
      %dma_wait3A_50 = arith.constant 0 : i32
      %dma_wait3A_51 = tpu.memref_slice %arg14[%dma_wait3A_49, %dma_wait3A_50] : memref<10240x128xf32, #tpu.memory_space<vmem_shared>> -> memref<10240x128xf32, #tpu.memory_space<vmem_shared>>
      tpu.wait_indirect_dma semaphore(%arg19 : memref<!tpu.dma_semaphore, #tpu.memory_space<semaphore_mem>>) src(%arg12 : memref<64x128xf32, #tpu.memory_space<vmem>>) dst(%dma_wait3A_51 : memref<10240x128xf32, #tpu.memory_space<vmem_shared>>)
      %dma_wait3A_52 = arith.constant 1 : i32
      %dma_wait3A_53 = arith.constant 0 : i32
      %dma_wait3A_54 = tpu.memref_slice %arg9[%dma_wait3A_52, %dma_wait3A_53] : memref<81x128xi32, #tpu.memory_space<vmem>> -> memref<1x64xi32, #tpu.memory_space<vmem>>
      %dma_wait3A_55 = tpu.memref_squeeze %dma_wait3A_54 : memref<1x64xi32, #tpu.memory_space<vmem>> -> memref<64xi32, #tpu.memory_space<vmem>>
      %dma_wait3A_56 = arith.constant 0 : i32
      %dma_wait3A_57 = arith.constant 0 : i32
      %dma_wait3A_58 = tpu.memref_slice %arg14[%dma_wait3A_56, %dma_wait3A_57] : memref<10240x128xf32, #tpu.memory_space<vmem_shared>> -> memref<10240x128xf32, #tpu.memory_space<vmem_shared>>
      tpu.wait_indirect_dma semaphore(%arg20 : memref<!tpu.dma_semaphore, #tpu.memory_space<semaphore_mem>>) src(%arg13 : memref<64x128xf32, #tpu.memory_space<vmem>>) dst(%dma_wait3A_58 : memref<10240x128xf32, #tpu.memory_space<vmem_shared>>)
    } else {
    }
    %eq3A_5 = arith.constant 1 : i32
    %eq3A_6 = arith.cmpi eq, %arg0, %eq3A_5 : i32
    %convert_element_type3A_7 = arith.extui %eq3A_6 : i1 to i32
    %cond3A_8 = arith.constant 0 : i32
    %cond3A_9 = arith.cmpi ne, %convert_element_type3A_7, %cond3A_8 : i32
    scf.if %cond3A_9 {
      %scan3A = arith.constant 0 : i32
      %scan3A_21 = arith.constant 0 : i32
      %scan3A_22 = arith.constant 54 : i32
      %scan3A_23 = arith.addi %scan3A_21, %scan3A_22 : i32
      %scan3A_24 = arith.constant 1 : i32
      scf.for %scan3A_59 = %scan3A_21 to %scan3A_23 step %scan3A_24  : i32 {
        %mul3A_60 = arith.constant 3 : i32
        %mul3A_61 = arith.muli %scan3A_59, %mul3A_60 : i32
        %add3A = arith.constant 0 : i32
        %add3A_62 = arith.addi %mul3A_61, %add3A : i32
        %ge3A = arith.constant 3 : i32
        %ge3A_63 = arith.cmpi sge, %add3A_62, %ge3A : i32
        %convert_element_type3A_64 = arith.extui %ge3A_63 : i1 to i32
        %cond3A_65 = arith.constant 0 : i32
        %cond3A_66 = arith.cmpi ne, %convert_element_type3A_64, %cond3A_65 : i32
        scf.if %cond3A_66 {
          %sub3A = arith.constant 3 : i32
          %sub3A_131 = arith.subi %add3A_62, %sub3A : i32
          %shift_right_arithmetic3A_132 = arith.constant 1 : i32
          %shift_right_arithmetic3A_133 = arith.shrsi %sub3A_131, %shift_right_arithmetic3A_132 : i32
          %and3A_134 = arith.constant 1 : i32
          %and3A_135 = arith.andi %sub3A_131, %and3A_134 : i32
          %mul3A_136 = arith.constant 64 : i32
          %mul3A_137 = arith.muli %and3A_135, %mul3A_136 : i32
          %dma_wait3A_138 = tpu.memref_slice %arg9[%shift_right_arithmetic3A_133, %mul3A_137] : memref<81x128xi32, #tpu.memory_space<vmem>> -> memref<1x64xi32, #tpu.memory_space<vmem>>
          %dma_wait3A_139 = tpu.memref_squeeze %dma_wait3A_138 : memref<1x64xi32, #tpu.memory_space<vmem>> -> memref<64xi32, #tpu.memory_space<vmem>>
          %dma_wait3A_140 = arith.constant 0 : i32
          %dma_wait3A_141 = arith.constant 0 : i32
          %dma_wait3A_142 = tpu.memref_slice %arg14[%dma_wait3A_140, %dma_wait3A_141] : memref<10240x128xf32, #tpu.memory_space<vmem_shared>> -> memref<10240x128xf32, #tpu.memory_space<vmem_shared>>
          tpu.wait_indirect_dma semaphore(%arg18 : memref<!tpu.dma_semaphore, #tpu.memory_space<semaphore_mem>>) src(%arg11 : memref<64x128xf32, #tpu.memory_space<vmem>>) dst(%dma_wait3A_142 : memref<10240x128xf32, #tpu.memory_space<vmem_shared>>)
        } else {
        }
        %shift_right_arithmetic3A = arith.constant 1 : i32
        %shift_right_arithmetic3A_67 = arith.shrsi %add3A_62, %shift_right_arithmetic3A : i32
        %and3A = arith.constant 1 : i32
        %and3A_68 = arith.andi %add3A_62, %and3A : i32
        %mul3A_69 = arith.constant 64 : i32
        %mul3A_70 = arith.muli %and3A_68, %mul3A_69 : i32
        %dma_start3A_71 = tpu.memref_slice %arg10[%shift_right_arithmetic3A_67, %mul3A_70] : memref<81x128xi32, #tpu.memory_space<vmem>> -> memref<1x64xi32, #tpu.memory_space<vmem>>
        %dma_start3A_72 = tpu.memref_squeeze %dma_start3A_71 : memref<1x64xi32, #tpu.memory_space<vmem>> -> memref<64xi32, #tpu.memory_space<vmem>>
        %dma_start3A_73 = arith.constant 0 : i32
        %dma_start3A_74 = arith.constant 0 : i32
        %dma_start3A_75 = tpu.memref_slice %arg3[%dma_start3A_73, %dma_start3A_74] : memref<10000x128xf32, #tpu.memory_space<hbm>> -> memref<10000x128xf32, #tpu.memory_space<hbm>>
        tpu.enqueue_indirect_dma source(%dma_start3A_75 : memref<10000x128xf32, #tpu.memory_space<hbm>>) target(%arg11 : memref<64x128xf32, #tpu.memory_space<vmem>>) offsets(%dma_start3A_72 : memref<64xi32, #tpu.memory_space<vmem>>) semaphore(%arg15 : memref<!tpu.dma_semaphore, #tpu.memory_space<semaphore_mem>>)
        %ge3A_76 = arith.constant 1 : i32
        %ge3A_77 = arith.cmpi sge, %add3A_62, %ge3A_76 : i32
        %convert_element_type3A_78 = arith.extui %ge3A_77 : i1 to i32
        %cond3A_79 = arith.constant 0 : i32
        %cond3A_80 = arith.cmpi ne, %convert_element_type3A_78, %cond3A_79 : i32
        scf.if %cond3A_80 {
          %sub3A = arith.constant 1 : i32
          %sub3A_131 = arith.subi %add3A_62, %sub3A : i32
          %shift_right_arithmetic3A_132 = arith.constant 1 : i32
          %shift_right_arithmetic3A_133 = arith.shrsi %sub3A_131, %shift_right_arithmetic3A_132 : i32
          %and3A_134 = arith.constant 1 : i32
          %and3A_135 = arith.andi %sub3A_131, %and3A_134 : i32
          %mul3A_136 = arith.constant 64 : i32
          %mul3A_137 = arith.muli %and3A_135, %mul3A_136 : i32
          %dma_wait3A_138 = tpu.memref_slice %arg10[%shift_right_arithmetic3A_133, %mul3A_137] : memref<81x128xi32, #tpu.memory_space<vmem>> -> memref<1x64xi32, #tpu.memory_space<vmem>>
          %dma_wait3A_139 = tpu.memref_squeeze %dma_wait3A_138 : memref<1x64xi32, #tpu.memory_space<vmem>> -> memref<64xi32, #tpu.memory_space<vmem>>
          %dma_wait3A_140 = arith.constant 0 : i32
          %dma_wait3A_141 = arith.constant 0 : i32
          %dma_wait3A_142 = tpu.memref_slice %arg3[%dma_wait3A_140, %dma_wait3A_141] : memref<10000x128xf32, #tpu.memory_space<hbm>> -> memref<10000x128xf32, #tpu.memory_space<hbm>>
          tpu.wait_indirect_dma semaphore(%arg17 : memref<!tpu.dma_semaphore, #tpu.memory_space<semaphore_mem>>) src(%dma_wait3A_142 : memref<10000x128xf32, #tpu.memory_space<hbm>>) dst(%arg13 : memref<64x128xf32, #tpu.memory_space<vmem>>)
          %sub3A_143 = arith.constant 1 : i32
          %sub3A_144 = arith.subi %add3A_62, %sub3A_143 : i32
          %shift_right_arithmetic3A_145 = arith.constant 1 : i32
          %shift_right_arithmetic3A_146 = arith.shrsi %sub3A_144, %shift_right_arithmetic3A_145 : i32
          %and3A_147 = arith.constant 1 : i32
          %and3A_148 = arith.andi %sub3A_144, %and3A_147 : i32
          %mul3A_149 = arith.constant 64 : i32
          %mul3A_150 = arith.muli %and3A_148, %mul3A_149 : i32
          %dma_start3A_151 = tpu.memref_slice %arg9[%shift_right_arithmetic3A_146, %mul3A_150] : memref<81x128xi32, #tpu.memory_space<vmem>> -> memref<1x64xi32, #tpu.memory_space<vmem>>
          %dma_start3A_152 = tpu.memref_squeeze %dma_start3A_151 : memref<1x64xi32, #tpu.memory_space<vmem>> -> memref<64xi32, #tpu.memory_space<vmem>>
          %dma_start3A_153 = arith.constant 0 : i32
          %dma_start3A_154 = arith.constant 0 : i32
          %dma_start3A_155 = tpu.memref_slice %arg14[%dma_start3A_153, %dma_start3A_154] : memref<10240x128xf32, #tpu.memory_space<vmem_shared>> -> memref<10240x128xf32, #tpu.memory_space<vmem_shared>>
          tpu.enqueue_indirect_dma source(%arg13 : memref<64x128xf32, #tpu.memory_space<vmem>>) target(%dma_start3A_155 : memref<10240x128xf32, #tpu.memory_space<vmem_shared>>) offsets(%dma_start3A_152 : memref<64xi32, #tpu.memory_space<vmem>>) semaphore(%arg20 : memref<!tpu.dma_semaphore, #tpu.memory_space<semaphore_mem>>) {add = true}
        } else {
        }
        %mul3A_81 = arith.constant 3 : i32
        %mul3A_82 = arith.muli %scan3A_59, %mul3A_81 : i32
        %add3A_83 = arith.constant 1 : i32
        %add3A_84 = arith.addi %mul3A_82, %add3A_83 : i32
        %ge3A_85 = arith.constant 3 : i32
        %ge3A_86 = arith.cmpi sge, %add3A_84, %ge3A_85 : i32
        %convert_element_type3A_87 = arith.extui %ge3A_86 : i1 to i32
        %cond3A_88 = arith.constant 0 : i32
        %cond3A_89 = arith.cmpi ne, %convert_element_type3A_87, %cond3A_88 : i32
        scf.if %cond3A_89 {
          %sub3A = arith.constant 3 : i32
          %sub3A_131 = arith.subi %add3A_84, %sub3A : i32
          %shift_right_arithmetic3A_132 = arith.constant 1 : i32
          %shift_right_arithmetic3A_133 = arith.shrsi %sub3A_131, %shift_right_arithmetic3A_132 : i32
          %and3A_134 = arith.constant 1 : i32
          %and3A_135 = arith.andi %sub3A_131, %and3A_134 : i32
          %mul3A_136 = arith.constant 64 : i32
          %mul3A_137 = arith.muli %and3A_135, %mul3A_136 : i32
          %dma_wait3A_138 = tpu.memref_slice %arg9[%shift_right_arithmetic3A_133, %mul3A_137] : memref<81x128xi32, #tpu.memory_space<vmem>> -> memref<1x64xi32, #tpu.memory_space<vmem>>
          %dma_wait3A_139 = tpu.memref_squeeze %dma_wait3A_138 : memref<1x64xi32, #tpu.memory_space<vmem>> -> memref<64xi32, #tpu.memory_space<vmem>>
          %dma_wait3A_140 = arith.constant 0 : i32
          %dma_wait3A_141 = arith.constant 0 : i32
          %dma_wait3A_142 = tpu.memref_slice %arg14[%dma_wait3A_140, %dma_wait3A_141] : memref<10240x128xf32, #tpu.memory_space<vmem_shared>> -> memref<10240x128xf32, #tpu.memory_space<vmem_shared>>
          tpu.wait_indirect_dma semaphore(%arg19 : memref<!tpu.dma_semaphore, #tpu.memory_space<semaphore_mem>>) src(%arg12 : memref<64x128xf32, #tpu.memory_space<vmem>>) dst(%dma_wait3A_142 : memref<10240x128xf32, #tpu.memory_space<vmem_shared>>)
        } else {
        }
        %shift_right_arithmetic3A_90 = arith.constant 1 : i32
        %shift_right_arithmetic3A_91 = arith.shrsi %add3A_84, %shift_right_arithmetic3A_90 : i32
        %and3A_92 = arith.constant 1 : i32
        %and3A_93 = arith.andi %add3A_84, %and3A_92 : i32
        %mul3A_94 = arith.constant 64 : i32
        %mul3A_95 = arith.muli %and3A_93, %mul3A_94 : i32
        %dma_start3A_96 = tpu.memref_slice %arg10[%shift_right_arithmetic3A_91, %mul3A_95] : memref<81x128xi32, #tpu.memory_space<vmem>> -> memref<1x64xi32, #tpu.memory_space<vmem>>
        %dma_start3A_97 = tpu.memref_squeeze %dma_start3A_96 : memref<1x64xi32, #tpu.memory_space<vmem>> -> memref<64xi32, #tpu.memory_space<vmem>>
        %dma_start3A_98 = arith.constant 0 : i32
        %dma_start3A_99 = arith.constant 0 : i32
        %dma_start3A_100 = tpu.memref_slice %arg3[%dma_start3A_98, %dma_start3A_99] : memref<10000x128xf32, #tpu.memory_space<hbm>> -> memref<10000x128xf32, #tpu.memory_space<hbm>>
        tpu.enqueue_indirect_dma source(%dma_start3A_100 : memref<10000x128xf32, #tpu.memory_space<hbm>>) target(%arg12 : memref<64x128xf32, #tpu.memory_space<vmem>>) offsets(%dma_start3A_97 : memref<64xi32, #tpu.memory_space<vmem>>) semaphore(%arg16 : memref<!tpu.dma_semaphore, #tpu.memory_space<semaphore_mem>>)
        %ge3A_101 = arith.constant 1 : i32
        %ge3A_102 = arith.cmpi sge, %add3A_84, %ge3A_101 : i32
        %convert_element_type3A_103 = arith.extui %ge3A_102 : i1 to i32
        %cond3A_104 = arith.constant 0 : i32
        %cond3A_105 = arith.cmpi ne, %convert_element_type3A_103, %cond3A_104 : i32
        scf.if %cond3A_105 {
          %sub3A = arith.constant 1 : i32
          %sub3A_131 = arith.subi %add3A_84, %sub3A : i32
          %shift_right_arithmetic3A_132 = arith.constant 1 : i32
          %shift_right_arithmetic3A_133 = arith.shrsi %sub3A_131, %shift_right_arithmetic3A_132 : i32
          %and3A_134 = arith.constant 1 : i32
          %and3A_135 = arith.andi %sub3A_131, %and3A_134 : i32
          %mul3A_136 = arith.constant 64 : i32
          %mul3A_137 = arith.muli %and3A_135, %mul3A_136 : i32
          %dma_wait3A_138 = tpu.memref_slice %arg10[%shift_right_arithmetic3A_133, %mul3A_137] : memref<81x128xi32, #tpu.memory_space<vmem>> -> memref<1x64xi32, #tpu.memory_space<vmem>>
          %dma_wait3A_139 = tpu.memref_squeeze %dma_wait3A_138 : memref<1x64xi32, #tpu.memory_space<vmem>> -> memref<64xi32, #tpu.memory_space<vmem>>
          %dma_wait3A_140 = arith.constant 0 : i32
          %dma_wait3A_141 = arith.constant 0 : i32
          %dma_wait3A_142 = tpu.memref_slice %arg3[%dma_wait3A_140, %dma_wait3A_141] : memref<10000x128xf32, #tpu.memory_space<hbm>> -> memref<10000x128xf32, #tpu.memory_space<hbm>>
          tpu.wait_indirect_dma semaphore(%arg15 : memref<!tpu.dma_semaphore, #tpu.memory_space<semaphore_mem>>) src(%dma_wait3A_142 : memref<10000x128xf32, #tpu.memory_space<hbm>>) dst(%arg11 : memref<64x128xf32, #tpu.memory_space<vmem>>)
          %sub3A_143 = arith.constant 1 : i32
          %sub3A_144 = arith.subi %add3A_84, %sub3A_143 : i32
          %shift_right_arithmetic3A_145 = arith.constant 1 : i32
          %shift_right_arithmetic3A_146 = arith.shrsi %sub3A_144, %shift_right_arithmetic3A_145 : i32
          %and3A_147 = arith.constant 1 : i32
          %and3A_148 = arith.andi %sub3A_144, %and3A_147 : i32
          %mul3A_149 = arith.constant 64 : i32
          %mul3A_150 = arith.muli %and3A_148, %mul3A_149 : i32
          %dma_start3A_151 = tpu.memref_slice %arg9[%shift_right_arithmetic3A_146, %mul3A_150] : memref<81x128xi32, #tpu.memory_space<vmem>> -> memref<1x64xi32, #tpu.memory_space<vmem>>
          %dma_start3A_152 = tpu.memref_squeeze %dma_start3A_151 : memref<1x64xi32, #tpu.memory_space<vmem>> -> memref<64xi32, #tpu.memory_space<vmem>>
          %dma_start3A_153 = arith.constant 0 : i32
          %dma_start3A_154 = arith.constant 0 : i32
          %dma_start3A_155 = tpu.memref_slice %arg14[%dma_start3A_153, %dma_start3A_154] : memref<10240x128xf32, #tpu.memory_space<vmem_shared>> -> memref<10240x128xf32, #tpu.memory_space<vmem_shared>>
          tpu.enqueue_indirect_dma source(%arg11 : memref<64x128xf32, #tpu.memory_space<vmem>>) target(%dma_start3A_155 : memref<10240x128xf32, #tpu.memory_space<vmem_shared>>) offsets(%dma_start3A_152 : memref<64xi32, #tpu.memory_space<vmem>>) semaphore(%arg18 : memref<!tpu.dma_semaphore, #tpu.memory_space<semaphore_mem>>) {add = true}
        } else {
        }
        %mul3A_106 = arith.constant 3 : i32
        %mul3A_107 = arith.muli %scan3A_59, %mul3A_106 : i32
        %add3A_108 = arith.constant 2 : i32
        %add3A_109 = arith.addi %mul3A_107, %add3A_108 : i32
        %ge3A_110 = arith.constant 3 : i32
        %ge3A_111 = arith.cmpi sge, %add3A_109, %ge3A_110 : i32
        %convert_element_type3A_112 = arith.extui %ge3A_111 : i1 to i32
        %cond3A_113 = arith.constant 0 : i32
        %cond3A_114 = arith.cmpi ne, %convert_element_type3A_112, %cond3A_113 : i32
        scf.if %cond3A_114 {
          %sub3A = arith.constant 3 : i32
          %sub3A_131 = arith.subi %add3A_109, %sub3A : i32
          %shift_right_arithmetic3A_132 = arith.constant 1 : i32
          %shift_right_arithmetic3A_133 = arith.shrsi %sub3A_131, %shift_right_arithmetic3A_132 : i32
          %and3A_134 = arith.constant 1 : i32
          %and3A_135 = arith.andi %sub3A_131, %and3A_134 : i32
          %mul3A_136 = arith.constant 64 : i32
          %mul3A_137 = arith.muli %and3A_135, %mul3A_136 : i32
          %dma_wait3A_138 = tpu.memref_slice %arg9[%shift_right_arithmetic3A_133, %mul3A_137] : memref<81x128xi32, #tpu.memory_space<vmem>> -> memref<1x64xi32, #tpu.memory_space<vmem>>
          %dma_wait3A_139 = tpu.memref_squeeze %dma_wait3A_138 : memref<1x64xi32, #tpu.memory_space<vmem>> -> memref<64xi32, #tpu.memory_space<vmem>>
          %dma_wait3A_140 = arith.constant 0 : i32
          %dma_wait3A_141 = arith.constant 0 : i32
          %dma_wait3A_142 = tpu.memref_slice %arg14[%dma_wait3A_140, %dma_wait3A_141] : memref<10240x128xf32, #tpu.memory_space<vmem_shared>> -> memref<10240x128xf32, #tpu.memory_space<vmem_shared>>
          tpu.wait_indirect_dma semaphore(%arg20 : memref<!tpu.dma_semaphore, #tpu.memory_space<semaphore_mem>>) src(%arg13 : memref<64x128xf32, #tpu.memory_space<vmem>>) dst(%dma_wait3A_142 : memref<10240x128xf32, #tpu.memory_space<vmem_shared>>)
        } else {
        }
        %shift_right_arithmetic3A_115 = arith.constant 1 : i32
        %shift_right_arithmetic3A_116 = arith.shrsi %add3A_109, %shift_right_arithmetic3A_115 : i32
        %and3A_117 = arith.constant 1 : i32
        %and3A_118 = arith.andi %add3A_109, %and3A_117 : i32
        %mul3A_119 = arith.constant 64 : i32
        %mul3A_120 = arith.muli %and3A_118, %mul3A_119 : i32
        %dma_start3A_121 = tpu.memref_slice %arg10[%shift_right_arithmetic3A_116, %mul3A_120] : memref<81x128xi32, #tpu.memory_space<vmem>> -> memref<1x64xi32, #tpu.memory_space<vmem>>
        %dma_start3A_122 = tpu.memref_squeeze %dma_start3A_121 : memref<1x64xi32, #tpu.memory_space<vmem>> -> memref<64xi32, #tpu.memory_space<vmem>>
        %dma_start3A_123 = arith.constant 0 : i32
        %dma_start3A_124 = arith.constant 0 : i32
        %dma_start3A_125 = tpu.memref_slice %arg3[%dma_start3A_123, %dma_start3A_124] : memref<10000x128xf32, #tpu.memory_space<hbm>> -> memref<10000x128xf32, #tpu.memory_space<hbm>>
        tpu.enqueue_indirect_dma source(%dma_start3A_125 : memref<10000x128xf32, #tpu.memory_space<hbm>>) target(%arg13 : memref<64x128xf32, #tpu.memory_space<vmem>>) offsets(%dma_start3A_122 : memref<64xi32, #tpu.memory_space<vmem>>) semaphore(%arg17 : memref<!tpu.dma_semaphore, #tpu.memory_space<semaphore_mem>>)
        %ge3A_126 = arith.constant 1 : i32
        %ge3A_127 = arith.cmpi sge, %add3A_109, %ge3A_126 : i32
        %convert_element_type3A_128 = arith.extui %ge3A_127 : i1 to i32
        %cond3A_129 = arith.constant 0 : i32
        %cond3A_130 = arith.cmpi ne, %convert_element_type3A_128, %cond3A_129 : i32
        scf.if %cond3A_130 {
          %sub3A = arith.constant 1 : i32
          %sub3A_131 = arith.subi %add3A_109, %sub3A : i32
          %shift_right_arithmetic3A_132 = arith.constant 1 : i32
          %shift_right_arithmetic3A_133 = arith.shrsi %sub3A_131, %shift_right_arithmetic3A_132 : i32
          %and3A_134 = arith.constant 1 : i32
          %and3A_135 = arith.andi %sub3A_131, %and3A_134 : i32
          %mul3A_136 = arith.constant 64 : i32
          %mul3A_137 = arith.muli %and3A_135, %mul3A_136 : i32
          %dma_wait3A_138 = tpu.memref_slice %arg10[%shift_right_arithmetic3A_133, %mul3A_137] : memref<81x128xi32, #tpu.memory_space<vmem>> -> memref<1x64xi32, #tpu.memory_space<vmem>>
          %dma_wait3A_139 = tpu.memref_squeeze %dma_wait3A_138 : memref<1x64xi32, #tpu.memory_space<vmem>> -> memref<64xi32, #tpu.memory_space<vmem>>
          %dma_wait3A_140 = arith.constant 0 : i32
          %dma_wait3A_141 = arith.constant 0 : i32
          %dma_wait3A_142 = tpu.memref_slice %arg3[%dma_wait3A_140, %dma_wait3A_141] : memref<10000x128xf32, #tpu.memory_space<hbm>> -> memref<10000x128xf32, #tpu.memory_space<hbm>>
          tpu.wait_indirect_dma semaphore(%arg16 : memref<!tpu.dma_semaphore, #tpu.memory_space<semaphore_mem>>) src(%dma_wait3A_142 : memref<10000x128xf32, #tpu.memory_space<hbm>>) dst(%arg12 : memref<64x128xf32, #tpu.memory_space<vmem>>)
          %sub3A_143 = arith.constant 1 : i32
          %sub3A_144 = arith.subi %add3A_109, %sub3A_143 : i32
          %shift_right_arithmetic3A_145 = arith.constant 1 : i32
          %shift_right_arithmetic3A_146 = arith.shrsi %sub3A_144, %shift_right_arithmetic3A_145 : i32
          %and3A_147 = arith.constant 1 : i32
          %and3A_148 = arith.andi %sub3A_144, %and3A_147 : i32
          %mul3A_149 = arith.constant 64 : i32
          %mul3A_150 = arith.muli %and3A_148, %mul3A_149 : i32
          %dma_start3A_151 = tpu.memref_slice %arg9[%shift_right_arithmetic3A_146, %mul3A_150] : memref<81x128xi32, #tpu.memory_space<vmem>> -> memref<1x64xi32, #tpu.memory_space<vmem>>
          %dma_start3A_152 = tpu.memref_squeeze %dma_start3A_151 : memref<1x64xi32, #tpu.memory_space<vmem>> -> memref<64xi32, #tpu.memory_space<vmem>>
          %dma_start3A_153 = arith.constant 0 : i32
          %dma_start3A_154 = arith.constant 0 : i32
          %dma_start3A_155 = tpu.memref_slice %arg14[%dma_start3A_153, %dma_start3A_154] : memref<10240x128xf32, #tpu.memory_space<vmem_shared>> -> memref<10240x128xf32, #tpu.memory_space<vmem_shared>>
          tpu.enqueue_indirect_dma source(%arg12 : memref<64x128xf32, #tpu.memory_space<vmem>>) target(%dma_start3A_155 : memref<10240x128xf32, #tpu.memory_space<vmem_shared>>) offsets(%dma_start3A_152 : memref<64xi32, #tpu.memory_space<vmem>>) semaphore(%arg19 : memref<!tpu.dma_semaphore, #tpu.memory_space<semaphore_mem>>) {add = true}
        } else {
        }
      }
      %scan3A_25 = arith.constant 54 : i32
      %dma_wait3A = arith.constant 80 : i32
      %dma_wait3A_26 = arith.constant 64 : i32
      %dma_wait3A_27 = tpu.memref_slice %arg10[%dma_wait3A, %dma_wait3A_26] : memref<81x128xi32, #tpu.memory_space<vmem>> -> memref<1x64xi32, #tpu.memory_space<vmem>>
      %dma_wait3A_28 = tpu.memref_squeeze %dma_wait3A_27 : memref<1x64xi32, #tpu.memory_space<vmem>> -> memref<64xi32, #tpu.memory_space<vmem>>
      %dma_wait3A_29 = arith.constant 0 : i32
      %dma_wait3A_30 = arith.constant 0 : i32
      %dma_wait3A_31 = tpu.memref_slice %arg3[%dma_wait3A_29, %dma_wait3A_30] : memref<10000x128xf32, #tpu.memory_space<hbm>> -> memref<10000x128xf32, #tpu.memory_space<hbm>>
      tpu.wait_indirect_dma semaphore(%arg17 : memref<!tpu.dma_semaphore, #tpu.memory_space<semaphore_mem>>) src(%dma_wait3A_31 : memref<10000x128xf32, #tpu.memory_space<hbm>>) dst(%arg13 : memref<64x128xf32, #tpu.memory_space<vmem>>)
      %dma_start3A = arith.constant 80 : i32
      %dma_start3A_32 = arith.constant 64 : i32
      %dma_start3A_33 = tpu.memref_slice %arg9[%dma_start3A, %dma_start3A_32] : memref<81x128xi32, #tpu.memory_space<vmem>> -> memref<1x64xi32, #tpu.memory_space<vmem>>
      %dma_start3A_34 = tpu.memref_squeeze %dma_start3A_33 : memref<1x64xi32, #tpu.memory_space<vmem>> -> memref<64xi32, #tpu.memory_space<vmem>>
      %dma_start3A_35 = arith.constant 0 : i32
      %dma_start3A_36 = arith.constant 0 : i32
      %dma_start3A_37 = tpu.memref_slice %arg14[%dma_start3A_35, %dma_start3A_36] : memref<10240x128xf32, #tpu.memory_space<vmem_shared>> -> memref<10240x128xf32, #tpu.memory_space<vmem_shared>>
      tpu.enqueue_indirect_dma source(%arg13 : memref<64x128xf32, #tpu.memory_space<vmem>>) target(%dma_start3A_37 : memref<10240x128xf32, #tpu.memory_space<vmem_shared>>) offsets(%dma_start3A_34 : memref<64xi32, #tpu.memory_space<vmem>>) semaphore(%arg20 : memref<!tpu.dma_semaphore, #tpu.memory_space<semaphore_mem>>) {add = true}
      %dma_wait3A_38 = arith.constant 0 : i32
      %dma_wait3A_39 = arith.constant 0 : i32
      %dma_wait3A_40 = tpu.memref_slice %arg9[%dma_wait3A_38, %dma_wait3A_39] : memref<81x128xi32, #tpu.memory_space<vmem>> -> memref<1x64xi32, #tpu.memory_space<vmem>>
      %dma_wait3A_41 = tpu.memref_squeeze %dma_wait3A_40 : memref<1x64xi32, #tpu.memory_space<vmem>> -> memref<64xi32, #tpu.memory_space<vmem>>
      %dma_wait3A_42 = arith.constant 0 : i32
      %dma_wait3A_43 = arith.constant 0 : i32
      %dma_wait3A_44 = tpu.memref_slice %arg14[%dma_wait3A_42, %dma_wait3A_43] : memref<10240x128xf32, #tpu.memory_space<vmem_shared>> -> memref<10240x128xf32, #tpu.memory_space<vmem_shared>>
      tpu.wait_indirect_dma semaphore(%arg18 : memref<!tpu.dma_semaphore, #tpu.memory_space<semaphore_mem>>) src(%arg11 : memref<64x128xf32, #tpu.memory_space<vmem>>) dst(%dma_wait3A_44 : memref<10240x128xf32, #tpu.memory_space<vmem_shared>>)
      %dma_wait3A_45 = arith.constant 0 : i32
      %dma_wait3A_46 = arith.constant 64 : i32
      %dma_wait3A_47 = tpu.memref_slice %arg9[%dma_wait3A_45, %dma_wait3A_46] : memref<81x128xi32, #tpu.memory_space<vmem>> -> memref<1x64xi32, #tpu.memory_space<vmem>>
      %dma_wait3A_48 = tpu.memref_squeeze %dma_wait3A_47 : memref<1x64xi32, #tpu.memory_space<vmem>> -> memref<64xi32, #tpu.memory_space<vmem>>
      %dma_wait3A_49 = arith.constant 0 : i32
      %dma_wait3A_50 = arith.constant 0 : i32
      %dma_wait3A_51 = tpu.memref_slice %arg14[%dma_wait3A_49, %dma_wait3A_50] : memref<10240x128xf32, #tpu.memory_space<vmem_shared>> -> memref<10240x128xf32, #tpu.memory_space<vmem_shared>>
      tpu.wait_indirect_dma semaphore(%arg19 : memref<!tpu.dma_semaphore, #tpu.memory_space<semaphore_mem>>) src(%arg12 : memref<64x128xf32, #tpu.memory_space<vmem>>) dst(%dma_wait3A_51 : memref<10240x128xf32, #tpu.memory_space<vmem_shared>>)
      %dma_wait3A_52 = arith.constant 1 : i32
      %dma_wait3A_53 = arith.constant 0 : i32
      %dma_wait3A_54 = tpu.memref_slice %arg9[%dma_wait3A_52, %dma_wait3A_53] : memref<81x128xi32, #tpu.memory_space<vmem>> -> memref<1x64xi32, #tpu.memory_space<vmem>>
      %dma_wait3A_55 = tpu.memref_squeeze %dma_wait3A_54 : memref<1x64xi32, #tpu.memory_space<vmem>> -> memref<64xi32, #tpu.memory_space<vmem>>
      %dma_wait3A_56 = arith.constant 0 : i32
      %dma_wait3A_57 = arith.constant 0 : i32
      %dma_wait3A_58 = tpu.memref_slice %arg14[%dma_wait3A_56, %dma_wait3A_57] : memref<10240x128xf32, #tpu.memory_space<vmem_shared>> -> memref<10240x128xf32, #tpu.memory_space<vmem_shared>>
      tpu.wait_indirect_dma semaphore(%arg20 : memref<!tpu.dma_semaphore, #tpu.memory_space<semaphore_mem>>) src(%arg13 : memref<64x128xf32, #tpu.memory_space<vmem>>) dst(%dma_wait3A_58 : memref<10240x128xf32, #tpu.memory_space<vmem_shared>>)
    } else {
    }
    %barrier3A_10 = arith.constant 0 : index
    tpu.barrier barrier_id(%barrier3A_10)
    %eq3A_11 = arith.constant 0 : i32
    %eq3A_12 = arith.cmpi eq, %arg0, %eq3A_11 : i32
    %convert_element_type3A_13 = arith.extui %eq3A_12 : i1 to i32
    %cond3A_14 = arith.constant 0 : i32
    %cond3A_15 = arith.cmpi ne, %convert_element_type3A_13, %cond3A_14 : i32
    scf.if %cond3A_15 {
      %mul3A_21 = arith.constant 640 : i32
      %mul3A_22 = arith.muli %arg1, %mul3A_21 : i32
      %mul3A_23 = arith.constant 640 : i32
      %mul3A_24 = arith.muli %arg1, %mul3A_23 : i32
      "tpu.region"() ({
        %run_scoped3A = tpu.sem_alloc : memref<!tpu.dma_semaphore, #tpu.memory_space<semaphore_mem>>
        %dma_start3A = arith.constant 0 : i32
        %dma_start3A_25 = tpu.memref_slice %arg7[%mul3A_24, %dma_start3A] : memref<10240x128xf32, #tpu.memory_space<hbm>> -> memref<640x128xf32, #tpu.memory_space<hbm>>
        %dma_start3A_26 = arith.constant 0 : i32
        %dma_start3A_27 = tpu.memref_slice %arg14[%mul3A_22, %dma_start3A_26] : memref<10240x128xf32, #tpu.memory_space<vmem_shared>> -> memref<640x128xf32, #tpu.memory_space<vmem_shared>>
        tpu.enqueue_dma source(%dma_start3A_27 : memref<640x128xf32, #tpu.memory_space<vmem_shared>>) target(%dma_start3A_25 : memref<640x128xf32, #tpu.memory_space<hbm>>) target_semaphore(%run_scoped3A : memref<!tpu.dma_semaphore, #tpu.memory_space<semaphore_mem>>)
        %dma_wait3A = arith.constant 0 : i32
        %dma_wait3A_28 = tpu.memref_slice %arg7[%mul3A_24, %dma_wait3A] : memref<10240x128xf32, #tpu.memory_space<hbm>> -> memref<640x128xf32, #tpu.memory_space<hbm>>
        %dma_wait3A_29 = arith.constant 0 : i32
        %dma_wait3A_30 = tpu.memref_slice %arg14[%mul3A_22, %dma_wait3A_29] : memref<10240x128xf32, #tpu.memory_space<vmem_shared>> -> memref<640x128xf32, #tpu.memory_space<vmem_shared>>
        tpu.wait_dma2 semaphore(%run_scoped3A : memref<!tpu.dma_semaphore, #tpu.memory_space<semaphore_mem>>) src(%dma_wait3A_30 : memref<640x128xf32, #tpu.memory_space<vmem_shared>>) dst(%dma_wait3A_28 : memref<640x128xf32, #tpu.memory_space<hbm>>)
        tpu.yield
      }) : () -> ()
    } else {
    }
    %eq3A_16 = arith.constant 1 : i32
    %eq3A_17 = arith.cmpi eq, %arg0, %eq3A_16 : i32
    %convert_element_type3A_18 = arith.extui %eq3A_17 : i1 to i32
    %cond3A_19 = arith.constant 0 : i32
    %cond3A_20 = arith.cmpi ne, %convert_element_type3A_18, %cond3A_19 : i32
    scf.if %cond3A_20 {
      %mul3A_21 = arith.constant 640 : i32
      %mul3A_22 = arith.muli %arg1, %mul3A_21 : i32
      %mul3A_23 = arith.constant 640 : i32
      %mul3A_24 = arith.muli %arg1, %mul3A_23 : i32
      "tpu.region"() ({
        %run_scoped3A = tpu.sem_alloc : memref<!tpu.dma_semaphore, #tpu.memory_space<semaphore_mem>>
        %dma_start3A = arith.constant 0 : i32
        %dma_start3A_25 = tpu.memref_slice %arg8[%mul3A_24, %dma_start3A] : memref<10240x128xf32, #tpu.memory_space<hbm>> -> memref<640x128xf32, #tpu.memory_space<hbm>>
        %dma_start3A_26 = arith.constant 0 : i32
        %dma_start3A_27 = tpu.memref_slice %arg14[%mul3A_22, %dma_start3A_26] : memref<10240x128xf32, #tpu.memory_space<vmem_shared>> -> memref<640x128xf32, #tpu.memory_space<vmem_shared>>
        tpu.enqueue_dma source(%dma_start3A_27 : memref<640x128xf32, #tpu.memory_space<vmem_shared>>) target(%dma_start3A_25 : memref<640x128xf32, #tpu.memory_space<hbm>>) target_semaphore(%run_scoped3A : memref<!tpu.dma_semaphore, #tpu.memory_space<semaphore_mem>>)
        %dma_wait3A = arith.constant 0 : i32
        %dma_wait3A_28 = tpu.memref_slice %arg8[%mul3A_24, %dma_wait3A] : memref<10240x128xf32, #tpu.memory_space<hbm>> -> memref<640x128xf32, #tpu.memory_space<hbm>>
        %dma_wait3A_29 = arith.constant 0 : i32
        %dma_wait3A_30 = tpu.memref_slice %arg14[%mul3A_22, %dma_wait3A_29] : memref<10240x128xf32, #tpu.memory_space<vmem_shared>> -> memref<640x128xf32, #tpu.memory_space<vmem_shared>>
        tpu.wait_dma2 semaphore(%run_scoped3A : memref<!tpu.dma_semaphore, #tpu.memory_space<semaphore_mem>>) src(%dma_wait3A_30 : memref<640x128xf32, #tpu.memory_space<vmem_shared>>) dst(%dma_wait3A_28 : memref<640x128xf32, #tpu.memory_space<hbm>>)
        tpu.yield
      }) : () -> ()
    } else {
    }
    return
  }
}

#map = affine_map<(d0, d1) -> (0, 0)>
#map1 = affine_map<(d0, d1) -> (0, 0, 0)>
module attributes {stable_mosaic.version = 14 : i64} {
  func.func @_prop_body(%arg0: i32, %arg1: i32, %arg2: memref<10240x128xf32, #tpu.memory_space<hbm>>, %arg3: memref<10240x128xf32, #tpu.memory_space<hbm>>, %arg4: memref<16x81x128xi32, #tpu.memory_space<hbm>>, %arg5: memref<16x81x128xi32, #tpu.memory_space<hbm>>, %arg6: memref<10240x128xf32, #tpu.memory_space<hbm>>, %arg7: memref<10240x128xf32, #tpu.memory_space<hbm>>, %arg8: memref<10240x128xf32, #tpu.memory_space<hbm>>, %arg9: memref<81x128xi32, #tpu.memory_space<vmem>>, %arg10: memref<81x128xi32, #tpu.memory_space<vmem>>, %arg11: memref<64x128xf32, #tpu.memory_space<vmem>>, %arg12: memref<64x128xf32, #tpu.memory_space<vmem>>, %arg13: memref<64x128xf32, #tpu.memory_space<vmem>>, %arg14: memref<10240x128xf32, #tpu.memory_space<vmem_shared>>, %arg15: memref<!tpu.dma_semaphore, #tpu.memory_space<semaphore_mem>>, %arg16: memref<!tpu.dma_semaphore, #tpu.memory_space<semaphore_mem>>, %arg17: memref<!tpu.dma_semaphore, #tpu.memory_space<semaphore_mem>>, %arg18: memref<!tpu.dma_semaphore, #tpu.memory_space<semaphore_mem>>, %arg19: memref<!tpu.dma_semaphore, #tpu.memory_space<semaphore_mem>>, %arg20: memref<!tpu.dma_semaphore, #tpu.memory_space<semaphore_mem>>) attributes {dimension_semantics = [#tpu.dimension_semantics<core_parallel>, #tpu.dimension_semantics<subcore_parallel>], iteration_bounds = array<i64: 2, 16>, scalar_prefetch = 0 : i64, scratch_operands = 12 : i64, tpu.core_type = #tpu.core_type<sc_vector_subcore>, window_params = [{transform_indices = #map}, {transform_indices = #map}, {transform_indices = #map1}, {transform_indices = #map1}, {transform_indices = #map}, {transform_indices = #map}, {transform_indices = #map}]} {
    "tpu.region"() ({
      %run_scoped3A = tpu.sem_alloc : memref<!tpu.dma_semaphore, #tpu.memory_space<semaphore_mem>>
      %dma_start3A = arith.constant 0 : i32
      %dma_start3A_21 = arith.constant 0 : i32
      %dma_start3A_22 = tpu.memref_slice %arg5[%arg1, %dma_start3A, %dma_start3A_21] : memref<16x81x128xi32, #tpu.memory_space<hbm>> -> memref<1x81x128xi32, #tpu.memory_space<hbm>>
      %dma_start3A_23 = tpu.memref_squeeze %dma_start3A_22 : memref<1x81x128xi32, #tpu.memory_space<hbm>> -> memref<81x128xi32, #tpu.memory_space<hbm>>
      %dma_start3A_24 = arith.constant 0 : i32
      %dma_start3A_25 = arith.constant 0 : i32
      %dma_start3A_26 = tpu.memref_slice %arg5[%arg1, %dma_start3A_24, %dma_start3A_25] : memref<16x81x128xi32, #tpu.memory_space<hbm>> -> memref<1x81x128xi32, #tpu.memory_space<hbm>>
      %dma_start3A_27 = tpu.memref_squeeze %dma_start3A_26 : memref<1x81x128xi32, #tpu.memory_space<hbm>> -> memref<81x128xi32, #tpu.memory_space<hbm>>
      tpu.enqueue_dma source(%dma_start3A_27 : memref<81x128xi32, #tpu.memory_space<hbm>>) target(%arg9 : memref<81x128xi32, #tpu.memory_space<vmem>>) target_semaphore(%run_scoped3A : memref<!tpu.dma_semaphore, #tpu.memory_space<semaphore_mem>>)
      %dma_wait3A = arith.constant 0 : i32
      %dma_wait3A_28 = arith.constant 0 : i32
      %dma_wait3A_29 = tpu.memref_slice %arg5[%arg1, %dma_wait3A, %dma_wait3A_28] : memref<16x81x128xi32, #tpu.memory_space<hbm>> -> memref<1x81x128xi32, #tpu.memory_space<hbm>>
      %dma_wait3A_30 = tpu.memref_squeeze %dma_wait3A_29 : memref<1x81x128xi32, #tpu.memory_space<hbm>> -> memref<81x128xi32, #tpu.memory_space<hbm>>
      %dma_wait3A_31 = arith.constant 0 : i32
      %dma_wait3A_32 = arith.constant 0 : i32
      %dma_wait3A_33 = tpu.memref_slice %arg5[%arg1, %dma_wait3A_31, %dma_wait3A_32] : memref<16x81x128xi32, #tpu.memory_space<hbm>> -> memref<1x81x128xi32, #tpu.memory_space<hbm>>
      %dma_wait3A_34 = tpu.memref_squeeze %dma_wait3A_33 : memref<1x81x128xi32, #tpu.memory_space<hbm>> -> memref<81x128xi32, #tpu.memory_space<hbm>>
      tpu.wait_dma2 semaphore(%run_scoped3A : memref<!tpu.dma_semaphore, #tpu.memory_space<semaphore_mem>>) src(%dma_wait3A_34 : memref<81x128xi32, #tpu.memory_space<hbm>>) dst(%arg9 : memref<81x128xi32, #tpu.memory_space<vmem>>)
      tpu.yield
    }) : () -> ()
    "tpu.region"() ({
      %run_scoped3A = tpu.sem_alloc : memref<!tpu.dma_semaphore, #tpu.memory_space<semaphore_mem>>
      %dma_start3A = arith.constant 0 : i32
      %dma_start3A_21 = arith.constant 0 : i32
      %dma_start3A_22 = tpu.memref_slice %arg4[%arg1, %dma_start3A, %dma_start3A_21] : memref<16x81x128xi32, #tpu.memory_space<hbm>> -> memref<1x81x128xi32, #tpu.memory_space<hbm>>
      %dma_start3A_23 = tpu.memref_squeeze %dma_start3A_22 : memref<1x81x128xi32, #tpu.memory_space<hbm>> -> memref<81x128xi32, #tpu.memory_space<hbm>>
      %dma_start3A_24 = arith.constant 0 : i32
      %dma_start3A_25 = arith.constant 0 : i32
      %dma_start3A_26 = tpu.memref_slice %arg4[%arg1, %dma_start3A_24, %dma_start3A_25] : memref<16x81x128xi32, #tpu.memory_space<hbm>> -> memref<1x81x128xi32, #tpu.memory_space<hbm>>
      %dma_start3A_27 = tpu.memref_squeeze %dma_start3A_26 : memref<1x81x128xi32, #tpu.memory_space<hbm>> -> memref<81x128xi32, #tpu.memory_space<hbm>>
      tpu.enqueue_dma source(%dma_start3A_27 : memref<81x128xi32, #tpu.memory_space<hbm>>) target(%arg10 : memref<81x128xi32, #tpu.memory_space<vmem>>) target_semaphore(%run_scoped3A : memref<!tpu.dma_semaphore, #tpu.memory_space<semaphore_mem>>)
      %dma_wait3A = arith.constant 0 : i32
      %dma_wait3A_28 = arith.constant 0 : i32
      %dma_wait3A_29 = tpu.memref_slice %arg4[%arg1, %dma_wait3A, %dma_wait3A_28] : memref<16x81x128xi32, #tpu.memory_space<hbm>> -> memref<1x81x128xi32, #tpu.memory_space<hbm>>
      %dma_wait3A_30 = tpu.memref_squeeze %dma_wait3A_29 : memref<1x81x128xi32, #tpu.memory_space<hbm>> -> memref<81x128xi32, #tpu.memory_space<hbm>>
      %dma_wait3A_31 = arith.constant 0 : i32
      %dma_wait3A_32 = arith.constant 0 : i32
      %dma_wait3A_33 = tpu.memref_slice %arg4[%arg1, %dma_wait3A_31, %dma_wait3A_32] : memref<16x81x128xi32, #tpu.memory_space<hbm>> -> memref<1x81x128xi32, #tpu.memory_space<hbm>>
      %dma_wait3A_34 = tpu.memref_squeeze %dma_wait3A_33 : memref<1x81x128xi32, #tpu.memory_space<hbm>> -> memref<81x128xi32, #tpu.memory_space<hbm>>
      tpu.wait_dma2 semaphore(%run_scoped3A : memref<!tpu.dma_semaphore, #tpu.memory_space<semaphore_mem>>) src(%dma_wait3A_34 : memref<81x128xi32, #tpu.memory_space<hbm>>) dst(%arg10 : memref<81x128xi32, #tpu.memory_space<vmem>>)
      tpu.yield
    }) : () -> ()
    %mul3A = arith.constant 640 : i32
    %mul3A_0 = arith.muli %arg1, %mul3A : i32
    %mul3A_1 = arith.constant 640 : i32
    %mul3A_2 = arith.muli %arg1, %mul3A_1 : i32
    "tpu.region"() ({
      %run_scoped3A = tpu.sem_alloc : memref<!tpu.dma_semaphore, #tpu.memory_space<semaphore_mem>>
      %dma_start3A = arith.constant 0 : i32
      %dma_start3A_21 = tpu.memref_slice %arg14[%mul3A_2, %dma_start3A] : memref<10240x128xf32, #tpu.memory_space<vmem_shared>> -> memref<640x128xf32, #tpu.memory_space<vmem_shared>>
      %dma_start3A_22 = arith.constant 0 : i32
      %dma_start3A_23 = tpu.memref_slice %arg6[%mul3A_0, %dma_start3A_22] : memref<10240x128xf32, #tpu.memory_space<hbm>> -> memref<640x128xf32, #tpu.memory_space<hbm>>
      tpu.enqueue_dma source(%dma_start3A_23 : memref<640x128xf32, #tpu.memory_space<hbm>>) target(%dma_start3A_21 : memref<640x128xf32, #tpu.memory_space<vmem_shared>>) target_semaphore(%run_scoped3A : memref<!tpu.dma_semaphore, #tpu.memory_space<semaphore_mem>>)
      %dma_wait3A = arith.constant 0 : i32
      %dma_wait3A_24 = tpu.memref_slice %arg14[%mul3A_2, %dma_wait3A] : memref<10240x128xf32, #tpu.memory_space<vmem_shared>> -> memref<640x128xf32, #tpu.memory_space<vmem_shared>>
      %dma_wait3A_25 = arith.constant 0 : i32
      %dma_wait3A_26 = tpu.memref_slice %arg6[%mul3A_0, %dma_wait3A_25] : memref<10240x128xf32, #tpu.memory_space<hbm>> -> memref<640x128xf32, #tpu.memory_space<hbm>>
      tpu.wait_dma2 semaphore(%run_scoped3A : memref<!tpu.dma_semaphore, #tpu.memory_space<semaphore_mem>>) src(%dma_wait3A_26 : memref<640x128xf32, #tpu.memory_space<hbm>>) dst(%dma_wait3A_24 : memref<640x128xf32, #tpu.memory_space<vmem_shared>>)
      tpu.yield
    }) : () -> ()
    %barrier3A = arith.constant 0 : index
    tpu.barrier barrier_id(%barrier3A)
    %eq3A = arith.constant 0 : i32
    %eq3A_3 = arith.cmpi eq, %arg0, %eq3A : i32
    %convert_element_type3A = arith.extui %eq3A_3 : i1 to i32
    %cond3A = arith.constant 0 : i32
    %cond3A_4 = arith.cmpi ne, %convert_element_type3A, %cond3A : i32
    scf.if %cond3A_4 {
      %scan3A = arith.constant 0 : i32
      %scan3A_21 = arith.constant 0 : i32
      %scan3A_22 = arith.constant 54 : i32
      %scan3A_23 = arith.addi %scan3A_21, %scan3A_22 : i32
      %scan3A_24 = arith.constant 1 : i32
      scf.for %scan3A_59 = %scan3A_21 to %scan3A_23 step %scan3A_24  : i32 {
        %mul3A_60 = arith.constant 3 : i32
        %mul3A_61 = arith.muli %scan3A_59, %mul3A_60 : i32
        %add3A = arith.constant 0 : i32
        %add3A_62 = arith.addi %mul3A_61, %add3A : i32
        %ge3A = arith.constant 3 : i32
        %ge3A_63 = arith.cmpi sge, %add3A_62, %ge3A : i32
        %convert_element_type3A_64 = arith.extui %ge3A_63 : i1 to i32
        %cond3A_65 = arith.constant 0 : i32
        %cond3A_66 = arith.cmpi ne, %convert_element_type3A_64, %cond3A_65 : i32
        scf.if %cond3A_66 {
          %sub3A = arith.constant 3 : i32
          %sub3A_131 = arith.subi %add3A_62, %sub3A : i32
          %shift_right_arithmetic3A_132 = arith.constant 1 : i32
          %shift_right_arithmetic3A_133 = arith.shrsi %sub3A_131, %shift_right_arithmetic3A_132 : i32
          %and3A_134 = arith.constant 1 : i32
          %and3A_135 = arith.andi %sub3A_131, %and3A_134 : i32
          %mul3A_136 = arith.constant 64 : i32
          %mul3A_137 = arith.muli %and3A_135, %mul3A_136 : i32
          %dma_wait3A_138 = tpu.memref_slice %arg9[%shift_right_arithmetic3A_133, %mul3A_137] : memref<81x128xi32, #tpu.memory_space<vmem>> -> memref<1x64xi32, #tpu.memory_space<vmem>>
          %dma_wait3A_139 = tpu.memref_squeeze %dma_wait3A_138 : memref<1x64xi32, #tpu.memory_space<vmem>> -> memref<64xi32, #tpu.memory_space<vmem>>
          %dma_wait3A_140 = arith.constant 0 : i32
          %dma_wait3A_141 = arith.constant 0 : i32
          %dma_wait3A_142 = tpu.memref_slice %arg14[%dma_wait3A_140, %dma_wait3A_141] : memref<10240x128xf32, #tpu.memory_space<vmem_shared>> -> memref<10240x128xf32, #tpu.memory_space<vmem_shared>>
          tpu.wait_indirect_dma semaphore(%arg18 : memref<!tpu.dma_semaphore, #tpu.memory_space<semaphore_mem>>) src(%arg11 : memref<64x128xf32, #tpu.memory_space<vmem>>) dst(%dma_wait3A_142 : memref<10240x128xf32, #tpu.memory_space<vmem_shared>>)
        } else {
        }
        %shift_right_arithmetic3A = arith.constant 1 : i32
        %shift_right_arithmetic3A_67 = arith.shrsi %add3A_62, %shift_right_arithmetic3A : i32
        %and3A = arith.constant 1 : i32
        %and3A_68 = arith.andi %add3A_62, %and3A : i32
        %mul3A_69 = arith.constant 64 : i32
        %mul3A_70 = arith.muli %and3A_68, %mul3A_69 : i32
        %dma_start3A_71 = tpu.memref_slice %arg10[%shift_right_arithmetic3A_67, %mul3A_70] : memref<81x128xi32, #tpu.memory_space<vmem>> -> memref<1x64xi32, #tpu.memory_space<vmem>>
        %dma_start3A_72 = tpu.memref_squeeze %dma_start3A_71 : memref<1x64xi32, #tpu.memory_space<vmem>> -> memref<64xi32, #tpu.memory_space<vmem>>
        %dma_start3A_73 = arith.constant 0 : i32
        %dma_start3A_74 = arith.constant 0 : i32
        %dma_start3A_75 = tpu.memref_slice %arg2[%dma_start3A_73, %dma_start3A_74] : memref<10240x128xf32, #tpu.memory_space<hbm>> -> memref<10240x128xf32, #tpu.memory_space<hbm>>
        tpu.enqueue_indirect_dma source(%dma_start3A_75 : memref<10240x128xf32, #tpu.memory_space<hbm>>) target(%arg11 : memref<64x128xf32, #tpu.memory_space<vmem>>) offsets(%dma_start3A_72 : memref<64xi32, #tpu.memory_space<vmem>>) semaphore(%arg15 : memref<!tpu.dma_semaphore, #tpu.memory_space<semaphore_mem>>)
        %ge3A_76 = arith.constant 1 : i32
        %ge3A_77 = arith.cmpi sge, %add3A_62, %ge3A_76 : i32
        %convert_element_type3A_78 = arith.extui %ge3A_77 : i1 to i32
        %cond3A_79 = arith.constant 0 : i32
        %cond3A_80 = arith.cmpi ne, %convert_element_type3A_78, %cond3A_79 : i32
        scf.if %cond3A_80 {
          %sub3A = arith.constant 1 : i32
          %sub3A_131 = arith.subi %add3A_62, %sub3A : i32
          %shift_right_arithmetic3A_132 = arith.constant 1 : i32
          %shift_right_arithmetic3A_133 = arith.shrsi %sub3A_131, %shift_right_arithmetic3A_132 : i32
          %and3A_134 = arith.constant 1 : i32
          %and3A_135 = arith.andi %sub3A_131, %and3A_134 : i32
          %mul3A_136 = arith.constant 64 : i32
          %mul3A_137 = arith.muli %and3A_135, %mul3A_136 : i32
          %dma_wait3A_138 = tpu.memref_slice %arg10[%shift_right_arithmetic3A_133, %mul3A_137] : memref<81x128xi32, #tpu.memory_space<vmem>> -> memref<1x64xi32, #tpu.memory_space<vmem>>
          %dma_wait3A_139 = tpu.memref_squeeze %dma_wait3A_138 : memref<1x64xi32, #tpu.memory_space<vmem>> -> memref<64xi32, #tpu.memory_space<vmem>>
          %dma_wait3A_140 = arith.constant 0 : i32
          %dma_wait3A_141 = arith.constant 0 : i32
          %dma_wait3A_142 = tpu.memref_slice %arg2[%dma_wait3A_140, %dma_wait3A_141] : memref<10240x128xf32, #tpu.memory_space<hbm>> -> memref<10240x128xf32, #tpu.memory_space<hbm>>
          tpu.wait_indirect_dma semaphore(%arg17 : memref<!tpu.dma_semaphore, #tpu.memory_space<semaphore_mem>>) src(%dma_wait3A_142 : memref<10240x128xf32, #tpu.memory_space<hbm>>) dst(%arg13 : memref<64x128xf32, #tpu.memory_space<vmem>>)
          %sub3A_143 = arith.constant 1 : i32
          %sub3A_144 = arith.subi %add3A_62, %sub3A_143 : i32
          %shift_right_arithmetic3A_145 = arith.constant 1 : i32
          %shift_right_arithmetic3A_146 = arith.shrsi %sub3A_144, %shift_right_arithmetic3A_145 : i32
          %and3A_147 = arith.constant 1 : i32
          %and3A_148 = arith.andi %sub3A_144, %and3A_147 : i32
          %mul3A_149 = arith.constant 64 : i32
          %mul3A_150 = arith.muli %and3A_148, %mul3A_149 : i32
          %dma_start3A_151 = tpu.memref_slice %arg9[%shift_right_arithmetic3A_146, %mul3A_150] : memref<81x128xi32, #tpu.memory_space<vmem>> -> memref<1x64xi32, #tpu.memory_space<vmem>>
          %dma_start3A_152 = tpu.memref_squeeze %dma_start3A_151 : memref<1x64xi32, #tpu.memory_space<vmem>> -> memref<64xi32, #tpu.memory_space<vmem>>
          %dma_start3A_153 = arith.constant 0 : i32
          %dma_start3A_154 = arith.constant 0 : i32
          %dma_start3A_155 = tpu.memref_slice %arg14[%dma_start3A_153, %dma_start3A_154] : memref<10240x128xf32, #tpu.memory_space<vmem_shared>> -> memref<10240x128xf32, #tpu.memory_space<vmem_shared>>
          tpu.enqueue_indirect_dma source(%arg13 : memref<64x128xf32, #tpu.memory_space<vmem>>) target(%dma_start3A_155 : memref<10240x128xf32, #tpu.memory_space<vmem_shared>>) offsets(%dma_start3A_152 : memref<64xi32, #tpu.memory_space<vmem>>) semaphore(%arg20 : memref<!tpu.dma_semaphore, #tpu.memory_space<semaphore_mem>>) {add = true}
        } else {
        }
        %mul3A_81 = arith.constant 3 : i32
        %mul3A_82 = arith.muli %scan3A_59, %mul3A_81 : i32
        %add3A_83 = arith.constant 1 : i32
        %add3A_84 = arith.addi %mul3A_82, %add3A_83 : i32
        %ge3A_85 = arith.constant 3 : i32
        %ge3A_86 = arith.cmpi sge, %add3A_84, %ge3A_85 : i32
        %convert_element_type3A_87 = arith.extui %ge3A_86 : i1 to i32
        %cond3A_88 = arith.constant 0 : i32
        %cond3A_89 = arith.cmpi ne, %convert_element_type3A_87, %cond3A_88 : i32
        scf.if %cond3A_89 {
          %sub3A = arith.constant 3 : i32
          %sub3A_131 = arith.subi %add3A_84, %sub3A : i32
          %shift_right_arithmetic3A_132 = arith.constant 1 : i32
          %shift_right_arithmetic3A_133 = arith.shrsi %sub3A_131, %shift_right_arithmetic3A_132 : i32
          %and3A_134 = arith.constant 1 : i32
          %and3A_135 = arith.andi %sub3A_131, %and3A_134 : i32
          %mul3A_136 = arith.constant 64 : i32
          %mul3A_137 = arith.muli %and3A_135, %mul3A_136 : i32
          %dma_wait3A_138 = tpu.memref_slice %arg9[%shift_right_arithmetic3A_133, %mul3A_137] : memref<81x128xi32, #tpu.memory_space<vmem>> -> memref<1x64xi32, #tpu.memory_space<vmem>>
          %dma_wait3A_139 = tpu.memref_squeeze %dma_wait3A_138 : memref<1x64xi32, #tpu.memory_space<vmem>> -> memref<64xi32, #tpu.memory_space<vmem>>
          %dma_wait3A_140 = arith.constant 0 : i32
          %dma_wait3A_141 = arith.constant 0 : i32
          %dma_wait3A_142 = tpu.memref_slice %arg14[%dma_wait3A_140, %dma_wait3A_141] : memref<10240x128xf32, #tpu.memory_space<vmem_shared>> -> memref<10240x128xf32, #tpu.memory_space<vmem_shared>>
          tpu.wait_indirect_dma semaphore(%arg19 : memref<!tpu.dma_semaphore, #tpu.memory_space<semaphore_mem>>) src(%arg12 : memref<64x128xf32, #tpu.memory_space<vmem>>) dst(%dma_wait3A_142 : memref<10240x128xf32, #tpu.memory_space<vmem_shared>>)
        } else {
        }
        %shift_right_arithmetic3A_90 = arith.constant 1 : i32
        %shift_right_arithmetic3A_91 = arith.shrsi %add3A_84, %shift_right_arithmetic3A_90 : i32
        %and3A_92 = arith.constant 1 : i32
        %and3A_93 = arith.andi %add3A_84, %and3A_92 : i32
        %mul3A_94 = arith.constant 64 : i32
        %mul3A_95 = arith.muli %and3A_93, %mul3A_94 : i32
        %dma_start3A_96 = tpu.memref_slice %arg10[%shift_right_arithmetic3A_91, %mul3A_95] : memref<81x128xi32, #tpu.memory_space<vmem>> -> memref<1x64xi32, #tpu.memory_space<vmem>>
        %dma_start3A_97 = tpu.memref_squeeze %dma_start3A_96 : memref<1x64xi32, #tpu.memory_space<vmem>> -> memref<64xi32, #tpu.memory_space<vmem>>
        %dma_start3A_98 = arith.constant 0 : i32
        %dma_start3A_99 = arith.constant 0 : i32
        %dma_start3A_100 = tpu.memref_slice %arg2[%dma_start3A_98, %dma_start3A_99] : memref<10240x128xf32, #tpu.memory_space<hbm>> -> memref<10240x128xf32, #tpu.memory_space<hbm>>
        tpu.enqueue_indirect_dma source(%dma_start3A_100 : memref<10240x128xf32, #tpu.memory_space<hbm>>) target(%arg12 : memref<64x128xf32, #tpu.memory_space<vmem>>) offsets(%dma_start3A_97 : memref<64xi32, #tpu.memory_space<vmem>>) semaphore(%arg16 : memref<!tpu.dma_semaphore, #tpu.memory_space<semaphore_mem>>)
        %ge3A_101 = arith.constant 1 : i32
        %ge3A_102 = arith.cmpi sge, %add3A_84, %ge3A_101 : i32
        %convert_element_type3A_103 = arith.extui %ge3A_102 : i1 to i32
        %cond3A_104 = arith.constant 0 : i32
        %cond3A_105 = arith.cmpi ne, %convert_element_type3A_103, %cond3A_104 : i32
        scf.if %cond3A_105 {
          %sub3A = arith.constant 1 : i32
          %sub3A_131 = arith.subi %add3A_84, %sub3A : i32
          %shift_right_arithmetic3A_132 = arith.constant 1 : i32
          %shift_right_arithmetic3A_133 = arith.shrsi %sub3A_131, %shift_right_arithmetic3A_132 : i32
          %and3A_134 = arith.constant 1 : i32
          %and3A_135 = arith.andi %sub3A_131, %and3A_134 : i32
          %mul3A_136 = arith.constant 64 : i32
          %mul3A_137 = arith.muli %and3A_135, %mul3A_136 : i32
          %dma_wait3A_138 = tpu.memref_slice %arg10[%shift_right_arithmetic3A_133, %mul3A_137] : memref<81x128xi32, #tpu.memory_space<vmem>> -> memref<1x64xi32, #tpu.memory_space<vmem>>
          %dma_wait3A_139 = tpu.memref_squeeze %dma_wait3A_138 : memref<1x64xi32, #tpu.memory_space<vmem>> -> memref<64xi32, #tpu.memory_space<vmem>>
          %dma_wait3A_140 = arith.constant 0 : i32
          %dma_wait3A_141 = arith.constant 0 : i32
          %dma_wait3A_142 = tpu.memref_slice %arg2[%dma_wait3A_140, %dma_wait3A_141] : memref<10240x128xf32, #tpu.memory_space<hbm>> -> memref<10240x128xf32, #tpu.memory_space<hbm>>
          tpu.wait_indirect_dma semaphore(%arg15 : memref<!tpu.dma_semaphore, #tpu.memory_space<semaphore_mem>>) src(%dma_wait3A_142 : memref<10240x128xf32, #tpu.memory_space<hbm>>) dst(%arg11 : memref<64x128xf32, #tpu.memory_space<vmem>>)
          %sub3A_143 = arith.constant 1 : i32
          %sub3A_144 = arith.subi %add3A_84, %sub3A_143 : i32
          %shift_right_arithmetic3A_145 = arith.constant 1 : i32
          %shift_right_arithmetic3A_146 = arith.shrsi %sub3A_144, %shift_right_arithmetic3A_145 : i32
          %and3A_147 = arith.constant 1 : i32
          %and3A_148 = arith.andi %sub3A_144, %and3A_147 : i32
          %mul3A_149 = arith.constant 64 : i32
          %mul3A_150 = arith.muli %and3A_148, %mul3A_149 : i32
          %dma_start3A_151 = tpu.memref_slice %arg9[%shift_right_arithmetic3A_146, %mul3A_150] : memref<81x128xi32, #tpu.memory_space<vmem>> -> memref<1x64xi32, #tpu.memory_space<vmem>>
          %dma_start3A_152 = tpu.memref_squeeze %dma_start3A_151 : memref<1x64xi32, #tpu.memory_space<vmem>> -> memref<64xi32, #tpu.memory_space<vmem>>
          %dma_start3A_153 = arith.constant 0 : i32
          %dma_start3A_154 = arith.constant 0 : i32
          %dma_start3A_155 = tpu.memref_slice %arg14[%dma_start3A_153, %dma_start3A_154] : memref<10240x128xf32, #tpu.memory_space<vmem_shared>> -> memref<10240x128xf32, #tpu.memory_space<vmem_shared>>
          tpu.enqueue_indirect_dma source(%arg11 : memref<64x128xf32, #tpu.memory_space<vmem>>) target(%dma_start3A_155 : memref<10240x128xf32, #tpu.memory_space<vmem_shared>>) offsets(%dma_start3A_152 : memref<64xi32, #tpu.memory_space<vmem>>) semaphore(%arg18 : memref<!tpu.dma_semaphore, #tpu.memory_space<semaphore_mem>>) {add = true}
        } else {
        }
        %mul3A_106 = arith.constant 3 : i32
        %mul3A_107 = arith.muli %scan3A_59, %mul3A_106 : i32
        %add3A_108 = arith.constant 2 : i32
        %add3A_109 = arith.addi %mul3A_107, %add3A_108 : i32
        %ge3A_110 = arith.constant 3 : i32
        %ge3A_111 = arith.cmpi sge, %add3A_109, %ge3A_110 : i32
        %convert_element_type3A_112 = arith.extui %ge3A_111 : i1 to i32
        %cond3A_113 = arith.constant 0 : i32
        %cond3A_114 = arith.cmpi ne, %convert_element_type3A_112, %cond3A_113 : i32
        scf.if %cond3A_114 {
          %sub3A = arith.constant 3 : i32
          %sub3A_131 = arith.subi %add3A_109, %sub3A : i32
          %shift_right_arithmetic3A_132 = arith.constant 1 : i32
          %shift_right_arithmetic3A_133 = arith.shrsi %sub3A_131, %shift_right_arithmetic3A_132 : i32
          %and3A_134 = arith.constant 1 : i32
          %and3A_135 = arith.andi %sub3A_131, %and3A_134 : i32
          %mul3A_136 = arith.constant 64 : i32
          %mul3A_137 = arith.muli %and3A_135, %mul3A_136 : i32
          %dma_wait3A_138 = tpu.memref_slice %arg9[%shift_right_arithmetic3A_133, %mul3A_137] : memref<81x128xi32, #tpu.memory_space<vmem>> -> memref<1x64xi32, #tpu.memory_space<vmem>>
          %dma_wait3A_139 = tpu.memref_squeeze %dma_wait3A_138 : memref<1x64xi32, #tpu.memory_space<vmem>> -> memref<64xi32, #tpu.memory_space<vmem>>
          %dma_wait3A_140 = arith.constant 0 : i32
          %dma_wait3A_141 = arith.constant 0 : i32
          %dma_wait3A_142 = tpu.memref_slice %arg14[%dma_wait3A_140, %dma_wait3A_141] : memref<10240x128xf32, #tpu.memory_space<vmem_shared>> -> memref<10240x128xf32, #tpu.memory_space<vmem_shared>>
          tpu.wait_indirect_dma semaphore(%arg20 : memref<!tpu.dma_semaphore, #tpu.memory_space<semaphore_mem>>) src(%arg13 : memref<64x128xf32, #tpu.memory_space<vmem>>) dst(%dma_wait3A_142 : memref<10240x128xf32, #tpu.memory_space<vmem_shared>>)
        } else {
        }
        %shift_right_arithmetic3A_115 = arith.constant 1 : i32
        %shift_right_arithmetic3A_116 = arith.shrsi %add3A_109, %shift_right_arithmetic3A_115 : i32
        %and3A_117 = arith.constant 1 : i32
        %and3A_118 = arith.andi %add3A_109, %and3A_117 : i32
        %mul3A_119 = arith.constant 64 : i32
        %mul3A_120 = arith.muli %and3A_118, %mul3A_119 : i32
        %dma_start3A_121 = tpu.memref_slice %arg10[%shift_right_arithmetic3A_116, %mul3A_120] : memref<81x128xi32, #tpu.memory_space<vmem>> -> memref<1x64xi32, #tpu.memory_space<vmem>>
        %dma_start3A_122 = tpu.memref_squeeze %dma_start3A_121 : memref<1x64xi32, #tpu.memory_space<vmem>> -> memref<64xi32, #tpu.memory_space<vmem>>
        %dma_start3A_123 = arith.constant 0 : i32
        %dma_start3A_124 = arith.constant 0 : i32
        %dma_start3A_125 = tpu.memref_slice %arg2[%dma_start3A_123, %dma_start3A_124] : memref<10240x128xf32, #tpu.memory_space<hbm>> -> memref<10240x128xf32, #tpu.memory_space<hbm>>
        tpu.enqueue_indirect_dma source(%dma_start3A_125 : memref<10240x128xf32, #tpu.memory_space<hbm>>) target(%arg13 : memref<64x128xf32, #tpu.memory_space<vmem>>) offsets(%dma_start3A_122 : memref<64xi32, #tpu.memory_space<vmem>>) semaphore(%arg17 : memref<!tpu.dma_semaphore, #tpu.memory_space<semaphore_mem>>)
        %ge3A_126 = arith.constant 1 : i32
        %ge3A_127 = arith.cmpi sge, %add3A_109, %ge3A_126 : i32
        %convert_element_type3A_128 = arith.extui %ge3A_127 : i1 to i32
        %cond3A_129 = arith.constant 0 : i32
        %cond3A_130 = arith.cmpi ne, %convert_element_type3A_128, %cond3A_129 : i32
        scf.if %cond3A_130 {
          %sub3A = arith.constant 1 : i32
          %sub3A_131 = arith.subi %add3A_109, %sub3A : i32
          %shift_right_arithmetic3A_132 = arith.constant 1 : i32
          %shift_right_arithmetic3A_133 = arith.shrsi %sub3A_131, %shift_right_arithmetic3A_132 : i32
          %and3A_134 = arith.constant 1 : i32
          %and3A_135 = arith.andi %sub3A_131, %and3A_134 : i32
          %mul3A_136 = arith.constant 64 : i32
          %mul3A_137 = arith.muli %and3A_135, %mul3A_136 : i32
          %dma_wait3A_138 = tpu.memref_slice %arg10[%shift_right_arithmetic3A_133, %mul3A_137] : memref<81x128xi32, #tpu.memory_space<vmem>> -> memref<1x64xi32, #tpu.memory_space<vmem>>
          %dma_wait3A_139 = tpu.memref_squeeze %dma_wait3A_138 : memref<1x64xi32, #tpu.memory_space<vmem>> -> memref<64xi32, #tpu.memory_space<vmem>>
          %dma_wait3A_140 = arith.constant 0 : i32
          %dma_wait3A_141 = arith.constant 0 : i32
          %dma_wait3A_142 = tpu.memref_slice %arg2[%dma_wait3A_140, %dma_wait3A_141] : memref<10240x128xf32, #tpu.memory_space<hbm>> -> memref<10240x128xf32, #tpu.memory_space<hbm>>
          tpu.wait_indirect_dma semaphore(%arg16 : memref<!tpu.dma_semaphore, #tpu.memory_space<semaphore_mem>>) src(%dma_wait3A_142 : memref<10240x128xf32, #tpu.memory_space<hbm>>) dst(%arg12 : memref<64x128xf32, #tpu.memory_space<vmem>>)
          %sub3A_143 = arith.constant 1 : i32
          %sub3A_144 = arith.subi %add3A_109, %sub3A_143 : i32
          %shift_right_arithmetic3A_145 = arith.constant 1 : i32
          %shift_right_arithmetic3A_146 = arith.shrsi %sub3A_144, %shift_right_arithmetic3A_145 : i32
          %and3A_147 = arith.constant 1 : i32
          %and3A_148 = arith.andi %sub3A_144, %and3A_147 : i32
          %mul3A_149 = arith.constant 64 : i32
          %mul3A_150 = arith.muli %and3A_148, %mul3A_149 : i32
          %dma_start3A_151 = tpu.memref_slice %arg9[%shift_right_arithmetic3A_146, %mul3A_150] : memref<81x128xi32, #tpu.memory_space<vmem>> -> memref<1x64xi32, #tpu.memory_space<vmem>>
          %dma_start3A_152 = tpu.memref_squeeze %dma_start3A_151 : memref<1x64xi32, #tpu.memory_space<vmem>> -> memref<64xi32, #tpu.memory_space<vmem>>
          %dma_start3A_153 = arith.constant 0 : i32
          %dma_start3A_154 = arith.constant 0 : i32
          %dma_start3A_155 = tpu.memref_slice %arg14[%dma_start3A_153, %dma_start3A_154] : memref<10240x128xf32, #tpu.memory_space<vmem_shared>> -> memref<10240x128xf32, #tpu.memory_space<vmem_shared>>
          tpu.enqueue_indirect_dma source(%arg12 : memref<64x128xf32, #tpu.memory_space<vmem>>) target(%dma_start3A_155 : memref<10240x128xf32, #tpu.memory_space<vmem_shared>>) offsets(%dma_start3A_152 : memref<64xi32, #tpu.memory_space<vmem>>) semaphore(%arg19 : memref<!tpu.dma_semaphore, #tpu.memory_space<semaphore_mem>>) {add = true}
        } else {
        }
      }
      %scan3A_25 = arith.constant 54 : i32
      %dma_wait3A = arith.constant 80 : i32
      %dma_wait3A_26 = arith.constant 64 : i32
      %dma_wait3A_27 = tpu.memref_slice %arg10[%dma_wait3A, %dma_wait3A_26] : memref<81x128xi32, #tpu.memory_space<vmem>> -> memref<1x64xi32, #tpu.memory_space<vmem>>
      %dma_wait3A_28 = tpu.memref_squeeze %dma_wait3A_27 : memref<1x64xi32, #tpu.memory_space<vmem>> -> memref<64xi32, #tpu.memory_space<vmem>>
      %dma_wait3A_29 = arith.constant 0 : i32
      %dma_wait3A_30 = arith.constant 0 : i32
      %dma_wait3A_31 = tpu.memref_slice %arg2[%dma_wait3A_29, %dma_wait3A_30] : memref<10240x128xf32, #tpu.memory_space<hbm>> -> memref<10240x128xf32, #tpu.memory_space<hbm>>
      tpu.wait_indirect_dma semaphore(%arg17 : memref<!tpu.dma_semaphore, #tpu.memory_space<semaphore_mem>>) src(%dma_wait3A_31 : memref<10240x128xf32, #tpu.memory_space<hbm>>) dst(%arg13 : memref<64x128xf32, #tpu.memory_space<vmem>>)
      %dma_start3A = arith.constant 80 : i32
      %dma_start3A_32 = arith.constant 64 : i32
      %dma_start3A_33 = tpu.memref_slice %arg9[%dma_start3A, %dma_start3A_32] : memref<81x128xi32, #tpu.memory_space<vmem>> -> memref<1x64xi32, #tpu.memory_space<vmem>>
      %dma_start3A_34 = tpu.memref_squeeze %dma_start3A_33 : memref<1x64xi32, #tpu.memory_space<vmem>> -> memref<64xi32, #tpu.memory_space<vmem>>
      %dma_start3A_35 = arith.constant 0 : i32
      %dma_start3A_36 = arith.constant 0 : i32
      %dma_start3A_37 = tpu.memref_slice %arg14[%dma_start3A_35, %dma_start3A_36] : memref<10240x128xf32, #tpu.memory_space<vmem_shared>> -> memref<10240x128xf32, #tpu.memory_space<vmem_shared>>
      tpu.enqueue_indirect_dma source(%arg13 : memref<64x128xf32, #tpu.memory_space<vmem>>) target(%dma_start3A_37 : memref<10240x128xf32, #tpu.memory_space<vmem_shared>>) offsets(%dma_start3A_34 : memref<64xi32, #tpu.memory_space<vmem>>) semaphore(%arg20 : memref<!tpu.dma_semaphore, #tpu.memory_space<semaphore_mem>>) {add = true}
      %dma_wait3A_38 = arith.constant 0 : i32
      %dma_wait3A_39 = arith.constant 0 : i32
      %dma_wait3A_40 = tpu.memref_slice %arg9[%dma_wait3A_38, %dma_wait3A_39] : memref<81x128xi32, #tpu.memory_space<vmem>> -> memref<1x64xi32, #tpu.memory_space<vmem>>
      %dma_wait3A_41 = tpu.memref_squeeze %dma_wait3A_40 : memref<1x64xi32, #tpu.memory_space<vmem>> -> memref<64xi32, #tpu.memory_space<vmem>>
      %dma_wait3A_42 = arith.constant 0 : i32
      %dma_wait3A_43 = arith.constant 0 : i32
      %dma_wait3A_44 = tpu.memref_slice %arg14[%dma_wait3A_42, %dma_wait3A_43] : memref<10240x128xf32, #tpu.memory_space<vmem_shared>> -> memref<10240x128xf32, #tpu.memory_space<vmem_shared>>
      tpu.wait_indirect_dma semaphore(%arg18 : memref<!tpu.dma_semaphore, #tpu.memory_space<semaphore_mem>>) src(%arg11 : memref<64x128xf32, #tpu.memory_space<vmem>>) dst(%dma_wait3A_44 : memref<10240x128xf32, #tpu.memory_space<vmem_shared>>)
      %dma_wait3A_45 = arith.constant 0 : i32
      %dma_wait3A_46 = arith.constant 64 : i32
      %dma_wait3A_47 = tpu.memref_slice %arg9[%dma_wait3A_45, %dma_wait3A_46] : memref<81x128xi32, #tpu.memory_space<vmem>> -> memref<1x64xi32, #tpu.memory_space<vmem>>
      %dma_wait3A_48 = tpu.memref_squeeze %dma_wait3A_47 : memref<1x64xi32, #tpu.memory_space<vmem>> -> memref<64xi32, #tpu.memory_space<vmem>>
      %dma_wait3A_49 = arith.constant 0 : i32
      %dma_wait3A_50 = arith.constant 0 : i32
      %dma_wait3A_51 = tpu.memref_slice %arg14[%dma_wait3A_49, %dma_wait3A_50] : memref<10240x128xf32, #tpu.memory_space<vmem_shared>> -> memref<10240x128xf32, #tpu.memory_space<vmem_shared>>
      tpu.wait_indirect_dma semaphore(%arg19 : memref<!tpu.dma_semaphore, #tpu.memory_space<semaphore_mem>>) src(%arg12 : memref<64x128xf32, #tpu.memory_space<vmem>>) dst(%dma_wait3A_51 : memref<10240x128xf32, #tpu.memory_space<vmem_shared>>)
      %dma_wait3A_52 = arith.constant 1 : i32
      %dma_wait3A_53 = arith.constant 0 : i32
      %dma_wait3A_54 = tpu.memref_slice %arg9[%dma_wait3A_52, %dma_wait3A_53] : memref<81x128xi32, #tpu.memory_space<vmem>> -> memref<1x64xi32, #tpu.memory_space<vmem>>
      %dma_wait3A_55 = tpu.memref_squeeze %dma_wait3A_54 : memref<1x64xi32, #tpu.memory_space<vmem>> -> memref<64xi32, #tpu.memory_space<vmem>>
      %dma_wait3A_56 = arith.constant 0 : i32
      %dma_wait3A_57 = arith.constant 0 : i32
      %dma_wait3A_58 = tpu.memref_slice %arg14[%dma_wait3A_56, %dma_wait3A_57] : memref<10240x128xf32, #tpu.memory_space<vmem_shared>> -> memref<10240x128xf32, #tpu.memory_space<vmem_shared>>
      tpu.wait_indirect_dma semaphore(%arg20 : memref<!tpu.dma_semaphore, #tpu.memory_space<semaphore_mem>>) src(%arg13 : memref<64x128xf32, #tpu.memory_space<vmem>>) dst(%dma_wait3A_58 : memref<10240x128xf32, #tpu.memory_space<vmem_shared>>)
    } else {
    }
    %eq3A_5 = arith.constant 1 : i32
    %eq3A_6 = arith.cmpi eq, %arg0, %eq3A_5 : i32
    %convert_element_type3A_7 = arith.extui %eq3A_6 : i1 to i32
    %cond3A_8 = arith.constant 0 : i32
    %cond3A_9 = arith.cmpi ne, %convert_element_type3A_7, %cond3A_8 : i32
    scf.if %cond3A_9 {
      %scan3A = arith.constant 0 : i32
      %scan3A_21 = arith.constant 0 : i32
      %scan3A_22 = arith.constant 54 : i32
      %scan3A_23 = arith.addi %scan3A_21, %scan3A_22 : i32
      %scan3A_24 = arith.constant 1 : i32
      scf.for %scan3A_59 = %scan3A_21 to %scan3A_23 step %scan3A_24  : i32 {
        %mul3A_60 = arith.constant 3 : i32
        %mul3A_61 = arith.muli %scan3A_59, %mul3A_60 : i32
        %add3A = arith.constant 0 : i32
        %add3A_62 = arith.addi %mul3A_61, %add3A : i32
        %ge3A = arith.constant 3 : i32
        %ge3A_63 = arith.cmpi sge, %add3A_62, %ge3A : i32
        %convert_element_type3A_64 = arith.extui %ge3A_63 : i1 to i32
        %cond3A_65 = arith.constant 0 : i32
        %cond3A_66 = arith.cmpi ne, %convert_element_type3A_64, %cond3A_65 : i32
        scf.if %cond3A_66 {
          %sub3A = arith.constant 3 : i32
          %sub3A_131 = arith.subi %add3A_62, %sub3A : i32
          %shift_right_arithmetic3A_132 = arith.constant 1 : i32
          %shift_right_arithmetic3A_133 = arith.shrsi %sub3A_131, %shift_right_arithmetic3A_132 : i32
          %and3A_134 = arith.constant 1 : i32
          %and3A_135 = arith.andi %sub3A_131, %and3A_134 : i32
          %mul3A_136 = arith.constant 64 : i32
          %mul3A_137 = arith.muli %and3A_135, %mul3A_136 : i32
          %dma_wait3A_138 = tpu.memref_slice %arg9[%shift_right_arithmetic3A_133, %mul3A_137] : memref<81x128xi32, #tpu.memory_space<vmem>> -> memref<1x64xi32, #tpu.memory_space<vmem>>
          %dma_wait3A_139 = tpu.memref_squeeze %dma_wait3A_138 : memref<1x64xi32, #tpu.memory_space<vmem>> -> memref<64xi32, #tpu.memory_space<vmem>>
          %dma_wait3A_140 = arith.constant 0 : i32
          %dma_wait3A_141 = arith.constant 0 : i32
          %dma_wait3A_142 = tpu.memref_slice %arg14[%dma_wait3A_140, %dma_wait3A_141] : memref<10240x128xf32, #tpu.memory_space<vmem_shared>> -> memref<10240x128xf32, #tpu.memory_space<vmem_shared>>
          tpu.wait_indirect_dma semaphore(%arg18 : memref<!tpu.dma_semaphore, #tpu.memory_space<semaphore_mem>>) src(%arg11 : memref<64x128xf32, #tpu.memory_space<vmem>>) dst(%dma_wait3A_142 : memref<10240x128xf32, #tpu.memory_space<vmem_shared>>)
        } else {
        }
        %shift_right_arithmetic3A = arith.constant 1 : i32
        %shift_right_arithmetic3A_67 = arith.shrsi %add3A_62, %shift_right_arithmetic3A : i32
        %and3A = arith.constant 1 : i32
        %and3A_68 = arith.andi %add3A_62, %and3A : i32
        %mul3A_69 = arith.constant 64 : i32
        %mul3A_70 = arith.muli %and3A_68, %mul3A_69 : i32
        %dma_start3A_71 = tpu.memref_slice %arg10[%shift_right_arithmetic3A_67, %mul3A_70] : memref<81x128xi32, #tpu.memory_space<vmem>> -> memref<1x64xi32, #tpu.memory_space<vmem>>
        %dma_start3A_72 = tpu.memref_squeeze %dma_start3A_71 : memref<1x64xi32, #tpu.memory_space<vmem>> -> memref<64xi32, #tpu.memory_space<vmem>>
        %dma_start3A_73 = arith.constant 0 : i32
        %dma_start3A_74 = arith.constant 0 : i32
        %dma_start3A_75 = tpu.memref_slice %arg3[%dma_start3A_73, %dma_start3A_74] : memref<10240x128xf32, #tpu.memory_space<hbm>> -> memref<10240x128xf32, #tpu.memory_space<hbm>>
        tpu.enqueue_indirect_dma source(%dma_start3A_75 : memref<10240x128xf32, #tpu.memory_space<hbm>>) target(%arg11 : memref<64x128xf32, #tpu.memory_space<vmem>>) offsets(%dma_start3A_72 : memref<64xi32, #tpu.memory_space<vmem>>) semaphore(%arg15 : memref<!tpu.dma_semaphore, #tpu.memory_space<semaphore_mem>>)
        %ge3A_76 = arith.constant 1 : i32
        %ge3A_77 = arith.cmpi sge, %add3A_62, %ge3A_76 : i32
        %convert_element_type3A_78 = arith.extui %ge3A_77 : i1 to i32
        %cond3A_79 = arith.constant 0 : i32
        %cond3A_80 = arith.cmpi ne, %convert_element_type3A_78, %cond3A_79 : i32
        scf.if %cond3A_80 {
          %sub3A = arith.constant 1 : i32
          %sub3A_131 = arith.subi %add3A_62, %sub3A : i32
          %shift_right_arithmetic3A_132 = arith.constant 1 : i32
          %shift_right_arithmetic3A_133 = arith.shrsi %sub3A_131, %shift_right_arithmetic3A_132 : i32
          %and3A_134 = arith.constant 1 : i32
          %and3A_135 = arith.andi %sub3A_131, %and3A_134 : i32
          %mul3A_136 = arith.constant 64 : i32
          %mul3A_137 = arith.muli %and3A_135, %mul3A_136 : i32
          %dma_wait3A_138 = tpu.memref_slice %arg10[%shift_right_arithmetic3A_133, %mul3A_137] : memref<81x128xi32, #tpu.memory_space<vmem>> -> memref<1x64xi32, #tpu.memory_space<vmem>>
          %dma_wait3A_139 = tpu.memref_squeeze %dma_wait3A_138 : memref<1x64xi32, #tpu.memory_space<vmem>> -> memref<64xi32, #tpu.memory_space<vmem>>
          %dma_wait3A_140 = arith.constant 0 : i32
          %dma_wait3A_141 = arith.constant 0 : i32
          %dma_wait3A_142 = tpu.memref_slice %arg3[%dma_wait3A_140, %dma_wait3A_141] : memref<10240x128xf32, #tpu.memory_space<hbm>> -> memref<10240x128xf32, #tpu.memory_space<hbm>>
          tpu.wait_indirect_dma semaphore(%arg17 : memref<!tpu.dma_semaphore, #tpu.memory_space<semaphore_mem>>) src(%dma_wait3A_142 : memref<10240x128xf32, #tpu.memory_space<hbm>>) dst(%arg13 : memref<64x128xf32, #tpu.memory_space<vmem>>)
          %sub3A_143 = arith.constant 1 : i32
          %sub3A_144 = arith.subi %add3A_62, %sub3A_143 : i32
          %shift_right_arithmetic3A_145 = arith.constant 1 : i32
          %shift_right_arithmetic3A_146 = arith.shrsi %sub3A_144, %shift_right_arithmetic3A_145 : i32
          %and3A_147 = arith.constant 1 : i32
          %and3A_148 = arith.andi %sub3A_144, %and3A_147 : i32
          %mul3A_149 = arith.constant 64 : i32
          %mul3A_150 = arith.muli %and3A_148, %mul3A_149 : i32
          %dma_start3A_151 = tpu.memref_slice %arg9[%shift_right_arithmetic3A_146, %mul3A_150] : memref<81x128xi32, #tpu.memory_space<vmem>> -> memref<1x64xi32, #tpu.memory_space<vmem>>
          %dma_start3A_152 = tpu.memref_squeeze %dma_start3A_151 : memref<1x64xi32, #tpu.memory_space<vmem>> -> memref<64xi32, #tpu.memory_space<vmem>>
          %dma_start3A_153 = arith.constant 0 : i32
          %dma_start3A_154 = arith.constant 0 : i32
          %dma_start3A_155 = tpu.memref_slice %arg14[%dma_start3A_153, %dma_start3A_154] : memref<10240x128xf32, #tpu.memory_space<vmem_shared>> -> memref<10240x128xf32, #tpu.memory_space<vmem_shared>>
          tpu.enqueue_indirect_dma source(%arg13 : memref<64x128xf32, #tpu.memory_space<vmem>>) target(%dma_start3A_155 : memref<10240x128xf32, #tpu.memory_space<vmem_shared>>) offsets(%dma_start3A_152 : memref<64xi32, #tpu.memory_space<vmem>>) semaphore(%arg20 : memref<!tpu.dma_semaphore, #tpu.memory_space<semaphore_mem>>) {add = true}
        } else {
        }
        %mul3A_81 = arith.constant 3 : i32
        %mul3A_82 = arith.muli %scan3A_59, %mul3A_81 : i32
        %add3A_83 = arith.constant 1 : i32
        %add3A_84 = arith.addi %mul3A_82, %add3A_83 : i32
        %ge3A_85 = arith.constant 3 : i32
        %ge3A_86 = arith.cmpi sge, %add3A_84, %ge3A_85 : i32
        %convert_element_type3A_87 = arith.extui %ge3A_86 : i1 to i32
        %cond3A_88 = arith.constant 0 : i32
        %cond3A_89 = arith.cmpi ne, %convert_element_type3A_87, %cond3A_88 : i32
        scf.if %cond3A_89 {
          %sub3A = arith.constant 3 : i32
          %sub3A_131 = arith.subi %add3A_84, %sub3A : i32
          %shift_right_arithmetic3A_132 = arith.constant 1 : i32
          %shift_right_arithmetic3A_133 = arith.shrsi %sub3A_131, %shift_right_arithmetic3A_132 : i32
          %and3A_134 = arith.constant 1 : i32
          %and3A_135 = arith.andi %sub3A_131, %and3A_134 : i32
          %mul3A_136 = arith.constant 64 : i32
          %mul3A_137 = arith.muli %and3A_135, %mul3A_136 : i32
          %dma_wait3A_138 = tpu.memref_slice %arg9[%shift_right_arithmetic3A_133, %mul3A_137] : memref<81x128xi32, #tpu.memory_space<vmem>> -> memref<1x64xi32, #tpu.memory_space<vmem>>
          %dma_wait3A_139 = tpu.memref_squeeze %dma_wait3A_138 : memref<1x64xi32, #tpu.memory_space<vmem>> -> memref<64xi32, #tpu.memory_space<vmem>>
          %dma_wait3A_140 = arith.constant 0 : i32
          %dma_wait3A_141 = arith.constant 0 : i32
          %dma_wait3A_142 = tpu.memref_slice %arg14[%dma_wait3A_140, %dma_wait3A_141] : memref<10240x128xf32, #tpu.memory_space<vmem_shared>> -> memref<10240x128xf32, #tpu.memory_space<vmem_shared>>
          tpu.wait_indirect_dma semaphore(%arg19 : memref<!tpu.dma_semaphore, #tpu.memory_space<semaphore_mem>>) src(%arg12 : memref<64x128xf32, #tpu.memory_space<vmem>>) dst(%dma_wait3A_142 : memref<10240x128xf32, #tpu.memory_space<vmem_shared>>)
        } else {
        }
        %shift_right_arithmetic3A_90 = arith.constant 1 : i32
        %shift_right_arithmetic3A_91 = arith.shrsi %add3A_84, %shift_right_arithmetic3A_90 : i32
        %and3A_92 = arith.constant 1 : i32
        %and3A_93 = arith.andi %add3A_84, %and3A_92 : i32
        %mul3A_94 = arith.constant 64 : i32
        %mul3A_95 = arith.muli %and3A_93, %mul3A_94 : i32
        %dma_start3A_96 = tpu.memref_slice %arg10[%shift_right_arithmetic3A_91, %mul3A_95] : memref<81x128xi32, #tpu.memory_space<vmem>> -> memref<1x64xi32, #tpu.memory_space<vmem>>
        %dma_start3A_97 = tpu.memref_squeeze %dma_start3A_96 : memref<1x64xi32, #tpu.memory_space<vmem>> -> memref<64xi32, #tpu.memory_space<vmem>>
        %dma_start3A_98 = arith.constant 0 : i32
        %dma_start3A_99 = arith.constant 0 : i32
        %dma_start3A_100 = tpu.memref_slice %arg3[%dma_start3A_98, %dma_start3A_99] : memref<10240x128xf32, #tpu.memory_space<hbm>> -> memref<10240x128xf32, #tpu.memory_space<hbm>>
        tpu.enqueue_indirect_dma source(%dma_start3A_100 : memref<10240x128xf32, #tpu.memory_space<hbm>>) target(%arg12 : memref<64x128xf32, #tpu.memory_space<vmem>>) offsets(%dma_start3A_97 : memref<64xi32, #tpu.memory_space<vmem>>) semaphore(%arg16 : memref<!tpu.dma_semaphore, #tpu.memory_space<semaphore_mem>>)
        %ge3A_101 = arith.constant 1 : i32
        %ge3A_102 = arith.cmpi sge, %add3A_84, %ge3A_101 : i32
        %convert_element_type3A_103 = arith.extui %ge3A_102 : i1 to i32
        %cond3A_104 = arith.constant 0 : i32
        %cond3A_105 = arith.cmpi ne, %convert_element_type3A_103, %cond3A_104 : i32
        scf.if %cond3A_105 {
          %sub3A = arith.constant 1 : i32
          %sub3A_131 = arith.subi %add3A_84, %sub3A : i32
          %shift_right_arithmetic3A_132 = arith.constant 1 : i32
          %shift_right_arithmetic3A_133 = arith.shrsi %sub3A_131, %shift_right_arithmetic3A_132 : i32
          %and3A_134 = arith.constant 1 : i32
          %and3A_135 = arith.andi %sub3A_131, %and3A_134 : i32
          %mul3A_136 = arith.constant 64 : i32
          %mul3A_137 = arith.muli %and3A_135, %mul3A_136 : i32
          %dma_wait3A_138 = tpu.memref_slice %arg10[%shift_right_arithmetic3A_133, %mul3A_137] : memref<81x128xi32, #tpu.memory_space<vmem>> -> memref<1x64xi32, #tpu.memory_space<vmem>>
          %dma_wait3A_139 = tpu.memref_squeeze %dma_wait3A_138 : memref<1x64xi32, #tpu.memory_space<vmem>> -> memref<64xi32, #tpu.memory_space<vmem>>
          %dma_wait3A_140 = arith.constant 0 : i32
          %dma_wait3A_141 = arith.constant 0 : i32
          %dma_wait3A_142 = tpu.memref_slice %arg3[%dma_wait3A_140, %dma_wait3A_141] : memref<10240x128xf32, #tpu.memory_space<hbm>> -> memref<10240x128xf32, #tpu.memory_space<hbm>>
          tpu.wait_indirect_dma semaphore(%arg15 : memref<!tpu.dma_semaphore, #tpu.memory_space<semaphore_mem>>) src(%dma_wait3A_142 : memref<10240x128xf32, #tpu.memory_space<hbm>>) dst(%arg11 : memref<64x128xf32, #tpu.memory_space<vmem>>)
          %sub3A_143 = arith.constant 1 : i32
          %sub3A_144 = arith.subi %add3A_84, %sub3A_143 : i32
          %shift_right_arithmetic3A_145 = arith.constant 1 : i32
          %shift_right_arithmetic3A_146 = arith.shrsi %sub3A_144, %shift_right_arithmetic3A_145 : i32
          %and3A_147 = arith.constant 1 : i32
          %and3A_148 = arith.andi %sub3A_144, %and3A_147 : i32
          %mul3A_149 = arith.constant 64 : i32
          %mul3A_150 = arith.muli %and3A_148, %mul3A_149 : i32
          %dma_start3A_151 = tpu.memref_slice %arg9[%shift_right_arithmetic3A_146, %mul3A_150] : memref<81x128xi32, #tpu.memory_space<vmem>> -> memref<1x64xi32, #tpu.memory_space<vmem>>
          %dma_start3A_152 = tpu.memref_squeeze %dma_start3A_151 : memref<1x64xi32, #tpu.memory_space<vmem>> -> memref<64xi32, #tpu.memory_space<vmem>>
          %dma_start3A_153 = arith.constant 0 : i32
          %dma_start3A_154 = arith.constant 0 : i32
          %dma_start3A_155 = tpu.memref_slice %arg14[%dma_start3A_153, %dma_start3A_154] : memref<10240x128xf32, #tpu.memory_space<vmem_shared>> -> memref<10240x128xf32, #tpu.memory_space<vmem_shared>>
          tpu.enqueue_indirect_dma source(%arg11 : memref<64x128xf32, #tpu.memory_space<vmem>>) target(%dma_start3A_155 : memref<10240x128xf32, #tpu.memory_space<vmem_shared>>) offsets(%dma_start3A_152 : memref<64xi32, #tpu.memory_space<vmem>>) semaphore(%arg18 : memref<!tpu.dma_semaphore, #tpu.memory_space<semaphore_mem>>) {add = true}
        } else {
        }
        %mul3A_106 = arith.constant 3 : i32
        %mul3A_107 = arith.muli %scan3A_59, %mul3A_106 : i32
        %add3A_108 = arith.constant 2 : i32
        %add3A_109 = arith.addi %mul3A_107, %add3A_108 : i32
        %ge3A_110 = arith.constant 3 : i32
        %ge3A_111 = arith.cmpi sge, %add3A_109, %ge3A_110 : i32
        %convert_element_type3A_112 = arith.extui %ge3A_111 : i1 to i32
        %cond3A_113 = arith.constant 0 : i32
        %cond3A_114 = arith.cmpi ne, %convert_element_type3A_112, %cond3A_113 : i32
        scf.if %cond3A_114 {
          %sub3A = arith.constant 3 : i32
          %sub3A_131 = arith.subi %add3A_109, %sub3A : i32
          %shift_right_arithmetic3A_132 = arith.constant 1 : i32
          %shift_right_arithmetic3A_133 = arith.shrsi %sub3A_131, %shift_right_arithmetic3A_132 : i32
          %and3A_134 = arith.constant 1 : i32
          %and3A_135 = arith.andi %sub3A_131, %and3A_134 : i32
          %mul3A_136 = arith.constant 64 : i32
          %mul3A_137 = arith.muli %and3A_135, %mul3A_136 : i32
          %dma_wait3A_138 = tpu.memref_slice %arg9[%shift_right_arithmetic3A_133, %mul3A_137] : memref<81x128xi32, #tpu.memory_space<vmem>> -> memref<1x64xi32, #tpu.memory_space<vmem>>
          %dma_wait3A_139 = tpu.memref_squeeze %dma_wait3A_138 : memref<1x64xi32, #tpu.memory_space<vmem>> -> memref<64xi32, #tpu.memory_space<vmem>>
          %dma_wait3A_140 = arith.constant 0 : i32
          %dma_wait3A_141 = arith.constant 0 : i32
          %dma_wait3A_142 = tpu.memref_slice %arg14[%dma_wait3A_140, %dma_wait3A_141] : memref<10240x128xf32, #tpu.memory_space<vmem_shared>> -> memref<10240x128xf32, #tpu.memory_space<vmem_shared>>
          tpu.wait_indirect_dma semaphore(%arg20 : memref<!tpu.dma_semaphore, #tpu.memory_space<semaphore_mem>>) src(%arg13 : memref<64x128xf32, #tpu.memory_space<vmem>>) dst(%dma_wait3A_142 : memref<10240x128xf32, #tpu.memory_space<vmem_shared>>)
        } else {
        }
        %shift_right_arithmetic3A_115 = arith.constant 1 : i32
        %shift_right_arithmetic3A_116 = arith.shrsi %add3A_109, %shift_right_arithmetic3A_115 : i32
        %and3A_117 = arith.constant 1 : i32
        %and3A_118 = arith.andi %add3A_109, %and3A_117 : i32
        %mul3A_119 = arith.constant 64 : i32
        %mul3A_120 = arith.muli %and3A_118, %mul3A_119 : i32
        %dma_start3A_121 = tpu.memref_slice %arg10[%shift_right_arithmetic3A_116, %mul3A_120] : memref<81x128xi32, #tpu.memory_space<vmem>> -> memref<1x64xi32, #tpu.memory_space<vmem>>
        %dma_start3A_122 = tpu.memref_squeeze %dma_start3A_121 : memref<1x64xi32, #tpu.memory_space<vmem>> -> memref<64xi32, #tpu.memory_space<vmem>>
        %dma_start3A_123 = arith.constant 0 : i32
        %dma_start3A_124 = arith.constant 0 : i32
        %dma_start3A_125 = tpu.memref_slice %arg3[%dma_start3A_123, %dma_start3A_124] : memref<10240x128xf32, #tpu.memory_space<hbm>> -> memref<10240x128xf32, #tpu.memory_space<hbm>>
        tpu.enqueue_indirect_dma source(%dma_start3A_125 : memref<10240x128xf32, #tpu.memory_space<hbm>>) target(%arg13 : memref<64x128xf32, #tpu.memory_space<vmem>>) offsets(%dma_start3A_122 : memref<64xi32, #tpu.memory_space<vmem>>) semaphore(%arg17 : memref<!tpu.dma_semaphore, #tpu.memory_space<semaphore_mem>>)
        %ge3A_126 = arith.constant 1 : i32
        %ge3A_127 = arith.cmpi sge, %add3A_109, %ge3A_126 : i32
        %convert_element_type3A_128 = arith.extui %ge3A_127 : i1 to i32
        %cond3A_129 = arith.constant 0 : i32
        %cond3A_130 = arith.cmpi ne, %convert_element_type3A_128, %cond3A_129 : i32
        scf.if %cond3A_130 {
          %sub3A = arith.constant 1 : i32
          %sub3A_131 = arith.subi %add3A_109, %sub3A : i32
          %shift_right_arithmetic3A_132 = arith.constant 1 : i32
          %shift_right_arithmetic3A_133 = arith.shrsi %sub3A_131, %shift_right_arithmetic3A_132 : i32
          %and3A_134 = arith.constant 1 : i32
          %and3A_135 = arith.andi %sub3A_131, %and3A_134 : i32
          %mul3A_136 = arith.constant 64 : i32
          %mul3A_137 = arith.muli %and3A_135, %mul3A_136 : i32
          %dma_wait3A_138 = tpu.memref_slice %arg10[%shift_right_arithmetic3A_133, %mul3A_137] : memref<81x128xi32, #tpu.memory_space<vmem>> -> memref<1x64xi32, #tpu.memory_space<vmem>>
          %dma_wait3A_139 = tpu.memref_squeeze %dma_wait3A_138 : memref<1x64xi32, #tpu.memory_space<vmem>> -> memref<64xi32, #tpu.memory_space<vmem>>
          %dma_wait3A_140 = arith.constant 0 : i32
          %dma_wait3A_141 = arith.constant 0 : i32
          %dma_wait3A_142 = tpu.memref_slice %arg3[%dma_wait3A_140, %dma_wait3A_141] : memref<10240x128xf32, #tpu.memory_space<hbm>> -> memref<10240x128xf32, #tpu.memory_space<hbm>>
          tpu.wait_indirect_dma semaphore(%arg16 : memref<!tpu.dma_semaphore, #tpu.memory_space<semaphore_mem>>) src(%dma_wait3A_142 : memref<10240x128xf32, #tpu.memory_space<hbm>>) dst(%arg12 : memref<64x128xf32, #tpu.memory_space<vmem>>)
          %sub3A_143 = arith.constant 1 : i32
          %sub3A_144 = arith.subi %add3A_109, %sub3A_143 : i32
          %shift_right_arithmetic3A_145 = arith.constant 1 : i32
          %shift_right_arithmetic3A_146 = arith.shrsi %sub3A_144, %shift_right_arithmetic3A_145 : i32
          %and3A_147 = arith.constant 1 : i32
          %and3A_148 = arith.andi %sub3A_144, %and3A_147 : i32
          %mul3A_149 = arith.constant 64 : i32
          %mul3A_150 = arith.muli %and3A_148, %mul3A_149 : i32
          %dma_start3A_151 = tpu.memref_slice %arg9[%shift_right_arithmetic3A_146, %mul3A_150] : memref<81x128xi32, #tpu.memory_space<vmem>> -> memref<1x64xi32, #tpu.memory_space<vmem>>
          %dma_start3A_152 = tpu.memref_squeeze %dma_start3A_151 : memref<1x64xi32, #tpu.memory_space<vmem>> -> memref<64xi32, #tpu.memory_space<vmem>>
          %dma_start3A_153 = arith.constant 0 : i32
          %dma_start3A_154 = arith.constant 0 : i32
          %dma_start3A_155 = tpu.memref_slice %arg14[%dma_start3A_153, %dma_start3A_154] : memref<10240x128xf32, #tpu.memory_space<vmem_shared>> -> memref<10240x128xf32, #tpu.memory_space<vmem_shared>>
          tpu.enqueue_indirect_dma source(%arg12 : memref<64x128xf32, #tpu.memory_space<vmem>>) target(%dma_start3A_155 : memref<10240x128xf32, #tpu.memory_space<vmem_shared>>) offsets(%dma_start3A_152 : memref<64xi32, #tpu.memory_space<vmem>>) semaphore(%arg19 : memref<!tpu.dma_semaphore, #tpu.memory_space<semaphore_mem>>) {add = true}
        } else {
        }
      }
      %scan3A_25 = arith.constant 54 : i32
      %dma_wait3A = arith.constant 80 : i32
      %dma_wait3A_26 = arith.constant 64 : i32
      %dma_wait3A_27 = tpu.memref_slice %arg10[%dma_wait3A, %dma_wait3A_26] : memref<81x128xi32, #tpu.memory_space<vmem>> -> memref<1x64xi32, #tpu.memory_space<vmem>>
      %dma_wait3A_28 = tpu.memref_squeeze %dma_wait3A_27 : memref<1x64xi32, #tpu.memory_space<vmem>> -> memref<64xi32, #tpu.memory_space<vmem>>
      %dma_wait3A_29 = arith.constant 0 : i32
      %dma_wait3A_30 = arith.constant 0 : i32
      %dma_wait3A_31 = tpu.memref_slice %arg3[%dma_wait3A_29, %dma_wait3A_30] : memref<10240x128xf32, #tpu.memory_space<hbm>> -> memref<10240x128xf32, #tpu.memory_space<hbm>>
      tpu.wait_indirect_dma semaphore(%arg17 : memref<!tpu.dma_semaphore, #tpu.memory_space<semaphore_mem>>) src(%dma_wait3A_31 : memref<10240x128xf32, #tpu.memory_space<hbm>>) dst(%arg13 : memref<64x128xf32, #tpu.memory_space<vmem>>)
      %dma_start3A = arith.constant 80 : i32
      %dma_start3A_32 = arith.constant 64 : i32
      %dma_start3A_33 = tpu.memref_slice %arg9[%dma_start3A, %dma_start3A_32] : memref<81x128xi32, #tpu.memory_space<vmem>> -> memref<1x64xi32, #tpu.memory_space<vmem>>
      %dma_start3A_34 = tpu.memref_squeeze %dma_start3A_33 : memref<1x64xi32, #tpu.memory_space<vmem>> -> memref<64xi32, #tpu.memory_space<vmem>>
      %dma_start3A_35 = arith.constant 0 : i32
      %dma_start3A_36 = arith.constant 0 : i32
      %dma_start3A_37 = tpu.memref_slice %arg14[%dma_start3A_35, %dma_start3A_36] : memref<10240x128xf32, #tpu.memory_space<vmem_shared>> -> memref<10240x128xf32, #tpu.memory_space<vmem_shared>>
      tpu.enqueue_indirect_dma source(%arg13 : memref<64x128xf32, #tpu.memory_space<vmem>>) target(%dma_start3A_37 : memref<10240x128xf32, #tpu.memory_space<vmem_shared>>) offsets(%dma_start3A_34 : memref<64xi32, #tpu.memory_space<vmem>>) semaphore(%arg20 : memref<!tpu.dma_semaphore, #tpu.memory_space<semaphore_mem>>) {add = true}
      %dma_wait3A_38 = arith.constant 0 : i32
      %dma_wait3A_39 = arith.constant 0 : i32
      %dma_wait3A_40 = tpu.memref_slice %arg9[%dma_wait3A_38, %dma_wait3A_39] : memref<81x128xi32, #tpu.memory_space<vmem>> -> memref<1x64xi32, #tpu.memory_space<vmem>>
      %dma_wait3A_41 = tpu.memref_squeeze %dma_wait3A_40 : memref<1x64xi32, #tpu.memory_space<vmem>> -> memref<64xi32, #tpu.memory_space<vmem>>
      %dma_wait3A_42 = arith.constant 0 : i32
      %dma_wait3A_43 = arith.constant 0 : i32
      %dma_wait3A_44 = tpu.memref_slice %arg14[%dma_wait3A_42, %dma_wait3A_43] : memref<10240x128xf32, #tpu.memory_space<vmem_shared>> -> memref<10240x128xf32, #tpu.memory_space<vmem_shared>>
      tpu.wait_indirect_dma semaphore(%arg18 : memref<!tpu.dma_semaphore, #tpu.memory_space<semaphore_mem>>) src(%arg11 : memref<64x128xf32, #tpu.memory_space<vmem>>) dst(%dma_wait3A_44 : memref<10240x128xf32, #tpu.memory_space<vmem_shared>>)
      %dma_wait3A_45 = arith.constant 0 : i32
      %dma_wait3A_46 = arith.constant 64 : i32
      %dma_wait3A_47 = tpu.memref_slice %arg9[%dma_wait3A_45, %dma_wait3A_46] : memref<81x128xi32, #tpu.memory_space<vmem>> -> memref<1x64xi32, #tpu.memory_space<vmem>>
      %dma_wait3A_48 = tpu.memref_squeeze %dma_wait3A_47 : memref<1x64xi32, #tpu.memory_space<vmem>> -> memref<64xi32, #tpu.memory_space<vmem>>
      %dma_wait3A_49 = arith.constant 0 : i32
      %dma_wait3A_50 = arith.constant 0 : i32
      %dma_wait3A_51 = tpu.memref_slice %arg14[%dma_wait3A_49, %dma_wait3A_50] : memref<10240x128xf32, #tpu.memory_space<vmem_shared>> -> memref<10240x128xf32, #tpu.memory_space<vmem_shared>>
      tpu.wait_indirect_dma semaphore(%arg19 : memref<!tpu.dma_semaphore, #tpu.memory_space<semaphore_mem>>) src(%arg12 : memref<64x128xf32, #tpu.memory_space<vmem>>) dst(%dma_wait3A_51 : memref<10240x128xf32, #tpu.memory_space<vmem_shared>>)
      %dma_wait3A_52 = arith.constant 1 : i32
      %dma_wait3A_53 = arith.constant 0 : i32
      %dma_wait3A_54 = tpu.memref_slice %arg9[%dma_wait3A_52, %dma_wait3A_53] : memref<81x128xi32, #tpu.memory_space<vmem>> -> memref<1x64xi32, #tpu.memory_space<vmem>>
      %dma_wait3A_55 = tpu.memref_squeeze %dma_wait3A_54 : memref<1x64xi32, #tpu.memory_space<vmem>> -> memref<64xi32, #tpu.memory_space<vmem>>
      %dma_wait3A_56 = arith.constant 0 : i32
      %dma_wait3A_57 = arith.constant 0 : i32
      %dma_wait3A_58 = tpu.memref_slice %arg14[%dma_wait3A_56, %dma_wait3A_57] : memref<10240x128xf32, #tpu.memory_space<vmem_shared>> -> memref<10240x128xf32, #tpu.memory_space<vmem_shared>>
      tpu.wait_indirect_dma semaphore(%arg20 : memref<!tpu.dma_semaphore, #tpu.memory_space<semaphore_mem>>) src(%arg13 : memref<64x128xf32, #tpu.memory_space<vmem>>) dst(%dma_wait3A_58 : memref<10240x128xf32, #tpu.memory_space<vmem_shared>>)
    } else {
    }
    %barrier3A_10 = arith.constant 0 : index
    tpu.barrier barrier_id(%barrier3A_10)
    %eq3A_11 = arith.constant 0 : i32
    %eq3A_12 = arith.cmpi eq, %arg0, %eq3A_11 : i32
    %convert_element_type3A_13 = arith.extui %eq3A_12 : i1 to i32
    %cond3A_14 = arith.constant 0 : i32
    %cond3A_15 = arith.cmpi ne, %convert_element_type3A_13, %cond3A_14 : i32
    scf.if %cond3A_15 {
      %mul3A_21 = arith.constant 640 : i32
      %mul3A_22 = arith.muli %arg1, %mul3A_21 : i32
      %mul3A_23 = arith.constant 640 : i32
      %mul3A_24 = arith.muli %arg1, %mul3A_23 : i32
      "tpu.region"() ({
        %run_scoped3A = tpu.sem_alloc : memref<!tpu.dma_semaphore, #tpu.memory_space<semaphore_mem>>
        %dma_start3A = arith.constant 0 : i32
        %dma_start3A_25 = tpu.memref_slice %arg7[%mul3A_24, %dma_start3A] : memref<10240x128xf32, #tpu.memory_space<hbm>> -> memref<640x128xf32, #tpu.memory_space<hbm>>
        %dma_start3A_26 = arith.constant 0 : i32
        %dma_start3A_27 = tpu.memref_slice %arg14[%mul3A_22, %dma_start3A_26] : memref<10240x128xf32, #tpu.memory_space<vmem_shared>> -> memref<640x128xf32, #tpu.memory_space<vmem_shared>>
        tpu.enqueue_dma source(%dma_start3A_27 : memref<640x128xf32, #tpu.memory_space<vmem_shared>>) target(%dma_start3A_25 : memref<640x128xf32, #tpu.memory_space<hbm>>) target_semaphore(%run_scoped3A : memref<!tpu.dma_semaphore, #tpu.memory_space<semaphore_mem>>)
        %dma_wait3A = arith.constant 0 : i32
        %dma_wait3A_28 = tpu.memref_slice %arg7[%mul3A_24, %dma_wait3A] : memref<10240x128xf32, #tpu.memory_space<hbm>> -> memref<640x128xf32, #tpu.memory_space<hbm>>
        %dma_wait3A_29 = arith.constant 0 : i32
        %dma_wait3A_30 = tpu.memref_slice %arg14[%mul3A_22, %dma_wait3A_29] : memref<10240x128xf32, #tpu.memory_space<vmem_shared>> -> memref<640x128xf32, #tpu.memory_space<vmem_shared>>
        tpu.wait_dma2 semaphore(%run_scoped3A : memref<!tpu.dma_semaphore, #tpu.memory_space<semaphore_mem>>) src(%dma_wait3A_30 : memref<640x128xf32, #tpu.memory_space<vmem_shared>>) dst(%dma_wait3A_28 : memref<640x128xf32, #tpu.memory_space<hbm>>)
        tpu.yield
      }) : () -> ()
    } else {
    }
    %eq3A_16 = arith.constant 1 : i32
    %eq3A_17 = arith.cmpi eq, %arg0, %eq3A_16 : i32
    %convert_element_type3A_18 = arith.extui %eq3A_17 : i1 to i32
    %cond3A_19 = arith.constant 0 : i32
    %cond3A_20 = arith.cmpi ne, %convert_element_type3A_18, %cond3A_19 : i32
    scf.if %cond3A_20 {
      %mul3A_21 = arith.constant 640 : i32
      %mul3A_22 = arith.muli %arg1, %mul3A_21 : i32
      %mul3A_23 = arith.constant 640 : i32
      %mul3A_24 = arith.muli %arg1, %mul3A_23 : i32
      "tpu.region"() ({
        %run_scoped3A = tpu.sem_alloc : memref<!tpu.dma_semaphore, #tpu.memory_space<semaphore_mem>>
        %dma_start3A = arith.constant 0 : i32
        %dma_start3A_25 = tpu.memref_slice %arg8[%mul3A_24, %dma_start3A] : memref<10240x128xf32, #tpu.memory_space<hbm>> -> memref<640x128xf32, #tpu.memory_space<hbm>>
        %dma_start3A_26 = arith.constant 0 : i32
        %dma_start3A_27 = tpu.memref_slice %arg14[%mul3A_22, %dma_start3A_26] : memref<10240x128xf32, #tpu.memory_space<vmem_shared>> -> memref<640x128xf32, #tpu.memory_space<vmem_shared>>
        tpu.enqueue_dma source(%dma_start3A_27 : memref<640x128xf32, #tpu.memory_space<vmem_shared>>) target(%dma_start3A_25 : memref<640x128xf32, #tpu.memory_space<hbm>>) target_semaphore(%run_scoped3A : memref<!tpu.dma_semaphore, #tpu.memory_space<semaphore_mem>>)
        %dma_wait3A = arith.constant 0 : i32
        %dma_wait3A_28 = tpu.memref_slice %arg8[%mul3A_24, %dma_wait3A] : memref<10240x128xf32, #tpu.memory_space<hbm>> -> memref<640x128xf32, #tpu.memory_space<hbm>>
        %dma_wait3A_29 = arith.constant 0 : i32
        %dma_wait3A_30 = tpu.memref_slice %arg14[%mul3A_22, %dma_wait3A_29] : memref<10240x128xf32, #tpu.memory_space<vmem_shared>> -> memref<640x128xf32, #tpu.memory_space<vmem_shared>>
        tpu.wait_dma2 semaphore(%run_scoped3A : memref<!tpu.dma_semaphore, #tpu.memory_space<semaphore_mem>>) src(%dma_wait3A_30 : memref<640x128xf32, #tpu.memory_space<vmem_shared>>) dst(%dma_wait3A_28 : memref<640x128xf32, #tpu.memory_space<hbm>>)
        tpu.yield
      }) : () -> ()
    } else {
    }
    return
  }
}

#map = affine_map<(d0, d1) -> (0, 0)>
#map1 = affine_map<(d0, d1) -> (0, 0, 0)>
module attributes {stable_mosaic.version = 14 : i64} {
  func.func @_prop_body(%arg0: i32, %arg1: i32, %arg2: memref<10000x128xf32, #tpu.memory_space<hbm>>, %arg3: memref<10000x128xf32, #tpu.memory_space<hbm>>, %arg4: memref<16x81x128xi32, #tpu.memory_space<hbm>>, %arg5: memref<16x81x128xi32, #tpu.memory_space<hbm>>, %arg6: memref<10240x128xf32, #tpu.memory_space<hbm>>, %arg7: memref<10240x128xf32, #tpu.memory_space<hbm>>, %arg8: memref<10240x128xf32, #tpu.memory_space<hbm>>, %arg9: memref<81x128xi32, #tpu.memory_space<vmem>>, %arg10: memref<81x128xi32, #tpu.memory_space<vmem>>, %arg11: memref<64x128xf32, #tpu.memory_space<vmem>>, %arg12: memref<64x128xf32, #tpu.memory_space<vmem>>, %arg13: memref<64x128xf32, #tpu.memory_space<vmem>>, %arg14: memref<10240x128xf32, #tpu.memory_space<vmem_shared>>, %arg15: memref<!tpu.dma_semaphore, #tpu.memory_space<semaphore_mem>>, %arg16: memref<!tpu.dma_semaphore, #tpu.memory_space<semaphore_mem>>, %arg17: memref<!tpu.dma_semaphore, #tpu.memory_space<semaphore_mem>>, %arg18: memref<!tpu.dma_semaphore, #tpu.memory_space<semaphore_mem>>, %arg19: memref<!tpu.dma_semaphore, #tpu.memory_space<semaphore_mem>>, %arg20: memref<!tpu.dma_semaphore, #tpu.memory_space<semaphore_mem>>) attributes {dimension_semantics = [#tpu.dimension_semantics<core_parallel>, #tpu.dimension_semantics<subcore_parallel>], iteration_bounds = array<i64: 2, 16>, scalar_prefetch = 0 : i64, scratch_operands = 12 : i64, tpu.core_type = #tpu.core_type<sc_vector_subcore>, window_params = [{transform_indices = #map}, {transform_indices = #map}, {transform_indices = #map1}, {transform_indices = #map1}, {transform_indices = #map}, {transform_indices = #map}, {transform_indices = #map}]} {
    "tpu.region"() ({
      %run_scoped3A = tpu.sem_alloc : memref<!tpu.dma_semaphore, #tpu.memory_space<semaphore_mem>>
      %dma_start3A = arith.constant 0 : i32
      %dma_start3A_21 = arith.constant 0 : i32
      %dma_start3A_22 = tpu.memref_slice %arg5[%arg1, %dma_start3A, %dma_start3A_21] : memref<16x81x128xi32, #tpu.memory_space<hbm>> -> memref<1x81x128xi32, #tpu.memory_space<hbm>>
      %dma_start3A_23 = tpu.memref_squeeze %dma_start3A_22 : memref<1x81x128xi32, #tpu.memory_space<hbm>> -> memref<81x128xi32, #tpu.memory_space<hbm>>
      %dma_start3A_24 = arith.constant 0 : i32
      %dma_start3A_25 = arith.constant 0 : i32
      %dma_start3A_26 = tpu.memref_slice %arg5[%arg1, %dma_start3A_24, %dma_start3A_25] : memref<16x81x128xi32, #tpu.memory_space<hbm>> -> memref<1x81x128xi32, #tpu.memory_space<hbm>>
      %dma_start3A_27 = tpu.memref_squeeze %dma_start3A_26 : memref<1x81x128xi32, #tpu.memory_space<hbm>> -> memref<81x128xi32, #tpu.memory_space<hbm>>
      tpu.enqueue_dma source(%dma_start3A_27 : memref<81x128xi32, #tpu.memory_space<hbm>>) target(%arg9 : memref<81x128xi32, #tpu.memory_space<vmem>>) target_semaphore(%run_scoped3A : memref<!tpu.dma_semaphore, #tpu.memory_space<semaphore_mem>>)
      %dma_wait3A = arith.constant 0 : i32
      %dma_wait3A_28 = arith.constant 0 : i32
      %dma_wait3A_29 = tpu.memref_slice %arg5[%arg1, %dma_wait3A, %dma_wait3A_28] : memref<16x81x128xi32, #tpu.memory_space<hbm>> -> memref<1x81x128xi32, #tpu.memory_space<hbm>>
      %dma_wait3A_30 = tpu.memref_squeeze %dma_wait3A_29 : memref<1x81x128xi32, #tpu.memory_space<hbm>> -> memref<81x128xi32, #tpu.memory_space<hbm>>
      %dma_wait3A_31 = arith.constant 0 : i32
      %dma_wait3A_32 = arith.constant 0 : i32
      %dma_wait3A_33 = tpu.memref_slice %arg5[%arg1, %dma_wait3A_31, %dma_wait3A_32] : memref<16x81x128xi32, #tpu.memory_space<hbm>> -> memref<1x81x128xi32, #tpu.memory_space<hbm>>
      %dma_wait3A_34 = tpu.memref_squeeze %dma_wait3A_33 : memref<1x81x128xi32, #tpu.memory_space<hbm>> -> memref<81x128xi32, #tpu.memory_space<hbm>>
      tpu.wait_dma2 semaphore(%run_scoped3A : memref<!tpu.dma_semaphore, #tpu.memory_space<semaphore_mem>>) src(%dma_wait3A_34 : memref<81x128xi32, #tpu.memory_space<hbm>>) dst(%arg9 : memref<81x128xi32, #tpu.memory_space<vmem>>)
      tpu.yield
    }) : () -> ()
    "tpu.region"() ({
      %run_scoped3A = tpu.sem_alloc : memref<!tpu.dma_semaphore, #tpu.memory_space<semaphore_mem>>
      %dma_start3A = arith.constant 0 : i32
      %dma_start3A_21 = arith.constant 0 : i32
      %dma_start3A_22 = tpu.memref_slice %arg4[%arg1, %dma_start3A, %dma_start3A_21] : memref<16x81x128xi32, #tpu.memory_space<hbm>> -> memref<1x81x128xi32, #tpu.memory_space<hbm>>
      %dma_start3A_23 = tpu.memref_squeeze %dma_start3A_22 : memref<1x81x128xi32, #tpu.memory_space<hbm>> -> memref<81x128xi32, #tpu.memory_space<hbm>>
      %dma_start3A_24 = arith.constant 0 : i32
      %dma_start3A_25 = arith.constant 0 : i32
      %dma_start3A_26 = tpu.memref_slice %arg4[%arg1, %dma_start3A_24, %dma_start3A_25] : memref<16x81x128xi32, #tpu.memory_space<hbm>> -> memref<1x81x128xi32, #tpu.memory_space<hbm>>
      %dma_start3A_27 = tpu.memref_squeeze %dma_start3A_26 : memref<1x81x128xi32, #tpu.memory_space<hbm>> -> memref<81x128xi32, #tpu.memory_space<hbm>>
      tpu.enqueue_dma source(%dma_start3A_27 : memref<81x128xi32, #tpu.memory_space<hbm>>) target(%arg10 : memref<81x128xi32, #tpu.memory_space<vmem>>) target_semaphore(%run_scoped3A : memref<!tpu.dma_semaphore, #tpu.memory_space<semaphore_mem>>)
      %dma_wait3A = arith.constant 0 : i32
      %dma_wait3A_28 = arith.constant 0 : i32
      %dma_wait3A_29 = tpu.memref_slice %arg4[%arg1, %dma_wait3A, %dma_wait3A_28] : memref<16x81x128xi32, #tpu.memory_space<hbm>> -> memref<1x81x128xi32, #tpu.memory_space<hbm>>
      %dma_wait3A_30 = tpu.memref_squeeze %dma_wait3A_29 : memref<1x81x128xi32, #tpu.memory_space<hbm>> -> memref<81x128xi32, #tpu.memory_space<hbm>>
      %dma_wait3A_31 = arith.constant 0 : i32
      %dma_wait3A_32 = arith.constant 0 : i32
      %dma_wait3A_33 = tpu.memref_slice %arg4[%arg1, %dma_wait3A_31, %dma_wait3A_32] : memref<16x81x128xi32, #tpu.memory_space<hbm>> -> memref<1x81x128xi32, #tpu.memory_space<hbm>>
      %dma_wait3A_34 = tpu.memref_squeeze %dma_wait3A_33 : memref<1x81x128xi32, #tpu.memory_space<hbm>> -> memref<81x128xi32, #tpu.memory_space<hbm>>
      tpu.wait_dma2 semaphore(%run_scoped3A : memref<!tpu.dma_semaphore, #tpu.memory_space<semaphore_mem>>) src(%dma_wait3A_34 : memref<81x128xi32, #tpu.memory_space<hbm>>) dst(%arg10 : memref<81x128xi32, #tpu.memory_space<vmem>>)
      tpu.yield
    }) : () -> ()
    %mul3A = arith.constant 640 : i32
    %mul3A_0 = arith.muli %arg1, %mul3A : i32
    %mul3A_1 = arith.constant 640 : i32
    %mul3A_2 = arith.muli %arg1, %mul3A_1 : i32
    "tpu.region"() ({
      %run_scoped3A = tpu.sem_alloc : memref<!tpu.dma_semaphore, #tpu.memory_space<semaphore_mem>>
      %dma_start3A = arith.constant 0 : i32
      %dma_start3A_21 = tpu.memref_slice %arg14[%mul3A_2, %dma_start3A] : memref<10240x128xf32, #tpu.memory_space<vmem_shared>> -> memref<640x128xf32, #tpu.memory_space<vmem_shared>>
      %dma_start3A_22 = arith.constant 0 : i32
      %dma_start3A_23 = tpu.memref_slice %arg6[%mul3A_0, %dma_start3A_22] : memref<10240x128xf32, #tpu.memory_space<hbm>> -> memref<640x128xf32, #tpu.memory_space<hbm>>
      tpu.enqueue_dma source(%dma_start3A_23 : memref<640x128xf32, #tpu.memory_space<hbm>>) target(%dma_start3A_21 : memref<640x128xf32, #tpu.memory_space<vmem_shared>>) target_semaphore(%run_scoped3A : memref<!tpu.dma_semaphore, #tpu.memory_space<semaphore_mem>>)
      %dma_wait3A = arith.constant 0 : i32
      %dma_wait3A_24 = tpu.memref_slice %arg14[%mul3A_2, %dma_wait3A] : memref<10240x128xf32, #tpu.memory_space<vmem_shared>> -> memref<640x128xf32, #tpu.memory_space<vmem_shared>>
      %dma_wait3A_25 = arith.constant 0 : i32
      %dma_wait3A_26 = tpu.memref_slice %arg6[%mul3A_0, %dma_wait3A_25] : memref<10240x128xf32, #tpu.memory_space<hbm>> -> memref<640x128xf32, #tpu.memory_space<hbm>>
      tpu.wait_dma2 semaphore(%run_scoped3A : memref<!tpu.dma_semaphore, #tpu.memory_space<semaphore_mem>>) src(%dma_wait3A_26 : memref<640x128xf32, #tpu.memory_space<hbm>>) dst(%dma_wait3A_24 : memref<640x128xf32, #tpu.memory_space<vmem_shared>>)
      tpu.yield
    }) : () -> ()
    %barrier3A = arith.constant 0 : index
    tpu.barrier barrier_id(%barrier3A)
    %eq3A = arith.constant 0 : i32
    %eq3A_3 = arith.cmpi eq, %arg0, %eq3A : i32
    %convert_element_type3A = arith.extui %eq3A_3 : i1 to i32
    %cond3A = arith.constant 0 : i32
    %cond3A_4 = arith.cmpi ne, %convert_element_type3A, %cond3A : i32
    scf.if %cond3A_4 {
      %scan3A = arith.constant 0 : i32
      %scan3A_21 = arith.constant 0 : i32
      %scan3A_22 = arith.constant 54 : i32
      %scan3A_23 = arith.addi %scan3A_21, %scan3A_22 : i32
      %scan3A_24 = arith.constant 1 : i32
      scf.for %scan3A_59 = %scan3A_21 to %scan3A_23 step %scan3A_24  : i32 {
        %mul3A_60 = arith.constant 3 : i32
        %mul3A_61 = arith.muli %scan3A_59, %mul3A_60 : i32
        %add3A = arith.constant 0 : i32
        %add3A_62 = arith.addi %mul3A_61, %add3A : i32
        %ge3A = arith.constant 3 : i32
        %ge3A_63 = arith.cmpi sge, %add3A_62, %ge3A : i32
        %convert_element_type3A_64 = arith.extui %ge3A_63 : i1 to i32
        %cond3A_65 = arith.constant 0 : i32
        %cond3A_66 = arith.cmpi ne, %convert_element_type3A_64, %cond3A_65 : i32
        scf.if %cond3A_66 {
          %sub3A = arith.constant 3 : i32
          %sub3A_131 = arith.subi %add3A_62, %sub3A : i32
          %shift_right_arithmetic3A_132 = arith.constant 1 : i32
          %shift_right_arithmetic3A_133 = arith.shrsi %sub3A_131, %shift_right_arithmetic3A_132 : i32
          %and3A_134 = arith.constant 1 : i32
          %and3A_135 = arith.andi %sub3A_131, %and3A_134 : i32
          %mul3A_136 = arith.constant 64 : i32
          %mul3A_137 = arith.muli %and3A_135, %mul3A_136 : i32
          %dma_wait3A_138 = tpu.memref_slice %arg9[%shift_right_arithmetic3A_133, %mul3A_137] : memref<81x128xi32, #tpu.memory_space<vmem>> -> memref<1x64xi32, #tpu.memory_space<vmem>>
          %dma_wait3A_139 = tpu.memref_squeeze %dma_wait3A_138 : memref<1x64xi32, #tpu.memory_space<vmem>> -> memref<64xi32, #tpu.memory_space<vmem>>
          %dma_wait3A_140 = arith.constant 0 : i32
          %dma_wait3A_141 = arith.constant 0 : i32
          %dma_wait3A_142 = tpu.memref_slice %arg14[%dma_wait3A_140, %dma_wait3A_141] : memref<10240x128xf32, #tpu.memory_space<vmem_shared>> -> memref<10240x128xf32, #tpu.memory_space<vmem_shared>>
          tpu.wait_indirect_dma semaphore(%arg18 : memref<!tpu.dma_semaphore, #tpu.memory_space<semaphore_mem>>) src(%arg11 : memref<64x128xf32, #tpu.memory_space<vmem>>) dst(%dma_wait3A_142 : memref<10240x128xf32, #tpu.memory_space<vmem_shared>>)
        } else {
        }
        %shift_right_arithmetic3A = arith.constant 1 : i32
        %shift_right_arithmetic3A_67 = arith.shrsi %add3A_62, %shift_right_arithmetic3A : i32
        %and3A = arith.constant 1 : i32
        %and3A_68 = arith.andi %add3A_62, %and3A : i32
        %mul3A_69 = arith.constant 64 : i32
        %mul3A_70 = arith.muli %and3A_68, %mul3A_69 : i32
        %dma_start3A_71 = tpu.memref_slice %arg10[%shift_right_arithmetic3A_67, %mul3A_70] : memref<81x128xi32, #tpu.memory_space<vmem>> -> memref<1x64xi32, #tpu.memory_space<vmem>>
        %dma_start3A_72 = tpu.memref_squeeze %dma_start3A_71 : memref<1x64xi32, #tpu.memory_space<vmem>> -> memref<64xi32, #tpu.memory_space<vmem>>
        %dma_start3A_73 = arith.constant 0 : i32
        %dma_start3A_74 = arith.constant 0 : i32
        %dma_start3A_75 = tpu.memref_slice %arg2[%dma_start3A_73, %dma_start3A_74] : memref<10000x128xf32, #tpu.memory_space<hbm>> -> memref<10000x128xf32, #tpu.memory_space<hbm>>
        tpu.enqueue_indirect_dma source(%dma_start3A_75 : memref<10000x128xf32, #tpu.memory_space<hbm>>) target(%arg11 : memref<64x128xf32, #tpu.memory_space<vmem>>) offsets(%dma_start3A_72 : memref<64xi32, #tpu.memory_space<vmem>>) semaphore(%arg15 : memref<!tpu.dma_semaphore, #tpu.memory_space<semaphore_mem>>)
        %ge3A_76 = arith.constant 1 : i32
        %ge3A_77 = arith.cmpi sge, %add3A_62, %ge3A_76 : i32
        %convert_element_type3A_78 = arith.extui %ge3A_77 : i1 to i32
        %cond3A_79 = arith.constant 0 : i32
        %cond3A_80 = arith.cmpi ne, %convert_element_type3A_78, %cond3A_79 : i32
        scf.if %cond3A_80 {
          %sub3A = arith.constant 1 : i32
          %sub3A_131 = arith.subi %add3A_62, %sub3A : i32
          %shift_right_arithmetic3A_132 = arith.constant 1 : i32
          %shift_right_arithmetic3A_133 = arith.shrsi %sub3A_131, %shift_right_arithmetic3A_132 : i32
          %and3A_134 = arith.constant 1 : i32
          %and3A_135 = arith.andi %sub3A_131, %and3A_134 : i32
          %mul3A_136 = arith.constant 64 : i32
          %mul3A_137 = arith.muli %and3A_135, %mul3A_136 : i32
          %dma_wait3A_138 = tpu.memref_slice %arg10[%shift_right_arithmetic3A_133, %mul3A_137] : memref<81x128xi32, #tpu.memory_space<vmem>> -> memref<1x64xi32, #tpu.memory_space<vmem>>
          %dma_wait3A_139 = tpu.memref_squeeze %dma_wait3A_138 : memref<1x64xi32, #tpu.memory_space<vmem>> -> memref<64xi32, #tpu.memory_space<vmem>>
          %dma_wait3A_140 = arith.constant 0 : i32
          %dma_wait3A_141 = arith.constant 0 : i32
          %dma_wait3A_142 = tpu.memref_slice %arg2[%dma_wait3A_140, %dma_wait3A_141] : memref<10000x128xf32, #tpu.memory_space<hbm>> -> memref<10000x128xf32, #tpu.memory_space<hbm>>
          tpu.wait_indirect_dma semaphore(%arg17 : memref<!tpu.dma_semaphore, #tpu.memory_space<semaphore_mem>>) src(%dma_wait3A_142 : memref<10000x128xf32, #tpu.memory_space<hbm>>) dst(%arg13 : memref<64x128xf32, #tpu.memory_space<vmem>>)
          %sub3A_143 = arith.constant 1 : i32
          %sub3A_144 = arith.subi %add3A_62, %sub3A_143 : i32
          %shift_right_arithmetic3A_145 = arith.constant 1 : i32
          %shift_right_arithmetic3A_146 = arith.shrsi %sub3A_144, %shift_right_arithmetic3A_145 : i32
          %and3A_147 = arith.constant 1 : i32
          %and3A_148 = arith.andi %sub3A_144, %and3A_147 : i32
          %mul3A_149 = arith.constant 64 : i32
          %mul3A_150 = arith.muli %and3A_148, %mul3A_149 : i32
          %dma_start3A_151 = tpu.memref_slice %arg9[%shift_right_arithmetic3A_146, %mul3A_150] : memref<81x128xi32, #tpu.memory_space<vmem>> -> memref<1x64xi32, #tpu.memory_space<vmem>>
          %dma_start3A_152 = tpu.memref_squeeze %dma_start3A_151 : memref<1x64xi32, #tpu.memory_space<vmem>> -> memref<64xi32, #tpu.memory_space<vmem>>
          %dma_start3A_153 = arith.constant 0 : i32
          %dma_start3A_154 = arith.constant 0 : i32
          %dma_start3A_155 = tpu.memref_slice %arg14[%dma_start3A_153, %dma_start3A_154] : memref<10240x128xf32, #tpu.memory_space<vmem_shared>> -> memref<10240x128xf32, #tpu.memory_space<vmem_shared>>
          tpu.enqueue_indirect_dma source(%arg13 : memref<64x128xf32, #tpu.memory_space<vmem>>) target(%dma_start3A_155 : memref<10240x128xf32, #tpu.memory_space<vmem_shared>>) offsets(%dma_start3A_152 : memref<64xi32, #tpu.memory_space<vmem>>) semaphore(%arg20 : memref<!tpu.dma_semaphore, #tpu.memory_space<semaphore_mem>>) {add = true}
        } else {
        }
        %mul3A_81 = arith.constant 3 : i32
        %mul3A_82 = arith.muli %scan3A_59, %mul3A_81 : i32
        %add3A_83 = arith.constant 1 : i32
        %add3A_84 = arith.addi %mul3A_82, %add3A_83 : i32
        %ge3A_85 = arith.constant 3 : i32
        %ge3A_86 = arith.cmpi sge, %add3A_84, %ge3A_85 : i32
        %convert_element_type3A_87 = arith.extui %ge3A_86 : i1 to i32
        %cond3A_88 = arith.constant 0 : i32
        %cond3A_89 = arith.cmpi ne, %convert_element_type3A_87, %cond3A_88 : i32
        scf.if %cond3A_89 {
          %sub3A = arith.constant 3 : i32
          %sub3A_131 = arith.subi %add3A_84, %sub3A : i32
          %shift_right_arithmetic3A_132 = arith.constant 1 : i32
          %shift_right_arithmetic3A_133 = arith.shrsi %sub3A_131, %shift_right_arithmetic3A_132 : i32
          %and3A_134 = arith.constant 1 : i32
          %and3A_135 = arith.andi %sub3A_131, %and3A_134 : i32
          %mul3A_136 = arith.constant 64 : i32
          %mul3A_137 = arith.muli %and3A_135, %mul3A_136 : i32
          %dma_wait3A_138 = tpu.memref_slice %arg9[%shift_right_arithmetic3A_133, %mul3A_137] : memref<81x128xi32, #tpu.memory_space<vmem>> -> memref<1x64xi32, #tpu.memory_space<vmem>>
          %dma_wait3A_139 = tpu.memref_squeeze %dma_wait3A_138 : memref<1x64xi32, #tpu.memory_space<vmem>> -> memref<64xi32, #tpu.memory_space<vmem>>
          %dma_wait3A_140 = arith.constant 0 : i32
          %dma_wait3A_141 = arith.constant 0 : i32
          %dma_wait3A_142 = tpu.memref_slice %arg14[%dma_wait3A_140, %dma_wait3A_141] : memref<10240x128xf32, #tpu.memory_space<vmem_shared>> -> memref<10240x128xf32, #tpu.memory_space<vmem_shared>>
          tpu.wait_indirect_dma semaphore(%arg19 : memref<!tpu.dma_semaphore, #tpu.memory_space<semaphore_mem>>) src(%arg12 : memref<64x128xf32, #tpu.memory_space<vmem>>) dst(%dma_wait3A_142 : memref<10240x128xf32, #tpu.memory_space<vmem_shared>>)
        } else {
        }
        %shift_right_arithmetic3A_90 = arith.constant 1 : i32
        %shift_right_arithmetic3A_91 = arith.shrsi %add3A_84, %shift_right_arithmetic3A_90 : i32
        %and3A_92 = arith.constant 1 : i32
        %and3A_93 = arith.andi %add3A_84, %and3A_92 : i32
        %mul3A_94 = arith.constant 64 : i32
        %mul3A_95 = arith.muli %and3A_93, %mul3A_94 : i32
        %dma_start3A_96 = tpu.memref_slice %arg10[%shift_right_arithmetic3A_91, %mul3A_95] : memref<81x128xi32, #tpu.memory_space<vmem>> -> memref<1x64xi32, #tpu.memory_space<vmem>>
        %dma_start3A_97 = tpu.memref_squeeze %dma_start3A_96 : memref<1x64xi32, #tpu.memory_space<vmem>> -> memref<64xi32, #tpu.memory_space<vmem>>
        %dma_start3A_98 = arith.constant 0 : i32
        %dma_start3A_99 = arith.constant 0 : i32
        %dma_start3A_100 = tpu.memref_slice %arg2[%dma_start3A_98, %dma_start3A_99] : memref<10000x128xf32, #tpu.memory_space<hbm>> -> memref<10000x128xf32, #tpu.memory_space<hbm>>
        tpu.enqueue_indirect_dma source(%dma_start3A_100 : memref<10000x128xf32, #tpu.memory_space<hbm>>) target(%arg12 : memref<64x128xf32, #tpu.memory_space<vmem>>) offsets(%dma_start3A_97 : memref<64xi32, #tpu.memory_space<vmem>>) semaphore(%arg16 : memref<!tpu.dma_semaphore, #tpu.memory_space<semaphore_mem>>)
        %ge3A_101 = arith.constant 1 : i32
        %ge3A_102 = arith.cmpi sge, %add3A_84, %ge3A_101 : i32
        %convert_element_type3A_103 = arith.extui %ge3A_102 : i1 to i32
        %cond3A_104 = arith.constant 0 : i32
        %cond3A_105 = arith.cmpi ne, %convert_element_type3A_103, %cond3A_104 : i32
        scf.if %cond3A_105 {
          %sub3A = arith.constant 1 : i32
          %sub3A_131 = arith.subi %add3A_84, %sub3A : i32
          %shift_right_arithmetic3A_132 = arith.constant 1 : i32
          %shift_right_arithmetic3A_133 = arith.shrsi %sub3A_131, %shift_right_arithmetic3A_132 : i32
          %and3A_134 = arith.constant 1 : i32
          %and3A_135 = arith.andi %sub3A_131, %and3A_134 : i32
          %mul3A_136 = arith.constant 64 : i32
          %mul3A_137 = arith.muli %and3A_135, %mul3A_136 : i32
          %dma_wait3A_138 = tpu.memref_slice %arg10[%shift_right_arithmetic3A_133, %mul3A_137] : memref<81x128xi32, #tpu.memory_space<vmem>> -> memref<1x64xi32, #tpu.memory_space<vmem>>
          %dma_wait3A_139 = tpu.memref_squeeze %dma_wait3A_138 : memref<1x64xi32, #tpu.memory_space<vmem>> -> memref<64xi32, #tpu.memory_space<vmem>>
          %dma_wait3A_140 = arith.constant 0 : i32
          %dma_wait3A_141 = arith.constant 0 : i32
          %dma_wait3A_142 = tpu.memref_slice %arg2[%dma_wait3A_140, %dma_wait3A_141] : memref<10000x128xf32, #tpu.memory_space<hbm>> -> memref<10000x128xf32, #tpu.memory_space<hbm>>
          tpu.wait_indirect_dma semaphore(%arg15 : memref<!tpu.dma_semaphore, #tpu.memory_space<semaphore_mem>>) src(%dma_wait3A_142 : memref<10000x128xf32, #tpu.memory_space<hbm>>) dst(%arg11 : memref<64x128xf32, #tpu.memory_space<vmem>>)
          %sub3A_143 = arith.constant 1 : i32
          %sub3A_144 = arith.subi %add3A_84, %sub3A_143 : i32
          %shift_right_arithmetic3A_145 = arith.constant 1 : i32
          %shift_right_arithmetic3A_146 = arith.shrsi %sub3A_144, %shift_right_arithmetic3A_145 : i32
          %and3A_147 = arith.constant 1 : i32
          %and3A_148 = arith.andi %sub3A_144, %and3A_147 : i32
          %mul3A_149 = arith.constant 64 : i32
          %mul3A_150 = arith.muli %and3A_148, %mul3A_149 : i32
          %dma_start3A_151 = tpu.memref_slice %arg9[%shift_right_arithmetic3A_146, %mul3A_150] : memref<81x128xi32, #tpu.memory_space<vmem>> -> memref<1x64xi32, #tpu.memory_space<vmem>>
          %dma_start3A_152 = tpu.memref_squeeze %dma_start3A_151 : memref<1x64xi32, #tpu.memory_space<vmem>> -> memref<64xi32, #tpu.memory_space<vmem>>
          %dma_start3A_153 = arith.constant 0 : i32
          %dma_start3A_154 = arith.constant 0 : i32
          %dma_start3A_155 = tpu.memref_slice %arg14[%dma_start3A_153, %dma_start3A_154] : memref<10240x128xf32, #tpu.memory_space<vmem_shared>> -> memref<10240x128xf32, #tpu.memory_space<vmem_shared>>
          tpu.enqueue_indirect_dma source(%arg11 : memref<64x128xf32, #tpu.memory_space<vmem>>) target(%dma_start3A_155 : memref<10240x128xf32, #tpu.memory_space<vmem_shared>>) offsets(%dma_start3A_152 : memref<64xi32, #tpu.memory_space<vmem>>) semaphore(%arg18 : memref<!tpu.dma_semaphore, #tpu.memory_space<semaphore_mem>>) {add = true}
        } else {
        }
        %mul3A_106 = arith.constant 3 : i32
        %mul3A_107 = arith.muli %scan3A_59, %mul3A_106 : i32
        %add3A_108 = arith.constant 2 : i32
        %add3A_109 = arith.addi %mul3A_107, %add3A_108 : i32
        %ge3A_110 = arith.constant 3 : i32
        %ge3A_111 = arith.cmpi sge, %add3A_109, %ge3A_110 : i32
        %convert_element_type3A_112 = arith.extui %ge3A_111 : i1 to i32
        %cond3A_113 = arith.constant 0 : i32
        %cond3A_114 = arith.cmpi ne, %convert_element_type3A_112, %cond3A_113 : i32
        scf.if %cond3A_114 {
          %sub3A = arith.constant 3 : i32
          %sub3A_131 = arith.subi %add3A_109, %sub3A : i32
          %shift_right_arithmetic3A_132 = arith.constant 1 : i32
          %shift_right_arithmetic3A_133 = arith.shrsi %sub3A_131, %shift_right_arithmetic3A_132 : i32
          %and3A_134 = arith.constant 1 : i32
          %and3A_135 = arith.andi %sub3A_131, %and3A_134 : i32
          %mul3A_136 = arith.constant 64 : i32
          %mul3A_137 = arith.muli %and3A_135, %mul3A_136 : i32
          %dma_wait3A_138 = tpu.memref_slice %arg9[%shift_right_arithmetic3A_133, %mul3A_137] : memref<81x128xi32, #tpu.memory_space<vmem>> -> memref<1x64xi32, #tpu.memory_space<vmem>>
          %dma_wait3A_139 = tpu.memref_squeeze %dma_wait3A_138 : memref<1x64xi32, #tpu.memory_space<vmem>> -> memref<64xi32, #tpu.memory_space<vmem>>
          %dma_wait3A_140 = arith.constant 0 : i32
          %dma_wait3A_141 = arith.constant 0 : i32
          %dma_wait3A_142 = tpu.memref_slice %arg14[%dma_wait3A_140, %dma_wait3A_141] : memref<10240x128xf32, #tpu.memory_space<vmem_shared>> -> memref<10240x128xf32, #tpu.memory_space<vmem_shared>>
          tpu.wait_indirect_dma semaphore(%arg20 : memref<!tpu.dma_semaphore, #tpu.memory_space<semaphore_mem>>) src(%arg13 : memref<64x128xf32, #tpu.memory_space<vmem>>) dst(%dma_wait3A_142 : memref<10240x128xf32, #tpu.memory_space<vmem_shared>>)
        } else {
        }
        %shift_right_arithmetic3A_115 = arith.constant 1 : i32
        %shift_right_arithmetic3A_116 = arith.shrsi %add3A_109, %shift_right_arithmetic3A_115 : i32
        %and3A_117 = arith.constant 1 : i32
        %and3A_118 = arith.andi %add3A_109, %and3A_117 : i32
        %mul3A_119 = arith.constant 64 : i32
        %mul3A_120 = arith.muli %and3A_118, %mul3A_119 : i32
        %dma_start3A_121 = tpu.memref_slice %arg10[%shift_right_arithmetic3A_116, %mul3A_120] : memref<81x128xi32, #tpu.memory_space<vmem>> -> memref<1x64xi32, #tpu.memory_space<vmem>>
        %dma_start3A_122 = tpu.memref_squeeze %dma_start3A_121 : memref<1x64xi32, #tpu.memory_space<vmem>> -> memref<64xi32, #tpu.memory_space<vmem>>
        %dma_start3A_123 = arith.constant 0 : i32
        %dma_start3A_124 = arith.constant 0 : i32
        %dma_start3A_125 = tpu.memref_slice %arg2[%dma_start3A_123, %dma_start3A_124] : memref<10000x128xf32, #tpu.memory_space<hbm>> -> memref<10000x128xf32, #tpu.memory_space<hbm>>
        tpu.enqueue_indirect_dma source(%dma_start3A_125 : memref<10000x128xf32, #tpu.memory_space<hbm>>) target(%arg13 : memref<64x128xf32, #tpu.memory_space<vmem>>) offsets(%dma_start3A_122 : memref<64xi32, #tpu.memory_space<vmem>>) semaphore(%arg17 : memref<!tpu.dma_semaphore, #tpu.memory_space<semaphore_mem>>)
        %ge3A_126 = arith.constant 1 : i32
        %ge3A_127 = arith.cmpi sge, %add3A_109, %ge3A_126 : i32
        %convert_element_type3A_128 = arith.extui %ge3A_127 : i1 to i32
        %cond3A_129 = arith.constant 0 : i32
        %cond3A_130 = arith.cmpi ne, %convert_element_type3A_128, %cond3A_129 : i32
        scf.if %cond3A_130 {
          %sub3A = arith.constant 1 : i32
          %sub3A_131 = arith.subi %add3A_109, %sub3A : i32
          %shift_right_arithmetic3A_132 = arith.constant 1 : i32
          %shift_right_arithmetic3A_133 = arith.shrsi %sub3A_131, %shift_right_arithmetic3A_132 : i32
          %and3A_134 = arith.constant 1 : i32
          %and3A_135 = arith.andi %sub3A_131, %and3A_134 : i32
          %mul3A_136 = arith.constant 64 : i32
          %mul3A_137 = arith.muli %and3A_135, %mul3A_136 : i32
          %dma_wait3A_138 = tpu.memref_slice %arg10[%shift_right_arithmetic3A_133, %mul3A_137] : memref<81x128xi32, #tpu.memory_space<vmem>> -> memref<1x64xi32, #tpu.memory_space<vmem>>
          %dma_wait3A_139 = tpu.memref_squeeze %dma_wait3A_138 : memref<1x64xi32, #tpu.memory_space<vmem>> -> memref<64xi32, #tpu.memory_space<vmem>>
          %dma_wait3A_140 = arith.constant 0 : i32
          %dma_wait3A_141 = arith.constant 0 : i32
          %dma_wait3A_142 = tpu.memref_slice %arg2[%dma_wait3A_140, %dma_wait3A_141] : memref<10000x128xf32, #tpu.memory_space<hbm>> -> memref<10000x128xf32, #tpu.memory_space<hbm>>
          tpu.wait_indirect_dma semaphore(%arg16 : memref<!tpu.dma_semaphore, #tpu.memory_space<semaphore_mem>>) src(%dma_wait3A_142 : memref<10000x128xf32, #tpu.memory_space<hbm>>) dst(%arg12 : memref<64x128xf32, #tpu.memory_space<vmem>>)
          %sub3A_143 = arith.constant 1 : i32
          %sub3A_144 = arith.subi %add3A_109, %sub3A_143 : i32
          %shift_right_arithmetic3A_145 = arith.constant 1 : i32
          %shift_right_arithmetic3A_146 = arith.shrsi %sub3A_144, %shift_right_arithmetic3A_145 : i32
          %and3A_147 = arith.constant 1 : i32
          %and3A_148 = arith.andi %sub3A_144, %and3A_147 : i32
          %mul3A_149 = arith.constant 64 : i32
          %mul3A_150 = arith.muli %and3A_148, %mul3A_149 : i32
          %dma_start3A_151 = tpu.memref_slice %arg9[%shift_right_arithmetic3A_146, %mul3A_150] : memref<81x128xi32, #tpu.memory_space<vmem>> -> memref<1x64xi32, #tpu.memory_space<vmem>>
          %dma_start3A_152 = tpu.memref_squeeze %dma_start3A_151 : memref<1x64xi32, #tpu.memory_space<vmem>> -> memref<64xi32, #tpu.memory_space<vmem>>
          %dma_start3A_153 = arith.constant 0 : i32
          %dma_start3A_154 = arith.constant 0 : i32
          %dma_start3A_155 = tpu.memref_slice %arg14[%dma_start3A_153, %dma_start3A_154] : memref<10240x128xf32, #tpu.memory_space<vmem_shared>> -> memref<10240x128xf32, #tpu.memory_space<vmem_shared>>
          tpu.enqueue_indirect_dma source(%arg12 : memref<64x128xf32, #tpu.memory_space<vmem>>) target(%dma_start3A_155 : memref<10240x128xf32, #tpu.memory_space<vmem_shared>>) offsets(%dma_start3A_152 : memref<64xi32, #tpu.memory_space<vmem>>) semaphore(%arg19 : memref<!tpu.dma_semaphore, #tpu.memory_space<semaphore_mem>>) {add = true}
        } else {
        }
      }
      %scan3A_25 = arith.constant 54 : i32
      %dma_wait3A = arith.constant 80 : i32
      %dma_wait3A_26 = arith.constant 64 : i32
      %dma_wait3A_27 = tpu.memref_slice %arg10[%dma_wait3A, %dma_wait3A_26] : memref<81x128xi32, #tpu.memory_space<vmem>> -> memref<1x64xi32, #tpu.memory_space<vmem>>
      %dma_wait3A_28 = tpu.memref_squeeze %dma_wait3A_27 : memref<1x64xi32, #tpu.memory_space<vmem>> -> memref<64xi32, #tpu.memory_space<vmem>>
      %dma_wait3A_29 = arith.constant 0 : i32
      %dma_wait3A_30 = arith.constant 0 : i32
      %dma_wait3A_31 = tpu.memref_slice %arg2[%dma_wait3A_29, %dma_wait3A_30] : memref<10000x128xf32, #tpu.memory_space<hbm>> -> memref<10000x128xf32, #tpu.memory_space<hbm>>
      tpu.wait_indirect_dma semaphore(%arg17 : memref<!tpu.dma_semaphore, #tpu.memory_space<semaphore_mem>>) src(%dma_wait3A_31 : memref<10000x128xf32, #tpu.memory_space<hbm>>) dst(%arg13 : memref<64x128xf32, #tpu.memory_space<vmem>>)
      %dma_start3A = arith.constant 80 : i32
      %dma_start3A_32 = arith.constant 64 : i32
      %dma_start3A_33 = tpu.memref_slice %arg9[%dma_start3A, %dma_start3A_32] : memref<81x128xi32, #tpu.memory_space<vmem>> -> memref<1x64xi32, #tpu.memory_space<vmem>>
      %dma_start3A_34 = tpu.memref_squeeze %dma_start3A_33 : memref<1x64xi32, #tpu.memory_space<vmem>> -> memref<64xi32, #tpu.memory_space<vmem>>
      %dma_start3A_35 = arith.constant 0 : i32
      %dma_start3A_36 = arith.constant 0 : i32
      %dma_start3A_37 = tpu.memref_slice %arg14[%dma_start3A_35, %dma_start3A_36] : memref<10240x128xf32, #tpu.memory_space<vmem_shared>> -> memref<10240x128xf32, #tpu.memory_space<vmem_shared>>
      tpu.enqueue_indirect_dma source(%arg13 : memref<64x128xf32, #tpu.memory_space<vmem>>) target(%dma_start3A_37 : memref<10240x128xf32, #tpu.memory_space<vmem_shared>>) offsets(%dma_start3A_34 : memref<64xi32, #tpu.memory_space<vmem>>) semaphore(%arg20 : memref<!tpu.dma_semaphore, #tpu.memory_space<semaphore_mem>>) {add = true}
      %dma_wait3A_38 = arith.constant 0 : i32
      %dma_wait3A_39 = arith.constant 0 : i32
      %dma_wait3A_40 = tpu.memref_slice %arg9[%dma_wait3A_38, %dma_wait3A_39] : memref<81x128xi32, #tpu.memory_space<vmem>> -> memref<1x64xi32, #tpu.memory_space<vmem>>
      %dma_wait3A_41 = tpu.memref_squeeze %dma_wait3A_40 : memref<1x64xi32, #tpu.memory_space<vmem>> -> memref<64xi32, #tpu.memory_space<vmem>>
      %dma_wait3A_42 = arith.constant 0 : i32
      %dma_wait3A_43 = arith.constant 0 : i32
      %dma_wait3A_44 = tpu.memref_slice %arg14[%dma_wait3A_42, %dma_wait3A_43] : memref<10240x128xf32, #tpu.memory_space<vmem_shared>> -> memref<10240x128xf32, #tpu.memory_space<vmem_shared>>
      tpu.wait_indirect_dma semaphore(%arg18 : memref<!tpu.dma_semaphore, #tpu.memory_space<semaphore_mem>>) src(%arg11 : memref<64x128xf32, #tpu.memory_space<vmem>>) dst(%dma_wait3A_44 : memref<10240x128xf32, #tpu.memory_space<vmem_shared>>)
      %dma_wait3A_45 = arith.constant 0 : i32
      %dma_wait3A_46 = arith.constant 64 : i32
      %dma_wait3A_47 = tpu.memref_slice %arg9[%dma_wait3A_45, %dma_wait3A_46] : memref<81x128xi32, #tpu.memory_space<vmem>> -> memref<1x64xi32, #tpu.memory_space<vmem>>
      %dma_wait3A_48 = tpu.memref_squeeze %dma_wait3A_47 : memref<1x64xi32, #tpu.memory_space<vmem>> -> memref<64xi32, #tpu.memory_space<vmem>>
      %dma_wait3A_49 = arith.constant 0 : i32
      %dma_wait3A_50 = arith.constant 0 : i32
      %dma_wait3A_51 = tpu.memref_slice %arg14[%dma_wait3A_49, %dma_wait3A_50] : memref<10240x128xf32, #tpu.memory_space<vmem_shared>> -> memref<10240x128xf32, #tpu.memory_space<vmem_shared>>
      tpu.wait_indirect_dma semaphore(%arg19 : memref<!tpu.dma_semaphore, #tpu.memory_space<semaphore_mem>>) src(%arg12 : memref<64x128xf32, #tpu.memory_space<vmem>>) dst(%dma_wait3A_51 : memref<10240x128xf32, #tpu.memory_space<vmem_shared>>)
      %dma_wait3A_52 = arith.constant 1 : i32
      %dma_wait3A_53 = arith.constant 0 : i32
      %dma_wait3A_54 = tpu.memref_slice %arg9[%dma_wait3A_52, %dma_wait3A_53] : memref<81x128xi32, #tpu.memory_space<vmem>> -> memref<1x64xi32, #tpu.memory_space<vmem>>
      %dma_wait3A_55 = tpu.memref_squeeze %dma_wait3A_54 : memref<1x64xi32, #tpu.memory_space<vmem>> -> memref<64xi32, #tpu.memory_space<vmem>>
      %dma_wait3A_56 = arith.constant 0 : i32
      %dma_wait3A_57 = arith.constant 0 : i32
      %dma_wait3A_58 = tpu.memref_slice %arg14[%dma_wait3A_56, %dma_wait3A_57] : memref<10240x128xf32, #tpu.memory_space<vmem_shared>> -> memref<10240x128xf32, #tpu.memory_space<vmem_shared>>
      tpu.wait_indirect_dma semaphore(%arg20 : memref<!tpu.dma_semaphore, #tpu.memory_space<semaphore_mem>>) src(%arg13 : memref<64x128xf32, #tpu.memory_space<vmem>>) dst(%dma_wait3A_58 : memref<10240x128xf32, #tpu.memory_space<vmem_shared>>)
    } else {
    }
    %eq3A_5 = arith.constant 1 : i32
    %eq3A_6 = arith.cmpi eq, %arg0, %eq3A_5 : i32
    %convert_element_type3A_7 = arith.extui %eq3A_6 : i1 to i32
    %cond3A_8 = arith.constant 0 : i32
    %cond3A_9 = arith.cmpi ne, %convert_element_type3A_7, %cond3A_8 : i32
    scf.if %cond3A_9 {
      %scan3A = arith.constant 0 : i32
      %scan3A_21 = arith.constant 0 : i32
      %scan3A_22 = arith.constant 54 : i32
      %scan3A_23 = arith.addi %scan3A_21, %scan3A_22 : i32
      %scan3A_24 = arith.constant 1 : i32
      scf.for %scan3A_59 = %scan3A_21 to %scan3A_23 step %scan3A_24  : i32 {
        %mul3A_60 = arith.constant 3 : i32
        %mul3A_61 = arith.muli %scan3A_59, %mul3A_60 : i32
        %add3A = arith.constant 0 : i32
        %add3A_62 = arith.addi %mul3A_61, %add3A : i32
        %ge3A = arith.constant 3 : i32
        %ge3A_63 = arith.cmpi sge, %add3A_62, %ge3A : i32
        %convert_element_type3A_64 = arith.extui %ge3A_63 : i1 to i32
        %cond3A_65 = arith.constant 0 : i32
        %cond3A_66 = arith.cmpi ne, %convert_element_type3A_64, %cond3A_65 : i32
        scf.if %cond3A_66 {
          %sub3A = arith.constant 3 : i32
          %sub3A_131 = arith.subi %add3A_62, %sub3A : i32
          %shift_right_arithmetic3A_132 = arith.constant 1 : i32
          %shift_right_arithmetic3A_133 = arith.shrsi %sub3A_131, %shift_right_arithmetic3A_132 : i32
          %and3A_134 = arith.constant 1 : i32
          %and3A_135 = arith.andi %sub3A_131, %and3A_134 : i32
          %mul3A_136 = arith.constant 64 : i32
          %mul3A_137 = arith.muli %and3A_135, %mul3A_136 : i32
          %dma_wait3A_138 = tpu.memref_slice %arg9[%shift_right_arithmetic3A_133, %mul3A_137] : memref<81x128xi32, #tpu.memory_space<vmem>> -> memref<1x64xi32, #tpu.memory_space<vmem>>
          %dma_wait3A_139 = tpu.memref_squeeze %dma_wait3A_138 : memref<1x64xi32, #tpu.memory_space<vmem>> -> memref<64xi32, #tpu.memory_space<vmem>>
          %dma_wait3A_140 = arith.constant 0 : i32
          %dma_wait3A_141 = arith.constant 0 : i32
          %dma_wait3A_142 = tpu.memref_slice %arg14[%dma_wait3A_140, %dma_wait3A_141] : memref<10240x128xf32, #tpu.memory_space<vmem_shared>> -> memref<10240x128xf32, #tpu.memory_space<vmem_shared>>
          tpu.wait_indirect_dma semaphore(%arg18 : memref<!tpu.dma_semaphore, #tpu.memory_space<semaphore_mem>>) src(%arg11 : memref<64x128xf32, #tpu.memory_space<vmem>>) dst(%dma_wait3A_142 : memref<10240x128xf32, #tpu.memory_space<vmem_shared>>)
        } else {
        }
        %shift_right_arithmetic3A = arith.constant 1 : i32
        %shift_right_arithmetic3A_67 = arith.shrsi %add3A_62, %shift_right_arithmetic3A : i32
        %and3A = arith.constant 1 : i32
        %and3A_68 = arith.andi %add3A_62, %and3A : i32
        %mul3A_69 = arith.constant 64 : i32
        %mul3A_70 = arith.muli %and3A_68, %mul3A_69 : i32
        %dma_start3A_71 = tpu.memref_slice %arg10[%shift_right_arithmetic3A_67, %mul3A_70] : memref<81x128xi32, #tpu.memory_space<vmem>> -> memref<1x64xi32, #tpu.memory_space<vmem>>
        %dma_start3A_72 = tpu.memref_squeeze %dma_start3A_71 : memref<1x64xi32, #tpu.memory_space<vmem>> -> memref<64xi32, #tpu.memory_space<vmem>>
        %dma_start3A_73 = arith.constant 0 : i32
        %dma_start3A_74 = arith.constant 0 : i32
        %dma_start3A_75 = tpu.memref_slice %arg3[%dma_start3A_73, %dma_start3A_74] : memref<10000x128xf32, #tpu.memory_space<hbm>> -> memref<10000x128xf32, #tpu.memory_space<hbm>>
        tpu.enqueue_indirect_dma source(%dma_start3A_75 : memref<10000x128xf32, #tpu.memory_space<hbm>>) target(%arg11 : memref<64x128xf32, #tpu.memory_space<vmem>>) offsets(%dma_start3A_72 : memref<64xi32, #tpu.memory_space<vmem>>) semaphore(%arg15 : memref<!tpu.dma_semaphore, #tpu.memory_space<semaphore_mem>>)
        %ge3A_76 = arith.constant 1 : i32
        %ge3A_77 = arith.cmpi sge, %add3A_62, %ge3A_76 : i32
        %convert_element_type3A_78 = arith.extui %ge3A_77 : i1 to i32
        %cond3A_79 = arith.constant 0 : i32
        %cond3A_80 = arith.cmpi ne, %convert_element_type3A_78, %cond3A_79 : i32
        scf.if %cond3A_80 {
          %sub3A = arith.constant 1 : i32
          %sub3A_131 = arith.subi %add3A_62, %sub3A : i32
          %shift_right_arithmetic3A_132 = arith.constant 1 : i32
          %shift_right_arithmetic3A_133 = arith.shrsi %sub3A_131, %shift_right_arithmetic3A_132 : i32
          %and3A_134 = arith.constant 1 : i32
          %and3A_135 = arith.andi %sub3A_131, %and3A_134 : i32
          %mul3A_136 = arith.constant 64 : i32
          %mul3A_137 = arith.muli %and3A_135, %mul3A_136 : i32
          %dma_wait3A_138 = tpu.memref_slice %arg10[%shift_right_arithmetic3A_133, %mul3A_137] : memref<81x128xi32, #tpu.memory_space<vmem>> -> memref<1x64xi32, #tpu.memory_space<vmem>>
          %dma_wait3A_139 = tpu.memref_squeeze %dma_wait3A_138 : memref<1x64xi32, #tpu.memory_space<vmem>> -> memref<64xi32, #tpu.memory_space<vmem>>
          %dma_wait3A_140 = arith.constant 0 : i32
          %dma_wait3A_141 = arith.constant 0 : i32
          %dma_wait3A_142 = tpu.memref_slice %arg3[%dma_wait3A_140, %dma_wait3A_141] : memref<10000x128xf32, #tpu.memory_space<hbm>> -> memref<10000x128xf32, #tpu.memory_space<hbm>>
          tpu.wait_indirect_dma semaphore(%arg17 : memref<!tpu.dma_semaphore, #tpu.memory_space<semaphore_mem>>) src(%dma_wait3A_142 : memref<10000x128xf32, #tpu.memory_space<hbm>>) dst(%arg13 : memref<64x128xf32, #tpu.memory_space<vmem>>)
          %sub3A_143 = arith.constant 1 : i32
          %sub3A_144 = arith.subi %add3A_62, %sub3A_143 : i32
          %shift_right_arithmetic3A_145 = arith.constant 1 : i32
          %shift_right_arithmetic3A_146 = arith.shrsi %sub3A_144, %shift_right_arithmetic3A_145 : i32
          %and3A_147 = arith.constant 1 : i32
          %and3A_148 = arith.andi %sub3A_144, %and3A_147 : i32
          %mul3A_149 = arith.constant 64 : i32
          %mul3A_150 = arith.muli %and3A_148, %mul3A_149 : i32
          %dma_start3A_151 = tpu.memref_slice %arg9[%shift_right_arithmetic3A_146, %mul3A_150] : memref<81x128xi32, #tpu.memory_space<vmem>> -> memref<1x64xi32, #tpu.memory_space<vmem>>
          %dma_start3A_152 = tpu.memref_squeeze %dma_start3A_151 : memref<1x64xi32, #tpu.memory_space<vmem>> -> memref<64xi32, #tpu.memory_space<vmem>>
          %dma_start3A_153 = arith.constant 0 : i32
          %dma_start3A_154 = arith.constant 0 : i32
          %dma_start3A_155 = tpu.memref_slice %arg14[%dma_start3A_153, %dma_start3A_154] : memref<10240x128xf32, #tpu.memory_space<vmem_shared>> -> memref<10240x128xf32, #tpu.memory_space<vmem_shared>>
          tpu.enqueue_indirect_dma source(%arg13 : memref<64x128xf32, #tpu.memory_space<vmem>>) target(%dma_start3A_155 : memref<10240x128xf32, #tpu.memory_space<vmem_shared>>) offsets(%dma_start3A_152 : memref<64xi32, #tpu.memory_space<vmem>>) semaphore(%arg20 : memref<!tpu.dma_semaphore, #tpu.memory_space<semaphore_mem>>) {add = true}
        } else {
        }
        %mul3A_81 = arith.constant 3 : i32
        %mul3A_82 = arith.muli %scan3A_59, %mul3A_81 : i32
        %add3A_83 = arith.constant 1 : i32
        %add3A_84 = arith.addi %mul3A_82, %add3A_83 : i32
        %ge3A_85 = arith.constant 3 : i32
        %ge3A_86 = arith.cmpi sge, %add3A_84, %ge3A_85 : i32
        %convert_element_type3A_87 = arith.extui %ge3A_86 : i1 to i32
        %cond3A_88 = arith.constant 0 : i32
        %cond3A_89 = arith.cmpi ne, %convert_element_type3A_87, %cond3A_88 : i32
        scf.if %cond3A_89 {
          %sub3A = arith.constant 3 : i32
          %sub3A_131 = arith.subi %add3A_84, %sub3A : i32
          %shift_right_arithmetic3A_132 = arith.constant 1 : i32
          %shift_right_arithmetic3A_133 = arith.shrsi %sub3A_131, %shift_right_arithmetic3A_132 : i32
          %and3A_134 = arith.constant 1 : i32
          %and3A_135 = arith.andi %sub3A_131, %and3A_134 : i32
          %mul3A_136 = arith.constant 64 : i32
          %mul3A_137 = arith.muli %and3A_135, %mul3A_136 : i32
          %dma_wait3A_138 = tpu.memref_slice %arg9[%shift_right_arithmetic3A_133, %mul3A_137] : memref<81x128xi32, #tpu.memory_space<vmem>> -> memref<1x64xi32, #tpu.memory_space<vmem>>
          %dma_wait3A_139 = tpu.memref_squeeze %dma_wait3A_138 : memref<1x64xi32, #tpu.memory_space<vmem>> -> memref<64xi32, #tpu.memory_space<vmem>>
          %dma_wait3A_140 = arith.constant 0 : i32
          %dma_wait3A_141 = arith.constant 0 : i32
          %dma_wait3A_142 = tpu.memref_slice %arg14[%dma_wait3A_140, %dma_wait3A_141] : memref<10240x128xf32, #tpu.memory_space<vmem_shared>> -> memref<10240x128xf32, #tpu.memory_space<vmem_shared>>
          tpu.wait_indirect_dma semaphore(%arg19 : memref<!tpu.dma_semaphore, #tpu.memory_space<semaphore_mem>>) src(%arg12 : memref<64x128xf32, #tpu.memory_space<vmem>>) dst(%dma_wait3A_142 : memref<10240x128xf32, #tpu.memory_space<vmem_shared>>)
        } else {
        }
        %shift_right_arithmetic3A_90 = arith.constant 1 : i32
        %shift_right_arithmetic3A_91 = arith.shrsi %add3A_84, %shift_right_arithmetic3A_90 : i32
        %and3A_92 = arith.constant 1 : i32
        %and3A_93 = arith.andi %add3A_84, %and3A_92 : i32
        %mul3A_94 = arith.constant 64 : i32
        %mul3A_95 = arith.muli %and3A_93, %mul3A_94 : i32
        %dma_start3A_96 = tpu.memref_slice %arg10[%shift_right_arithmetic3A_91, %mul3A_95] : memref<81x128xi32, #tpu.memory_space<vmem>> -> memref<1x64xi32, #tpu.memory_space<vmem>>
        %dma_start3A_97 = tpu.memref_squeeze %dma_start3A_96 : memref<1x64xi32, #tpu.memory_space<vmem>> -> memref<64xi32, #tpu.memory_space<vmem>>
        %dma_start3A_98 = arith.constant 0 : i32
        %dma_start3A_99 = arith.constant 0 : i32
        %dma_start3A_100 = tpu.memref_slice %arg3[%dma_start3A_98, %dma_start3A_99] : memref<10000x128xf32, #tpu.memory_space<hbm>> -> memref<10000x128xf32, #tpu.memory_space<hbm>>
        tpu.enqueue_indirect_dma source(%dma_start3A_100 : memref<10000x128xf32, #tpu.memory_space<hbm>>) target(%arg12 : memref<64x128xf32, #tpu.memory_space<vmem>>) offsets(%dma_start3A_97 : memref<64xi32, #tpu.memory_space<vmem>>) semaphore(%arg16 : memref<!tpu.dma_semaphore, #tpu.memory_space<semaphore_mem>>)
        %ge3A_101 = arith.constant 1 : i32
        %ge3A_102 = arith.cmpi sge, %add3A_84, %ge3A_101 : i32
        %convert_element_type3A_103 = arith.extui %ge3A_102 : i1 to i32
        %cond3A_104 = arith.constant 0 : i32
        %cond3A_105 = arith.cmpi ne, %convert_element_type3A_103, %cond3A_104 : i32
        scf.if %cond3A_105 {
          %sub3A = arith.constant 1 : i32
          %sub3A_131 = arith.subi %add3A_84, %sub3A : i32
          %shift_right_arithmetic3A_132 = arith.constant 1 : i32
          %shift_right_arithmetic3A_133 = arith.shrsi %sub3A_131, %shift_right_arithmetic3A_132 : i32
          %and3A_134 = arith.constant 1 : i32
          %and3A_135 = arith.andi %sub3A_131, %and3A_134 : i32
          %mul3A_136 = arith.constant 64 : i32
          %mul3A_137 = arith.muli %and3A_135, %mul3A_136 : i32
          %dma_wait3A_138 = tpu.memref_slice %arg10[%shift_right_arithmetic3A_133, %mul3A_137] : memref<81x128xi32, #tpu.memory_space<vmem>> -> memref<1x64xi32, #tpu.memory_space<vmem>>
          %dma_wait3A_139 = tpu.memref_squeeze %dma_wait3A_138 : memref<1x64xi32, #tpu.memory_space<vmem>> -> memref<64xi32, #tpu.memory_space<vmem>>
          %dma_wait3A_140 = arith.constant 0 : i32
          %dma_wait3A_141 = arith.constant 0 : i32
          %dma_wait3A_142 = tpu.memref_slice %arg3[%dma_wait3A_140, %dma_wait3A_141] : memref<10000x128xf32, #tpu.memory_space<hbm>> -> memref<10000x128xf32, #tpu.memory_space<hbm>>
          tpu.wait_indirect_dma semaphore(%arg15 : memref<!tpu.dma_semaphore, #tpu.memory_space<semaphore_mem>>) src(%dma_wait3A_142 : memref<10000x128xf32, #tpu.memory_space<hbm>>) dst(%arg11 : memref<64x128xf32, #tpu.memory_space<vmem>>)
          %sub3A_143 = arith.constant 1 : i32
          %sub3A_144 = arith.subi %add3A_84, %sub3A_143 : i32
          %shift_right_arithmetic3A_145 = arith.constant 1 : i32
          %shift_right_arithmetic3A_146 = arith.shrsi %sub3A_144, %shift_right_arithmetic3A_145 : i32
          %and3A_147 = arith.constant 1 : i32
          %and3A_148 = arith.andi %sub3A_144, %and3A_147 : i32
          %mul3A_149 = arith.constant 64 : i32
          %mul3A_150 = arith.muli %and3A_148, %mul3A_149 : i32
          %dma_start3A_151 = tpu.memref_slice %arg9[%shift_right_arithmetic3A_146, %mul3A_150] : memref<81x128xi32, #tpu.memory_space<vmem>> -> memref<1x64xi32, #tpu.memory_space<vmem>>
          %dma_start3A_152 = tpu.memref_squeeze %dma_start3A_151 : memref<1x64xi32, #tpu.memory_space<vmem>> -> memref<64xi32, #tpu.memory_space<vmem>>
          %dma_start3A_153 = arith.constant 0 : i32
          %dma_start3A_154 = arith.constant 0 : i32
          %dma_start3A_155 = tpu.memref_slice %arg14[%dma_start3A_153, %dma_start3A_154] : memref<10240x128xf32, #tpu.memory_space<vmem_shared>> -> memref<10240x128xf32, #tpu.memory_space<vmem_shared>>
          tpu.enqueue_indirect_dma source(%arg11 : memref<64x128xf32, #tpu.memory_space<vmem>>) target(%dma_start3A_155 : memref<10240x128xf32, #tpu.memory_space<vmem_shared>>) offsets(%dma_start3A_152 : memref<64xi32, #tpu.memory_space<vmem>>) semaphore(%arg18 : memref<!tpu.dma_semaphore, #tpu.memory_space<semaphore_mem>>) {add = true}
        } else {
        }
        %mul3A_106 = arith.constant 3 : i32
        %mul3A_107 = arith.muli %scan3A_59, %mul3A_106 : i32
        %add3A_108 = arith.constant 2 : i32
        %add3A_109 = arith.addi %mul3A_107, %add3A_108 : i32
        %ge3A_110 = arith.constant 3 : i32
        %ge3A_111 = arith.cmpi sge, %add3A_109, %ge3A_110 : i32
        %convert_element_type3A_112 = arith.extui %ge3A_111 : i1 to i32
        %cond3A_113 = arith.constant 0 : i32
        %cond3A_114 = arith.cmpi ne, %convert_element_type3A_112, %cond3A_113 : i32
        scf.if %cond3A_114 {
          %sub3A = arith.constant 3 : i32
          %sub3A_131 = arith.subi %add3A_109, %sub3A : i32
          %shift_right_arithmetic3A_132 = arith.constant 1 : i32
          %shift_right_arithmetic3A_133 = arith.shrsi %sub3A_131, %shift_right_arithmetic3A_132 : i32
          %and3A_134 = arith.constant 1 : i32
          %and3A_135 = arith.andi %sub3A_131, %and3A_134 : i32
          %mul3A_136 = arith.constant 64 : i32
          %mul3A_137 = arith.muli %and3A_135, %mul3A_136 : i32
          %dma_wait3A_138 = tpu.memref_slice %arg9[%shift_right_arithmetic3A_133, %mul3A_137] : memref<81x128xi32, #tpu.memory_space<vmem>> -> memref<1x64xi32, #tpu.memory_space<vmem>>
          %dma_wait3A_139 = tpu.memref_squeeze %dma_wait3A_138 : memref<1x64xi32, #tpu.memory_space<vmem>> -> memref<64xi32, #tpu.memory_space<vmem>>
          %dma_wait3A_140 = arith.constant 0 : i32
          %dma_wait3A_141 = arith.constant 0 : i32
          %dma_wait3A_142 = tpu.memref_slice %arg14[%dma_wait3A_140, %dma_wait3A_141] : memref<10240x128xf32, #tpu.memory_space<vmem_shared>> -> memref<10240x128xf32, #tpu.memory_space<vmem_shared>>
          tpu.wait_indirect_dma semaphore(%arg20 : memref<!tpu.dma_semaphore, #tpu.memory_space<semaphore_mem>>) src(%arg13 : memref<64x128xf32, #tpu.memory_space<vmem>>) dst(%dma_wait3A_142 : memref<10240x128xf32, #tpu.memory_space<vmem_shared>>)
        } else {
        }
        %shift_right_arithmetic3A_115 = arith.constant 1 : i32
        %shift_right_arithmetic3A_116 = arith.shrsi %add3A_109, %shift_right_arithmetic3A_115 : i32
        %and3A_117 = arith.constant 1 : i32
        %and3A_118 = arith.andi %add3A_109, %and3A_117 : i32
        %mul3A_119 = arith.constant 64 : i32
        %mul3A_120 = arith.muli %and3A_118, %mul3A_119 : i32
        %dma_start3A_121 = tpu.memref_slice %arg10[%shift_right_arithmetic3A_116, %mul3A_120] : memref<81x128xi32, #tpu.memory_space<vmem>> -> memref<1x64xi32, #tpu.memory_space<vmem>>
        %dma_start3A_122 = tpu.memref_squeeze %dma_start3A_121 : memref<1x64xi32, #tpu.memory_space<vmem>> -> memref<64xi32, #tpu.memory_space<vmem>>
        %dma_start3A_123 = arith.constant 0 : i32
        %dma_start3A_124 = arith.constant 0 : i32
        %dma_start3A_125 = tpu.memref_slice %arg3[%dma_start3A_123, %dma_start3A_124] : memref<10000x128xf32, #tpu.memory_space<hbm>> -> memref<10000x128xf32, #tpu.memory_space<hbm>>
        tpu.enqueue_indirect_dma source(%dma_start3A_125 : memref<10000x128xf32, #tpu.memory_space<hbm>>) target(%arg13 : memref<64x128xf32, #tpu.memory_space<vmem>>) offsets(%dma_start3A_122 : memref<64xi32, #tpu.memory_space<vmem>>) semaphore(%arg17 : memref<!tpu.dma_semaphore, #tpu.memory_space<semaphore_mem>>)
        %ge3A_126 = arith.constant 1 : i32
        %ge3A_127 = arith.cmpi sge, %add3A_109, %ge3A_126 : i32
        %convert_element_type3A_128 = arith.extui %ge3A_127 : i1 to i32
        %cond3A_129 = arith.constant 0 : i32
        %cond3A_130 = arith.cmpi ne, %convert_element_type3A_128, %cond3A_129 : i32
        scf.if %cond3A_130 {
          %sub3A = arith.constant 1 : i32
          %sub3A_131 = arith.subi %add3A_109, %sub3A : i32
          %shift_right_arithmetic3A_132 = arith.constant 1 : i32
          %shift_right_arithmetic3A_133 = arith.shrsi %sub3A_131, %shift_right_arithmetic3A_132 : i32
          %and3A_134 = arith.constant 1 : i32
          %and3A_135 = arith.andi %sub3A_131, %and3A_134 : i32
          %mul3A_136 = arith.constant 64 : i32
          %mul3A_137 = arith.muli %and3A_135, %mul3A_136 : i32
          %dma_wait3A_138 = tpu.memref_slice %arg10[%shift_right_arithmetic3A_133, %mul3A_137] : memref<81x128xi32, #tpu.memory_space<vmem>> -> memref<1x64xi32, #tpu.memory_space<vmem>>
          %dma_wait3A_139 = tpu.memref_squeeze %dma_wait3A_138 : memref<1x64xi32, #tpu.memory_space<vmem>> -> memref<64xi32, #tpu.memory_space<vmem>>
          %dma_wait3A_140 = arith.constant 0 : i32
          %dma_wait3A_141 = arith.constant 0 : i32
          %dma_wait3A_142 = tpu.memref_slice %arg3[%dma_wait3A_140, %dma_wait3A_141] : memref<10000x128xf32, #tpu.memory_space<hbm>> -> memref<10000x128xf32, #tpu.memory_space<hbm>>
          tpu.wait_indirect_dma semaphore(%arg16 : memref<!tpu.dma_semaphore, #tpu.memory_space<semaphore_mem>>) src(%dma_wait3A_142 : memref<10000x128xf32, #tpu.memory_space<hbm>>) dst(%arg12 : memref<64x128xf32, #tpu.memory_space<vmem>>)
          %sub3A_143 = arith.constant 1 : i32
          %sub3A_144 = arith.subi %add3A_109, %sub3A_143 : i32
          %shift_right_arithmetic3A_145 = arith.constant 1 : i32
          %shift_right_arithmetic3A_146 = arith.shrsi %sub3A_144, %shift_right_arithmetic3A_145 : i32
          %and3A_147 = arith.constant 1 : i32
          %and3A_148 = arith.andi %sub3A_144, %and3A_147 : i32
          %mul3A_149 = arith.constant 64 : i32
          %mul3A_150 = arith.muli %and3A_148, %mul3A_149 : i32
          %dma_start3A_151 = tpu.memref_slice %arg9[%shift_right_arithmetic3A_146, %mul3A_150] : memref<81x128xi32, #tpu.memory_space<vmem>> -> memref<1x64xi32, #tpu.memory_space<vmem>>
          %dma_start3A_152 = tpu.memref_squeeze %dma_start3A_151 : memref<1x64xi32, #tpu.memory_space<vmem>> -> memref<64xi32, #tpu.memory_space<vmem>>
          %dma_start3A_153 = arith.constant 0 : i32
          %dma_start3A_154 = arith.constant 0 : i32
          %dma_start3A_155 = tpu.memref_slice %arg14[%dma_start3A_153, %dma_start3A_154] : memref<10240x128xf32, #tpu.memory_space<vmem_shared>> -> memref<10240x128xf32, #tpu.memory_space<vmem_shared>>
          tpu.enqueue_indirect_dma source(%arg12 : memref<64x128xf32, #tpu.memory_space<vmem>>) target(%dma_start3A_155 : memref<10240x128xf32, #tpu.memory_space<vmem_shared>>) offsets(%dma_start3A_152 : memref<64xi32, #tpu.memory_space<vmem>>) semaphore(%arg19 : memref<!tpu.dma_semaphore, #tpu.memory_space<semaphore_mem>>) {add = true}
        } else {
        }
      }
      %scan3A_25 = arith.constant 54 : i32
      %dma_wait3A = arith.constant 80 : i32
      %dma_wait3A_26 = arith.constant 64 : i32
      %dma_wait3A_27 = tpu.memref_slice %arg10[%dma_wait3A, %dma_wait3A_26] : memref<81x128xi32, #tpu.memory_space<vmem>> -> memref<1x64xi32, #tpu.memory_space<vmem>>
      %dma_wait3A_28 = tpu.memref_squeeze %dma_wait3A_27 : memref<1x64xi32, #tpu.memory_space<vmem>> -> memref<64xi32, #tpu.memory_space<vmem>>
      %dma_wait3A_29 = arith.constant 0 : i32
      %dma_wait3A_30 = arith.constant 0 : i32
      %dma_wait3A_31 = tpu.memref_slice %arg3[%dma_wait3A_29, %dma_wait3A_30] : memref<10000x128xf32, #tpu.memory_space<hbm>> -> memref<10000x128xf32, #tpu.memory_space<hbm>>
      tpu.wait_indirect_dma semaphore(%arg17 : memref<!tpu.dma_semaphore, #tpu.memory_space<semaphore_mem>>) src(%dma_wait3A_31 : memref<10000x128xf32, #tpu.memory_space<hbm>>) dst(%arg13 : memref<64x128xf32, #tpu.memory_space<vmem>>)
      %dma_start3A = arith.constant 80 : i32
      %dma_start3A_32 = arith.constant 64 : i32
      %dma_start3A_33 = tpu.memref_slice %arg9[%dma_start3A, %dma_start3A_32] : memref<81x128xi32, #tpu.memory_space<vmem>> -> memref<1x64xi32, #tpu.memory_space<vmem>>
      %dma_start3A_34 = tpu.memref_squeeze %dma_start3A_33 : memref<1x64xi32, #tpu.memory_space<vmem>> -> memref<64xi32, #tpu.memory_space<vmem>>
      %dma_start3A_35 = arith.constant 0 : i32
      %dma_start3A_36 = arith.constant 0 : i32
      %dma_start3A_37 = tpu.memref_slice %arg14[%dma_start3A_35, %dma_start3A_36] : memref<10240x128xf32, #tpu.memory_space<vmem_shared>> -> memref<10240x128xf32, #tpu.memory_space<vmem_shared>>
      tpu.enqueue_indirect_dma source(%arg13 : memref<64x128xf32, #tpu.memory_space<vmem>>) target(%dma_start3A_37 : memref<10240x128xf32, #tpu.memory_space<vmem_shared>>) offsets(%dma_start3A_34 : memref<64xi32, #tpu.memory_space<vmem>>) semaphore(%arg20 : memref<!tpu.dma_semaphore, #tpu.memory_space<semaphore_mem>>) {add = true}
      %dma_wait3A_38 = arith.constant 0 : i32
      %dma_wait3A_39 = arith.constant 0 : i32
      %dma_wait3A_40 = tpu.memref_slice %arg9[%dma_wait3A_38, %dma_wait3A_39] : memref<81x128xi32, #tpu.memory_space<vmem>> -> memref<1x64xi32, #tpu.memory_space<vmem>>
      %dma_wait3A_41 = tpu.memref_squeeze %dma_wait3A_40 : memref<1x64xi32, #tpu.memory_space<vmem>> -> memref<64xi32, #tpu.memory_space<vmem>>
      %dma_wait3A_42 = arith.constant 0 : i32
      %dma_wait3A_43 = arith.constant 0 : i32
      %dma_wait3A_44 = tpu.memref_slice %arg14[%dma_wait3A_42, %dma_wait3A_43] : memref<10240x128xf32, #tpu.memory_space<vmem_shared>> -> memref<10240x128xf32, #tpu.memory_space<vmem_shared>>
      tpu.wait_indirect_dma semaphore(%arg18 : memref<!tpu.dma_semaphore, #tpu.memory_space<semaphore_mem>>) src(%arg11 : memref<64x128xf32, #tpu.memory_space<vmem>>) dst(%dma_wait3A_44 : memref<10240x128xf32, #tpu.memory_space<vmem_shared>>)
      %dma_wait3A_45 = arith.constant 0 : i32
      %dma_wait3A_46 = arith.constant 64 : i32
      %dma_wait3A_47 = tpu.memref_slice %arg9[%dma_wait3A_45, %dma_wait3A_46] : memref<81x128xi32, #tpu.memory_space<vmem>> -> memref<1x64xi32, #tpu.memory_space<vmem>>
      %dma_wait3A_48 = tpu.memref_squeeze %dma_wait3A_47 : memref<1x64xi32, #tpu.memory_space<vmem>> -> memref<64xi32, #tpu.memory_space<vmem>>
      %dma_wait3A_49 = arith.constant 0 : i32
      %dma_wait3A_50 = arith.constant 0 : i32
      %dma_wait3A_51 = tpu.memref_slice %arg14[%dma_wait3A_49, %dma_wait3A_50] : memref<10240x128xf32, #tpu.memory_space<vmem_shared>> -> memref<10240x128xf32, #tpu.memory_space<vmem_shared>>
      tpu.wait_indirect_dma semaphore(%arg19 : memref<!tpu.dma_semaphore, #tpu.memory_space<semaphore_mem>>) src(%arg12 : memref<64x128xf32, #tpu.memory_space<vmem>>) dst(%dma_wait3A_51 : memref<10240x128xf32, #tpu.memory_space<vmem_shared>>)
      %dma_wait3A_52 = arith.constant 1 : i32
      %dma_wait3A_53 = arith.constant 0 : i32
      %dma_wait3A_54 = tpu.memref_slice %arg9[%dma_wait3A_52, %dma_wait3A_53] : memref<81x128xi32, #tpu.memory_space<vmem>> -> memref<1x64xi32, #tpu.memory_space<vmem>>
      %dma_wait3A_55 = tpu.memref_squeeze %dma_wait3A_54 : memref<1x64xi32, #tpu.memory_space<vmem>> -> memref<64xi32, #tpu.memory_space<vmem>>
      %dma_wait3A_56 = arith.constant 0 : i32
      %dma_wait3A_57 = arith.constant 0 : i32
      %dma_wait3A_58 = tpu.memref_slice %arg14[%dma_wait3A_56, %dma_wait3A_57] : memref<10240x128xf32, #tpu.memory_space<vmem_shared>> -> memref<10240x128xf32, #tpu.memory_space<vmem_shared>>
      tpu.wait_indirect_dma semaphore(%arg20 : memref<!tpu.dma_semaphore, #tpu.memory_space<semaphore_mem>>) src(%arg13 : memref<64x128xf32, #tpu.memory_space<vmem>>) dst(%dma_wait3A_58 : memref<10240x128xf32, #tpu.memory_space<vmem_shared>>)
    } else {
    }
    %barrier3A_10 = arith.constant 0 : index
    tpu.barrier barrier_id(%barrier3A_10)
    %eq3A_11 = arith.constant 0 : i32
    %eq3A_12 = arith.cmpi eq, %arg0, %eq3A_11 : i32
    %convert_element_type3A_13 = arith.extui %eq3A_12 : i1 to i32
    %cond3A_14 = arith.constant 0 : i32
    %cond3A_15 = arith.cmpi ne, %convert_element_type3A_13, %cond3A_14 : i32
    scf.if %cond3A_15 {
      %mul3A_21 = arith.constant 640 : i32
      %mul3A_22 = arith.muli %arg1, %mul3A_21 : i32
      %mul3A_23 = arith.constant 640 : i32
      %mul3A_24 = arith.muli %arg1, %mul3A_23 : i32
      "tpu.region"() ({
        %run_scoped3A = tpu.sem_alloc : memref<!tpu.dma_semaphore, #tpu.memory_space<semaphore_mem>>
        %dma_start3A = arith.constant 0 : i32
        %dma_start3A_25 = tpu.memref_slice %arg7[%mul3A_24, %dma_start3A] : memref<10240x128xf32, #tpu.memory_space<hbm>> -> memref<640x128xf32, #tpu.memory_space<hbm>>
        %dma_start3A_26 = arith.constant 0 : i32
        %dma_start3A_27 = tpu.memref_slice %arg14[%mul3A_22, %dma_start3A_26] : memref<10240x128xf32, #tpu.memory_space<vmem_shared>> -> memref<640x128xf32, #tpu.memory_space<vmem_shared>>
        tpu.enqueue_dma source(%dma_start3A_27 : memref<640x128xf32, #tpu.memory_space<vmem_shared>>) target(%dma_start3A_25 : memref<640x128xf32, #tpu.memory_space<hbm>>) target_semaphore(%run_scoped3A : memref<!tpu.dma_semaphore, #tpu.memory_space<semaphore_mem>>)
        %dma_wait3A = arith.constant 0 : i32
        %dma_wait3A_28 = tpu.memref_slice %arg7[%mul3A_24, %dma_wait3A] : memref<10240x128xf32, #tpu.memory_space<hbm>> -> memref<640x128xf32, #tpu.memory_space<hbm>>
        %dma_wait3A_29 = arith.constant 0 : i32
        %dma_wait3A_30 = tpu.memref_slice %arg14[%mul3A_22, %dma_wait3A_29] : memref<10240x128xf32, #tpu.memory_space<vmem_shared>> -> memref<640x128xf32, #tpu.memory_space<vmem_shared>>
        tpu.wait_dma2 semaphore(%run_scoped3A : memref<!tpu.dma_semaphore, #tpu.memory_space<semaphore_mem>>) src(%dma_wait3A_30 : memref<640x128xf32, #tpu.memory_space<vmem_shared>>) dst(%dma_wait3A_28 : memref<640x128xf32, #tpu.memory_space<hbm>>)
        tpu.yield
      }) : () -> ()
    } else {
    }
    %eq3A_16 = arith.constant 1 : i32
    %eq3A_17 = arith.cmpi eq, %arg0, %eq3A_16 : i32
    %convert_element_type3A_18 = arith.extui %eq3A_17 : i1 to i32
    %cond3A_19 = arith.constant 0 : i32
    %cond3A_20 = arith.cmpi ne, %convert_element_type3A_18, %cond3A_19 : i32
    scf.if %cond3A_20 {
      %mul3A_21 = arith.constant 640 : i32
      %mul3A_22 = arith.muli %arg1, %mul3A_21 : i32
      %mul3A_23 = arith.constant 640 : i32
      %mul3A_24 = arith.muli %arg1, %mul3A_23 : i32
      "tpu.region"() ({
        %run_scoped3A = tpu.sem_alloc : memref<!tpu.dma_semaphore, #tpu.memory_space<semaphore_mem>>
        %dma_start3A = arith.constant 0 : i32
        %dma_start3A_25 = tpu.memref_slice %arg8[%mul3A_24, %dma_start3A] : memref<10240x128xf32, #tpu.memory_space<hbm>> -> memref<640x128xf32, #tpu.memory_space<hbm>>
        %dma_start3A_26 = arith.constant 0 : i32
        %dma_start3A_27 = tpu.memref_slice %arg14[%mul3A_22, %dma_start3A_26] : memref<10240x128xf32, #tpu.memory_space<vmem_shared>> -> memref<640x128xf32, #tpu.memory_space<vmem_shared>>
        tpu.enqueue_dma source(%dma_start3A_27 : memref<640x128xf32, #tpu.memory_space<vmem_shared>>) target(%dma_start3A_25 : memref<640x128xf32, #tpu.memory_space<hbm>>) target_semaphore(%run_scoped3A : memref<!tpu.dma_semaphore, #tpu.memory_space<semaphore_mem>>)
        %dma_wait3A = arith.constant 0 : i32
        %dma_wait3A_28 = tpu.memref_slice %arg8[%mul3A_24, %dma_wait3A] : memref<10240x128xf32, #tpu.memory_space<hbm>> -> memref<640x128xf32, #tpu.memory_space<hbm>>
        %dma_wait3A_29 = arith.constant 0 : i32
        %dma_wait3A_30 = tpu.memref_slice %arg14[%mul3A_22, %dma_wait3A_29] : memref<10240x128xf32, #tpu.memory_space<vmem_shared>> -> memref<640x128xf32, #tpu.memory_space<vmem_shared>>
        tpu.wait_dma2 semaphore(%run_scoped3A : memref<!tpu.dma_semaphore, #tpu.memory_space<semaphore_mem>>) src(%dma_wait3A_30 : memref<640x128xf32, #tpu.memory_space<vmem_shared>>) dst(%dma_wait3A_28 : memref<640x128xf32, #tpu.memory_space<hbm>>)
        tpu.yield
      }) : () -> ()
    } else {
    }
    return
  }
}

#map = affine_map<(d0, d1) -> (0, 0)>
#map1 = affine_map<(d0, d1) -> (0, 0, 0)>
module attributes {stable_mosaic.version = 14 : i64} {
  func.func @_prop_body(%arg0: i32, %arg1: i32, %arg2: memref<10240x128xf32, #tpu.memory_space<hbm>>, %arg3: memref<10240x128xf32, #tpu.memory_space<hbm>>, %arg4: memref<16x81x128xi32, #tpu.memory_space<hbm>>, %arg5: memref<16x81x128xi32, #tpu.memory_space<hbm>>, %arg6: memref<10240x128xf32, #tpu.memory_space<hbm>>, %arg7: memref<10240x128xf32, #tpu.memory_space<hbm>>, %arg8: memref<10240x128xf32, #tpu.memory_space<hbm>>, %arg9: memref<81x128xi32, #tpu.memory_space<vmem>>, %arg10: memref<81x128xi32, #tpu.memory_space<vmem>>, %arg11: memref<64x128xf32, #tpu.memory_space<vmem>>, %arg12: memref<64x128xf32, #tpu.memory_space<vmem>>, %arg13: memref<64x128xf32, #tpu.memory_space<vmem>>, %arg14: memref<10240x128xf32, #tpu.memory_space<vmem_shared>>, %arg15: memref<!tpu.dma_semaphore, #tpu.memory_space<semaphore_mem>>, %arg16: memref<!tpu.dma_semaphore, #tpu.memory_space<semaphore_mem>>, %arg17: memref<!tpu.dma_semaphore, #tpu.memory_space<semaphore_mem>>, %arg18: memref<!tpu.dma_semaphore, #tpu.memory_space<semaphore_mem>>, %arg19: memref<!tpu.dma_semaphore, #tpu.memory_space<semaphore_mem>>, %arg20: memref<!tpu.dma_semaphore, #tpu.memory_space<semaphore_mem>>) attributes {dimension_semantics = [#tpu.dimension_semantics<core_parallel>, #tpu.dimension_semantics<subcore_parallel>], iteration_bounds = array<i64: 2, 16>, scalar_prefetch = 0 : i64, scratch_operands = 12 : i64, tpu.core_type = #tpu.core_type<sc_vector_subcore>, window_params = [{transform_indices = #map}, {transform_indices = #map}, {transform_indices = #map1}, {transform_indices = #map1}, {transform_indices = #map}, {transform_indices = #map}, {transform_indices = #map}]} {
    "tpu.region"() ({
      %run_scoped3A = tpu.sem_alloc : memref<!tpu.dma_semaphore, #tpu.memory_space<semaphore_mem>>
      %dma_start3A = arith.constant 0 : i32
      %dma_start3A_21 = arith.constant 0 : i32
      %dma_start3A_22 = tpu.memref_slice %arg5[%arg1, %dma_start3A, %dma_start3A_21] : memref<16x81x128xi32, #tpu.memory_space<hbm>> -> memref<1x81x128xi32, #tpu.memory_space<hbm>>
      %dma_start3A_23 = tpu.memref_squeeze %dma_start3A_22 : memref<1x81x128xi32, #tpu.memory_space<hbm>> -> memref<81x128xi32, #tpu.memory_space<hbm>>
      %dma_start3A_24 = arith.constant 0 : i32
      %dma_start3A_25 = arith.constant 0 : i32
      %dma_start3A_26 = tpu.memref_slice %arg5[%arg1, %dma_start3A_24, %dma_start3A_25] : memref<16x81x128xi32, #tpu.memory_space<hbm>> -> memref<1x81x128xi32, #tpu.memory_space<hbm>>
      %dma_start3A_27 = tpu.memref_squeeze %dma_start3A_26 : memref<1x81x128xi32, #tpu.memory_space<hbm>> -> memref<81x128xi32, #tpu.memory_space<hbm>>
      tpu.enqueue_dma source(%dma_start3A_27 : memref<81x128xi32, #tpu.memory_space<hbm>>) target(%arg9 : memref<81x128xi32, #tpu.memory_space<vmem>>) target_semaphore(%run_scoped3A : memref<!tpu.dma_semaphore, #tpu.memory_space<semaphore_mem>>)
      %dma_wait3A = arith.constant 0 : i32
      %dma_wait3A_28 = arith.constant 0 : i32
      %dma_wait3A_29 = tpu.memref_slice %arg5[%arg1, %dma_wait3A, %dma_wait3A_28] : memref<16x81x128xi32, #tpu.memory_space<hbm>> -> memref<1x81x128xi32, #tpu.memory_space<hbm>>
      %dma_wait3A_30 = tpu.memref_squeeze %dma_wait3A_29 : memref<1x81x128xi32, #tpu.memory_space<hbm>> -> memref<81x128xi32, #tpu.memory_space<hbm>>
      %dma_wait3A_31 = arith.constant 0 : i32
      %dma_wait3A_32 = arith.constant 0 : i32
      %dma_wait3A_33 = tpu.memref_slice %arg5[%arg1, %dma_wait3A_31, %dma_wait3A_32] : memref<16x81x128xi32, #tpu.memory_space<hbm>> -> memref<1x81x128xi32, #tpu.memory_space<hbm>>
      %dma_wait3A_34 = tpu.memref_squeeze %dma_wait3A_33 : memref<1x81x128xi32, #tpu.memory_space<hbm>> -> memref<81x128xi32, #tpu.memory_space<hbm>>
      tpu.wait_dma2 semaphore(%run_scoped3A : memref<!tpu.dma_semaphore, #tpu.memory_space<semaphore_mem>>) src(%dma_wait3A_34 : memref<81x128xi32, #tpu.memory_space<hbm>>) dst(%arg9 : memref<81x128xi32, #tpu.memory_space<vmem>>)
      tpu.yield
    }) : () -> ()
    "tpu.region"() ({
      %run_scoped3A = tpu.sem_alloc : memref<!tpu.dma_semaphore, #tpu.memory_space<semaphore_mem>>
      %dma_start3A = arith.constant 0 : i32
      %dma_start3A_21 = arith.constant 0 : i32
      %dma_start3A_22 = tpu.memref_slice %arg4[%arg1, %dma_start3A, %dma_start3A_21] : memref<16x81x128xi32, #tpu.memory_space<hbm>> -> memref<1x81x128xi32, #tpu.memory_space<hbm>>
      %dma_start3A_23 = tpu.memref_squeeze %dma_start3A_22 : memref<1x81x128xi32, #tpu.memory_space<hbm>> -> memref<81x128xi32, #tpu.memory_space<hbm>>
      %dma_start3A_24 = arith.constant 0 : i32
      %dma_start3A_25 = arith.constant 0 : i32
      %dma_start3A_26 = tpu.memref_slice %arg4[%arg1, %dma_start3A_24, %dma_start3A_25] : memref<16x81x128xi32, #tpu.memory_space<hbm>> -> memref<1x81x128xi32, #tpu.memory_space<hbm>>
      %dma_start3A_27 = tpu.memref_squeeze %dma_start3A_26 : memref<1x81x128xi32, #tpu.memory_space<hbm>> -> memref<81x128xi32, #tpu.memory_space<hbm>>
      tpu.enqueue_dma source(%dma_start3A_27 : memref<81x128xi32, #tpu.memory_space<hbm>>) target(%arg10 : memref<81x128xi32, #tpu.memory_space<vmem>>) target_semaphore(%run_scoped3A : memref<!tpu.dma_semaphore, #tpu.memory_space<semaphore_mem>>)
      %dma_wait3A = arith.constant 0 : i32
      %dma_wait3A_28 = arith.constant 0 : i32
      %dma_wait3A_29 = tpu.memref_slice %arg4[%arg1, %dma_wait3A, %dma_wait3A_28] : memref<16x81x128xi32, #tpu.memory_space<hbm>> -> memref<1x81x128xi32, #tpu.memory_space<hbm>>
      %dma_wait3A_30 = tpu.memref_squeeze %dma_wait3A_29 : memref<1x81x128xi32, #tpu.memory_space<hbm>> -> memref<81x128xi32, #tpu.memory_space<hbm>>
      %dma_wait3A_31 = arith.constant 0 : i32
      %dma_wait3A_32 = arith.constant 0 : i32
      %dma_wait3A_33 = tpu.memref_slice %arg4[%arg1, %dma_wait3A_31, %dma_wait3A_32] : memref<16x81x128xi32, #tpu.memory_space<hbm>> -> memref<1x81x128xi32, #tpu.memory_space<hbm>>
      %dma_wait3A_34 = tpu.memref_squeeze %dma_wait3A_33 : memref<1x81x128xi32, #tpu.memory_space<hbm>> -> memref<81x128xi32, #tpu.memory_space<hbm>>
      tpu.wait_dma2 semaphore(%run_scoped3A : memref<!tpu.dma_semaphore, #tpu.memory_space<semaphore_mem>>) src(%dma_wait3A_34 : memref<81x128xi32, #tpu.memory_space<hbm>>) dst(%arg10 : memref<81x128xi32, #tpu.memory_space<vmem>>)
      tpu.yield
    }) : () -> ()
    %mul3A = arith.constant 640 : i32
    %mul3A_0 = arith.muli %arg1, %mul3A : i32
    %mul3A_1 = arith.constant 640 : i32
    %mul3A_2 = arith.muli %arg1, %mul3A_1 : i32
    "tpu.region"() ({
      %run_scoped3A = tpu.sem_alloc : memref<!tpu.dma_semaphore, #tpu.memory_space<semaphore_mem>>
      %dma_start3A = arith.constant 0 : i32
      %dma_start3A_21 = tpu.memref_slice %arg14[%mul3A_2, %dma_start3A] : memref<10240x128xf32, #tpu.memory_space<vmem_shared>> -> memref<640x128xf32, #tpu.memory_space<vmem_shared>>
      %dma_start3A_22 = arith.constant 0 : i32
      %dma_start3A_23 = tpu.memref_slice %arg6[%mul3A_0, %dma_start3A_22] : memref<10240x128xf32, #tpu.memory_space<hbm>> -> memref<640x128xf32, #tpu.memory_space<hbm>>
      tpu.enqueue_dma source(%dma_start3A_23 : memref<640x128xf32, #tpu.memory_space<hbm>>) target(%dma_start3A_21 : memref<640x128xf32, #tpu.memory_space<vmem_shared>>) target_semaphore(%run_scoped3A : memref<!tpu.dma_semaphore, #tpu.memory_space<semaphore_mem>>)
      %dma_wait3A = arith.constant 0 : i32
      %dma_wait3A_24 = tpu.memref_slice %arg14[%mul3A_2, %dma_wait3A] : memref<10240x128xf32, #tpu.memory_space<vmem_shared>> -> memref<640x128xf32, #tpu.memory_space<vmem_shared>>
      %dma_wait3A_25 = arith.constant 0 : i32
      %dma_wait3A_26 = tpu.memref_slice %arg6[%mul3A_0, %dma_wait3A_25] : memref<10240x128xf32, #tpu.memory_space<hbm>> -> memref<640x128xf32, #tpu.memory_space<hbm>>
      tpu.wait_dma2 semaphore(%run_scoped3A : memref<!tpu.dma_semaphore, #tpu.memory_space<semaphore_mem>>) src(%dma_wait3A_26 : memref<640x128xf32, #tpu.memory_space<hbm>>) dst(%dma_wait3A_24 : memref<640x128xf32, #tpu.memory_space<vmem_shared>>)
      tpu.yield
    }) : () -> ()
    %barrier3A = arith.constant 0 : index
    tpu.barrier barrier_id(%barrier3A)
    %eq3A = arith.constant 0 : i32
    %eq3A_3 = arith.cmpi eq, %arg0, %eq3A : i32
    %convert_element_type3A = arith.extui %eq3A_3 : i1 to i32
    %cond3A = arith.constant 0 : i32
    %cond3A_4 = arith.cmpi ne, %convert_element_type3A, %cond3A : i32
    scf.if %cond3A_4 {
      %scan3A = arith.constant 0 : i32
      %scan3A_21 = arith.constant 0 : i32
      %scan3A_22 = arith.constant 54 : i32
      %scan3A_23 = arith.addi %scan3A_21, %scan3A_22 : i32
      %scan3A_24 = arith.constant 1 : i32
      scf.for %scan3A_59 = %scan3A_21 to %scan3A_23 step %scan3A_24  : i32 {
        %mul3A_60 = arith.constant 3 : i32
        %mul3A_61 = arith.muli %scan3A_59, %mul3A_60 : i32
        %add3A = arith.constant 0 : i32
        %add3A_62 = arith.addi %mul3A_61, %add3A : i32
        %ge3A = arith.constant 3 : i32
        %ge3A_63 = arith.cmpi sge, %add3A_62, %ge3A : i32
        %convert_element_type3A_64 = arith.extui %ge3A_63 : i1 to i32
        %cond3A_65 = arith.constant 0 : i32
        %cond3A_66 = arith.cmpi ne, %convert_element_type3A_64, %cond3A_65 : i32
        scf.if %cond3A_66 {
          %sub3A = arith.constant 3 : i32
          %sub3A_131 = arith.subi %add3A_62, %sub3A : i32
          %shift_right_arithmetic3A_132 = arith.constant 1 : i32
          %shift_right_arithmetic3A_133 = arith.shrsi %sub3A_131, %shift_right_arithmetic3A_132 : i32
          %and3A_134 = arith.constant 1 : i32
          %and3A_135 = arith.andi %sub3A_131, %and3A_134 : i32
          %mul3A_136 = arith.constant 64 : i32
          %mul3A_137 = arith.muli %and3A_135, %mul3A_136 : i32
          %dma_wait3A_138 = tpu.memref_slice %arg9[%shift_right_arithmetic3A_133, %mul3A_137] : memref<81x128xi32, #tpu.memory_space<vmem>> -> memref<1x64xi32, #tpu.memory_space<vmem>>
          %dma_wait3A_139 = tpu.memref_squeeze %dma_wait3A_138 : memref<1x64xi32, #tpu.memory_space<vmem>> -> memref<64xi32, #tpu.memory_space<vmem>>
          %dma_wait3A_140 = arith.constant 0 : i32
          %dma_wait3A_141 = arith.constant 0 : i32
          %dma_wait3A_142 = tpu.memref_slice %arg14[%dma_wait3A_140, %dma_wait3A_141] : memref<10240x128xf32, #tpu.memory_space<vmem_shared>> -> memref<10240x128xf32, #tpu.memory_space<vmem_shared>>
          tpu.wait_indirect_dma semaphore(%arg18 : memref<!tpu.dma_semaphore, #tpu.memory_space<semaphore_mem>>) src(%arg11 : memref<64x128xf32, #tpu.memory_space<vmem>>) dst(%dma_wait3A_142 : memref<10240x128xf32, #tpu.memory_space<vmem_shared>>)
        } else {
        }
        %shift_right_arithmetic3A = arith.constant 1 : i32
        %shift_right_arithmetic3A_67 = arith.shrsi %add3A_62, %shift_right_arithmetic3A : i32
        %and3A = arith.constant 1 : i32
        %and3A_68 = arith.andi %add3A_62, %and3A : i32
        %mul3A_69 = arith.constant 64 : i32
        %mul3A_70 = arith.muli %and3A_68, %mul3A_69 : i32
        %dma_start3A_71 = tpu.memref_slice %arg10[%shift_right_arithmetic3A_67, %mul3A_70] : memref<81x128xi32, #tpu.memory_space<vmem>> -> memref<1x64xi32, #tpu.memory_space<vmem>>
        %dma_start3A_72 = tpu.memref_squeeze %dma_start3A_71 : memref<1x64xi32, #tpu.memory_space<vmem>> -> memref<64xi32, #tpu.memory_space<vmem>>
        %dma_start3A_73 = arith.constant 0 : i32
        %dma_start3A_74 = arith.constant 0 : i32
        %dma_start3A_75 = tpu.memref_slice %arg2[%dma_start3A_73, %dma_start3A_74] : memref<10240x128xf32, #tpu.memory_space<hbm>> -> memref<10240x128xf32, #tpu.memory_space<hbm>>
        tpu.enqueue_indirect_dma source(%dma_start3A_75 : memref<10240x128xf32, #tpu.memory_space<hbm>>) target(%arg11 : memref<64x128xf32, #tpu.memory_space<vmem>>) offsets(%dma_start3A_72 : memref<64xi32, #tpu.memory_space<vmem>>) semaphore(%arg15 : memref<!tpu.dma_semaphore, #tpu.memory_space<semaphore_mem>>)
        %ge3A_76 = arith.constant 1 : i32
        %ge3A_77 = arith.cmpi sge, %add3A_62, %ge3A_76 : i32
        %convert_element_type3A_78 = arith.extui %ge3A_77 : i1 to i32
        %cond3A_79 = arith.constant 0 : i32
        %cond3A_80 = arith.cmpi ne, %convert_element_type3A_78, %cond3A_79 : i32
        scf.if %cond3A_80 {
          %sub3A = arith.constant 1 : i32
          %sub3A_131 = arith.subi %add3A_62, %sub3A : i32
          %shift_right_arithmetic3A_132 = arith.constant 1 : i32
          %shift_right_arithmetic3A_133 = arith.shrsi %sub3A_131, %shift_right_arithmetic3A_132 : i32
          %and3A_134 = arith.constant 1 : i32
          %and3A_135 = arith.andi %sub3A_131, %and3A_134 : i32
          %mul3A_136 = arith.constant 64 : i32
          %mul3A_137 = arith.muli %and3A_135, %mul3A_136 : i32
          %dma_wait3A_138 = tpu.memref_slice %arg10[%shift_right_arithmetic3A_133, %mul3A_137] : memref<81x128xi32, #tpu.memory_space<vmem>> -> memref<1x64xi32, #tpu.memory_space<vmem>>
          %dma_wait3A_139 = tpu.memref_squeeze %dma_wait3A_138 : memref<1x64xi32, #tpu.memory_space<vmem>> -> memref<64xi32, #tpu.memory_space<vmem>>
          %dma_wait3A_140 = arith.constant 0 : i32
          %dma_wait3A_141 = arith.constant 0 : i32
          %dma_wait3A_142 = tpu.memref_slice %arg2[%dma_wait3A_140, %dma_wait3A_141] : memref<10240x128xf32, #tpu.memory_space<hbm>> -> memref<10240x128xf32, #tpu.memory_space<hbm>>
          tpu.wait_indirect_dma semaphore(%arg17 : memref<!tpu.dma_semaphore, #tpu.memory_space<semaphore_mem>>) src(%dma_wait3A_142 : memref<10240x128xf32, #tpu.memory_space<hbm>>) dst(%arg13 : memref<64x128xf32, #tpu.memory_space<vmem>>)
          %sub3A_143 = arith.constant 1 : i32
          %sub3A_144 = arith.subi %add3A_62, %sub3A_143 : i32
          %shift_right_arithmetic3A_145 = arith.constant 1 : i32
          %shift_right_arithmetic3A_146 = arith.shrsi %sub3A_144, %shift_right_arithmetic3A_145 : i32
          %and3A_147 = arith.constant 1 : i32
          %and3A_148 = arith.andi %sub3A_144, %and3A_147 : i32
          %mul3A_149 = arith.constant 64 : i32
          %mul3A_150 = arith.muli %and3A_148, %mul3A_149 : i32
          %dma_start3A_151 = tpu.memref_slice %arg9[%shift_right_arithmetic3A_146, %mul3A_150] : memref<81x128xi32, #tpu.memory_space<vmem>> -> memref<1x64xi32, #tpu.memory_space<vmem>>
          %dma_start3A_152 = tpu.memref_squeeze %dma_start3A_151 : memref<1x64xi32, #tpu.memory_space<vmem>> -> memref<64xi32, #tpu.memory_space<vmem>>
          %dma_start3A_153 = arith.constant 0 : i32
          %dma_start3A_154 = arith.constant 0 : i32
          %dma_start3A_155 = tpu.memref_slice %arg14[%dma_start3A_153, %dma_start3A_154] : memref<10240x128xf32, #tpu.memory_space<vmem_shared>> -> memref<10240x128xf32, #tpu.memory_space<vmem_shared>>
          tpu.enqueue_indirect_dma source(%arg13 : memref<64x128xf32, #tpu.memory_space<vmem>>) target(%dma_start3A_155 : memref<10240x128xf32, #tpu.memory_space<vmem_shared>>) offsets(%dma_start3A_152 : memref<64xi32, #tpu.memory_space<vmem>>) semaphore(%arg20 : memref<!tpu.dma_semaphore, #tpu.memory_space<semaphore_mem>>) {add = true}
        } else {
        }
        %mul3A_81 = arith.constant 3 : i32
        %mul3A_82 = arith.muli %scan3A_59, %mul3A_81 : i32
        %add3A_83 = arith.constant 1 : i32
        %add3A_84 = arith.addi %mul3A_82, %add3A_83 : i32
        %ge3A_85 = arith.constant 3 : i32
        %ge3A_86 = arith.cmpi sge, %add3A_84, %ge3A_85 : i32
        %convert_element_type3A_87 = arith.extui %ge3A_86 : i1 to i32
        %cond3A_88 = arith.constant 0 : i32
        %cond3A_89 = arith.cmpi ne, %convert_element_type3A_87, %cond3A_88 : i32
        scf.if %cond3A_89 {
          %sub3A = arith.constant 3 : i32
          %sub3A_131 = arith.subi %add3A_84, %sub3A : i32
          %shift_right_arithmetic3A_132 = arith.constant 1 : i32
          %shift_right_arithmetic3A_133 = arith.shrsi %sub3A_131, %shift_right_arithmetic3A_132 : i32
          %and3A_134 = arith.constant 1 : i32
          %and3A_135 = arith.andi %sub3A_131, %and3A_134 : i32
          %mul3A_136 = arith.constant 64 : i32
          %mul3A_137 = arith.muli %and3A_135, %mul3A_136 : i32
          %dma_wait3A_138 = tpu.memref_slice %arg9[%shift_right_arithmetic3A_133, %mul3A_137] : memref<81x128xi32, #tpu.memory_space<vmem>> -> memref<1x64xi32, #tpu.memory_space<vmem>>
          %dma_wait3A_139 = tpu.memref_squeeze %dma_wait3A_138 : memref<1x64xi32, #tpu.memory_space<vmem>> -> memref<64xi32, #tpu.memory_space<vmem>>
          %dma_wait3A_140 = arith.constant 0 : i32
          %dma_wait3A_141 = arith.constant 0 : i32
          %dma_wait3A_142 = tpu.memref_slice %arg14[%dma_wait3A_140, %dma_wait3A_141] : memref<10240x128xf32, #tpu.memory_space<vmem_shared>> -> memref<10240x128xf32, #tpu.memory_space<vmem_shared>>
          tpu.wait_indirect_dma semaphore(%arg19 : memref<!tpu.dma_semaphore, #tpu.memory_space<semaphore_mem>>) src(%arg12 : memref<64x128xf32, #tpu.memory_space<vmem>>) dst(%dma_wait3A_142 : memref<10240x128xf32, #tpu.memory_space<vmem_shared>>)
        } else {
        }
        %shift_right_arithmetic3A_90 = arith.constant 1 : i32
        %shift_right_arithmetic3A_91 = arith.shrsi %add3A_84, %shift_right_arithmetic3A_90 : i32
        %and3A_92 = arith.constant 1 : i32
        %and3A_93 = arith.andi %add3A_84, %and3A_92 : i32
        %mul3A_94 = arith.constant 64 : i32
        %mul3A_95 = arith.muli %and3A_93, %mul3A_94 : i32
        %dma_start3A_96 = tpu.memref_slice %arg10[%shift_right_arithmetic3A_91, %mul3A_95] : memref<81x128xi32, #tpu.memory_space<vmem>> -> memref<1x64xi32, #tpu.memory_space<vmem>>
        %dma_start3A_97 = tpu.memref_squeeze %dma_start3A_96 : memref<1x64xi32, #tpu.memory_space<vmem>> -> memref<64xi32, #tpu.memory_space<vmem>>
        %dma_start3A_98 = arith.constant 0 : i32
        %dma_start3A_99 = arith.constant 0 : i32
        %dma_start3A_100 = tpu.memref_slice %arg2[%dma_start3A_98, %dma_start3A_99] : memref<10240x128xf32, #tpu.memory_space<hbm>> -> memref<10240x128xf32, #tpu.memory_space<hbm>>
        tpu.enqueue_indirect_dma source(%dma_start3A_100 : memref<10240x128xf32, #tpu.memory_space<hbm>>) target(%arg12 : memref<64x128xf32, #tpu.memory_space<vmem>>) offsets(%dma_start3A_97 : memref<64xi32, #tpu.memory_space<vmem>>) semaphore(%arg16 : memref<!tpu.dma_semaphore, #tpu.memory_space<semaphore_mem>>)
        %ge3A_101 = arith.constant 1 : i32
        %ge3A_102 = arith.cmpi sge, %add3A_84, %ge3A_101 : i32
        %convert_element_type3A_103 = arith.extui %ge3A_102 : i1 to i32
        %cond3A_104 = arith.constant 0 : i32
        %cond3A_105 = arith.cmpi ne, %convert_element_type3A_103, %cond3A_104 : i32
        scf.if %cond3A_105 {
          %sub3A = arith.constant 1 : i32
          %sub3A_131 = arith.subi %add3A_84, %sub3A : i32
          %shift_right_arithmetic3A_132 = arith.constant 1 : i32
          %shift_right_arithmetic3A_133 = arith.shrsi %sub3A_131, %shift_right_arithmetic3A_132 : i32
          %and3A_134 = arith.constant 1 : i32
          %and3A_135 = arith.andi %sub3A_131, %and3A_134 : i32
          %mul3A_136 = arith.constant 64 : i32
          %mul3A_137 = arith.muli %and3A_135, %mul3A_136 : i32
          %dma_wait3A_138 = tpu.memref_slice %arg10[%shift_right_arithmetic3A_133, %mul3A_137] : memref<81x128xi32, #tpu.memory_space<vmem>> -> memref<1x64xi32, #tpu.memory_space<vmem>>
          %dma_wait3A_139 = tpu.memref_squeeze %dma_wait3A_138 : memref<1x64xi32, #tpu.memory_space<vmem>> -> memref<64xi32, #tpu.memory_space<vmem>>
          %dma_wait3A_140 = arith.constant 0 : i32
          %dma_wait3A_141 = arith.constant 0 : i32
          %dma_wait3A_142 = tpu.memref_slice %arg2[%dma_wait3A_140, %dma_wait3A_141] : memref<10240x128xf32, #tpu.memory_space<hbm>> -> memref<10240x128xf32, #tpu.memory_space<hbm>>
          tpu.wait_indirect_dma semaphore(%arg15 : memref<!tpu.dma_semaphore, #tpu.memory_space<semaphore_mem>>) src(%dma_wait3A_142 : memref<10240x128xf32, #tpu.memory_space<hbm>>) dst(%arg11 : memref<64x128xf32, #tpu.memory_space<vmem>>)
          %sub3A_143 = arith.constant 1 : i32
          %sub3A_144 = arith.subi %add3A_84, %sub3A_143 : i32
          %shift_right_arithmetic3A_145 = arith.constant 1 : i32
          %shift_right_arithmetic3A_146 = arith.shrsi %sub3A_144, %shift_right_arithmetic3A_145 : i32
          %and3A_147 = arith.constant 1 : i32
          %and3A_148 = arith.andi %sub3A_144, %and3A_147 : i32
          %mul3A_149 = arith.constant 64 : i32
          %mul3A_150 = arith.muli %and3A_148, %mul3A_149 : i32
          %dma_start3A_151 = tpu.memref_slice %arg9[%shift_right_arithmetic3A_146, %mul3A_150] : memref<81x128xi32, #tpu.memory_space<vmem>> -> memref<1x64xi32, #tpu.memory_space<vmem>>
          %dma_start3A_152 = tpu.memref_squeeze %dma_start3A_151 : memref<1x64xi32, #tpu.memory_space<vmem>> -> memref<64xi32, #tpu.memory_space<vmem>>
          %dma_start3A_153 = arith.constant 0 : i32
          %dma_start3A_154 = arith.constant 0 : i32
          %dma_start3A_155 = tpu.memref_slice %arg14[%dma_start3A_153, %dma_start3A_154] : memref<10240x128xf32, #tpu.memory_space<vmem_shared>> -> memref<10240x128xf32, #tpu.memory_space<vmem_shared>>
          tpu.enqueue_indirect_dma source(%arg11 : memref<64x128xf32, #tpu.memory_space<vmem>>) target(%dma_start3A_155 : memref<10240x128xf32, #tpu.memory_space<vmem_shared>>) offsets(%dma_start3A_152 : memref<64xi32, #tpu.memory_space<vmem>>) semaphore(%arg18 : memref<!tpu.dma_semaphore, #tpu.memory_space<semaphore_mem>>) {add = true}
        } else {
        }
        %mul3A_106 = arith.constant 3 : i32
        %mul3A_107 = arith.muli %scan3A_59, %mul3A_106 : i32
        %add3A_108 = arith.constant 2 : i32
        %add3A_109 = arith.addi %mul3A_107, %add3A_108 : i32
        %ge3A_110 = arith.constant 3 : i32
        %ge3A_111 = arith.cmpi sge, %add3A_109, %ge3A_110 : i32
        %convert_element_type3A_112 = arith.extui %ge3A_111 : i1 to i32
        %cond3A_113 = arith.constant 0 : i32
        %cond3A_114 = arith.cmpi ne, %convert_element_type3A_112, %cond3A_113 : i32
        scf.if %cond3A_114 {
          %sub3A = arith.constant 3 : i32
          %sub3A_131 = arith.subi %add3A_109, %sub3A : i32
          %shift_right_arithmetic3A_132 = arith.constant 1 : i32
          %shift_right_arithmetic3A_133 = arith.shrsi %sub3A_131, %shift_right_arithmetic3A_132 : i32
          %and3A_134 = arith.constant 1 : i32
          %and3A_135 = arith.andi %sub3A_131, %and3A_134 : i32
          %mul3A_136 = arith.constant 64 : i32
          %mul3A_137 = arith.muli %and3A_135, %mul3A_136 : i32
          %dma_wait3A_138 = tpu.memref_slice %arg9[%shift_right_arithmetic3A_133, %mul3A_137] : memref<81x128xi32, #tpu.memory_space<vmem>> -> memref<1x64xi32, #tpu.memory_space<vmem>>
          %dma_wait3A_139 = tpu.memref_squeeze %dma_wait3A_138 : memref<1x64xi32, #tpu.memory_space<vmem>> -> memref<64xi32, #tpu.memory_space<vmem>>
          %dma_wait3A_140 = arith.constant 0 : i32
          %dma_wait3A_141 = arith.constant 0 : i32
          %dma_wait3A_142 = tpu.memref_slice %arg14[%dma_wait3A_140, %dma_wait3A_141] : memref<10240x128xf32, #tpu.memory_space<vmem_shared>> -> memref<10240x128xf32, #tpu.memory_space<vmem_shared>>
          tpu.wait_indirect_dma semaphore(%arg20 : memref<!tpu.dma_semaphore, #tpu.memory_space<semaphore_mem>>) src(%arg13 : memref<64x128xf32, #tpu.memory_space<vmem>>) dst(%dma_wait3A_142 : memref<10240x128xf32, #tpu.memory_space<vmem_shared>>)
        } else {
        }
        %shift_right_arithmetic3A_115 = arith.constant 1 : i32
        %shift_right_arithmetic3A_116 = arith.shrsi %add3A_109, %shift_right_arithmetic3A_115 : i32
        %and3A_117 = arith.constant 1 : i32
        %and3A_118 = arith.andi %add3A_109, %and3A_117 : i32
        %mul3A_119 = arith.constant 64 : i32
        %mul3A_120 = arith.muli %and3A_118, %mul3A_119 : i32
        %dma_start3A_121 = tpu.memref_slice %arg10[%shift_right_arithmetic3A_116, %mul3A_120] : memref<81x128xi32, #tpu.memory_space<vmem>> -> memref<1x64xi32, #tpu.memory_space<vmem>>
        %dma_start3A_122 = tpu.memref_squeeze %dma_start3A_121 : memref<1x64xi32, #tpu.memory_space<vmem>> -> memref<64xi32, #tpu.memory_space<vmem>>
        %dma_start3A_123 = arith.constant 0 : i32
        %dma_start3A_124 = arith.constant 0 : i32
        %dma_start3A_125 = tpu.memref_slice %arg2[%dma_start3A_123, %dma_start3A_124] : memref<10240x128xf32, #tpu.memory_space<hbm>> -> memref<10240x128xf32, #tpu.memory_space<hbm>>
        tpu.enqueue_indirect_dma source(%dma_start3A_125 : memref<10240x128xf32, #tpu.memory_space<hbm>>) target(%arg13 : memref<64x128xf32, #tpu.memory_space<vmem>>) offsets(%dma_start3A_122 : memref<64xi32, #tpu.memory_space<vmem>>) semaphore(%arg17 : memref<!tpu.dma_semaphore, #tpu.memory_space<semaphore_mem>>)
        %ge3A_126 = arith.constant 1 : i32
        %ge3A_127 = arith.cmpi sge, %add3A_109, %ge3A_126 : i32
        %convert_element_type3A_128 = arith.extui %ge3A_127 : i1 to i32
        %cond3A_129 = arith.constant 0 : i32
        %cond3A_130 = arith.cmpi ne, %convert_element_type3A_128, %cond3A_129 : i32
        scf.if %cond3A_130 {
          %sub3A = arith.constant 1 : i32
          %sub3A_131 = arith.subi %add3A_109, %sub3A : i32
          %shift_right_arithmetic3A_132 = arith.constant 1 : i32
          %shift_right_arithmetic3A_133 = arith.shrsi %sub3A_131, %shift_right_arithmetic3A_132 : i32
          %and3A_134 = arith.constant 1 : i32
          %and3A_135 = arith.andi %sub3A_131, %and3A_134 : i32
          %mul3A_136 = arith.constant 64 : i32
          %mul3A_137 = arith.muli %and3A_135, %mul3A_136 : i32
          %dma_wait3A_138 = tpu.memref_slice %arg10[%shift_right_arithmetic3A_133, %mul3A_137] : memref<81x128xi32, #tpu.memory_space<vmem>> -> memref<1x64xi32, #tpu.memory_space<vmem>>
          %dma_wait3A_139 = tpu.memref_squeeze %dma_wait3A_138 : memref<1x64xi32, #tpu.memory_space<vmem>> -> memref<64xi32, #tpu.memory_space<vmem>>
          %dma_wait3A_140 = arith.constant 0 : i32
          %dma_wait3A_141 = arith.constant 0 : i32
          %dma_wait3A_142 = tpu.memref_slice %arg2[%dma_wait3A_140, %dma_wait3A_141] : memref<10240x128xf32, #tpu.memory_space<hbm>> -> memref<10240x128xf32, #tpu.memory_space<hbm>>
          tpu.wait_indirect_dma semaphore(%arg16 : memref<!tpu.dma_semaphore, #tpu.memory_space<semaphore_mem>>) src(%dma_wait3A_142 : memref<10240x128xf32, #tpu.memory_space<hbm>>) dst(%arg12 : memref<64x128xf32, #tpu.memory_space<vmem>>)
          %sub3A_143 = arith.constant 1 : i32
          %sub3A_144 = arith.subi %add3A_109, %sub3A_143 : i32
          %shift_right_arithmetic3A_145 = arith.constant 1 : i32
          %shift_right_arithmetic3A_146 = arith.shrsi %sub3A_144, %shift_right_arithmetic3A_145 : i32
          %and3A_147 = arith.constant 1 : i32
          %and3A_148 = arith.andi %sub3A_144, %and3A_147 : i32
          %mul3A_149 = arith.constant 64 : i32
          %mul3A_150 = arith.muli %and3A_148, %mul3A_149 : i32
          %dma_start3A_151 = tpu.memref_slice %arg9[%shift_right_arithmetic3A_146, %mul3A_150] : memref<81x128xi32, #tpu.memory_space<vmem>> -> memref<1x64xi32, #tpu.memory_space<vmem>>
          %dma_start3A_152 = tpu.memref_squeeze %dma_start3A_151 : memref<1x64xi32, #tpu.memory_space<vmem>> -> memref<64xi32, #tpu.memory_space<vmem>>
          %dma_start3A_153 = arith.constant 0 : i32
          %dma_start3A_154 = arith.constant 0 : i32
          %dma_start3A_155 = tpu.memref_slice %arg14[%dma_start3A_153, %dma_start3A_154] : memref<10240x128xf32, #tpu.memory_space<vmem_shared>> -> memref<10240x128xf32, #tpu.memory_space<vmem_shared>>
          tpu.enqueue_indirect_dma source(%arg12 : memref<64x128xf32, #tpu.memory_space<vmem>>) target(%dma_start3A_155 : memref<10240x128xf32, #tpu.memory_space<vmem_shared>>) offsets(%dma_start3A_152 : memref<64xi32, #tpu.memory_space<vmem>>) semaphore(%arg19 : memref<!tpu.dma_semaphore, #tpu.memory_space<semaphore_mem>>) {add = true}
        } else {
        }
      }
      %scan3A_25 = arith.constant 54 : i32
      %dma_wait3A = arith.constant 80 : i32
      %dma_wait3A_26 = arith.constant 64 : i32
      %dma_wait3A_27 = tpu.memref_slice %arg10[%dma_wait3A, %dma_wait3A_26] : memref<81x128xi32, #tpu.memory_space<vmem>> -> memref<1x64xi32, #tpu.memory_space<vmem>>
      %dma_wait3A_28 = tpu.memref_squeeze %dma_wait3A_27 : memref<1x64xi32, #tpu.memory_space<vmem>> -> memref<64xi32, #tpu.memory_space<vmem>>
      %dma_wait3A_29 = arith.constant 0 : i32
      %dma_wait3A_30 = arith.constant 0 : i32
      %dma_wait3A_31 = tpu.memref_slice %arg2[%dma_wait3A_29, %dma_wait3A_30] : memref<10240x128xf32, #tpu.memory_space<hbm>> -> memref<10240x128xf32, #tpu.memory_space<hbm>>
      tpu.wait_indirect_dma semaphore(%arg17 : memref<!tpu.dma_semaphore, #tpu.memory_space<semaphore_mem>>) src(%dma_wait3A_31 : memref<10240x128xf32, #tpu.memory_space<hbm>>) dst(%arg13 : memref<64x128xf32, #tpu.memory_space<vmem>>)
      %dma_start3A = arith.constant 80 : i32
      %dma_start3A_32 = arith.constant 64 : i32
      %dma_start3A_33 = tpu.memref_slice %arg9[%dma_start3A, %dma_start3A_32] : memref<81x128xi32, #tpu.memory_space<vmem>> -> memref<1x64xi32, #tpu.memory_space<vmem>>
      %dma_start3A_34 = tpu.memref_squeeze %dma_start3A_33 : memref<1x64xi32, #tpu.memory_space<vmem>> -> memref<64xi32, #tpu.memory_space<vmem>>
      %dma_start3A_35 = arith.constant 0 : i32
      %dma_start3A_36 = arith.constant 0 : i32
      %dma_start3A_37 = tpu.memref_slice %arg14[%dma_start3A_35, %dma_start3A_36] : memref<10240x128xf32, #tpu.memory_space<vmem_shared>> -> memref<10240x128xf32, #tpu.memory_space<vmem_shared>>
      tpu.enqueue_indirect_dma source(%arg13 : memref<64x128xf32, #tpu.memory_space<vmem>>) target(%dma_start3A_37 : memref<10240x128xf32, #tpu.memory_space<vmem_shared>>) offsets(%dma_start3A_34 : memref<64xi32, #tpu.memory_space<vmem>>) semaphore(%arg20 : memref<!tpu.dma_semaphore, #tpu.memory_space<semaphore_mem>>) {add = true}
      %dma_wait3A_38 = arith.constant 0 : i32
      %dma_wait3A_39 = arith.constant 0 : i32
      %dma_wait3A_40 = tpu.memref_slice %arg9[%dma_wait3A_38, %dma_wait3A_39] : memref<81x128xi32, #tpu.memory_space<vmem>> -> memref<1x64xi32, #tpu.memory_space<vmem>>
      %dma_wait3A_41 = tpu.memref_squeeze %dma_wait3A_40 : memref<1x64xi32, #tpu.memory_space<vmem>> -> memref<64xi32, #tpu.memory_space<vmem>>
      %dma_wait3A_42 = arith.constant 0 : i32
      %dma_wait3A_43 = arith.constant 0 : i32
      %dma_wait3A_44 = tpu.memref_slice %arg14[%dma_wait3A_42, %dma_wait3A_43] : memref<10240x128xf32, #tpu.memory_space<vmem_shared>> -> memref<10240x128xf32, #tpu.memory_space<vmem_shared>>
      tpu.wait_indirect_dma semaphore(%arg18 : memref<!tpu.dma_semaphore, #tpu.memory_space<semaphore_mem>>) src(%arg11 : memref<64x128xf32, #tpu.memory_space<vmem>>) dst(%dma_wait3A_44 : memref<10240x128xf32, #tpu.memory_space<vmem_shared>>)
      %dma_wait3A_45 = arith.constant 0 : i32
      %dma_wait3A_46 = arith.constant 64 : i32
      %dma_wait3A_47 = tpu.memref_slice %arg9[%dma_wait3A_45, %dma_wait3A_46] : memref<81x128xi32, #tpu.memory_space<vmem>> -> memref<1x64xi32, #tpu.memory_space<vmem>>
      %dma_wait3A_48 = tpu.memref_squeeze %dma_wait3A_47 : memref<1x64xi32, #tpu.memory_space<vmem>> -> memref<64xi32, #tpu.memory_space<vmem>>
      %dma_wait3A_49 = arith.constant 0 : i32
      %dma_wait3A_50 = arith.constant 0 : i32
      %dma_wait3A_51 = tpu.memref_slice %arg14[%dma_wait3A_49, %dma_wait3A_50] : memref<10240x128xf32, #tpu.memory_space<vmem_shared>> -> memref<10240x128xf32, #tpu.memory_space<vmem_shared>>
      tpu.wait_indirect_dma semaphore(%arg19 : memref<!tpu.dma_semaphore, #tpu.memory_space<semaphore_mem>>) src(%arg12 : memref<64x128xf32, #tpu.memory_space<vmem>>) dst(%dma_wait3A_51 : memref<10240x128xf32, #tpu.memory_space<vmem_shared>>)
      %dma_wait3A_52 = arith.constant 1 : i32
      %dma_wait3A_53 = arith.constant 0 : i32
      %dma_wait3A_54 = tpu.memref_slice %arg9[%dma_wait3A_52, %dma_wait3A_53] : memref<81x128xi32, #tpu.memory_space<vmem>> -> memref<1x64xi32, #tpu.memory_space<vmem>>
      %dma_wait3A_55 = tpu.memref_squeeze %dma_wait3A_54 : memref<1x64xi32, #tpu.memory_space<vmem>> -> memref<64xi32, #tpu.memory_space<vmem>>
      %dma_wait3A_56 = arith.constant 0 : i32
      %dma_wait3A_57 = arith.constant 0 : i32
      %dma_wait3A_58 = tpu.memref_slice %arg14[%dma_wait3A_56, %dma_wait3A_57] : memref<10240x128xf32, #tpu.memory_space<vmem_shared>> -> memref<10240x128xf32, #tpu.memory_space<vmem_shared>>
      tpu.wait_indirect_dma semaphore(%arg20 : memref<!tpu.dma_semaphore, #tpu.memory_space<semaphore_mem>>) src(%arg13 : memref<64x128xf32, #tpu.memory_space<vmem>>) dst(%dma_wait3A_58 : memref<10240x128xf32, #tpu.memory_space<vmem_shared>>)
    } else {
    }
    %eq3A_5 = arith.constant 1 : i32
    %eq3A_6 = arith.cmpi eq, %arg0, %eq3A_5 : i32
    %convert_element_type3A_7 = arith.extui %eq3A_6 : i1 to i32
    %cond3A_8 = arith.constant 0 : i32
    %cond3A_9 = arith.cmpi ne, %convert_element_type3A_7, %cond3A_8 : i32
    scf.if %cond3A_9 {
      %scan3A = arith.constant 0 : i32
      %scan3A_21 = arith.constant 0 : i32
      %scan3A_22 = arith.constant 54 : i32
      %scan3A_23 = arith.addi %scan3A_21, %scan3A_22 : i32
      %scan3A_24 = arith.constant 1 : i32
      scf.for %scan3A_59 = %scan3A_21 to %scan3A_23 step %scan3A_24  : i32 {
        %mul3A_60 = arith.constant 3 : i32
        %mul3A_61 = arith.muli %scan3A_59, %mul3A_60 : i32
        %add3A = arith.constant 0 : i32
        %add3A_62 = arith.addi %mul3A_61, %add3A : i32
        %ge3A = arith.constant 3 : i32
        %ge3A_63 = arith.cmpi sge, %add3A_62, %ge3A : i32
        %convert_element_type3A_64 = arith.extui %ge3A_63 : i1 to i32
        %cond3A_65 = arith.constant 0 : i32
        %cond3A_66 = arith.cmpi ne, %convert_element_type3A_64, %cond3A_65 : i32
        scf.if %cond3A_66 {
          %sub3A = arith.constant 3 : i32
          %sub3A_131 = arith.subi %add3A_62, %sub3A : i32
          %shift_right_arithmetic3A_132 = arith.constant 1 : i32
          %shift_right_arithmetic3A_133 = arith.shrsi %sub3A_131, %shift_right_arithmetic3A_132 : i32
          %and3A_134 = arith.constant 1 : i32
          %and3A_135 = arith.andi %sub3A_131, %and3A_134 : i32
          %mul3A_136 = arith.constant 64 : i32
          %mul3A_137 = arith.muli %and3A_135, %mul3A_136 : i32
          %dma_wait3A_138 = tpu.memref_slice %arg9[%shift_right_arithmetic3A_133, %mul3A_137] : memref<81x128xi32, #tpu.memory_space<vmem>> -> memref<1x64xi32, #tpu.memory_space<vmem>>
          %dma_wait3A_139 = tpu.memref_squeeze %dma_wait3A_138 : memref<1x64xi32, #tpu.memory_space<vmem>> -> memref<64xi32, #tpu.memory_space<vmem>>
          %dma_wait3A_140 = arith.constant 0 : i32
          %dma_wait3A_141 = arith.constant 0 : i32
          %dma_wait3A_142 = tpu.memref_slice %arg14[%dma_wait3A_140, %dma_wait3A_141] : memref<10240x128xf32, #tpu.memory_space<vmem_shared>> -> memref<10240x128xf32, #tpu.memory_space<vmem_shared>>
          tpu.wait_indirect_dma semaphore(%arg18 : memref<!tpu.dma_semaphore, #tpu.memory_space<semaphore_mem>>) src(%arg11 : memref<64x128xf32, #tpu.memory_space<vmem>>) dst(%dma_wait3A_142 : memref<10240x128xf32, #tpu.memory_space<vmem_shared>>)
        } else {
        }
        %shift_right_arithmetic3A = arith.constant 1 : i32
        %shift_right_arithmetic3A_67 = arith.shrsi %add3A_62, %shift_right_arithmetic3A : i32
        %and3A = arith.constant 1 : i32
        %and3A_68 = arith.andi %add3A_62, %and3A : i32
        %mul3A_69 = arith.constant 64 : i32
        %mul3A_70 = arith.muli %and3A_68, %mul3A_69 : i32
        %dma_start3A_71 = tpu.memref_slice %arg10[%shift_right_arithmetic3A_67, %mul3A_70] : memref<81x128xi32, #tpu.memory_space<vmem>> -> memref<1x64xi32, #tpu.memory_space<vmem>>
        %dma_start3A_72 = tpu.memref_squeeze %dma_start3A_71 : memref<1x64xi32, #tpu.memory_space<vmem>> -> memref<64xi32, #tpu.memory_space<vmem>>
        %dma_start3A_73 = arith.constant 0 : i32
        %dma_start3A_74 = arith.constant 0 : i32
        %dma_start3A_75 = tpu.memref_slice %arg3[%dma_start3A_73, %dma_start3A_74] : memref<10240x128xf32, #tpu.memory_space<hbm>> -> memref<10240x128xf32, #tpu.memory_space<hbm>>
        tpu.enqueue_indirect_dma source(%dma_start3A_75 : memref<10240x128xf32, #tpu.memory_space<hbm>>) target(%arg11 : memref<64x128xf32, #tpu.memory_space<vmem>>) offsets(%dma_start3A_72 : memref<64xi32, #tpu.memory_space<vmem>>) semaphore(%arg15 : memref<!tpu.dma_semaphore, #tpu.memory_space<semaphore_mem>>)
        %ge3A_76 = arith.constant 1 : i32
        %ge3A_77 = arith.cmpi sge, %add3A_62, %ge3A_76 : i32
        %convert_element_type3A_78 = arith.extui %ge3A_77 : i1 to i32
        %cond3A_79 = arith.constant 0 : i32
        %cond3A_80 = arith.cmpi ne, %convert_element_type3A_78, %cond3A_79 : i32
        scf.if %cond3A_80 {
          %sub3A = arith.constant 1 : i32
          %sub3A_131 = arith.subi %add3A_62, %sub3A : i32
          %shift_right_arithmetic3A_132 = arith.constant 1 : i32
          %shift_right_arithmetic3A_133 = arith.shrsi %sub3A_131, %shift_right_arithmetic3A_132 : i32
          %and3A_134 = arith.constant 1 : i32
          %and3A_135 = arith.andi %sub3A_131, %and3A_134 : i32
          %mul3A_136 = arith.constant 64 : i32
          %mul3A_137 = arith.muli %and3A_135, %mul3A_136 : i32
          %dma_wait3A_138 = tpu.memref_slice %arg10[%shift_right_arithmetic3A_133, %mul3A_137] : memref<81x128xi32, #tpu.memory_space<vmem>> -> memref<1x64xi32, #tpu.memory_space<vmem>>
          %dma_wait3A_139 = tpu.memref_squeeze %dma_wait3A_138 : memref<1x64xi32, #tpu.memory_space<vmem>> -> memref<64xi32, #tpu.memory_space<vmem>>
          %dma_wait3A_140 = arith.constant 0 : i32
          %dma_wait3A_141 = arith.constant 0 : i32
          %dma_wait3A_142 = tpu.memref_slice %arg3[%dma_wait3A_140, %dma_wait3A_141] : memref<10240x128xf32, #tpu.memory_space<hbm>> -> memref<10240x128xf32, #tpu.memory_space<hbm>>
          tpu.wait_indirect_dma semaphore(%arg17 : memref<!tpu.dma_semaphore, #tpu.memory_space<semaphore_mem>>) src(%dma_wait3A_142 : memref<10240x128xf32, #tpu.memory_space<hbm>>) dst(%arg13 : memref<64x128xf32, #tpu.memory_space<vmem>>)
          %sub3A_143 = arith.constant 1 : i32
          %sub3A_144 = arith.subi %add3A_62, %sub3A_143 : i32
          %shift_right_arithmetic3A_145 = arith.constant 1 : i32
          %shift_right_arithmetic3A_146 = arith.shrsi %sub3A_144, %shift_right_arithmetic3A_145 : i32
          %and3A_147 = arith.constant 1 : i32
          %and3A_148 = arith.andi %sub3A_144, %and3A_147 : i32
          %mul3A_149 = arith.constant 64 : i32
          %mul3A_150 = arith.muli %and3A_148, %mul3A_149 : i32
          %dma_start3A_151 = tpu.memref_slice %arg9[%shift_right_arithmetic3A_146, %mul3A_150] : memref<81x128xi32, #tpu.memory_space<vmem>> -> memref<1x64xi32, #tpu.memory_space<vmem>>
          %dma_start3A_152 = tpu.memref_squeeze %dma_start3A_151 : memref<1x64xi32, #tpu.memory_space<vmem>> -> memref<64xi32, #tpu.memory_space<vmem>>
          %dma_start3A_153 = arith.constant 0 : i32
          %dma_start3A_154 = arith.constant 0 : i32
          %dma_start3A_155 = tpu.memref_slice %arg14[%dma_start3A_153, %dma_start3A_154] : memref<10240x128xf32, #tpu.memory_space<vmem_shared>> -> memref<10240x128xf32, #tpu.memory_space<vmem_shared>>
          tpu.enqueue_indirect_dma source(%arg13 : memref<64x128xf32, #tpu.memory_space<vmem>>) target(%dma_start3A_155 : memref<10240x128xf32, #tpu.memory_space<vmem_shared>>) offsets(%dma_start3A_152 : memref<64xi32, #tpu.memory_space<vmem>>) semaphore(%arg20 : memref<!tpu.dma_semaphore, #tpu.memory_space<semaphore_mem>>) {add = true}
        } else {
        }
        %mul3A_81 = arith.constant 3 : i32
        %mul3A_82 = arith.muli %scan3A_59, %mul3A_81 : i32
        %add3A_83 = arith.constant 1 : i32
        %add3A_84 = arith.addi %mul3A_82, %add3A_83 : i32
        %ge3A_85 = arith.constant 3 : i32
        %ge3A_86 = arith.cmpi sge, %add3A_84, %ge3A_85 : i32
        %convert_element_type3A_87 = arith.extui %ge3A_86 : i1 to i32
        %cond3A_88 = arith.constant 0 : i32
        %cond3A_89 = arith.cmpi ne, %convert_element_type3A_87, %cond3A_88 : i32
        scf.if %cond3A_89 {
          %sub3A = arith.constant 3 : i32
          %sub3A_131 = arith.subi %add3A_84, %sub3A : i32
          %shift_right_arithmetic3A_132 = arith.constant 1 : i32
          %shift_right_arithmetic3A_133 = arith.shrsi %sub3A_131, %shift_right_arithmetic3A_132 : i32
          %and3A_134 = arith.constant 1 : i32
          %and3A_135 = arith.andi %sub3A_131, %and3A_134 : i32
          %mul3A_136 = arith.constant 64 : i32
          %mul3A_137 = arith.muli %and3A_135, %mul3A_136 : i32
          %dma_wait3A_138 = tpu.memref_slice %arg9[%shift_right_arithmetic3A_133, %mul3A_137] : memref<81x128xi32, #tpu.memory_space<vmem>> -> memref<1x64xi32, #tpu.memory_space<vmem>>
          %dma_wait3A_139 = tpu.memref_squeeze %dma_wait3A_138 : memref<1x64xi32, #tpu.memory_space<vmem>> -> memref<64xi32, #tpu.memory_space<vmem>>
          %dma_wait3A_140 = arith.constant 0 : i32
          %dma_wait3A_141 = arith.constant 0 : i32
          %dma_wait3A_142 = tpu.memref_slice %arg14[%dma_wait3A_140, %dma_wait3A_141] : memref<10240x128xf32, #tpu.memory_space<vmem_shared>> -> memref<10240x128xf32, #tpu.memory_space<vmem_shared>>
          tpu.wait_indirect_dma semaphore(%arg19 : memref<!tpu.dma_semaphore, #tpu.memory_space<semaphore_mem>>) src(%arg12 : memref<64x128xf32, #tpu.memory_space<vmem>>) dst(%dma_wait3A_142 : memref<10240x128xf32, #tpu.memory_space<vmem_shared>>)
        } else {
        }
        %shift_right_arithmetic3A_90 = arith.constant 1 : i32
        %shift_right_arithmetic3A_91 = arith.shrsi %add3A_84, %shift_right_arithmetic3A_90 : i32
        %and3A_92 = arith.constant 1 : i32
        %and3A_93 = arith.andi %add3A_84, %and3A_92 : i32
        %mul3A_94 = arith.constant 64 : i32
        %mul3A_95 = arith.muli %and3A_93, %mul3A_94 : i32
        %dma_start3A_96 = tpu.memref_slice %arg10[%shift_right_arithmetic3A_91, %mul3A_95] : memref<81x128xi32, #tpu.memory_space<vmem>> -> memref<1x64xi32, #tpu.memory_space<vmem>>
        %dma_start3A_97 = tpu.memref_squeeze %dma_start3A_96 : memref<1x64xi32, #tpu.memory_space<vmem>> -> memref<64xi32, #tpu.memory_space<vmem>>
        %dma_start3A_98 = arith.constant 0 : i32
        %dma_start3A_99 = arith.constant 0 : i32
        %dma_start3A_100 = tpu.memref_slice %arg3[%dma_start3A_98, %dma_start3A_99] : memref<10240x128xf32, #tpu.memory_space<hbm>> -> memref<10240x128xf32, #tpu.memory_space<hbm>>
        tpu.enqueue_indirect_dma source(%dma_start3A_100 : memref<10240x128xf32, #tpu.memory_space<hbm>>) target(%arg12 : memref<64x128xf32, #tpu.memory_space<vmem>>) offsets(%dma_start3A_97 : memref<64xi32, #tpu.memory_space<vmem>>) semaphore(%arg16 : memref<!tpu.dma_semaphore, #tpu.memory_space<semaphore_mem>>)
        %ge3A_101 = arith.constant 1 : i32
        %ge3A_102 = arith.cmpi sge, %add3A_84, %ge3A_101 : i32
        %convert_element_type3A_103 = arith.extui %ge3A_102 : i1 to i32
        %cond3A_104 = arith.constant 0 : i32
        %cond3A_105 = arith.cmpi ne, %convert_element_type3A_103, %cond3A_104 : i32
        scf.if %cond3A_105 {
          %sub3A = arith.constant 1 : i32
          %sub3A_131 = arith.subi %add3A_84, %sub3A : i32
          %shift_right_arithmetic3A_132 = arith.constant 1 : i32
          %shift_right_arithmetic3A_133 = arith.shrsi %sub3A_131, %shift_right_arithmetic3A_132 : i32
          %and3A_134 = arith.constant 1 : i32
          %and3A_135 = arith.andi %sub3A_131, %and3A_134 : i32
          %mul3A_136 = arith.constant 64 : i32
          %mul3A_137 = arith.muli %and3A_135, %mul3A_136 : i32
          %dma_wait3A_138 = tpu.memref_slice %arg10[%shift_right_arithmetic3A_133, %mul3A_137] : memref<81x128xi32, #tpu.memory_space<vmem>> -> memref<1x64xi32, #tpu.memory_space<vmem>>
          %dma_wait3A_139 = tpu.memref_squeeze %dma_wait3A_138 : memref<1x64xi32, #tpu.memory_space<vmem>> -> memref<64xi32, #tpu.memory_space<vmem>>
          %dma_wait3A_140 = arith.constant 0 : i32
          %dma_wait3A_141 = arith.constant 0 : i32
          %dma_wait3A_142 = tpu.memref_slice %arg3[%dma_wait3A_140, %dma_wait3A_141] : memref<10240x128xf32, #tpu.memory_space<hbm>> -> memref<10240x128xf32, #tpu.memory_space<hbm>>
          tpu.wait_indirect_dma semaphore(%arg15 : memref<!tpu.dma_semaphore, #tpu.memory_space<semaphore_mem>>) src(%dma_wait3A_142 : memref<10240x128xf32, #tpu.memory_space<hbm>>) dst(%arg11 : memref<64x128xf32, #tpu.memory_space<vmem>>)
          %sub3A_143 = arith.constant 1 : i32
          %sub3A_144 = arith.subi %add3A_84, %sub3A_143 : i32
          %shift_right_arithmetic3A_145 = arith.constant 1 : i32
          %shift_right_arithmetic3A_146 = arith.shrsi %sub3A_144, %shift_right_arithmetic3A_145 : i32
          %and3A_147 = arith.constant 1 : i32
          %and3A_148 = arith.andi %sub3A_144, %and3A_147 : i32
          %mul3A_149 = arith.constant 64 : i32
          %mul3A_150 = arith.muli %and3A_148, %mul3A_149 : i32
          %dma_start3A_151 = tpu.memref_slice %arg9[%shift_right_arithmetic3A_146, %mul3A_150] : memref<81x128xi32, #tpu.memory_space<vmem>> -> memref<1x64xi32, #tpu.memory_space<vmem>>
          %dma_start3A_152 = tpu.memref_squeeze %dma_start3A_151 : memref<1x64xi32, #tpu.memory_space<vmem>> -> memref<64xi32, #tpu.memory_space<vmem>>
          %dma_start3A_153 = arith.constant 0 : i32
          %dma_start3A_154 = arith.constant 0 : i32
          %dma_start3A_155 = tpu.memref_slice %arg14[%dma_start3A_153, %dma_start3A_154] : memref<10240x128xf32, #tpu.memory_space<vmem_shared>> -> memref<10240x128xf32, #tpu.memory_space<vmem_shared>>
          tpu.enqueue_indirect_dma source(%arg11 : memref<64x128xf32, #tpu.memory_space<vmem>>) target(%dma_start3A_155 : memref<10240x128xf32, #tpu.memory_space<vmem_shared>>) offsets(%dma_start3A_152 : memref<64xi32, #tpu.memory_space<vmem>>) semaphore(%arg18 : memref<!tpu.dma_semaphore, #tpu.memory_space<semaphore_mem>>) {add = true}
        } else {
        }
        %mul3A_106 = arith.constant 3 : i32
        %mul3A_107 = arith.muli %scan3A_59, %mul3A_106 : i32
        %add3A_108 = arith.constant 2 : i32
        %add3A_109 = arith.addi %mul3A_107, %add3A_108 : i32
        %ge3A_110 = arith.constant 3 : i32
        %ge3A_111 = arith.cmpi sge, %add3A_109, %ge3A_110 : i32
        %convert_element_type3A_112 = arith.extui %ge3A_111 : i1 to i32
        %cond3A_113 = arith.constant 0 : i32
        %cond3A_114 = arith.cmpi ne, %convert_element_type3A_112, %cond3A_113 : i32
        scf.if %cond3A_114 {
          %sub3A = arith.constant 3 : i32
          %sub3A_131 = arith.subi %add3A_109, %sub3A : i32
          %shift_right_arithmetic3A_132 = arith.constant 1 : i32
          %shift_right_arithmetic3A_133 = arith.shrsi %sub3A_131, %shift_right_arithmetic3A_132 : i32
          %and3A_134 = arith.constant 1 : i32
          %and3A_135 = arith.andi %sub3A_131, %and3A_134 : i32
          %mul3A_136 = arith.constant 64 : i32
          %mul3A_137 = arith.muli %and3A_135, %mul3A_136 : i32
          %dma_wait3A_138 = tpu.memref_slice %arg9[%shift_right_arithmetic3A_133, %mul3A_137] : memref<81x128xi32, #tpu.memory_space<vmem>> -> memref<1x64xi32, #tpu.memory_space<vmem>>
          %dma_wait3A_139 = tpu.memref_squeeze %dma_wait3A_138 : memref<1x64xi32, #tpu.memory_space<vmem>> -> memref<64xi32, #tpu.memory_space<vmem>>
          %dma_wait3A_140 = arith.constant 0 : i32
          %dma_wait3A_141 = arith.constant 0 : i32
          %dma_wait3A_142 = tpu.memref_slice %arg14[%dma_wait3A_140, %dma_wait3A_141] : memref<10240x128xf32, #tpu.memory_space<vmem_shared>> -> memref<10240x128xf32, #tpu.memory_space<vmem_shared>>
          tpu.wait_indirect_dma semaphore(%arg20 : memref<!tpu.dma_semaphore, #tpu.memory_space<semaphore_mem>>) src(%arg13 : memref<64x128xf32, #tpu.memory_space<vmem>>) dst(%dma_wait3A_142 : memref<10240x128xf32, #tpu.memory_space<vmem_shared>>)
        } else {
        }
        %shift_right_arithmetic3A_115 = arith.constant 1 : i32
        %shift_right_arithmetic3A_116 = arith.shrsi %add3A_109, %shift_right_arithmetic3A_115 : i32
        %and3A_117 = arith.constant 1 : i32
        %and3A_118 = arith.andi %add3A_109, %and3A_117 : i32
        %mul3A_119 = arith.constant 64 : i32
        %mul3A_120 = arith.muli %and3A_118, %mul3A_119 : i32
        %dma_start3A_121 = tpu.memref_slice %arg10[%shift_right_arithmetic3A_116, %mul3A_120] : memref<81x128xi32, #tpu.memory_space<vmem>> -> memref<1x64xi32, #tpu.memory_space<vmem>>
        %dma_start3A_122 = tpu.memref_squeeze %dma_start3A_121 : memref<1x64xi32, #tpu.memory_space<vmem>> -> memref<64xi32, #tpu.memory_space<vmem>>
        %dma_start3A_123 = arith.constant 0 : i32
        %dma_start3A_124 = arith.constant 0 : i32
        %dma_start3A_125 = tpu.memref_slice %arg3[%dma_start3A_123, %dma_start3A_124] : memref<10240x128xf32, #tpu.memory_space<hbm>> -> memref<10240x128xf32, #tpu.memory_space<hbm>>
        tpu.enqueue_indirect_dma source(%dma_start3A_125 : memref<10240x128xf32, #tpu.memory_space<hbm>>) target(%arg13 : memref<64x128xf32, #tpu.memory_space<vmem>>) offsets(%dma_start3A_122 : memref<64xi32, #tpu.memory_space<vmem>>) semaphore(%arg17 : memref<!tpu.dma_semaphore, #tpu.memory_space<semaphore_mem>>)
        %ge3A_126 = arith.constant 1 : i32
        %ge3A_127 = arith.cmpi sge, %add3A_109, %ge3A_126 : i32
        %convert_element_type3A_128 = arith.extui %ge3A_127 : i1 to i32
        %cond3A_129 = arith.constant 0 : i32
        %cond3A_130 = arith.cmpi ne, %convert_element_type3A_128, %cond3A_129 : i32
        scf.if %cond3A_130 {
          %sub3A = arith.constant 1 : i32
          %sub3A_131 = arith.subi %add3A_109, %sub3A : i32
          %shift_right_arithmetic3A_132 = arith.constant 1 : i32
          %shift_right_arithmetic3A_133 = arith.shrsi %sub3A_131, %shift_right_arithmetic3A_132 : i32
          %and3A_134 = arith.constant 1 : i32
          %and3A_135 = arith.andi %sub3A_131, %and3A_134 : i32
          %mul3A_136 = arith.constant 64 : i32
          %mul3A_137 = arith.muli %and3A_135, %mul3A_136 : i32
          %dma_wait3A_138 = tpu.memref_slice %arg10[%shift_right_arithmetic3A_133, %mul3A_137] : memref<81x128xi32, #tpu.memory_space<vmem>> -> memref<1x64xi32, #tpu.memory_space<vmem>>
          %dma_wait3A_139 = tpu.memref_squeeze %dma_wait3A_138 : memref<1x64xi32, #tpu.memory_space<vmem>> -> memref<64xi32, #tpu.memory_space<vmem>>
          %dma_wait3A_140 = arith.constant 0 : i32
          %dma_wait3A_141 = arith.constant 0 : i32
          %dma_wait3A_142 = tpu.memref_slice %arg3[%dma_wait3A_140, %dma_wait3A_141] : memref<10240x128xf32, #tpu.memory_space<hbm>> -> memref<10240x128xf32, #tpu.memory_space<hbm>>
          tpu.wait_indirect_dma semaphore(%arg16 : memref<!tpu.dma_semaphore, #tpu.memory_space<semaphore_mem>>) src(%dma_wait3A_142 : memref<10240x128xf32, #tpu.memory_space<hbm>>) dst(%arg12 : memref<64x128xf32, #tpu.memory_space<vmem>>)
          %sub3A_143 = arith.constant 1 : i32
          %sub3A_144 = arith.subi %add3A_109, %sub3A_143 : i32
          %shift_right_arithmetic3A_145 = arith.constant 1 : i32
          %shift_right_arithmetic3A_146 = arith.shrsi %sub3A_144, %shift_right_arithmetic3A_145 : i32
          %and3A_147 = arith.constant 1 : i32
          %and3A_148 = arith.andi %sub3A_144, %and3A_147 : i32
          %mul3A_149 = arith.constant 64 : i32
          %mul3A_150 = arith.muli %and3A_148, %mul3A_149 : i32
          %dma_start3A_151 = tpu.memref_slice %arg9[%shift_right_arithmetic3A_146, %mul3A_150] : memref<81x128xi32, #tpu.memory_space<vmem>> -> memref<1x64xi32, #tpu.memory_space<vmem>>
          %dma_start3A_152 = tpu.memref_squeeze %dma_start3A_151 : memref<1x64xi32, #tpu.memory_space<vmem>> -> memref<64xi32, #tpu.memory_space<vmem>>
          %dma_start3A_153 = arith.constant 0 : i32
          %dma_start3A_154 = arith.constant 0 : i32
          %dma_start3A_155 = tpu.memref_slice %arg14[%dma_start3A_153, %dma_start3A_154] : memref<10240x128xf32, #tpu.memory_space<vmem_shared>> -> memref<10240x128xf32, #tpu.memory_space<vmem_shared>>
          tpu.enqueue_indirect_dma source(%arg12 : memref<64x128xf32, #tpu.memory_space<vmem>>) target(%dma_start3A_155 : memref<10240x128xf32, #tpu.memory_space<vmem_shared>>) offsets(%dma_start3A_152 : memref<64xi32, #tpu.memory_space<vmem>>) semaphore(%arg19 : memref<!tpu.dma_semaphore, #tpu.memory_space<semaphore_mem>>) {add = true}
        } else {
        }
      }
      %scan3A_25 = arith.constant 54 : i32
      %dma_wait3A = arith.constant 80 : i32
      %dma_wait3A_26 = arith.constant 64 : i32
      %dma_wait3A_27 = tpu.memref_slice %arg10[%dma_wait3A, %dma_wait3A_26] : memref<81x128xi32, #tpu.memory_space<vmem>> -> memref<1x64xi32, #tpu.memory_space<vmem>>
      %dma_wait3A_28 = tpu.memref_squeeze %dma_wait3A_27 : memref<1x64xi32, #tpu.memory_space<vmem>> -> memref<64xi32, #tpu.memory_space<vmem>>
      %dma_wait3A_29 = arith.constant 0 : i32
      %dma_wait3A_30 = arith.constant 0 : i32
      %dma_wait3A_31 = tpu.memref_slice %arg3[%dma_wait3A_29, %dma_wait3A_30] : memref<10240x128xf32, #tpu.memory_space<hbm>> -> memref<10240x128xf32, #tpu.memory_space<hbm>>
      tpu.wait_indirect_dma semaphore(%arg17 : memref<!tpu.dma_semaphore, #tpu.memory_space<semaphore_mem>>) src(%dma_wait3A_31 : memref<10240x128xf32, #tpu.memory_space<hbm>>) dst(%arg13 : memref<64x128xf32, #tpu.memory_space<vmem>>)
      %dma_start3A = arith.constant 80 : i32
      %dma_start3A_32 = arith.constant 64 : i32
      %dma_start3A_33 = tpu.memref_slice %arg9[%dma_start3A, %dma_start3A_32] : memref<81x128xi32, #tpu.memory_space<vmem>> -> memref<1x64xi32, #tpu.memory_space<vmem>>
      %dma_start3A_34 = tpu.memref_squeeze %dma_start3A_33 : memref<1x64xi32, #tpu.memory_space<vmem>> -> memref<64xi32, #tpu.memory_space<vmem>>
      %dma_start3A_35 = arith.constant 0 : i32
      %dma_start3A_36 = arith.constant 0 : i32
      %dma_start3A_37 = tpu.memref_slice %arg14[%dma_start3A_35, %dma_start3A_36] : memref<10240x128xf32, #tpu.memory_space<vmem_shared>> -> memref<10240x128xf32, #tpu.memory_space<vmem_shared>>
      tpu.enqueue_indirect_dma source(%arg13 : memref<64x128xf32, #tpu.memory_space<vmem>>) target(%dma_start3A_37 : memref<10240x128xf32, #tpu.memory_space<vmem_shared>>) offsets(%dma_start3A_34 : memref<64xi32, #tpu.memory_space<vmem>>) semaphore(%arg20 : memref<!tpu.dma_semaphore, #tpu.memory_space<semaphore_mem>>) {add = true}
      %dma_wait3A_38 = arith.constant 0 : i32
      %dma_wait3A_39 = arith.constant 0 : i32
      %dma_wait3A_40 = tpu.memref_slice %arg9[%dma_wait3A_38, %dma_wait3A_39] : memref<81x128xi32, #tpu.memory_space<vmem>> -> memref<1x64xi32, #tpu.memory_space<vmem>>
      %dma_wait3A_41 = tpu.memref_squeeze %dma_wait3A_40 : memref<1x64xi32, #tpu.memory_space<vmem>> -> memref<64xi32, #tpu.memory_space<vmem>>
      %dma_wait3A_42 = arith.constant 0 : i32
      %dma_wait3A_43 = arith.constant 0 : i32
      %dma_wait3A_44 = tpu.memref_slice %arg14[%dma_wait3A_42, %dma_wait3A_43] : memref<10240x128xf32, #tpu.memory_space<vmem_shared>> -> memref<10240x128xf32, #tpu.memory_space<vmem_shared>>
      tpu.wait_indirect_dma semaphore(%arg18 : memref<!tpu.dma_semaphore, #tpu.memory_space<semaphore_mem>>) src(%arg11 : memref<64x128xf32, #tpu.memory_space<vmem>>) dst(%dma_wait3A_44 : memref<10240x128xf32, #tpu.memory_space<vmem_shared>>)
      %dma_wait3A_45 = arith.constant 0 : i32
      %dma_wait3A_46 = arith.constant 64 : i32
      %dma_wait3A_47 = tpu.memref_slice %arg9[%dma_wait3A_45, %dma_wait3A_46] : memref<81x128xi32, #tpu.memory_space<vmem>> -> memref<1x64xi32, #tpu.memory_space<vmem>>
      %dma_wait3A_48 = tpu.memref_squeeze %dma_wait3A_47 : memref<1x64xi32, #tpu.memory_space<vmem>> -> memref<64xi32, #tpu.memory_space<vmem>>
      %dma_wait3A_49 = arith.constant 0 : i32
      %dma_wait3A_50 = arith.constant 0 : i32
      %dma_wait3A_51 = tpu.memref_slice %arg14[%dma_wait3A_49, %dma_wait3A_50] : memref<10240x128xf32, #tpu.memory_space<vmem_shared>> -> memref<10240x128xf32, #tpu.memory_space<vmem_shared>>
      tpu.wait_indirect_dma semaphore(%arg19 : memref<!tpu.dma_semaphore, #tpu.memory_space<semaphore_mem>>) src(%arg12 : memref<64x128xf32, #tpu.memory_space<vmem>>) dst(%dma_wait3A_51 : memref<10240x128xf32, #tpu.memory_space<vmem_shared>>)
      %dma_wait3A_52 = arith.constant 1 : i32
      %dma_wait3A_53 = arith.constant 0 : i32
      %dma_wait3A_54 = tpu.memref_slice %arg9[%dma_wait3A_52, %dma_wait3A_53] : memref<81x128xi32, #tpu.memory_space<vmem>> -> memref<1x64xi32, #tpu.memory_space<vmem>>
      %dma_wait3A_55 = tpu.memref_squeeze %dma_wait3A_54 : memref<1x64xi32, #tpu.memory_space<vmem>> -> memref<64xi32, #tpu.memory_space<vmem>>
      %dma_wait3A_56 = arith.constant 0 : i32
      %dma_wait3A_57 = arith.constant 0 : i32
      %dma_wait3A_58 = tpu.memref_slice %arg14[%dma_wait3A_56, %dma_wait3A_57] : memref<10240x128xf32, #tpu.memory_space<vmem_shared>> -> memref<10240x128xf32, #tpu.memory_space<vmem_shared>>
      tpu.wait_indirect_dma semaphore(%arg20 : memref<!tpu.dma_semaphore, #tpu.memory_space<semaphore_mem>>) src(%arg13 : memref<64x128xf32, #tpu.memory_space<vmem>>) dst(%dma_wait3A_58 : memref<10240x128xf32, #tpu.memory_space<vmem_shared>>)
    } else {
    }
    %barrier3A_10 = arith.constant 0 : index
    tpu.barrier barrier_id(%barrier3A_10)
    %eq3A_11 = arith.constant 0 : i32
    %eq3A_12 = arith.cmpi eq, %arg0, %eq3A_11 : i32
    %convert_element_type3A_13 = arith.extui %eq3A_12 : i1 to i32
    %cond3A_14 = arith.constant 0 : i32
    %cond3A_15 = arith.cmpi ne, %convert_element_type3A_13, %cond3A_14 : i32
    scf.if %cond3A_15 {
      %mul3A_21 = arith.constant 640 : i32
      %mul3A_22 = arith.muli %arg1, %mul3A_21 : i32
      %mul3A_23 = arith.constant 640 : i32
      %mul3A_24 = arith.muli %arg1, %mul3A_23 : i32
      "tpu.region"() ({
        %run_scoped3A = tpu.sem_alloc : memref<!tpu.dma_semaphore, #tpu.memory_space<semaphore_mem>>
        %dma_start3A = arith.constant 0 : i32
        %dma_start3A_25 = tpu.memref_slice %arg7[%mul3A_24, %dma_start3A] : memref<10240x128xf32, #tpu.memory_space<hbm>> -> memref<640x128xf32, #tpu.memory_space<hbm>>
        %dma_start3A_26 = arith.constant 0 : i32
        %dma_start3A_27 = tpu.memref_slice %arg14[%mul3A_22, %dma_start3A_26] : memref<10240x128xf32, #tpu.memory_space<vmem_shared>> -> memref<640x128xf32, #tpu.memory_space<vmem_shared>>
        tpu.enqueue_dma source(%dma_start3A_27 : memref<640x128xf32, #tpu.memory_space<vmem_shared>>) target(%dma_start3A_25 : memref<640x128xf32, #tpu.memory_space<hbm>>) target_semaphore(%run_scoped3A : memref<!tpu.dma_semaphore, #tpu.memory_space<semaphore_mem>>)
        %dma_wait3A = arith.constant 0 : i32
        %dma_wait3A_28 = tpu.memref_slice %arg7[%mul3A_24, %dma_wait3A] : memref<10240x128xf32, #tpu.memory_space<hbm>> -> memref<640x128xf32, #tpu.memory_space<hbm>>
        %dma_wait3A_29 = arith.constant 0 : i32
        %dma_wait3A_30 = tpu.memref_slice %arg14[%mul3A_22, %dma_wait3A_29] : memref<10240x128xf32, #tpu.memory_space<vmem_shared>> -> memref<640x128xf32, #tpu.memory_space<vmem_shared>>
        tpu.wait_dma2 semaphore(%run_scoped3A : memref<!tpu.dma_semaphore, #tpu.memory_space<semaphore_mem>>) src(%dma_wait3A_30 : memref<640x128xf32, #tpu.memory_space<vmem_shared>>) dst(%dma_wait3A_28 : memref<640x128xf32, #tpu.memory_space<hbm>>)
        tpu.yield
      }) : () -> ()
    } else {
    }
    %eq3A_16 = arith.constant 1 : i32
    %eq3A_17 = arith.cmpi eq, %arg0, %eq3A_16 : i32
    %convert_element_type3A_18 = arith.extui %eq3A_17 : i1 to i32
    %cond3A_19 = arith.constant 0 : i32
    %cond3A_20 = arith.cmpi ne, %convert_element_type3A_18, %cond3A_19 : i32
    scf.if %cond3A_20 {
      %mul3A_21 = arith.constant 640 : i32
      %mul3A_22 = arith.muli %arg1, %mul3A_21 : i32
      %mul3A_23 = arith.constant 640 : i32
      %mul3A_24 = arith.muli %arg1, %mul3A_23 : i32
      "tpu.region"() ({
        %run_scoped3A = tpu.sem_alloc : memref<!tpu.dma_semaphore, #tpu.memory_space<semaphore_mem>>
        %dma_start3A = arith.constant 0 : i32
        %dma_start3A_25 = tpu.memref_slice %arg8[%mul3A_24, %dma_start3A] : memref<10240x128xf32, #tpu.memory_space<hbm>> -> memref<640x128xf32, #tpu.memory_space<hbm>>
        %dma_start3A_26 = arith.constant 0 : i32
        %dma_start3A_27 = tpu.memref_slice %arg14[%mul3A_22, %dma_start3A_26] : memref<10240x128xf32, #tpu.memory_space<vmem_shared>> -> memref<640x128xf32, #tpu.memory_space<vmem_shared>>
        tpu.enqueue_dma source(%dma_start3A_27 : memref<640x128xf32, #tpu.memory_space<vmem_shared>>) target(%dma_start3A_25 : memref<640x128xf32, #tpu.memory_space<hbm>>) target_semaphore(%run_scoped3A : memref<!tpu.dma_semaphore, #tpu.memory_space<semaphore_mem>>)
        %dma_wait3A = arith.constant 0 : i32
        %dma_wait3A_28 = tpu.memref_slice %arg8[%mul3A_24, %dma_wait3A] : memref<10240x128xf32, #tpu.memory_space<hbm>> -> memref<640x128xf32, #tpu.memory_space<hbm>>
        %dma_wait3A_29 = arith.constant 0 : i32
        %dma_wait3A_30 = tpu.memref_slice %arg14[%mul3A_22, %dma_wait3A_29] : memref<10240x128xf32, #tpu.memory_space<vmem_shared>> -> memref<640x128xf32, #tpu.memory_space<vmem_shared>>
        tpu.wait_dma2 semaphore(%run_scoped3A : memref<!tpu.dma_semaphore, #tpu.memory_space<semaphore_mem>>) src(%dma_wait3A_30 : memref<640x128xf32, #tpu.memory_space<vmem_shared>>) dst(%dma_wait3A_28 : memref<640x128xf32, #tpu.memory_space<hbm>>)
        tpu.yield
      }) : () -> ()
    } else {
    }
    return
  }
}

module attributes {stable_mosaic.version = 14 : i64} {
  func.func @_scale_body(%arg0: i32, %arg1: memref<2000x128xf32, #tpu.memory_space<vmem>>, %arg2: memref<2000x128xf32, #tpu.memory_space<vmem>>, %arg3: memref<2000x1xf32, #tpu.memory_space<vmem>>, %arg4: memref<2000x128xf32, #tpu.memory_space<vmem>>, %arg5: memref<2000x128xf32, #tpu.memory_space<vmem>>) attributes {dimension_semantics = [#tpu.dimension_semantics<arbitrary>], iteration_bounds = array<i64: 5>, scalar_prefetch = 0 : i64, scratch_operands = 0 : i64, tpu.core_type = #tpu.core_type<tc>, window_params = [{transform_indices = @transform_0, window_bounds = array<i64: 2000, 128>}, {transform_indices = @transform_1, window_bounds = array<i64: 2000, 128>}, {transform_indices = @transform_2, window_bounds = array<i64: 2000, 1>}, {transform_indices = @transform_3, window_bounds = array<i64: 2000, 128>}, {transform_indices = @transform_4, window_bounds = array<i64: 2000, 128>}]} {
    %get3A = arith.constant 0 : index
    %get3A_0 = arith.constant 0 : index
    %get3A_1 = vector.load %arg3[%get3A, %get3A_0] : memref<2000x1xf32, #tpu.memory_space<vmem>>, vector<2000x1xf32>
    %get3A_2 = arith.constant 0 : index
    %get3A_3 = arith.constant 0 : index
    %get3A_4 = vector.load %arg1[%get3A_2, %get3A_3] : memref<2000x128xf32, #tpu.memory_space<vmem>>, vector<2000x128xf32>
    %mul3A = vector.broadcast %get3A_1 : vector<2000x1xf32> to vector<2000x128xf32>
    %mul3A_5 = arith.mulf %get3A_4, %mul3A : vector<2000x128xf32>
    %swap3A = arith.constant 0 : index
    %swap3A_6 = arith.constant 0 : index
    %swap3A_7 = vector.load %arg4[%swap3A, %swap3A_6] : memref<2000x128xf32, #tpu.memory_space<vmem>>, vector<2000x128xf32>
    tpu.vector_store %arg4[%swap3A, %swap3A_6], %mul3A_5 {strides = array<i32>} : memref<2000x128xf32, #tpu.memory_space<vmem>>, vector<2000x128xf32>,
    %get3A_8 = arith.constant 0 : index
    %get3A_9 = arith.constant 0 : index
    %get3A_10 = vector.load %arg2[%get3A_8, %get3A_9] : memref<2000x128xf32, #tpu.memory_space<vmem>>, vector<2000x128xf32>
    %mul3A_11 = vector.broadcast %get3A_1 : vector<2000x1xf32> to vector<2000x128xf32>
    %mul3A_12 = arith.mulf %get3A_10, %mul3A_11 : vector<2000x128xf32>
    %swap3A_13 = arith.constant 0 : index
    %swap3A_14 = arith.constant 0 : index
    %swap3A_15 = vector.load %arg5[%swap3A_13, %swap3A_14] : memref<2000x128xf32, #tpu.memory_space<vmem>>, vector<2000x128xf32>
    tpu.vector_store %arg5[%swap3A_13, %swap3A_14], %mul3A_12 {strides = array<i32>} : memref<2000x128xf32, #tpu.memory_space<vmem>>, vector<2000x128xf32>,
    return
  }
  func.func @transform_0(%arg0: i32) -> (i32, i32) {
    %c0_i32 = arith.constant 0 : i32
    %c0_i32_0 = arith.constant 0 : i32
    return %arg0, %c0_i32 : i32, i32
  }
  func.func @transform_1(%arg0: i32) -> (i32, i32) {
    %c0_i32 = arith.constant 0 : i32
    %c0_i32_0 = arith.constant 0 : i32
    return %arg0, %c0_i32 : i32, i32
  }
  func.func @transform_2(%arg0: i32) -> (i32, i32) {
    %c0_i32 = arith.constant 0 : i32
    %c0_i32_0 = arith.constant 0 : i32
    return %arg0, %c0_i32 : i32, i32
  }
  func.func @transform_3(%arg0: i32) -> (i32, i32) {
    %c0_i32 = arith.constant 0 : i32
    %c0_i32_0 = arith.constant 0 : i32
    return %arg0, %c0_i32 : i32, i32
  }
  func.func @transform_4(%arg0: i32) -> (i32, i32) {
    %c0_i32 = arith.constant 0 : i32
    %c0_i32_0 = arith.constant 0 : i32
    return %arg0, %c0_i32 : i32, i32
  }
}

module attributes {stable_mosaic.version = 14 : i64} {
  func.func @_prep_body(%arg0: i32, %arg1: memref<2000x128xf32, #tpu.memory_space<vmem>>, %arg2: memref<2000x128xf32, #tpu.memory_space<vmem>>, %arg3: memref<2000x256xf32, #tpu.memory_space<vmem>>, %arg4: memref<2000x128xf32, #tpu.memory_space<vmem>>, %arg5: memref<2000x128xf32, #tpu.memory_space<vmem>>, %arg6: memref<2000x1xf32, #tpu.memory_space<vmem>>, %arg7: memref<2000x1xf32, #tpu.memory_space<vmem>>) attributes {dimension_semantics = [#tpu.dimension_semantics<arbitrary>], iteration_bounds = array<i64: 5>, scalar_prefetch = 0 : i64, scratch_operands = 0 : i64, tpu.core_type = #tpu.core_type<tc>, window_params = [{transform_indices = @transform_0, window_bounds = array<i64: 2000, 128>}, {transform_indices = @transform_1, window_bounds = array<i64: 2000, 128>}, {transform_indices = @transform_2, window_bounds = array<i64: 2000, 256>}, {transform_indices = @transform_3, window_bounds = array<i64: 2000, 128>}, {transform_indices = @transform_4, window_bounds = array<i64: 2000, 128>}, {transform_indices = @transform_5, window_bounds = array<i64: 2000, 1>}, {transform_indices = @transform_6, window_bounds = array<i64: 2000, 1>}]} {
    %get3A = arith.constant 0 : index
    %get3A_0 = arith.constant 0 : index
    %get3A_1 = vector.load %arg1[%get3A, %get3A_0] : memref<2000x128xf32, #tpu.memory_space<vmem>>, vector<2000x1xf32>
    %get3A_2 = arith.constant 0 : index
    %get3A_3 = arith.constant 0 : index
    %get3A_4 = vector.load %arg2[%get3A_2, %get3A_3] : memref<2000x128xf32, #tpu.memory_space<vmem>>, vector<2000x1xf32>
    %add3A = arith.addf %get3A_1, %get3A_4 : vector<2000x1xf32>
    %max3A = arith.constant 1.000000e+00 : f32
    %max3A_5 = vector.broadcast %max3A : f32 to vector<2000x1xf32>
    %max3A_6 = arith.maximumf %add3A, %max3A_5 : vector<2000x1xf32>
    %rsqrt3A = math.rsqrt %max3A_6 : vector<2000x1xf32>
    %get3A_7 = arith.constant 0 : index
    %get3A_8 = arith.constant 0 : index
    %get3A_9 = vector.load %arg3[%get3A_7, %get3A_8] : memref<2000x256xf32, #tpu.memory_space<vmem>>, vector<2000x256xf32>
    %slice3A = vector.extract_strided_slice %get3A_9 {offsets = [0, 0], sizes = [2000, 128], strides = [1, 1]} : vector<2000x256xf32> to vector<2000x128xf32>
    %mul3A = vector.broadcast %rsqrt3A : vector<2000x1xf32> to vector<2000x128xf32>
    %mul3A_10 = arith.mulf %slice3A, %mul3A : vector<2000x128xf32>
    %swap3A = arith.constant 0 : index
    %swap3A_11 = arith.constant 0 : index
    %swap3A_12 = vector.load %arg4[%swap3A, %swap3A_11] : memref<2000x128xf32, #tpu.memory_space<vmem>>, vector<2000x128xf32>
    tpu.vector_store %arg4[%swap3A, %swap3A_11], %mul3A_10 {strides = array<i32>} : memref<2000x128xf32, #tpu.memory_space<vmem>>, vector<2000x128xf32>,
    %slice3A_13 = vector.extract_strided_slice %get3A_9 {offsets = [0, 128], sizes = [2000, 128], strides = [1, 1]} : vector<2000x256xf32> to vector<2000x128xf32>
    %mul3A_14 = vector.broadcast %rsqrt3A : vector<2000x1xf32> to vector<2000x128xf32>
    %mul3A_15 = arith.mulf %slice3A_13, %mul3A_14 : vector<2000x128xf32>
    %swap3A_16 = arith.constant 0 : index
    %swap3A_17 = arith.constant 0 : index
    %swap3A_18 = vector.load %arg5[%swap3A_16, %swap3A_17] : memref<2000x128xf32, #tpu.memory_space<vmem>>, vector<2000x128xf32>
    tpu.vector_store %arg5[%swap3A_16, %swap3A_17], %mul3A_15 {strides = array<i32>} : memref<2000x128xf32, #tpu.memory_space<vmem>>, vector<2000x128xf32>,
    %swap3A_19 = arith.constant 0 : index
    %swap3A_20 = arith.constant 0 : index
    %swap3A_21 = vector.load %arg6[%swap3A_19, %swap3A_20] : memref<2000x1xf32, #tpu.memory_space<vmem>>, vector<2000x1xf32>
    tpu.vector_store %arg6[%swap3A_19, %swap3A_20], %rsqrt3A {strides = array<i32>} : memref<2000x1xf32, #tpu.memory_space<vmem>>, vector<2000x1xf32>,
    %div3A = arith.constant 1.000000e+00 : f32
    %div3A_22 = vector.broadcast %div3A : f32 to vector<2000x1xf32>
    %div3A_23 = arith.divf %div3A_22, %max3A_6 : vector<2000x1xf32>
    %swap3A_24 = arith.constant 0 : index
    %swap3A_25 = arith.constant 0 : index
    %swap3A_26 = vector.load %arg7[%swap3A_24, %swap3A_25] : memref<2000x1xf32, #tpu.memory_space<vmem>>, vector<2000x1xf32>
    tpu.vector_store %arg7[%swap3A_24, %swap3A_25], %div3A_23 {strides = array<i32>} : memref<2000x1xf32, #tpu.memory_space<vmem>>, vector<2000x1xf32>,
    return
  }
  func.func @transform_0(%arg0: i32) -> (i32, i32) {
    %c0_i32 = arith.constant 0 : i32
    %c0_i32_0 = arith.constant 0 : i32
    return %arg0, %c0_i32 : i32, i32
  }
  func.func @transform_1(%arg0: i32) -> (i32, i32) {
    %c0_i32 = arith.constant 0 : i32
    %c0_i32_0 = arith.constant 0 : i32
    return %arg0, %c0_i32 : i32, i32
  }
  func.func @transform_2(%arg0: i32) -> (i32, i32) {
    %c0_i32 = arith.constant 0 : i32
    %c0_i32_0 = arith.constant 0 : i32
    return %arg0, %c0_i32 : i32, i32
  }
  func.func @transform_3(%arg0: i32) -> (i32, i32) {
    %c0_i32 = arith.constant 0 : i32
    %c0_i32_0 = arith.constant 0 : i32
    return %arg0, %c0_i32 : i32, i32
  }
  func.func @transform_4(%arg0: i32) -> (i32, i32) {
    %c0_i32 = arith.constant 0 : i32
    %c0_i32_0 = arith.constant 0 : i32
    return %arg0, %c0_i32 : i32, i32
  }
  func.func @transform_5(%arg0: i32) -> (i32, i32) {
    %c0_i32 = arith.constant 0 : i32
    %c0_i32_0 = arith.constant 0 : i32
    return %arg0, %c0_i32 : i32, i32
  }
  func.func @transform_6(%arg0: i32) -> (i32, i32) {
    %c0_i32 = arith.constant 0 : i32
    %c0_i32_0 = arith.constant 0 : i32
    return %arg0, %c0_i32 : i32, i32
  }
}

module attributes {stable_mosaic.version = 14 : i64} {
  func.func @_mid_a_body(%arg0: i32, %arg1: memref<2000x256xf32, #tpu.memory_space<vmem>>, %arg2: memref<2000x128xf32, #tpu.memory_space<vmem>>, %arg3: memref<2000x128xf32, #tpu.memory_space<vmem>>, %arg4: memref<2000x128xf32, #tpu.memory_space<vmem>>, %arg5: memref<2000x128xf32, #tpu.memory_space<vmem>>, %arg6: memref<2000x1xf32, #tpu.memory_space<vmem>>, %arg7: memref<768x512xf32, #tpu.memory_space<vmem>>, %arg8: memref<1x512xf32, #tpu.memory_space<vmem>>, %arg9: memref<512x256xf32, #tpu.memory_space<vmem>>, %arg10: memref<2000x512xf32, #tpu.memory_space<vmem>>, %arg11: memref<2000x128xf32, #tpu.memory_space<vmem>>, %arg12: memref<2000x128xf32, #tpu.memory_space<vmem>>) attributes {dimension_semantics = [#tpu.dimension_semantics<arbitrary>], iteration_bounds = array<i64: 5>, scalar_prefetch = 0 : i64, scratch_operands = 0 : i64, tpu.core_type = #tpu.core_type<tc>, window_params = [{transform_indices = @transform_0, window_bounds = array<i64: 2000, 256>}, {transform_indices = @transform_1, window_bounds = array<i64: 2000, 128>}, {transform_indices = @transform_2, window_bounds = array<i64: 2000, 128>}, {transform_indices = @transform_3, window_bounds = array<i64: 2000, 128>}, {transform_indices = @transform_4, window_bounds = array<i64: 2000, 128>}, {transform_indices = @transform_5, window_bounds = array<i64: 2000, 1>}, {pipeline_mode = #tpu.pipeline_mode<synchronous>, transform_indices = @transform_6, window_bounds = array<i64: 768, 512>}, {pipeline_mode = #tpu.pipeline_mode<synchronous>, transform_indices = @transform_7, window_bounds = array<i64: 1, 512>}, {pipeline_mode = #tpu.pipeline_mode<synchronous>, transform_indices = @transform_8, window_bounds = array<i64: 512, 256>}, {transform_indices = @transform_9, window_bounds = array<i64: 2000, 512>}, {transform_indices = @transform_10, window_bounds = array<i64: 2000, 128>}, {transform_indices = @transform_11, window_bounds = array<i64: 2000, 128>}]} {
    %get3A = arith.constant 0 : index
    %get3A_0 = arith.constant 0 : index
    %get3A_1 = vector.load %arg6[%get3A, %get3A_0] : memref<2000x1xf32, #tpu.memory_space<vmem>>, vector<2000x1xf32>
    %get3A_2 = arith.constant 0 : index
    %get3A_3 = arith.constant 0 : index
    %get3A_4 = vector.load %arg1[%get3A_2, %get3A_3] : memref<2000x256xf32, #tpu.memory_space<vmem>>, vector<2000x256xf32>
    %get3A_5 = arith.constant 0 : index
    %get3A_6 = arith.constant 0 : index
    %get3A_7 = vector.load %arg2[%get3A_5, %get3A_6] : memref<2000x128xf32, #tpu.memory_space<vmem>>, vector<2000x128xf32>
    %mul3A = vector.broadcast %get3A_1 : vector<2000x1xf32> to vector<2000x128xf32>
    %mul3A_8 = arith.mulf %get3A_7, %mul3A : vector<2000x128xf32>
    %get3A_9 = arith.constant 0 : index
    %get3A_10 = arith.constant 0 : index
    %get3A_11 = vector.load %arg3[%get3A_9, %get3A_10] : memref<2000x128xf32, #tpu.memory_space<vmem>>, vector<2000x128xf32>
    %mul3A_12 = vector.broadcast %get3A_1 : vector<2000x1xf32> to vector<2000x128xf32>
    %mul3A_13 = arith.mulf %get3A_11, %mul3A_12 : vector<2000x128xf32>
    %get3A_14 = arith.constant 0 : index
    %get3A_15 = arith.constant 0 : index
    %get3A_16 = vector.load %arg4[%get3A_14, %get3A_15] : memref<2000x128xf32, #tpu.memory_space<vmem>>, vector<2000x128xf32>
    %mul3A_17 = vector.broadcast %get3A_1 : vector<2000x1xf32> to vector<2000x128xf32>
    %mul3A_18 = arith.mulf %get3A_16, %mul3A_17 : vector<2000x128xf32>
    %get3A_19 = arith.constant 0 : index
    %get3A_20 = arith.constant 0 : index
    %get3A_21 = vector.load %arg5[%get3A_19, %get3A_20] : memref<2000x128xf32, #tpu.memory_space<vmem>>, vector<2000x128xf32>
    %mul3A_22 = vector.broadcast %get3A_1 : vector<2000x1xf32> to vector<2000x128xf32>
    %mul3A_23 = arith.mulf %get3A_21, %mul3A_22 : vector<2000x128xf32>
    %concatenate3A = tpu.concatenate %get3A_4, %mul3A_8, %mul3A_13, %mul3A_18, %mul3A_23 in 1 : vector<2000x256xf32>, vector<2000x128xf32>, vector<2000x128xf32>, vector<2000x128xf32>, vector<2000x128xf32> -> vector<2000x768xf32>
    %get3A_24 = arith.constant 0 : index
    %get3A_25 = arith.constant 0 : index
    %get3A_26 = vector.load %arg7[%get3A_24, %get3A_25] : memref<768x512xf32, #tpu.memory_space<vmem>>, vector<768x512xf32>
    %dot_general3A = arith.constant dense<0.000000e+00> : vector<2000x512xf32>
    %dot_general3A_27 = tpu.matmul %concatenate3A, %get3A_26, %dot_general3A {dimension_numbers = #tpu.dot_dimension_numbers<[1], [0], [0], [1], [0, 0, 1, 1], [], []>, transpose_lhs_hint = false} : vector<2000x768xf32>, vector<768x512xf32>, vector<2000x512xf32> -> vector<2000x512xf32>
    %get3A_28 = arith.constant 0 : index
    %get3A_29 = arith.constant 0 : index
    %get3A_30 = vector.load %arg8[%get3A_28, %get3A_29] : memref<1x512xf32, #tpu.memory_space<vmem>>, vector<1x512xf32>
    %add3A = vector.broadcast %get3A_30 : vector<1x512xf32> to vector<2000x512xf32>
    %add3A_31 = arith.addf %dot_general3A_27, %add3A : vector<2000x512xf32>
    %max3A = arith.constant 0.000000e+00 : f32
    %max3A_32 = vector.broadcast %max3A : f32 to vector<2000x512xf32>
    %max3A_33 = arith.maximumf %add3A_31, %max3A_32 : vector<2000x512xf32>
    %swap3A = arith.constant 0 : index
    %swap3A_34 = arith.constant 0 : index
    %swap3A_35 = vector.load %arg10[%swap3A, %swap3A_34] : memref<2000x512xf32, #tpu.memory_space<vmem>>, vector<2000x512xf32>
    tpu.vector_store %arg10[%swap3A, %swap3A_34], %max3A_33 {strides = array<i32>} : memref<2000x512xf32, #tpu.memory_space<vmem>>, vector<2000x512xf32>,
    %get3A_36 = arith.constant 0 : index
    %get3A_37 = arith.constant 0 : index
    %get3A_38 = vector.load %arg9[%get3A_36, %get3A_37] : memref<512x256xf32, #tpu.memory_space<vmem>>, vector<512x256xf32>
    %dot_general3A_39 = arith.constant dense<0.000000e+00> : vector<2000x256xf32>
    %dot_general3A_40 = tpu.matmul %max3A_33, %get3A_38, %dot_general3A_39 {dimension_numbers = #tpu.dot_dimension_numbers<[1], [0], [0], [1], [0, 0, 1, 1], [], []>, transpose_lhs_hint = false} : vector<2000x512xf32>, vector<512x256xf32>, vector<2000x256xf32> -> vector<2000x256xf32>
    %slice3A = vector.extract_strided_slice %dot_general3A_40 {offsets = [0, 0], sizes = [2000, 128], strides = [1, 1]} : vector<2000x256xf32> to vector<2000x128xf32>
    %mul3A_41 = vector.broadcast %get3A_1 : vector<2000x1xf32> to vector<2000x128xf32>
    %mul3A_42 = arith.mulf %slice3A, %mul3A_41 : vector<2000x128xf32>
    %swap3A_43 = arith.constant 0 : index
    %swap3A_44 = arith.constant 0 : index
    %swap3A_45 = vector.load %arg11[%swap3A_43, %swap3A_44] : memref<2000x128xf32, #tpu.memory_space<vmem>>, vector<2000x128xf32>
    tpu.vector_store %arg11[%swap3A_43, %swap3A_44], %mul3A_42 {strides = array<i32>} : memref<2000x128xf32, #tpu.memory_space<vmem>>, vector<2000x128xf32>,
    %slice3A_46 = vector.extract_strided_slice %dot_general3A_40 {offsets = [0, 128], sizes = [2000, 128], strides = [1, 1]} : vector<2000x256xf32> to vector<2000x128xf32>
    %mul3A_47 = vector.broadcast %get3A_1 : vector<2000x1xf32> to vector<2000x128xf32>
    %mul3A_48 = arith.mulf %slice3A_46, %mul3A_47 : vector<2000x128xf32>
    %swap3A_49 = arith.constant 0 : index
    %swap3A_50 = arith.constant 0 : index
    %swap3A_51 = vector.load %arg12[%swap3A_49, %swap3A_50] : memref<2000x128xf32, #tpu.memory_space<vmem>>, vector<2000x128xf32>
    tpu.vector_store %arg12[%swap3A_49, %swap3A_50], %mul3A_48 {strides = array<i32>} : memref<2000x128xf32, #tpu.memory_space<vmem>>, vector<2000x128xf32>,
    return
  }
  func.func @transform_0(%arg0: i32) -> (i32, i32) {
    %c0_i32 = arith.constant 0 : i32
    %c0_i32_0 = arith.constant 0 : i32
    return %arg0, %c0_i32 : i32, i32
  }
  func.func @transform_1(%arg0: i32) -> (i32, i32) {
    %c0_i32 = arith.constant 0 : i32
    %c0_i32_0 = arith.constant 0 : i32
    return %arg0, %c0_i32 : i32, i32
  }
  func.func @transform_2(%arg0: i32) -> (i32, i32) {
    %c0_i32 = arith.constant 0 : i32
    %c0_i32_0 = arith.constant 0 : i32
    return %arg0, %c0_i32 : i32, i32
  }
  func.func @transform_3(%arg0: i32) -> (i32, i32) {
    %c0_i32 = arith.constant 0 : i32
    %c0_i32_0 = arith.constant 0 : i32
    return %arg0, %c0_i32 : i32, i32
  }
  func.func @transform_4(%arg0: i32) -> (i32, i32) {
    %c0_i32 = arith.constant 0 : i32
    %c0_i32_0 = arith.constant 0 : i32
    return %arg0, %c0_i32 : i32, i32
  }
  func.func @transform_5(%arg0: i32) -> (i32, i32) {
    %c0_i32 = arith.constant 0 : i32
    %c0_i32_0 = arith.constant 0 : i32
    return %arg0, %c0_i32 : i32, i32
  }
  func.func @transform_6(%arg0: i32) -> (i32, i32) {
    %c0_i32 = arith.constant 0 : i32
    %c0_i32_0 = arith.constant 0 : i32
    %c0_i32_1 = arith.constant 0 : i32
    return %c0_i32, %c0_i32_0 : i32, i32
  }
  func.func @transform_7(%arg0: i32) -> (i32, i32) {
    %c0_i32 = arith.constant 0 : i32
    %c0_i32_0 = arith.constant 0 : i32
    %c0_i32_1 = arith.constant 0 : i32
    return %c0_i32, %c0_i32_0 : i32, i32
  }
  func.func @transform_8(%arg0: i32) -> (i32, i32) {
    %c0_i32 = arith.constant 0 : i32
    %c0_i32_0 = arith.constant 0 : i32
    %c0_i32_1 = arith.constant 0 : i32
    return %c0_i32, %c0_i32_0 : i32, i32
  }
  func.func @transform_9(%arg0: i32) -> (i32, i32) {
    %c0_i32 = arith.constant 0 : i32
    %c0_i32_0 = arith.constant 0 : i32
    return %arg0, %c0_i32 : i32, i32
  }
  func.func @transform_10(%arg0: i32) -> (i32, i32) {
    %c0_i32 = arith.constant 0 : i32
    %c0_i32_0 = arith.constant 0 : i32
    return %arg0, %c0_i32 : i32, i32
  }
  func.func @transform_11(%arg0: i32) -> (i32, i32) {
    %c0_i32 = arith.constant 0 : i32
    %c0_i32_0 = arith.constant 0 : i32
    return %arg0, %c0_i32 : i32, i32
  }
}

module attributes {stable_mosaic.version = 14 : i64} {
  func.func @_mid_b_body(%arg0: i32, %arg1: memref<2000x512xf32, #tpu.memory_space<vmem>>, %arg2: memref<2000x1xf32, #tpu.memory_space<vmem>>, %arg3: memref<512x512xf32, #tpu.memory_space<vmem>>, %arg4: memref<2000x256xf32, #tpu.memory_space<vmem>>, %arg5: memref<2000x128xf32, #tpu.memory_space<vmem>>, %arg6: memref<2000x128xf32, #tpu.memory_space<vmem>>) attributes {dimension_semantics = [#tpu.dimension_semantics<arbitrary>], iteration_bounds = array<i64: 5>, scalar_prefetch = 0 : i64, scratch_operands = 0 : i64, tpu.core_type = #tpu.core_type<tc>, window_params = [{transform_indices = @transform_0, window_bounds = array<i64: 2000, 512>}, {transform_indices = @transform_1, window_bounds = array<i64: 2000, 1>}, {pipeline_mode = #tpu.pipeline_mode<synchronous>, transform_indices = @transform_2, window_bounds = array<i64: 512, 512>}, {transform_indices = @transform_3, window_bounds = array<i64: 2000, 256>}, {transform_indices = @transform_4, window_bounds = array<i64: 2000, 128>}, {transform_indices = @transform_5, window_bounds = array<i64: 2000, 128>}]} {
    %get3A = arith.constant 0 : index
    %get3A_0 = arith.constant 0 : index
    %get3A_1 = vector.load %arg2[%get3A, %get3A_0] : memref<2000x1xf32, #tpu.memory_space<vmem>>, vector<2000x1xf32>
    %get3A_2 = arith.constant 0 : index
    %get3A_3 = arith.constant 0 : index
    %get3A_4 = vector.load %arg1[%get3A_2, %get3A_3] : memref<2000x512xf32, #tpu.memory_space<vmem>>, vector<2000x512xf32>
    %get3A_5 = arith.constant 0 : index
    %get3A_6 = arith.constant 0 : index
    %get3A_7 = vector.load %arg3[%get3A_5, %get3A_6] : memref<512x512xf32, #tpu.memory_space<vmem>>, vector<512x512xf32>
    %dot_general3A = arith.constant dense<0.000000e+00> : vector<2000x512xf32>
    %dot_general3A_8 = tpu.matmul %get3A_4, %get3A_7, %dot_general3A {dimension_numbers = #tpu.dot_dimension_numbers<[1], [0], [0], [1], [0, 0, 1, 1], [], []>, transpose_lhs_hint = false} : vector<2000x512xf32>, vector<512x512xf32>, vector<2000x512xf32> -> vector<2000x512xf32>
    %slice3A = vector.extract_strided_slice %dot_general3A_8 {offsets = [0, 0], sizes = [2000, 256], strides = [1, 1]} : vector<2000x512xf32> to vector<2000x256xf32>
    %swap3A = arith.constant 0 : index
    %swap3A_9 = arith.constant 0 : index
    %swap3A_10 = vector.load %arg4[%swap3A, %swap3A_9] : memref<2000x256xf32, #tpu.memory_space<vmem>>, vector<2000x256xf32>
    tpu.vector_store %arg4[%swap3A, %swap3A_9], %slice3A {strides = array<i32>} : memref<2000x256xf32, #tpu.memory_space<vmem>>, vector<2000x256xf32>,
    %slice3A_11 = vector.extract_strided_slice %dot_general3A_8 {offsets = [0, 256], sizes = [2000, 128], strides = [1, 1]} : vector<2000x512xf32> to vector<2000x128xf32>
    %mul3A = vector.broadcast %get3A_1 : vector<2000x1xf32> to vector<2000x128xf32>
    %mul3A_12 = arith.mulf %slice3A_11, %mul3A : vector<2000x128xf32>
    %swap3A_13 = arith.constant 0 : index
    %swap3A_14 = arith.constant 0 : index
    %swap3A_15 = vector.load %arg5[%swap3A_13, %swap3A_14] : memref<2000x128xf32, #tpu.memory_space<vmem>>, vector<2000x128xf32>
    tpu.vector_store %arg5[%swap3A_13, %swap3A_14], %mul3A_12 {strides = array<i32>} : memref<2000x128xf32, #tpu.memory_space<vmem>>, vector<2000x128xf32>,
    %slice3A_16 = vector.extract_strided_slice %dot_general3A_8 {offsets = [0, 384], sizes = [2000, 128], strides = [1, 1]} : vector<2000x512xf32> to vector<2000x128xf32>
    %mul3A_17 = vector.broadcast %get3A_1 : vector<2000x1xf32> to vector<2000x128xf32>
    %mul3A_18 = arith.mulf %slice3A_16, %mul3A_17 : vector<2000x128xf32>
    %swap3A_19 = arith.constant 0 : index
    %swap3A_20 = arith.constant 0 : index
    %swap3A_21 = vector.load %arg6[%swap3A_19, %swap3A_20] : memref<2000x128xf32, #tpu.memory_space<vmem>>, vector<2000x128xf32>
    tpu.vector_store %arg6[%swap3A_19, %swap3A_20], %mul3A_18 {strides = array<i32>} : memref<2000x128xf32, #tpu.memory_space<vmem>>, vector<2000x128xf32>,
    return
  }
  func.func @transform_0(%arg0: i32) -> (i32, i32) {
    %c0_i32 = arith.constant 0 : i32
    %c0_i32_0 = arith.constant 0 : i32
    return %arg0, %c0_i32 : i32, i32
  }
  func.func @transform_1(%arg0: i32) -> (i32, i32) {
    %c0_i32 = arith.constant 0 : i32
    %c0_i32_0 = arith.constant 0 : i32
    return %arg0, %c0_i32 : i32, i32
  }
  func.func @transform_2(%arg0: i32) -> (i32, i32) {
    %c0_i32 = arith.constant 0 : i32
    %c0_i32_0 = arith.constant 0 : i32
    %c0_i32_1 = arith.constant 0 : i32
    return %c0_i32, %c0_i32_0 : i32, i32
  }
  func.func @transform_3(%arg0: i32) -> (i32, i32) {
    %c0_i32 = arith.constant 0 : i32
    %c0_i32_0 = arith.constant 0 : i32
    return %arg0, %c0_i32 : i32, i32
  }
  func.func @transform_4(%arg0: i32) -> (i32, i32) {
    %c0_i32 = arith.constant 0 : i32
    %c0_i32_0 = arith.constant 0 : i32
    return %arg0, %c0_i32 : i32, i32
  }
  func.func @transform_5(%arg0: i32) -> (i32, i32) {
    %c0_i32 = arith.constant 0 : i32
    %c0_i32_0 = arith.constant 0 : i32
    return %arg0, %c0_i32 : i32, i32
  }
}

module attributes {stable_mosaic.version = 14 : i64} {
  func.func @_scale_add_body(%arg0: i32, %arg1: memref<2000x128xf32, #tpu.memory_space<vmem>>, %arg2: memref<2000x128xf32, #tpu.memory_space<vmem>>, %arg3: memref<2000x1xf32, #tpu.memory_space<vmem>>, %arg4: memref<2000x128xf32, #tpu.memory_space<vmem>>, %arg5: memref<2000x128xf32, #tpu.memory_space<vmem>>, %arg6: memref<2000x128xf32, #tpu.memory_space<vmem>>, %arg7: memref<2000x128xf32, #tpu.memory_space<vmem>>) attributes {dimension_semantics = [#tpu.dimension_semantics<arbitrary>], iteration_bounds = array<i64: 5>, scalar_prefetch = 0 : i64, scratch_operands = 0 : i64, tpu.core_type = #tpu.core_type<tc>, window_params = [{transform_indices = @transform_0, window_bounds = array<i64: 2000, 128>}, {transform_indices = @transform_1, window_bounds = array<i64: 2000, 128>}, {transform_indices = @transform_2, window_bounds = array<i64: 2000, 1>}, {transform_indices = @transform_3, window_bounds = array<i64: 2000, 128>}, {transform_indices = @transform_4, window_bounds = array<i64: 2000, 128>}, {transform_indices = @transform_5, window_bounds = array<i64: 2000, 128>}, {transform_indices = @transform_6, window_bounds = array<i64: 2000, 128>}]} {
    %get3A = arith.constant 0 : index
    %get3A_0 = arith.constant 0 : index
    %get3A_1 = vector.load %arg3[%get3A, %get3A_0] : memref<2000x1xf32, #tpu.memory_space<vmem>>, vector<2000x1xf32>
    %get3A_2 = arith.constant 0 : index
    %get3A_3 = arith.constant 0 : index
    %get3A_4 = vector.load %arg1[%get3A_2, %get3A_3] : memref<2000x128xf32, #tpu.memory_space<vmem>>, vector<2000x128xf32>
    %mul3A = vector.broadcast %get3A_1 : vector<2000x1xf32> to vector<2000x128xf32>
    %mul3A_5 = arith.mulf %get3A_4, %mul3A : vector<2000x128xf32>
    %get3A_6 = arith.constant 0 : index
    %get3A_7 = arith.constant 0 : index
    %get3A_8 = vector.load %arg4[%get3A_6, %get3A_7] : memref<2000x128xf32, #tpu.memory_space<vmem>>, vector<2000x128xf32>
    %add3A = arith.addf %mul3A_5, %get3A_8 : vector<2000x128xf32>
    %swap3A = arith.constant 0 : index
    %swap3A_9 = arith.constant 0 : index
    %swap3A_10 = vector.load %arg6[%swap3A, %swap3A_9] : memref<2000x128xf32, #tpu.memory_space<vmem>>, vector<2000x128xf32>
    tpu.vector_store %arg6[%swap3A, %swap3A_9], %add3A {strides = array<i32>} : memref<2000x128xf32, #tpu.memory_space<vmem>>, vector<2000x128xf32>,
    %get3A_11 = arith.constant 0 : index
    %get3A_12 = arith.constant 0 : index
    %get3A_13 = vector.load %arg2[%get3A_11, %get3A_12] : memref<2000x128xf32, #tpu.memory_space<vmem>>, vector<2000x128xf32>
    %mul3A_14 = vector.broadcast %get3A_1 : vector<2000x1xf32> to vector<2000x128xf32>
    %mul3A_15 = arith.mulf %get3A_13, %mul3A_14 : vector<2000x128xf32>
    %get3A_16 = arith.constant 0 : index
    %get3A_17 = arith.constant 0 : index
    %get3A_18 = vector.load %arg5[%get3A_16, %get3A_17] : memref<2000x128xf32, #tpu.memory_space<vmem>>, vector<2000x128xf32>
    %add3A_19 = arith.addf %mul3A_15, %get3A_18 : vector<2000x128xf32>
    %swap3A_20 = arith.constant 0 : index
    %swap3A_21 = arith.constant 0 : index
    %swap3A_22 = vector.load %arg7[%swap3A_20, %swap3A_21] : memref<2000x128xf32, #tpu.memory_space<vmem>>, vector<2000x128xf32>
    tpu.vector_store %arg7[%swap3A_20, %swap3A_21], %add3A_19 {strides = array<i32>} : memref<2000x128xf32, #tpu.memory_space<vmem>>, vector<2000x128xf32>,
    return
  }
  func.func @transform_0(%arg0: i32) -> (i32, i32) {
    %c0_i32 = arith.constant 0 : i32
    %c0_i32_0 = arith.constant 0 : i32
    return %arg0, %c0_i32 : i32, i32
  }
  func.func @transform_1(%arg0: i32) -> (i32, i32) {
    %c0_i32 = arith.constant 0 : i32
    %c0_i32_0 = arith.constant 0 : i32
    return %arg0, %c0_i32 : i32, i32
  }
  func.func @transform_2(%arg0: i32) -> (i32, i32) {
    %c0_i32 = arith.constant 0 : i32
    %c0_i32_0 = arith.constant 0 : i32
    return %arg0, %c0_i32 : i32, i32
  }
  func.func @transform_3(%arg0: i32) -> (i32, i32) {
    %c0_i32 = arith.constant 0 : i32
    %c0_i32_0 = arith.constant 0 : i32
    return %arg0, %c0_i32 : i32, i32
  }
  func.func @transform_4(%arg0: i32) -> (i32, i32) {
    %c0_i32 = arith.constant 0 : i32
    %c0_i32_0 = arith.constant 0 : i32
    return %arg0, %c0_i32 : i32, i32
  }
  func.func @transform_5(%arg0: i32) -> (i32, i32) {
    %c0_i32 = arith.constant 0 : i32
    %c0_i32_0 = arith.constant 0 : i32
    return %arg0, %c0_i32 : i32, i32
  }
  func.func @transform_6(%arg0: i32) -> (i32, i32) {
    %c0_i32 = arith.constant 0 : i32
    %c0_i32_0 = arith.constant 0 : i32
    return %arg0, %c0_i32 : i32, i32
  }
}

module attributes {stable_mosaic.version = 14 : i64} {
  func.func @_head_body(%arg0: i32, %arg1: memref<2000x256xf32, #tpu.memory_space<vmem>>, %arg2: memref<2000x128xf32, #tpu.memory_space<vmem>>, %arg3: memref<2000x128xf32, #tpu.memory_space<vmem>>, %arg4: memref<2000x1xf32, #tpu.memory_space<vmem>>, %arg5: memref<1x256xf32, #tpu.memory_space<vmem>>, %arg6: memref<256x10xf32, #tpu.memory_space<vmem>>, %arg7: memref<1x10xf32, #tpu.memory_space<vmem>>, %arg8: memref<1x10xf32, #tpu.memory_space<vmem>>, %arg9: memref<1x256xf32, #tpu.memory_space<vmem>>) attributes {dimension_semantics = [#tpu.dimension_semantics<arbitrary>], iteration_bounds = array<i64: 5>, scalar_prefetch = 0 : i64, scratch_operands = 1 : i64, tpu.core_type = #tpu.core_type<tc>, window_params = [{transform_indices = @transform_0, window_bounds = array<i64: 2000, 256>}, {transform_indices = @transform_1, window_bounds = array<i64: 2000, 128>}, {transform_indices = @transform_2, window_bounds = array<i64: 2000, 128>}, {transform_indices = @transform_3, window_bounds = array<i64: 2000, 1>}, {pipeline_mode = #tpu.pipeline_mode<synchronous>, transform_indices = @transform_4, window_bounds = array<i64: 1, 256>}, {pipeline_mode = #tpu.pipeline_mode<synchronous>, transform_indices = @transform_5, window_bounds = array<i64: 256, 10>}, {pipeline_mode = #tpu.pipeline_mode<synchronous>, transform_indices = @transform_6, window_bounds = array<i64: 1, 10>}, {pipeline_mode = #tpu.pipeline_mode<synchronous>, transform_indices = @transform_7, window_bounds = array<i64: 1, 10>}]} {
    %get3A = arith.constant 0 : index
    %get3A_0 = arith.constant 0 : index
    %get3A_1 = vector.load %arg4[%get3A, %get3A_0] : memref<2000x1xf32, #tpu.memory_space<vmem>>, vector<2000x1xf32>
    %get3A_2 = arith.constant 0 : index
    %get3A_3 = arith.constant 0 : index
    %get3A_4 = vector.load %arg2[%get3A_2, %get3A_3] : memref<2000x128xf32, #tpu.memory_space<vmem>>, vector<2000x128xf32>
    %get3A_5 = arith.constant 0 : index
    %get3A_6 = arith.constant 0 : index
    %get3A_7 = vector.load %arg3[%get3A_5, %get3A_6] : memref<2000x128xf32, #tpu.memory_space<vmem>>, vector<2000x128xf32>
    %concatenate3A = tpu.concatenate %get3A_4, %get3A_7 in 1 : vector<2000x128xf32>, vector<2000x128xf32> -> vector<2000x256xf32>
    %mul3A = vector.broadcast %get3A_1 : vector<2000x1xf32> to vector<2000x256xf32>
    %mul3A_8 = arith.mulf %concatenate3A, %mul3A : vector<2000x256xf32>
    %get3A_9 = arith.constant 0 : index
    %get3A_10 = arith.constant 0 : index
    %get3A_11 = vector.load %arg1[%get3A_9, %get3A_10] : memref<2000x256xf32, #tpu.memory_space<vmem>>, vector<2000x256xf32>
    %add3A = arith.addf %mul3A_8, %get3A_11 : vector<2000x256xf32>
    %get3A_12 = arith.constant 0 : index
    %get3A_13 = arith.constant 0 : index
    %get3A_14 = vector.load %arg5[%get3A_12, %get3A_13] : memref<1x256xf32, #tpu.memory_space<vmem>>, vector<1x256xf32>
    %add3A_15 = vector.broadcast %get3A_14 : vector<1x256xf32> to vector<2000x256xf32>
    %add3A_16 = arith.addf %add3A, %add3A_15 : vector<2000x256xf32>
    %max3A = arith.constant 0.000000e+00 : f32
    %max3A_17 = vector.broadcast %max3A : f32 to vector<2000x256xf32>
    %max3A_18 = arith.maximumf %add3A_16, %max3A_17 : vector<2000x256xf32>
    %reduce_sum3A = arith.constant dense<0.000000e+00> : vector<256xf32>
    %reduce_sum3A_19 = vector.multi_reduction <add>, %max3A_18, %reduce_sum3A [0] : vector<2000x256xf32> to vector<256xf32>
    %broadcast_in_dim3A = vector.shape_cast %reduce_sum3A_19 : vector<256xf32> to vector<1x256xf32>
    %eq3A = arith.constant 0 : i32
    %eq3A_20 = arith.cmpi eq, %arg0, %eq3A : i32
    %convert_element_type3A = arith.extui %eq3A_20 : i1 to i32
    %cond3A = arith.constant 0 : i32
    %cond3A_21 = arith.cmpi ne, %convert_element_type3A, %cond3A : i32
    scf.if %cond3A_21 {
      %swap3A = arith.constant 0 : index
      %swap3A_31 = arith.constant 0 : index
      %swap3A_32 = vector.load %arg9[%swap3A, %swap3A_31] : memref<1x256xf32, #tpu.memory_space<vmem>>, vector<1x256xf32>
      tpu.vector_store %arg9[%swap3A, %swap3A_31], %broadcast_in_dim3A {strides = array<i32>} : memref<1x256xf32, #tpu.memory_space<vmem>>, vector<1x256xf32>,
    } else {
    }
    %gt3A = arith.constant 0 : i32
    %gt3A_22 = arith.cmpi sgt, %arg0, %gt3A : i32
    %convert_element_type3A_23 = arith.extui %gt3A_22 : i1 to i32
    %cond3A_24 = arith.constant 0 : i32
    %cond3A_25 = arith.cmpi ne, %convert_element_type3A_23, %cond3A_24 : i32
    scf.if %cond3A_25 {
      %get3A_31 = arith.constant 0 : index
      %get3A_32 = arith.constant 0 : index
      %get3A_33 = vector.load %arg9[%get3A_31, %get3A_32] : memref<1x256xf32, #tpu.memory_space<vmem>>, vector<1x256xf32>
      %add3A_34 = arith.addf %get3A_33, %broadcast_in_dim3A : vector<1x256xf32>
      %swap3A = arith.constant 0 : index
      %swap3A_35 = arith.constant 0 : index
      %swap3A_36 = vector.load %arg9[%swap3A, %swap3A_35] : memref<1x256xf32, #tpu.memory_space<vmem>>, vector<1x256xf32>
      tpu.vector_store %arg9[%swap3A, %swap3A_35], %add3A_34 {strides = array<i32>} : memref<1x256xf32, #tpu.memory_space<vmem>>, vector<1x256xf32>,
    } else {
    }
    %eq3A_26 = arith.constant 4 : i32
    %eq3A_27 = arith.cmpi eq, %arg0, %eq3A_26 : i32
    %convert_element_type3A_28 = arith.extui %eq3A_27 : i1 to i32
    %cond3A_29 = arith.constant 0 : i32
    %cond3A_30 = arith.cmpi ne, %convert_element_type3A_28, %cond3A_29 : i32
    scf.if %cond3A_30 {
      %get3A_31 = arith.constant 0 : index
      %get3A_32 = arith.constant 0 : index
      %get3A_33 = vector.load %arg9[%get3A_31, %get3A_32] : memref<1x256xf32, #tpu.memory_space<vmem>>, vector<1x256xf32>
      %mul3A_34 = arith.constant 9.99999974E-5 : f32
      %mul3A_35 = vector.broadcast %mul3A_34 : f32 to vector<1x256xf32>
      %mul3A_36 = arith.mulf %get3A_33, %mul3A_35 : vector<1x256xf32>
      %get3A_37 = arith.constant 0 : index
      %get3A_38 = arith.constant 0 : index
      %get3A_39 = vector.load %arg6[%get3A_37, %get3A_38] : memref<256x10xf32, #tpu.memory_space<vmem>>, vector<256x10xf32>
      %dot_general3A = arith.constant dense<0.000000e+00> : vector<1x10xf32>
      %dot_general3A_40 = tpu.matmul %mul3A_36, %get3A_39, %dot_general3A {dimension_numbers = #tpu.dot_dimension_numbers<[1], [0], [0], [1], [0, 0, 1, 1], [], []>, transpose_lhs_hint = false} : vector<1x256xf32>, vector<256x10xf32>, vector<1x10xf32> -> vector<1x10xf32>
      %get3A_41 = arith.constant 0 : index
      %get3A_42 = arith.constant 0 : index
      %get3A_43 = vector.load %arg7[%get3A_41, %get3A_42] : memref<1x10xf32, #tpu.memory_space<vmem>>, vector<1x10xf32>
      %add3A_44 = arith.addf %dot_general3A_40, %get3A_43 : vector<1x10xf32>
      %swap3A = arith.constant 0 : index
      %swap3A_45 = arith.constant 0 : index
      %swap3A_46 = vector.load %arg8[%swap3A, %swap3A_45] : memref<1x10xf32, #tpu.memory_space<vmem>>, vector<1x10xf32>
      tpu.vector_store %arg8[%swap3A, %swap3A_45], %add3A_44 {strides = array<i32>} : memref<1x10xf32, #tpu.memory_space<vmem>>, vector<1x10xf32>,
    } else {
    }
    return
  }
  func.func @transform_0(%arg0: i32) -> (i32, i32) {
    %c0_i32 = arith.constant 0 : i32
    %c0_i32_0 = arith.constant 0 : i32
    return %arg0, %c0_i32 : i32, i32
  }
  func.func @transform_1(%arg0: i32) -> (i32, i32) {
    %c0_i32 = arith.constant 0 : i32
    %c0_i32_0 = arith.constant 0 : i32
    return %arg0, %c0_i32 : i32, i32
  }
  func.func @transform_2(%arg0: i32) -> (i32, i32) {
    %c0_i32 = arith.constant 0 : i32
    %c0_i32_0 = arith.constant 0 : i32
    return %arg0, %c0_i32 : i32, i32
  }
  func.func @transform_3(%arg0: i32) -> (i32, i32) {
    %c0_i32 = arith.constant 0 : i32
    %c0_i32_0 = arith.constant 0 : i32
    return %arg0, %c0_i32 : i32, i32
  }
  func.func @transform_4(%arg0: i32) -> (i32, i32) {
    %c0_i32 = arith.constant 0 : i32
    %c0_i32_0 = arith.constant 0 : i32
    %c0_i32_1 = arith.constant 0 : i32
    return %c0_i32, %c0_i32_0 : i32, i32
  }
  func.func @transform_5(%arg0: i32) -> (i32, i32) {
    %c0_i32 = arith.constant 0 : i32
    %c0_i32_0 = arith.constant 0 : i32
    %c0_i32_1 = arith.constant 0 : i32
    return %c0_i32, %c0_i32_0 : i32, i32
  }
  func.func @transform_6(%arg0: i32) -> (i32, i32) {
    %c0_i32 = arith.constant 0 : i32
    %c0_i32_0 = arith.constant 0 : i32
    %c0_i32_1 = arith.constant 0 : i32
    return %c0_i32, %c0_i32_0 : i32, i32
  }
  func.func @transform_7(%arg0: i32) -> (i32, i32) {
    %c0_i32 = arith.constant 0 : i32
    %c0_i32_0 = arith.constant 0 : i32
    %c0_i32_1 = arith.constant 0 : i32
    return %c0_i32, %c0_i32_0 : i32, i32
  }
}

</mosaic_0001>

<sc_bundles>
// kernel: kernel.13.cloned.1.call-start
scs
__scs_entry_jumppad:
0x0: {  	(pc) =	sbr.rel $0x88, $3  }
0x1: {  	(tag) =	ssettag $0x0;
	lr =	simm.s32 $0x1  }
0x2: {  	[smem:$0x3F99] =	sst lr;
	_ =	strace $0xD0000000  }
0x3: {  	_ = 	snop  }
0x4: {  	_ = 	snop  }
0x5: {  	_ = 	snop  }
0x6: {  	_ = 	snop  }
0x7: {  	_ = 	snop  }
__scs_overlays_trampoline_lowered:
0x8: {  	[smem:$0x3FA8] =	sst s0  }
0x9: {  	[smem:$0x3FA9] =	sst s1  }
0xa: {  	[smem:$0x3FAA] =	sst s2  }
0xb: {  	[smem:$0x3FAB] =	sst s3  }
0xc: {  	[smem:$0x3FAC] =	sst s4  }
0xd: {  	[smem:$0x3FAD] =	sst s5  }
0xe: {  	[smem:$0x3FAE] =	sst s6  }
0xf: {  	[smem:$0x3FAF] =	sst s7  }
0x10: {  	[smem:$0x3FB0] =	sst s8  }
0x11: {  	[smem:$0x3FB1] =	sst s9;
	s0 =	simm.s32 @!p0 $0x0  }
0x12: {  	s1 =	sld [smem:$0x3F97];
	s0 =	simm.s32 @p0 $0x1  }
0x13: {  	[smem:$0x3FB2] =	sst s0;
	s0 =	simm.s32 @!p1 $0x0  }
0x14: {  	s2 =	sld [smem:$0x3F96];
	s0 =	simm.s32 @p1 $0x1  }
0x15: {  	[smem:$0x3FB3] =	sst s0;
	s0 =	simm.s32 @!p2 $0x0  }
0x16: {  	s3 =	sld [smem:$0x3FDB];
	s0 =	simm.s32 @p2 $0x1  }
0x17: {  	s4 =	simm.s32 $0x1BF5;
	[smem:$0x3FB5] =	sst s0  }
0x18: {  	s0 =	sld [smem:$0x3F98];
	_ =	swait.ge [sflag:s4], $0x0  }
0x19: {  	s7 =	sld [smem:$0x3F99]  }
0x1a: {  	s8 =	sadd.s32 $0xFFFFE003, lr  }
0x1b: {  	s9 =	sadd.s32 $0xFFFFFEF7, lr;
	s5 =	simm.s32 $0xFFFFFFFF;
	p2 =	slt.u32 s8, $0xFFFFF086  }
0x1c: {  	p1 =	slt.u32 s9, $0xF7A;
	s5 =	simm.s32 @!p2 $0x0  }
0x1d: {  	s5 =	simm.s32 @p1 $0x1;
	p0 =	seq.s32 s7, s2  }
0x1e: {  	s7 =	smul.u32 @!p0 $0xF7A, s2;
	p2 =	seq.s32 @!p0 s5, $0x0  }
0x1f: {  	s9 =	smul.u32 $0xF7A, s1;
	s8 =	simm.s32 @!p0 $0x1BF5;
	p2 =	por !p2, p0  }
0x20: {  	[sflag:s8] =	ssyncset.s32 @!p0 $0xFFFFF086;
	s6 =	sadd.s32 @!p0 s3, s7;
	s7 =	simm.s32 @!p0 $0x108  }
0x21: {  	s3 =	sadd.s32 s3, s9;
	s6 =	sadd.s32 @!p0 $0x88, s6;
	s7 =	simm.s32 @p2 $0x1082  }
0x22: {  	[simem:s7], [sflag:s8] =	dma.local @!p0 [hbm:s6], $0xF7A  }
0x23: {  	s9 =	sor.u32 $0xD0000000, s2;
	s6 =	simm.s32 $0x108;
	_ =	swait.ge @!p0 [sflag:s8], $0x0  }
0x24: {  	s3 =	sadd.s32 $0x88, s3;
	s6 =	simm.s32 @!p1 $0x1082;
	[sflag:s4] =	ssyncset.s32 $0xFFFFF086  }
0x25: {  	[simem:s6], [sflag:s4] =	dma.local [hbm:s3], $0xF7A  }
0x26: {  	[smem:$0x3F99] =	sst s1;
	(tag) =	ssettag s2;
	_ =	strace s9  }
0x27: {  	s1 =	sld [smem:$0x3FA9]  }
0x28: {  	s2 =	sld [smem:$0x3FAA]  }
0x29: {  	s4 =	sld [smem:$0x3FAC]  }
0x2a: {  	p0 =	seq.s32 s5, $0x0;
	s5 =	sld [smem:$0x3FAD]  }
0x2b: {  	s6 =	sld [smem:$0x3FAE]  }
0x2c: {  	s7 =	sld [smem:$0x3FAF]  }
0x2d: {  	s3 =	simm.s32 $0x108;
	s8 =	sld [smem:$0x3FB0]  }
0x2e: {  	s3 =	simm.s32 @!p0 $0x1082;
	s9 =	sld [smem:$0x3FB1]  }
0x2f: {  	lr =	sadd.s32 s0, s3;
	s0 =	sld [smem:$0x3FA8]  }
0x30: {  	s3 =	sld [smem:$0x3FAB]  }
0x31: {  	[smem:$0x3FB4] =	sst s10  }
0x32: {  	s10 =	sld [smem:$0x3FB2];
	_ =	sdelay $0x3  }
0x33: {  	p0 =	seq.s32 s10, $0x1;
	s10 =	sld [smem:$0x3FB4];
	_ =	sdelay $0x3  }
0x34: {  	[smem:$0x3FB4] =	sst s10  }
0x35: {  	s10 =	sld [smem:$0x3FB3];
	_ =	sdelay $0x3  }
0x36: {  	p1 =	seq.s32 s10, $0x1;
	s10 =	sld [smem:$0x3FB4];
	_ =	sdelay $0x3  }
0x37: {  	[smem:$0x3FB4] =	sst s10  }
0x38: {  	s10 =	sld [smem:$0x3FB5]  }
0x39: {  	_ = 	snop;
	(pc) =	sbr.ind lr, $3  }
0x3a: {  	_ = 	snop  }
0x3b: {  	_ = 	snop  }
0x3c: {  	p2 =	seq.s32 s10, $0x1;
	s10 =	sld [smem:$0x3FB4]  }
0x3d: {  	_ =	shalt  }
0x3e: {  	_ =	shalt  }
0x3f: {  	_ =	shalt  }
0x40: {  	_ =	shalt  }
0x41: {  	_ =	shalt  }
0x42: {  	_ =	shalt  }
0x43: {  	_ =	shalt  }
0x44: {  	_ =	shalt  }
0x45: {  	_ =	shalt  }
0x46: {  	_ =	shalt  }
0x47: {  	_ =	shalt  }
0x48: {  	_ =	shalt  }
0x49: {  	_ =	shalt  }
0x4a: {  	_ =	shalt  }
0x4b: {  	_ =	shalt  }
0x4c: {  	_ =	shalt  }
0x4d: {  	_ =	shalt  }
0x4e: {  	_ =	shalt  }
0x4f: {  	_ =	shalt  }
0x50: {  	_ =	shalt  }
0x51: {  	_ =	shalt  }
0x52: {  	_ =	shalt  }
0x53: {  	_ =	shalt  }
0x54: {  	_ =	shalt  }
0x55: {  	_ =	shalt  }
0x56: {  	_ =	shalt  }
0x57: {  	_ =	shalt  }
0x58: {  	_ =	shalt  }
0x59: {  	_ =	shalt  }
0x5a: {  	_ =	shalt  }
0x5b: {  	_ =	shalt  }
0x5c: {  	_ =	shalt  }
0x5d: {  	_ =	shalt  }
0x5e: {  	_ =	shalt  }
0x5f: {  	_ =	shalt  }
0x60: {  	_ =	shalt  }
0x61: {  	_ =	shalt  }
0x62: {  	_ =	shalt  }
0x63: {  	_ =	shalt  }
0x64: {  	_ =	shalt  }
0x65: {  	_ =	shalt  }
0x66: {  	_ =	shalt  }
0x67: {  	_ =	shalt  }
0x68: {  	_ =	shalt  }
0x69: {  	_ =	shalt  }
0x6a: {  	_ =	shalt  }
0x6b: {  	_ =	shalt  }
0x6c: {  	_ =	shalt  }
0x6d: {  	_ =	shalt  }
0x6e: {  	_ =	shalt  }
0x6f: {  	_ =	shalt  }
0x70: {  	_ =	shalt  }
0x71: {  	_ =	shalt  }
0x72: {  	_ =	shalt  }
0x73: {  	_ =	shalt  }
0x74: {  	_ =	shalt  }
0x75: {  	_ =	shalt  }
0x76: {  	_ =	shalt  }
0x77: {  	_ =	shalt  }
0x78: {  	_ =	shalt  }
0x79: {  	_ =	shalt  }
0x7a: {  	_ =	shalt  }
0x7b: {  	_ =	shalt  }
0x7c: {  	_ =	shalt  }
0x7d: {  	_ =	shalt  }
0x7e: {  	_ =	shalt  }
0x7f: {  	_ =	shalt  }
0x80: {  	_ =	shalt  }
0x81: {  	_ =	shalt  }
0x82: {  	_ =	shalt  }
0x83: {  	_ =	shalt  }
0x84: {  	_ =	shalt  }
0x85: {  	_ =	shalt  }
0x86: {  	_ =	shalt  }
0x87: {  	_ =	shalt  }
.Lfunc_end0:
.L_simem_size_0:
called_computation_lowered:
.L_overlay_start_0:
0x88: {  	s2 =	sld [smem:$0x3FD9]  }
0x89: {  	s3 =	sld [smem:$0x3FFE];
	_ =	sdelay $0x1  }
0x8a: {  	s1 =	srdreg.scid  }
0x8b: {  	s0 =	sand.u32 $0x1, s1  }
0x8c: {  	s16 =	sshll.u32 s0, $0xA;
	s2 =	sadd.s32 s3, s2  }
0x8d: {  	s2 =	sadd.s32 s2, s16  }
0x8e: {  	[smem:$0x3FC0] =	sst s2  }
0x8f: {  	_ = 	snop  }
0x90: {  	(tm) =	ssettm $0x1  }
0x91: {  	s17 =	sld [smem:$0x3FFB];
	_ =	sdelay $0x3  }
0x92: {  	_ =	strace s17  }
0x93: {  	s2 =	sld [smem:$0x3FFC];
	_ =	sdelay $0x3  }
0x94: {  	_ =	strace s2  }
0x95: {  	s2 =	sld [smem:$0x3FFD];
	_ =	sdelay $0x3  }
0x96: {  	_ =	strace s2  }
0x97: {  	_ =	strace $0x8FFFFFFF  }
0x98: {  	s18 =	sld [smem:$0x3FDB];
	_ =	sdelay $0x1  }
0x99: {  	s19 =	simm.s32 $_scs_section_size  }
0x9a: {  	s4 =	simm.s32 $_size__tile_overlayer_lowered;
	s5 =	simm.s32 $_tile_overlayer_lowered  }
0x9b: {  	s22 =	simm.s32 $0x1BFF;
	s21 =	sshll.u32 s5, $0x1;
	s2 =	sadd.s32 s19, s18  }
0x9c: {  	s6 =	simm.s32 $0x0;
	s20 =	sshll.u32 s4, $0x1;
	s4 =	sadd.s32 s21, s2  }
0x9d: {  	[timem:s6], [sflag:s22] =	dma.local [hbm:s4], s20  }
0x9e: {  	_ =	swait.ge [sflag:s22], s20  }
0x9f: {  	s3 =	ssub.s32 $0x0, s20;
	[sflag:s22] =	ssyncset.done $0x0  }
0xa0: {  	[sflag:s22] =	ssyncadd.s32 s3;
	_ =	sdelay $0x1  }
0xa1: {  	s23 =	simm.s32 $0x1B8B  }
0xa2: {  	_ =	swait.ge [sflag:s23], $0x1  }
0xa3: {  	[sflag:s23] =	ssyncset.done $0x0  }
0xa4: {  	s25 =	simm.s32 $0x1B8E;
	s24 =	sld [smem:$0x3FFE];
	[sflag:s23] =	ssyncadd.s32 $0xFFFFFFFF  }
0xa5: {  	s26 =	simm.s32 $execute0_lowered;
	[smem:$0x3FD2] =	sst s25  }
0xa6: {  	s4 =	sshll.u32 s26, $0x1;
	_ =	strace $0x80000046;
	[dreg:$0x1] =	wrdreg $0xFFFFFFFF  }
0xa7: {  	s28 =	simm.s32 $_size_execute0_lowered;
	s2 =	sadd.s32 s2, s4;
	[dreg:$0x0] =	wrdreg $0x0  }
0xa8: {  	s4 =	sshll.u32 s28, $0x1;
	[dreg:$0x2] =	wrdreg s2  }
0xa9: {  	[dreg:$0x3] =	wrdreg s4  }
0xaa: {  	[dreg:$0x4] =	wrdreg $0xC0  }
0xab: {  	_ =	task [dreg:s6], $0x5FFFF  }
0xac: {  	[dreg:$0x1] =	wrdreg $0xFFFFFFFF  }
0xad: {  	[dreg:$0x0] =	wrdreg $0x60  }
0xae: {  	[dreg:$0x2] =	wrdreg s24  }
0xaf: {  	[dreg:$0x3] =	wrdreg $0x54000  }
0xb0: {  	[dreg:$0x4] =	wrdreg $0x9  }
0xb1: {  	_ =	task.clear_ibuf [dreg:s6], $0x5FFFF;
	_ =	strace $0x90000046  }
0xb2: {  	s29 =	simm.s32 $0x9;
	_ =	strace $0x80000048  }
0xb3: {  	_ =	swait.ge [sflag:s29], $0x1  }
0xb4: {  	[sflag:s29] =	ssyncadd.s32 $0xFFFFFFFF  }
0xb5: {  	_ =	strace $0x90000048  }
0xb6: {  	_ =	sfence  }
0xb7: {  	s30 =	sld [smem:$0x0];
	_ =	sdelay $0x2  }
0xb8: {  	s31 =	sshll.u32 s1, $0xD;
	s1 =	sshrl.u32 s1, $0x2  }
0xb9: {  	s3 =	sand.u32 $0x4000, s31;
	s1 =	sadd.s32 s1, s30  }
0xba: {  	s0 =	sor.u32 s3, s0;
	s1 =	sshll.u32 s1, $0x11  }
0xbb: {  	s0 =	sor.u32 s1, s0  }
0xbc: {  	s0 =	sadd.s32 $0x8F2B, s0  }
0xbd: {  	[sflag:s0] =	ssyncadd.remote.s32 $0x1  }
0xbe: {  	_ =	sfence.sel $0xFFFF  }
0xbf: {  	[dreg:$0x0] =	wrdreg $0xFFFFFFFF;
	(pc) =	sbr.abs _section_cstart, $3  }
0xc0: {  	[dreg:$0x1] =	wrdreg $0xFFFFFFFF  }
0xc1: {  	_ =	task.clear_ibuf [dreg:s6], $0x2FFFF;
	_ =	strace $0x9FFFFFFF  }
0xc2: {  	(tm) =	ssettm $0x7FFFFFFF  }
0xc3: {  	_ =	shalt  }
tec
execute0_lowered:
.L_overlay_start_1:
0x0: {  	(tag) =	ssettag $0x1  }
0x1: {  	s0 =	srdreg.scid;
	s5 =	rddreg [dreg:$0x0]  }
0x2: {  	s2 =	rddreg [dreg:$0x1];
	s1 =	stileid.u32;
	s3 =	simm.s32 $0x0  }
0x3: {  	s14 =	simm.s32 $0x1;
	s15 =	simm.s32 $0x2;
	s16 =	simm.s32 $0x0  }
0x4: {  	s6 =	sand.u32 $0x1, s0;
	s0 =	rddreg [dreg:$0x2];
	s7 =	smul.u32 $0x2800, s1  }
0x5: {  	[smem:$0x7FF] =	sst s3;
	s11 =	smul.u32 $0x50000, s1;
	s31 =	sshll.u32 s1, $0x6  }
0x6: {  	s4 =	sshll.u32 s6, $0x4;
	_ =	strace $0x80000047;
	s8 =	ssub.s32 $0x2, s6  }
0x7: {  	p0 =	seq.s32 s6, $0x1;
	s4 =	sor.u32 s1, s4;
	s10 =	sshrl.u32 s8, $0x1  }
0x8: {  	s12 =	sadd.s32 s7, s5;
	s30 =	sshrl.u32 s11, $0x2;
	s11 =	sor.u32 $0x1C03, s31  }
0x9: {  	s4 =	smul.u32 $0x280, s4;
	s29 =	ssub.s32 s8, s10;
	s10 =	simm.s32 $0x5A600  }
0xa: {  	s13 =	sadd.s32 s30, s2;
	s6 =	sadd.s32 $0x9E00, s12;
	s10 =	simm.s32 @!p0 $0x32600  }
0xb: {  	s7 =	smax.u32 s29, $0x1;
	s9 =	sadd.s32 s4, s5;
	s4 =	sadd.s32 $0x31E00, s5  }
0xc: {  	s8 =	sadd.s32 s10, s12;
	s10 =	simm.s32 $0x3;
	s12 =	sshrl.u32 s13, $0x3  }
0xd: {  	s13 =	simm.s32 $0x80;
	s5 =	sadd.s32 $0x4E00, s9;
	s9 =	simm.s32 $0x1400  }
.LBB2_1:
0xe: {  	[tilespmem:s9], [sflag:$0x3] =	stream.linear.gather [hbm4b:s4+s3], $0x4000, $0x38;
	[tilespmem:$0x19400] =	vst v63  }
0xf: {  	_ =	swait.ge [sflag:s10], $0x4000  }
0x10: {  	[sflag:s10] =	ssyncset.done $0x0  }
0x11: {  	[sflag:s10] =	ssyncadd.s32 $0xFFFFC000  }
0x12: {  	[tilespmem:s3], [sflag:$0x3] =	stream.linear.gather [hbm4b:s5+s3], $0x1400, $0x38;
	[tilespmem:$0x19400] =	vst v63  }
0x13: {  	_ =	swait.ge [sflag:s10], $0x1400  }
0x14: {  	[sflag:s10] =	ssyncset.done $0x0  }
0x15: {  	[sflag:s10] =	ssyncadd.s32 $0xFFFFEC00  }
0x16: {  	[spmem:s12], [sflag:s11] =	dma.local [hbm:s6], $0x2800  }
0x17: {  	_ =	swait.ge [sflag:s10], $0x2800  }
0x18: {  	[sflag:s10] =	ssyncset.done $0x0  }
0x19: {  	[sflag:s10] =	ssyncadd.s32 $0xFFFFD800  }
0x1a: {  	[bflag:$0x0] =	sbarrier.arrive $0xFFFF  }
0x1b: {  	[spmem:s2] =	stream.indirect.scatter.add.f32 [tilespmem:s9], [sflag:$0x1], $0x80, s3, s13, $0xb8;
	[tilespmem:$0x19400] =	vst v63  }
0x1c: {  	_ = 	snop  }
0x1d: {  	[spmem:s2] =	stream.indirect.scatter.add.f32 [tilespmem:s9], [sflag:$0x2], $0x80, s13, s13, $0xb8;
	[tilespmem:$0x19400] =	vst v63  }
0x1e: {  	_ =	swait.ge [sflag:s14], $0x4000  }
0x1f: {  	[sflag:s14] =	ssyncset.done $0x0  }
0x20: {  	s17 =	simm.s32 $0x100;
	[sflag:s14] =	ssyncadd.s32 $0xFFFFC000  }
0x21: {  	[spmem:s2] =	stream.indirect.scatter.add.f32 [tilespmem:s9], [sflag:$0x1], $0x80, s17, s13, $0xb8;
	[tilespmem:$0x19400] =	vst v63  }
0x22: {  	_ =	swait.ge [sflag:s15], $0x4000  }
0x23: {  	[sflag:s15] =	ssyncset.done $0x0  }
0x24: {  	s18 =	simm.s32 $0x180;
	s17 =	simm.s32 $0xFFFFB800;
	[sflag:s15] =	ssyncadd.s32 $0xFFFFC000  }
.LBB2_2:
0x25: {  	[spmem:s2] =	stream.indirect.scatter.add.f32 [tilespmem:s9], [sflag:$0x2], $0x80, s18, s13, $0xb8;
	[tilespmem:$0x19400] =	vst v63  }
0x26: {  	s18 =	smov.u32 s17  }
0x27: {  	p0 =	sne.s32 s17, $0xFFFFFC00;
	s17 =	sadd.s32 $0x400, s17;
	_ =	swait.ge [sflag:s14], $0x4000  }
0x28: {  	s18 =	sshra.s32 s18, $0x2;
	[sflag:s14] =	ssyncset.done $0x0  }
.Ltmp0:
0x29: {  	s19 =	sadd.s32 $0x1400, s18;
	[sflag:s14] =	ssyncadd.s32 $0xFFFFC000;
	(pc) =	sbr.rel @p0 .LBB2_2-.Ltmp0, $4  }
0x2a: {  	[spmem:s2] =	stream.indirect.scatter.add.f32 [tilespmem:s9], [sflag:$0x1], $0x80, s19, s13, $0xb8;
	[tilespmem:$0x19400] =	vst v63  }
0x2b: {  	_ =	swait.ge [sflag:s15], $0x4000  }
0x2c: {  	[sflag:s15] =	ssyncset.done $0x0  }
0x2d: {  	s18 =	sadd.s32 $0x1480, s18;
	[sflag:s15] =	ssyncadd.s32 $0xFFFFC000  }
0x2e: {  	[spmem:s2] =	stream.indirect.scatter.add.f32 [tilespmem:s9], [sflag:$0x2], $0x80, s18, s13, $0xb8;
	[tilespmem:$0x19400] =	vst v63  }
0x2f: {  	_ =	swait.ge [sflag:s14], $0x4000  }
0x30: {  	[sflag:s14] =	ssyncset.done $0x0  }
0x31: {  	[sflag:s14] =	ssyncadd.s32 $0xFFFFC000  }
0x32: {  	_ =	swait.ge [sflag:s15], $0x4000  }
0x33: {  	s16 =	sadd.s32 $0x1, s16;
	[sflag:s15] =	ssyncset.done $0x0  }
0x34: {  	p0 =	sne.s32 s16, s7;
	[sflag:s15] =	ssyncadd.s32 $0xFFFFC000  }
.Ltmp1:
0x35: {  	[bflag:$0x0] =	sbarrier.arrive $0xFFFF;
	(pc) =	sbr.rel @p0 .LBB2_1-.Ltmp1, $4  }
0x36: {  	[hbm:s8], [sflag:s11] =	dma.local [spmem:s12], $0x2800  }
0x37: {  	_ =	swait.ge [sflag:s10], $0x2800  }
0x38: {  	[sflag:s10] =	ssyncset.done $0x0  }
0x39: {  	[sflag:s10] =	ssyncadd.s32 $0xFFFFD800  }
0x3a: {  	_ =	sfence.sel $0x180000  }
0x3b: {  	[bflag:$0x0] =	sbarrier.arrive $0xFFFF  }
0x3c: {  	p0 =	sne.s32 s1, $0x0;
	_ =	strace $0x90000047  }
0x3d: {  	s0 =	sadd.s32 @!p0 $0x100000, s0;
	[bflag:$0x2] =	sbarrier.arrive $0xFFFF  }
0x3e: {  	[sflag:s0] =	ssyncadd.tile.s32 @!p0 $0x1;
	_ =	shalt  }
.Lfunc_end2:
_tile_overlayer_lowered:
.L_overlay_start_2:
0x3f: {  	(tag) =	ssettag $0x2  }
0x40: {  	s0 =	rddreg [dreg:$0x0];
	s2 =	stileid.u32  }
0x41: {  	s1 =	rddreg [dreg:$0x1];
	p0 =	sne.s32 s2, $0x0  }
0x42: {  	s3 =	rddreg [dreg:$0x2];
	[bflag:$0x3] =	sbarrier.arrive $0xFFFF;
	s2 =	simm.s32 @!p0 $0x1C03  }
0x43: {  	[timem:s3], [sflag:s2] =	dma.local @!p0 [hbm:s0], s1  }
0x44: {  	s0 =	simm.s32 @!p0 $0x3  }
0x45: {  	_ =	swait.ge @!p0 [sflag:s0], s1  }
0x46: {  	s1 =	ssub.s32 @!p0 $0x0, s1;
	[sflag:s0] =	ssyncset.done @!p0 $0x0  }
0x47: {  	[sflag:s0] =	ssyncadd.s32 @!p0 s1  }
0x48: {  	[bflag:$0x3] =	sbarrier.arrive $0xFFFF  }
0x49: {  	_ =	shalt  }

// kernel: kernel.16.cloned.1.call-start
scs
__scs_entry_jumppad:
0x0: {  	(pc) =	sbr.rel $0x88, $3  }
0x1: {  	(tag) =	ssettag $0x0;
	lr =	simm.s32 $0x1  }
0x2: {  	[smem:$0x3F99] =	sst lr;
	_ =	strace $0xD0000000  }
0x3: {  	_ = 	snop  }
0x4: {  	_ = 	snop  }
0x5: {  	_ = 	snop  }
0x6: {  	_ = 	snop  }
0x7: {  	_ = 	snop  }
__scs_overlays_trampoline_lowered:
0x8: {  	[smem:$0x3FA8] =	sst s0  }
0x9: {  	[smem:$0x3FA9] =	sst s1  }
0xa: {  	[smem:$0x3FAA] =	sst s2  }
0xb: {  	[smem:$0x3FAB] =	sst s3  }
0xc: {  	[smem:$0x3FAC] =	sst s4  }
0xd: {  	[smem:$0x3FAD] =	sst s5  }
0xe: {  	[smem:$0x3FAE] =	sst s6  }
0xf: {  	[smem:$0x3FAF] =	sst s7  }
0x10: {  	[smem:$0x3FB0] =	sst s8  }
0x11: {  	[smem:$0x3FB1] =	sst s9;
	s0 =	simm.s32 @!p0 $0x0  }
0x12: {  	s1 =	sld [smem:$0x3F97];
	s0 =	simm.s32 @p0 $0x1  }
0x13: {  	[smem:$0x3FB2] =	sst s0;
	s0 =	simm.s32 @!p1 $0x0  }
0x14: {  	s2 =	sld [smem:$0x3F96];
	s0 =	simm.s32 @p1 $0x1  }
0x15: {  	[smem:$0x3FB3] =	sst s0;
	s0 =	simm.s32 @!p2 $0x0  }
0x16: {  	s3 =	sld [smem:$0x3FDB];
	s0 =	simm.s32 @p2 $0x1  }
0x17: {  	s4 =	simm.s32 $0x1BF5;
	[smem:$0x3FB5] =	sst s0  }
0x18: {  	s0 =	sld [smem:$0x3F98];
	_ =	swait.ge [sflag:s4], $0x0  }
0x19: {  	s7 =	sld [smem:$0x3F99]  }
0x1a: {  	s8 =	sadd.s32 $0xFFFFE003, lr  }
0x1b: {  	s9 =	sadd.s32 $0xFFFFFEF7, lr;
	s5 =	simm.s32 $0xFFFFFFFF;
	p2 =	slt.u32 s8, $0xFFFFF086  }
0x1c: {  	p1 =	slt.u32 s9, $0xF7A;
	s5 =	simm.s32 @!p2 $0x0  }
0x1d: {  	s5 =	simm.s32 @p1 $0x1;
	p0 =	seq.s32 s7, s2  }
0x1e: {  	s7 =	smul.u32 @!p0 $0xF7A, s2;
	p2 =	seq.s32 @!p0 s5, $0x0  }
0x1f: {  	s9 =	smul.u32 $0xF7A, s1;
	s8 =	simm.s32 @!p0 $0x1BF5;
	p2 =	por !p2, p0  }
0x20: {  	[sflag:s8] =	ssyncset.s32 @!p0 $0xFFFFF086;
	s6 =	sadd.s32 @!p0 s3, s7;
	s7 =	simm.s32 @!p0 $0x108  }
0x21: {  	s3 =	sadd.s32 s3, s9;
	s6 =	sadd.s32 @!p0 $0x88, s6;
	s7 =	simm.s32 @p2 $0x1082  }
0x22: {  	[simem:s7], [sflag:s8] =	dma.local @!p0 [hbm:s6], $0xF7A  }
0x23: {  	s9 =	sor.u32 $0xD0000000, s2;
	s6 =	simm.s32 $0x108;
	_ =	swait.ge @!p0 [sflag:s8], $0x0  }
0x24: {  	s3 =	sadd.s32 $0x88, s3;
	s6 =	simm.s32 @!p1 $0x1082;
	[sflag:s4] =	ssyncset.s32 $0xFFFFF086  }
0x25: {  	[simem:s6], [sflag:s4] =	dma.local [hbm:s3], $0xF7A  }
0x26: {  	[smem:$0x3F99] =	sst s1;
	(tag) =	ssettag s2;
	_ =	strace s9  }
0x27: {  	s1 =	sld [smem:$0x3FA9]  }
0x28: {  	s2 =	sld [smem:$0x3FAA]  }
0x29: {  	s4 =	sld [smem:$0x3FAC]  }
0x2a: {  	p0 =	seq.s32 s5, $0x0;
	s5 =	sld [smem:$0x3FAD]  }
0x2b: {  	s6 =	sld [smem:$0x3FAE]  }
0x2c: {  	s7 =	sld [smem:$0x3FAF]  }
0x2d: {  	s3 =	simm.s32 $0x108;
	s8 =	sld [smem:$0x3FB0]  }
0x2e: {  	s3 =	simm.s32 @!p0 $0x1082;
	s9 =	sld [smem:$0x3FB1]  }
0x2f: {  	lr =	sadd.s32 s0, s3;
	s0 =	sld [smem:$0x3FA8]  }
0x30: {  	s3 =	sld [smem:$0x3FAB]  }
0x31: {  	[smem:$0x3FB4] =	sst s10  }
0x32: {  	s10 =	sld [smem:$0x3FB2];
	_ =	sdelay $0x3  }
0x33: {  	p0 =	seq.s32 s10, $0x1;
	s10 =	sld [smem:$0x3FB4];
	_ =	sdelay $0x3  }
0x34: {  	[smem:$0x3FB4] =	sst s10  }
0x35: {  	s10 =	sld [smem:$0x3FB3];
	_ =	sdelay $0x3  }
0x36: {  	p1 =	seq.s32 s10, $0x1;
	s10 =	sld [smem:$0x3FB4];
	_ =	sdelay $0x3  }
0x37: {  	[smem:$0x3FB4] =	sst s10  }
0x38: {  	s10 =	sld [smem:$0x3FB5]  }
0x39: {  	_ = 	snop;
	(pc) =	sbr.ind lr, $3  }
0x3a: {  	_ = 	snop  }
0x3b: {  	_ = 	snop  }
0x3c: {  	p2 =	seq.s32 s10, $0x1;
	s10 =	sld [smem:$0x3FB4]  }
0x3d: {  	_ =	shalt  }
0x3e: {  	_ =	shalt  }
0x3f: {  	_ =	shalt  }
0x40: {  	_ =	shalt  }
0x41: {  	_ =	shalt  }
0x42: {  	_ =	shalt  }
0x43: {  	_ =	shalt  }
0x44: {  	_ =	shalt  }
0x45: {  	_ =	shalt  }
0x46: {  	_ =	shalt  }
0x47: {  	_ =	shalt  }
0x48: {  	_ =	shalt  }
0x49: {  	_ =	shalt  }
0x4a: {  	_ =	shalt  }
0x4b: {  	_ =	shalt  }
0x4c: {  	_ =	shalt  }
0x4d: {  	_ =	shalt  }
0x4e: {  	_ =	shalt  }
0x4f: {  	_ =	shalt  }
0x50: {  	_ =	shalt  }
0x51: {  	_ =	shalt  }
0x52: {  	_ =	shalt  }
0x53: {  	_ =	shalt  }
0x54: {  	_ =	shalt  }
0x55: {  	_ =	shalt  }
0x56: {  	_ =	shalt  }
0x57: {  	_ =	shalt  }
0x58: {  	_ =	shalt  }
0x59: {  	_ =	shalt  }
0x5a: {  	_ =	shalt  }
0x5b: {  	_ =	shalt  }
0x5c: {  	_ =	shalt  }
0x5d: {  	_ =	shalt  }
0x5e: {  	_ =	shalt  }
0x5f: {  	_ =	shalt  }
0x60: {  	_ =	shalt  }
0x61: {  	_ =	shalt  }
0x62: {  	_ =	shalt  }
0x63: {  	_ =	shalt  }
0x64: {  	_ =	shalt  }
0x65: {  	_ =	shalt  }
0x66: {  	_ =	shalt  }
0x67: {  	_ =	shalt  }
0x68: {  	_ =	shalt  }
0x69: {  	_ =	shalt  }
0x6a: {  	_ =	shalt  }
0x6b: {  	_ =	shalt  }
0x6c: {  	_ =	shalt  }
0x6d: {  	_ =	shalt  }
0x6e: {  	_ =	shalt  }
0x6f: {  	_ =	shalt  }
0x70: {  	_ =	shalt  }
0x71: {  	_ =	shalt  }
0x72: {  	_ =	shalt  }
0x73: {  	_ =	shalt  }
0x74: {  	_ =	shalt  }
0x75: {  	_ =	shalt  }
0x76: {  	_ =	shalt  }
0x77: {  	_ =	shalt  }
0x78: {  	_ =	shalt  }
0x79: {  	_ =	shalt  }
0x7a: {  	_ =	shalt  }
0x7b: {  	_ =	shalt  }
0x7c: {  	_ =	shalt  }
0x7d: {  	_ =	shalt  }
0x7e: {  	_ =	shalt  }
0x7f: {  	_ =	shalt  }
0x80: {  	_ =	shalt  }
0x81: {  	_ =	shalt  }
0x82: {  	_ =	shalt  }
0x83: {  	_ =	shalt  }
0x84: {  	_ =	shalt  }
0x85: {  	_ =	shalt  }
0x86: {  	_ =	shalt  }
0x87: {  	_ =	shalt  }
.Lfunc_end0:
.L_simem_size_0:
called_computation.1_lowered:
.L_overlay_start_0:
0x88: {  	s2 =	sld [smem:$0x3FD9]  }
0x89: {  	s3 =	sld [smem:$0x3FFE];
	_ =	sdelay $0x1  }
0x8a: {  	s1 =	srdreg.scid  }
0x8b: {  	s0 =	sand.u32 $0x1, s1  }
0x8c: {  	s16 =	sshll.u32 s0, $0xA;
	s2 =	sadd.s32 s3, s2  }
0x8d: {  	s2 =	sadd.s32 s2, s16  }
0x8e: {  	[smem:$0x3FC0] =	sst s2  }
0x8f: {  	_ = 	snop  }
0x90: {  	(tm) =	ssettm $0x1  }
0x91: {  	s17 =	sld [smem:$0x3FFB];
	_ =	sdelay $0x3  }
0x92: {  	_ =	strace s17  }
0x93: {  	s2 =	sld [smem:$0x3FFC];
	_ =	sdelay $0x3  }
0x94: {  	_ =	strace s2  }
0x95: {  	s2 =	sld [smem:$0x3FFD];
	_ =	sdelay $0x3  }
0x96: {  	_ =	strace s2  }
0x97: {  	_ =	strace $0x8FFFFFFF  }
0x98: {  	s18 =	sld [smem:$0x3FDB];
	_ =	sdelay $0x1  }
0x99: {  	s19 =	simm.s32 $_scs_section_size  }
0x9a: {  	s4 =	simm.s32 $_size__tile_overlayer_lowered;
	s5 =	simm.s32 $_tile_overlayer_lowered  }
0x9b: {  	s22 =	simm.s32 $0x1BFF;
	s21 =	sshll.u32 s5, $0x1;
	s2 =	sadd.s32 s19, s18  }
0x9c: {  	s6 =	simm.s32 $0x0;
	s20 =	sshll.u32 s4, $0x1;
	s4 =	sadd.s32 s21, s2  }
0x9d: {  	[timem:s6], [sflag:s22] =	dma.local [hbm:s4], s20  }
0x9e: {  	_ =	swait.ge [sflag:s22], s20  }
0x9f: {  	s3 =	ssub.s32 $0x0, s20;
	[sflag:s22] =	ssyncset.done $0x0  }
0xa0: {  	[sflag:s22] =	ssyncadd.s32 s3;
	_ =	sdelay $0x1  }
0xa1: {  	s23 =	simm.s32 $0x1B8B  }
0xa2: {  	_ =	swait.ge [sflag:s23], $0x1  }
0xa3: {  	[sflag:s23] =	ssyncset.done $0x0  }
0xa4: {  	s25 =	simm.s32 $0x1B8E;
	s24 =	sld [smem:$0x3FFE];
	[sflag:s23] =	ssyncadd.s32 $0xFFFFFFFF  }
0xa5: {  	s26 =	simm.s32 $execute0_lowered;
	[smem:$0x3FD2] =	sst s25  }
0xa6: {  	s4 =	sshll.u32 s26, $0x1;
	_ =	strace $0x80000049;
	[dreg:$0x1] =	wrdreg $0xFFFFFFFF  }
0xa7: {  	s28 =	simm.s32 $_size_execute0_lowered;
	s2 =	sadd.s32 s2, s4;
	[dreg:$0x0] =	wrdreg $0x0  }
0xa8: {  	s4 =	sshll.u32 s28, $0x1;
	[dreg:$0x2] =	wrdreg s2  }
0xa9: {  	[dreg:$0x3] =	wrdreg s4  }
0xaa: {  	[dreg:$0x4] =	wrdreg $0xC0  }
0xab: {  	_ =	task [dreg:s6], $0x5FFFF  }
0xac: {  	[dreg:$0x1] =	wrdreg $0xFFFFFFFF  }
0xad: {  	[dreg:$0x0] =	wrdreg $0x60  }
0xae: {  	[dreg:$0x2] =	wrdreg s24  }
0xaf: {  	[dreg:$0x3] =	wrdreg $0xB8000  }
0xb0: {  	[dreg:$0x4] =	wrdreg $0x9  }
0xb1: {  	_ =	task.clear_ibuf [dreg:s6], $0x5FFFF;
	_ =	strace $0x90000049  }
0xb2: {  	s29 =	simm.s32 $0x9;
	_ =	strace $0x8000004B  }
0xb3: {  	_ =	swait.ge [sflag:s29], $0x1  }
0xb4: {  	[sflag:s29] =	ssyncadd.s32 $0xFFFFFFFF  }
0xb5: {  	_ =	strace $0x9000004B  }
0xb6: {  	_ =	sfence  }
0xb7: {  	s30 =	sld [smem:$0x0];
	_ =	sdelay $0x2  }
0xb8: {  	s31 =	sshll.u32 s1, $0xD;
	s1 =	sshrl.u32 s1, $0x2  }
0xb9: {  	s3 =	sand.u32 $0x4000, s31;
	s1 =	sadd.s32 s1, s30  }
0xba: {  	s0 =	sor.u32 s3, s0;
	s1 =	sshll.u32 s1, $0x11  }
0xbb: {  	s0 =	sor.u32 s1, s0  }
0xbc: {  	s0 =	sadd.s32 $0x8F2B, s0  }
0xbd: {  	[sflag:s0] =	ssyncadd.remote.s32 $0x1  }
0xbe: {  	_ =	sfence.sel $0xFFFF  }
0xbf: {  	[dreg:$0x0] =	wrdreg $0xFFFFFFFF;
	(pc) =	sbr.abs _section_cstart, $3  }
0xc0: {  	[dreg:$0x1] =	wrdreg $0xFFFFFFFF  }
0xc1: {  	_ =	task.clear_ibuf [dreg:s6], $0x2FFFF;
	_ =	strace $0x9FFFFFFF  }
0xc2: {  	(tm) =	ssettm $0x7FFFFFFF  }
0xc3: {  	_ =	shalt  }
tec
execute0_lowered:
.L_overlay_start_1:
0x0: {  	(tag) =	ssettag $0x1  }
0x1: {  	s0 =	rddreg [dreg:$0x0]  }
0x2: {  	s2 =	rddreg [dreg:$0x1];
	s3 =	simm.s32 $0x0;
	s5 =	stileid.u32  }
0x3: {  	s7 =	srdreg.scid;
	s13 =	simm.s32 $0x7;
	s17 =	simm.s32 $0x5800  }
0x4: {  	s19 =	simm.s32 $0x7800;
	s20 =	simm.s32 $0x1;
	s22 =	simm.s32 $0x9800  }
0x5: {  	s28 =	simm.s32 $0x5;
	s29 =	simm.s32 $0x6;
	s31 =	simm.s32 $0x0  }
0x6: {  	[smem:$0x7FF] =	sst s3;
	s1 =	smul.u32 $0x580, s5;
	s4 =	sadd.s32 $0x31E00, s0  }
0x7: {  	s8 =	smul.u32 $0x2800, s5;
	s6 =	sadd.s32 $0x59000, s0;
	s7 =	sand.u32 $0x1, s7  }
0x8: {  	s10 =	smul.u32 $0x50000, s5;
	s11 =	sadd.s32 $0x8D600, s0;
	s30 =	sshll.u32 s5, $0x6  }
0x9: {  	s5 =	simm.s32 $0x2C00;
	_ =	strace $0x8000004A;
	s9 =	ssub.s32 $0x2, s7  }
0xa: {  	[dreg:$0x4] =	wrdreg s11;
	p0 =	seq.s32 s7, $0x0;
	s15 =	sor.u32 $0x1C07, s30  }
0xb: {  	s1 =	sadd.s32 s1, s0;
	[dreg:$0x3] =	wrdreg s8;
	s8 =	sadd.s32 s8, s0  }
0xc: {  	s0 =	sadd.s32 $0xB5600, s0;
	s23 =	sshrl.u32 s9, $0x1;
	s25 =	sshrl.u32 s10, $0x2  }
.Ltmp0:
0xd: {  	[dreg:$0x5] =	wrdreg s0;
	s0 =	ssub.s32 s9, s23;
	(pc) =	sbr.rel .LBB2_1-.Ltmp0, $4  }
0xe: {  	s24 =	sadd.s32 $0x87E00, s1;
	s1 =	sadd.s32 $0x82600, s1;
	s26 =	sadd.s32 s25, s2  }
0xf: {  	s11 =	sadd.s32 $0x9E00, s8;
	s23 =	simm.s32 $0x2;
	[dreg:$0x6] =	wrdreg s24  }
0x10: {  	s25 =	simm.s32 $0x40;
	[dreg:$0x7] =	wrdreg s1;
	s12 =	smax.u32 s0, $0x1  }
0x11: {  	s16 =	sshrl.u32 s26, $0x3;
	s24 =	simm.s32 $0x4;
	s26 =	simm.s32 $0x3  }
.LBB2_7:
0x12: {  	[spmem:s2] =	stream.indirect.scatter.add.f32 [tilespmem:s19], [sflag:$0x5], $0x80, s18, s25, $0xb8;
	[tilespmem:$0x1F800] =	vst v63  }
0x13: {  	s5 =	sand.u32 $0x3F80, s21;
	_ =	swait.ge [sflag:s24], $0x2000  }
0x14: {  	s5 =	sor.u32 s8, s5;
	[sflag:s24] =	ssyncset.done $0x0  }
0x15: {  	s9 =	sadd.s32 $0x2C00, s5;
	[sflag:s24] =	ssyncadd.s32 $0xFFFFE000  }
0x16: {  	[tilespmem:s17], [sflag:$0x1] =	stream.indirect.gather [hbm4b:s4+s25], $0x80, s9, s25, $0xb8;
	[tilespmem:$0x1F800] =	vst v63  }
0x17: {  	_ =	swait.ge [sflag:s26], $0x2000  }
0x18: {  	s21 =	sadd.s32 $0xFFFFFF40, s1;
	[sflag:s26] =	ssyncset.done $0x0  }
0x19: {  	s9 =	sand.u32 $0xFFFFFFC0, s21;
	[sflag:s26] =	ssyncadd.s32 $0xFFFFE000  }
0x1a: {  	[spmem:s2] =	stream.indirect.scatter.add.f32 [tilespmem:s22], [sflag:$0x6], $0x80, s9, s25, $0xb8;
	[tilespmem:$0x1F800] =	vst v63  }
0x1b: {  	_ =	swait.ge [sflag:s28], $0x2000  }
0x1c: {  	[sflag:s28] =	ssyncset.done $0x0  }
0x1d: {  	[sflag:s28] =	ssyncadd.s32 $0xFFFFE000  }
0x1e: {  	[tilespmem:s19], [sflag:$0x2] =	stream.indirect.gather [hbm4b:s4+s25], $0x80, s7, s25, $0xb8;
	[tilespmem:$0x1F800] =	vst v63  }
0x1f: {  	_ =	swait.ge [sflag:s20], $0x2000  }
0x20: {  	[sflag:s20] =	ssyncset.done $0x0  }
0x21: {  	[sflag:s20] =	ssyncadd.s32 $0xFFFFE000  }
0x22: {  	[spmem:s2] =	stream.indirect.scatter.add.f32 [tilespmem:s17], [sflag:$0x4], $0x80, s5, s25, $0xb8;
	[tilespmem:$0x1F800] =	vst v63  }
0x23: {  	s30 =	sand.u32 $0x7F80, s1;
	_ =	swait.ge [sflag:s29], $0x2000  }
0x24: {  	s1 =	sor.u32 s8, s30;
	[sflag:s29] =	ssyncset.done $0x0  }
0x25: {  	s1 =	sadd.s32 $0x2C00, s1;
	[sflag:s29] =	ssyncadd.s32 $0xFFFFE000  }
0x26: {  	[tilespmem:s22], [sflag:$0x3] =	stream.indirect.gather [hbm4b:s4+s25], $0x80, s1, s25, $0xb8;
	[tilespmem:$0x1F800] =	vst v63  }
0x27: {  	_ =	swait.ge [sflag:s23], $0x2000  }
0x28: {  	[sflag:s23] =	ssyncset.done $0x0  }
0x29: {  	[sflag:s23] =	ssyncadd.s32 $0xFFFFE000  }
0x2a: {  	[spmem:s2] =	stream.indirect.scatter.add.f32 [tilespmem:s19], [sflag:$0x5], $0x80, s0, s25, $0xb8;
	[tilespmem:$0x1F800] =	vst v63  }
0x2b: {  	s0 =	rddreg [dreg:$0x4]  }
.LBB2_8:
0x2c: {  	_ =	swait.ge [sflag:s26], $0x2000  }
0x2d: {  	[sflag:s26] =	ssyncset.done $0x0  }
0x2e: {  	s1 =	simm.s32 $0x2840;
	[sflag:s26] =	ssyncadd.s32 $0xFFFFE000  }
0x2f: {  	[spmem:s2] =	stream.indirect.scatter.add.f32 [tilespmem:s22], [sflag:$0x6], $0x80, s1, s25, $0xb8;
	[tilespmem:$0x1F800] =	vst v63  }
0x30: {  	_ =	swait.ge [sflag:s24], $0x2000  }
0x31: {  	[sflag:s24] =	ssyncset.done $0x0  }
0x32: {  	[sflag:s24] =	ssyncadd.s32 $0xFFFFE000  }
0x33: {  	_ =	swait.ge [sflag:s28], $0x2000  }
0x34: {  	[sflag:s28] =	ssyncset.done $0x0  }
0x35: {  	[sflag:s28] =	ssyncadd.s32 $0xFFFFE000  }
0x36: {  	_ =	swait.ge [sflag:s29], $0x2000  }
0x37: {  	s31 =	sadd.s32 $0x1, s31;
	[sflag:s29] =	ssyncset.done $0x0  }
0x38: {  	p1 =	sne.s32 s31, s12;
	s30 =	rddreg [dreg:$0x3];
	[sflag:s29] =	ssyncadd.s32 $0xFFFFE000  }
.Ltmp1:
0x39: {  	s0 =	sadd.s32 s0, s30;
	[bflag:$0x0] =	sbarrier.arrive $0xFFFF;
	(pc) =	sbr.rel @!p1 .LBB2_9-.Ltmp1, $4  }
0x3a: {  	[hbm:s0], [sflag:s15] =	dma.local [spmem:s16], $0x2800  }
0x3b: {  	_ =	swait.ge [sflag:s13], $0x2800  }
0x3c: {  	[sflag:s13] =	ssyncset.done $0x0  }
0x3d: {  	s5 =	simm.s32 $0x2C00;
	[sflag:s13] =	ssyncadd.s32 $0xFFFFD800  }
.LBB2_1:
0x3e: {  	s0 =	rddreg [dreg:$0x6]  }
0x3f: {  	[tilespmem:s3], [sflag:$0x7] =	stream.linear.gather [hbm4b:s0+s3], $0x2880, $0x38;
	[tilespmem:$0x1F800] =	vst v63  }
0x40: {  	_ =	swait.ge [sflag:s13], $0x2880  }
0x41: {  	[sflag:s13] =	ssyncset.done $0x0  }
0x42: {  	s30 =	rddreg [dreg:$0x7];
	[sflag:s13] =	ssyncadd.s32 $0xFFFFD780  }
0x43: {  	[tilespmem:s5], [sflag:$0x7] =	stream.linear.gather [hbm4b:s30+s3], $0x2880, $0x38;
	[tilespmem:$0x1F800] =	vst v63  }
0x44: {  	_ =	swait.ge [sflag:s13], $0x2880  }
0x45: {  	[sflag:s13] =	ssyncset.done $0x0  }
0x46: {  	[sflag:s13] =	ssyncadd.s32 $0xFFFFD780  }
0x47: {  	[spmem:s16], [sflag:s15] =	dma.local [hbm:s11], $0x2800  }
.Ltmp2:
0x48: {  	_ =	swait.ge [sflag:s13], $0x2800;
	(pc) =	sbr.rel @!p0 .LBB2_2-.Ltmp2, $3  }
0x49: {  	[sflag:s13] =	ssyncset.done $0x0  }
0x4a: {  	[sflag:s13] =	ssyncadd.s32 $0xFFFFD800  }
0x4b: {  	[bflag:$0x0] =	sbarrier.arrive $0xFFFF;
	_ =	sdelay $0x1  }
0x4c: {  	s0 =	simm.s32 $0x40  }
0x4d: {  	[tilespmem:s17], [sflag:$0x1] =	stream.indirect.gather [hbm4b:s4+s0], $0x80, s5, s0, $0xb8;
	[tilespmem:$0x1F800] =	vst v63  }
0x4e: {  	s1 =	simm.s32 $0x2C40  }
0x4f: {  	[tilespmem:s19], [sflag:$0x2] =	stream.indirect.gather [hbm4b:s4+s0], $0x80, s1, s0, $0xb8;
	[tilespmem:$0x1F800] =	vst v63  }
0x50: {  	_ =	swait.ge [sflag:s20], $0x2000  }
0x51: {  	[sflag:s20] =	ssyncset.done $0x0  }
0x52: {  	[sflag:s20] =	ssyncadd.s32 $0xFFFFE000  }
0x53: {  	[spmem:s2] =	stream.indirect.scatter.add.f32 [tilespmem:s17], [sflag:$0x4], $0x80, s3, s0, $0xb8;
	[tilespmem:$0x1F800] =	vst v63  }
0x54: {  	s7 =	simm.s32 $0x2C80  }
0x55: {  	[tilespmem:s22], [sflag:$0x3] =	stream.indirect.gather [hbm4b:s4+s0], $0x80, s7, s0, $0xb8;
	[tilespmem:$0x1F800] =	vst v63  }
0x56: {  	_ =	swait.ge [sflag:s23], $0x2000  }
0x57: {  	[sflag:s23] =	ssyncset.done $0x0  }
0x58: {  	s8 =	simm.s32 $0xC0;
	[sflag:s23] =	ssyncadd.s32 $0xFFFFE000  }
0x59: {  	[spmem:s2] =	stream.indirect.scatter.add.f32 [tilespmem:s19], [sflag:$0x5], $0x80, s0, s0, $0xb8;
	[tilespmem:$0x1F800] =	vst v63  }
0x5a: {  	s1 =	sand.u32 $0x3F80, s8;
	s0 =	sand.u32 $0x40, s0;
	_ =	swait.ge [sflag:s24], $0x2000  }
0x5b: {  	s1 =	sor.u32 s0, s1;
	[sflag:s24] =	ssyncset.done $0x0  }
0x5c: {  	s7 =	sadd.s32 $0x2C00, s1;
	[sflag:s24] =	ssyncadd.s32 $0xFFFFE000  }
0x5d: {  	[tilespmem:s17], [sflag:$0x1] =	stream.indirect.gather [hbm4b:s4+s25], $0x80, s7, s25, $0xb8;
	[tilespmem:$0x1F800] =	vst v63  }
0x5e: {  	_ =	swait.ge [sflag:s26], $0x2000  }
0x5f: {  	s9 =	simm.s32 $0x80;
	[sflag:s26] =	ssyncset.done $0x0  }
0x60: {  	s7 =	sand.u32 $0xFFFFFFC0, s9;
	[sflag:s26] =	ssyncadd.s32 $0xFFFFE000  }
0x61: {  	[spmem:s2] =	stream.indirect.scatter.add.f32 [tilespmem:s22], [sflag:$0x6], $0x80, s7, s25, $0xb8;
	[tilespmem:$0x1F800] =	vst v63  }
0x62: {  	_ =	swait.ge [sflag:s28], $0x2000  }
0x63: {  	[sflag:s28] =	ssyncset.done $0x0  }
0x64: {  	s10 =	simm.s32 $0x2D00;
	[sflag:s28] =	ssyncadd.s32 $0xFFFFE000  }
0x65: {  	[tilespmem:s19], [sflag:$0x2] =	stream.indirect.gather [hbm4b:s4+s25], $0x80, s10, s25, $0xb8;
	[tilespmem:$0x1F800] =	vst v63  }
0x66: {  	_ =	swait.ge [sflag:s20], $0x2000  }
0x67: {  	[sflag:s20] =	ssyncset.done $0x0  }
0x68: {  	s14 =	simm.s32 $0x140;
	[sflag:s20] =	ssyncadd.s32 $0xFFFFE000  }
0x69: {  	[spmem:s2] =	stream.indirect.scatter.add.f32 [tilespmem:s17], [sflag:$0x4], $0x80, s1, s25, $0xb8;
	[tilespmem:$0x1F800] =	vst v63  }
0x6a: {  	s18 =	simm.s32 $0x100;
	s21 =	sand.u32 $0x7F80, s14;
	_ =	swait.ge [sflag:s29], $0x2000  }
0x6b: {  	s30 =	simm.s32 $0x2C0;
	s0 =	sor.u32 s0, s21;
	[sflag:s29] =	ssyncset.done $0x0  }
0x6c: {  	s8 =	simm.s32 $0x80;
	s0 =	sadd.s32 $0x2C00, s0;
	[sflag:s29] =	ssyncadd.s32 $0xFFFFE000  }
0x6d: {  	[tilespmem:s22], [sflag:$0x3] =	stream.indirect.gather [hbm4b:s4+s25], $0x80, s0, s25, $0xb8;
	[tilespmem:$0x1F800] =	vst v63  }
0x6e: {  	s8 =	sand.u32 $0x40, s8;
	s21 =	simm.s32 $0x180;
	_ =	swait.ge [sflag:s23], $0x2000  }
0x6f: {  	s9 =	simm.s32 $0xC0;
	s7 =	simm.s32 $0x2DC0;
	[sflag:s23] =	ssyncset.done $0x0  }
0x70: {  	s1 =	simm.s32 $0x200;
	s0 =	simm.s32 $0x1C0;
	[sflag:s23] =	ssyncadd.s32 $0xFFFFE000  }
.LBB2_6:
0x71: {  	[spmem:s2] =	stream.indirect.scatter.add.f32 [tilespmem:s19], [sflag:$0x5], $0x80, s18, s25, $0xb8;
	[tilespmem:$0x1F800] =	vst v63  }
0x72: {  	s5 =	smov.u32 s9;
	s18 =	smov.u32 s0  }
0x73: {  	s10 =	sand.u32 $0x3F80, s21;
	s21 =	sadd.s32 $0xFFFFFF80, s30;
	_ =	swait.ge [sflag:s24], $0x2000  }
0x74: {  	s14 =	sadd.s32 $0x40, s9;
	s10 =	sor.u32 s8, s10;
	[sflag:s24] =	ssyncset.done $0x0  }
0x75: {  	p1 =	seq.s32 s9, $0xD40;
	s9 =	sadd.s32 $0x2C00, s10;
	[sflag:s24] =	ssyncadd.s32 $0xFFFFE000  }
0x76: {  	[tilespmem:s17], [sflag:$0x1] =	stream.indirect.gather [hbm4b:s4+s25], $0x80, s9, s25, $0xb8;
	[tilespmem:$0x1F800] =	vst v63  }
0x77: {  	_ =	swait.ge [sflag:s26], $0x2000  }
0x78: {  	s9 =	sadd.s32 $0xFFFFFF40, s1;
	[sflag:s26] =	ssyncset.done $0x0  }
0x79: {  	s9 =	sand.u32 $0xFFFFFFC0, s9;
	[sflag:s26] =	ssyncadd.s32 $0xFFFFE000  }
0x7a: {  	[spmem:s2] =	stream.indirect.scatter.add.f32 [tilespmem:s22], [sflag:$0x6], $0x80, s9, s25, $0xb8;
	[tilespmem:$0x1F800] =	vst v63  }
0x7b: {  	_ =	swait.ge [sflag:s28], $0x2000  }
0x7c: {  	[sflag:s28] =	ssyncset.done $0x0  }
0x7d: {  	[sflag:s28] =	ssyncadd.s32 $0xFFFFE000  }
0x7e: {  	[tilespmem:s19], [sflag:$0x2] =	stream.indirect.gather [hbm4b:s4+s25], $0x80, s7, s25, $0xb8;
	[tilespmem:$0x1F800] =	vst v63  }
0x7f: {  	_ =	swait.ge [sflag:s20], $0x2000  }
0x80: {  	[sflag:s20] =	ssyncset.done $0x0  }
0x81: {  	[sflag:s20] =	ssyncadd.s32 $0xFFFFE000  }
0x82: {  	[spmem:s2] =	stream.indirect.scatter.add.f32 [tilespmem:s17], [sflag:$0x4], $0x80, s10, s25, $0xb8;
	[tilespmem:$0x1F800] =	vst v63  }
0x83: {  	s9 =	sand.u32 $0x7F80, s1;
	s1 =	smov.u32 s30;
	_ =	swait.ge [sflag:s29], $0x2000  }
0x84: {  	s8 =	sor.u32 s8, s9;
	[sflag:s29] =	ssyncset.done $0x0  }
.Ltmp3:
0x85: {  	s8 =	sadd.s32 $0x2C00, s8;
	[sflag:s29] =	ssyncadd.s32 $0xFFFFE000;
	(pc) =	sbr.rel @!p1 .LBB2_6-.Ltmp3, $4  }
0x86: {  	[tilespmem:s22], [sflag:$0x3] =	stream.indirect.gather [hbm4b:s4+s25], $0x80, s8, s25, $0xb8;
	[tilespmem:$0x1F800] =	vst v63  }
0x87: {  	s0 =	sadd.s32 $0xC0, s0;
	_ =	swait.ge [sflag:s23], $0x2000  }
0x88: {  	s30 =	sadd.s32 $0xC0, s30;
	s7 =	sadd.s32 $0xC0, s7;
	[sflag:s23] =	ssyncset.done $0x0  }
0x89: {  	s9 =	smov.u32 s14;
	s8 =	sand.u32 $0x40, s5;
	[sflag:s23] =	ssyncadd.s32 $0xFFFFE000  }
.Ltmp4:
0x8a: {  	_ = 	snop;
	(pc) =	sbr.rel .LBB2_7-.Ltmp4, $1  }
0x8b: {  	_ =	sdelay $0x3  }
.LBB2_2:
0x8c: {  	s8 =	simm.s32 $0x40  }
0x8d: {  	[tilespmem:s17], [sflag:$0x1] =	stream.indirect.gather [hbm4b:s6+s8], $0x80, s5, s8, $0xb8;
	[tilespmem:$0x1F800] =	vst v63  }
0x8e: {  	s0 =	simm.s32 $0x2C40  }
0x8f: {  	[tilespmem:s19], [sflag:$0x2] =	stream.indirect.gather [hbm4b:s6+s8], $0x80, s0, s8, $0xb8;
	[tilespmem:$0x1F800] =	vst v63  }
0x90: {  	_ =	swait.ge [sflag:s20], $0x2000  }
0x91: {  	[sflag:s20] =	ssyncset.done $0x0  }
0x92: {  	[sflag:s20] =	ssyncadd.s32 $0xFFFFE000  }
0x93: {  	[spmem:s2] =	stream.indirect.scatter.add.f32 [tilespmem:s17], [sflag:$0x4], $0x80, s3, s8, $0xb8;
	[tilespmem:$0x1F800] =	vst v63  }
0x94: {  	s7 =	simm.s32 $0x2C80  }
0x95: {  	[tilespmem:s22], [sflag:$0x3] =	stream.indirect.gather [hbm4b:s6+s8], $0x80, s7, s8, $0xb8;
	[tilespmem:$0x1F800] =	vst v63  }
0x96: {  	_ =	swait.ge [sflag:s23], $0x2000  }
0x97: {  	[sflag:s23] =	ssyncset.done $0x0  }
0x98: {  	s9 =	simm.s32 $0xC0;
	[sflag:s23] =	ssyncadd.s32 $0xFFFFE000  }
0x99: {  	[spmem:s2] =	stream.indirect.scatter.add.f32 [tilespmem:s19], [sflag:$0x5], $0x80, s8, s8, $0xb8;
	[tilespmem:$0x1F800] =	vst v63  }
0x9a: {  	s5 =	sand.u32 $0x3F80, s9;
	s8 =	sand.u32 $0x40, s8;
	_ =	swait.ge [sflag:s24], $0x2000  }
0x9b: {  	s5 =	sor.u32 s8, s5;
	[sflag:s24] =	ssyncset.done $0x0  }
0x9c: {  	s9 =	sadd.s32 $0x2C00, s5;
	[sflag:s24] =	ssyncadd.s32 $0xFFFFE000  }
0x9d: {  	[tilespmem:s17], [sflag:$0x1] =	stream.indirect.gather [hbm4b:s6+s25], $0x80, s9, s25, $0xb8;
	[tilespmem:$0x1F800] =	vst v63  }
0x9e: {  	_ =	swait.ge [sflag:s26], $0x2000  }
0x9f: {  	s10 =	simm.s32 $0x80;
	[sflag:s26] =	ssyncset.done $0x0  }
0xa0: {  	s9 =	sand.u32 $0xFFFFFFC0, s10;
	[sflag:s26] =	ssyncadd.s32 $0xFFFFE000  }
0xa1: {  	[spmem:s2] =	stream.indirect.scatter.add.f32 [tilespmem:s22], [sflag:$0x6], $0x80, s9, s25, $0xb8;
	[tilespmem:$0x1F800] =	vst v63  }
0xa2: {  	_ =	swait.ge [sflag:s28], $0x2000  }
0xa3: {  	[sflag:s28] =	ssyncset.done $0x0  }
0xa4: {  	s7 =	simm.s32 $0x2D00;
	[sflag:s28] =	ssyncadd.s32 $0xFFFFE000  }
0xa5: {  	[tilespmem:s19], [sflag:$0x2] =	stream.indirect.gather [hbm4b:s6+s25], $0x80, s7, s25, $0xb8;
	[tilespmem:$0x1F800] =	vst v63  }
0xa6: {  	_ =	swait.ge [sflag:s20], $0x2000  }
0xa7: {  	[sflag:s20] =	ssyncset.done $0x0  }
0xa8: {  	s1 =	simm.s32 $0x140;
	[sflag:s20] =	ssyncadd.s32 $0xFFFFE000  }
0xa9: {  	[spmem:s2] =	stream.indirect.scatter.add.f32 [tilespmem:s17], [sflag:$0x4], $0x80, s5, s25, $0xb8;
	[tilespmem:$0x1F800] =	vst v63  }
0xaa: {  	s14 =	simm.s32 $0x80;
	s1 =	sand.u32 $0x7F80, s1;
	_ =	swait.ge [sflag:s29], $0x2000  }
0xab: {  	s21 =	simm.s32 $0x180;
	s1 =	sor.u32 s8, s1;
	[sflag:s29] =	ssyncset.done $0x0  }
0xac: {  	s18 =	simm.s32 $0x2DC0;
	s1 =	sadd.s32 $0x2C00, s1;
	[sflag:s29] =	ssyncadd.s32 $0xFFFFE000  }
0xad: {  	[tilespmem:s22], [sflag:$0x3] =	stream.indirect.gather [hbm4b:s6+s25], $0x80, s1, s25, $0xb8;
	[tilespmem:$0x1F800] =	vst v63  }
0xae: {  	s30 =	simm.s32 $0x2C0;
	s0 =	simm.s32 $0x100;
	_ =	swait.ge [sflag:s23], $0x2000  }
0xaf: {  	s8 =	sand.u32 $0x40, s14;
	s9 =	simm.s32 $0xC0;
	[sflag:s23] =	ssyncset.done $0x0  }
0xb0: {  	s7 =	simm.s32 $0x200;
	s1 =	simm.s32 $0x1C0;
	[sflag:s23] =	ssyncadd.s32 $0xFFFFE000  }
.LBB2_3:
0xb1: {  	[spmem:s2] =	stream.indirect.scatter.add.f32 [tilespmem:s19], [sflag:$0x5], $0x80, s0, s25, $0xb8;
	[tilespmem:$0x1F800] =	vst v63  }
0xb2: {  	s5 =	smov.u32 s9;
	s0 =	smov.u32 s1  }
0xb3: {  	s10 =	sand.u32 $0x3F80, s21;
	s21 =	sadd.s32 $0xFFFFFF80, s30;
	_ =	swait.ge [sflag:s24], $0x2000  }
0xb4: {  	s14 =	sadd.s32 $0x40, s9;
	s10 =	sor.u32 s8, s10;
	[sflag:s24] =	ssyncset.done $0x0  }
0xb5: {  	p1 =	sne.s32 s9, $0xD40;
	s9 =	sadd.s32 $0x2C00, s10;
	[sflag:s24] =	ssyncadd.s32 $0xFFFFE000  }
0xb6: {  	[tilespmem:s17], [sflag:$0x1] =	stream.indirect.gather [hbm4b:s6+s25], $0x80, s9, s25, $0xb8;
	[tilespmem:$0x1F800] =	vst v63  }
0xb7: {  	_ =	swait.ge [sflag:s26], $0x2000  }
0xb8: {  	s9 =	sadd.s32 $0xFFFFFF40, s7;
	[sflag:s26] =	ssyncset.done $0x0  }
0xb9: {  	s9 =	sand.u32 $0xFFFFFFC0, s9;
	[sflag:s26] =	ssyncadd.s32 $0xFFFFE000  }
0xba: {  	[spmem:s2] =	stream.indirect.scatter.add.f32 [tilespmem:s22], [sflag:$0x6], $0x80, s9, s25, $0xb8;
	[tilespmem:$0x1F800] =	vst v63  }
0xbb: {  	_ =	swait.ge [sflag:s28], $0x2000  }
0xbc: {  	[sflag:s28] =	ssyncset.done $0x0  }
0xbd: {  	[sflag:s28] =	ssyncadd.s32 $0xFFFFE000  }
0xbe: {  	[tilespmem:s19], [sflag:$0x2] =	stream.indirect.gather [hbm4b:s6+s25], $0x80, s18, s25, $0xb8;
	[tilespmem:$0x1F800] =	vst v63  }
0xbf: {  	_ =	swait.ge [sflag:s20], $0x2000  }
0xc0: {  	[sflag:s20] =	ssyncset.done $0x0  }
0xc1: {  	[sflag:s20] =	ssyncadd.s32 $0xFFFFE000  }
0xc2: {  	[spmem:s2] =	stream.indirect.scatter.add.f32 [tilespmem:s17], [sflag:$0x4], $0x80, s10, s25, $0xb8;
	[tilespmem:$0x1F800] =	vst v63  }
0xc3: {  	s9 =	sand.u32 $0x7F80, s7;
	s7 =	smov.u32 s30;
	_ =	swait.ge [sflag:s29], $0x2000  }
0xc4: {  	s8 =	sor.u32 s8, s9;
	[sflag:s29] =	ssyncset.done $0x0  }
.Ltmp5:
0xc5: {  	s8 =	sadd.s32 $0x2C00, s8;
	[sflag:s29] =	ssyncadd.s32 $0xFFFFE000;
	(pc) =	sbr.rel @p1 .LBB2_3-.Ltmp5, $4  }
0xc6: {  	[tilespmem:s22], [sflag:$0x3] =	stream.indirect.gather [hbm4b:s6+s25], $0x80, s8, s25, $0xb8;
	[tilespmem:$0x1F800] =	vst v63  }
0xc7: {  	s1 =	sadd.s32 $0xC0, s1;
	_ =	swait.ge [sflag:s23], $0x2000  }
0xc8: {  	s30 =	sadd.s32 $0xC0, s30;
	s18 =	sadd.s32 $0xC0, s18;
	[sflag:s23] =	ssyncset.done $0x0  }
0xc9: {  	s9 =	smov.u32 s14;
	s8 =	sand.u32 $0x40, s5;
	[sflag:s23] =	ssyncadd.s32 $0xFFFFE000  }
0xca: {  	[spmem:s2] =	stream.indirect.scatter.add.f32 [tilespmem:s19], [sflag:$0x5], $0x80, s0, s25, $0xb8;
	[tilespmem:$0x1F800] =	vst v63  }
0xcb: {  	s14 =	sand.u32 $0x3F80, s21;
	_ =	swait.ge [sflag:s24], $0x2000  }
0xcc: {  	s0 =	sor.u32 s8, s14;
	[sflag:s24] =	ssyncset.done $0x0  }
0xcd: {  	s5 =	sadd.s32 $0x2C00, s0;
	[sflag:s24] =	ssyncadd.s32 $0xFFFFE000  }
0xce: {  	[tilespmem:s17], [sflag:$0x1] =	stream.indirect.gather [hbm4b:s6+s25], $0x80, s5, s25, $0xb8;
	[tilespmem:$0x1F800] =	vst v63  }
0xcf: {  	_ =	swait.ge [sflag:s26], $0x2000  }
0xd0: {  	s21 =	sadd.s32 $0xFFFFFF40, s7;
	[sflag:s26] =	ssyncset.done $0x0  }
0xd1: {  	s5 =	sand.u32 $0xFFFFFFC0, s21;
	[sflag:s26] =	ssyncadd.s32 $0xFFFFE000  }
0xd2: {  	[spmem:s2] =	stream.indirect.scatter.add.f32 [tilespmem:s22], [sflag:$0x6], $0x80, s5, s25, $0xb8;
	[tilespmem:$0x1F800] =	vst v63  }
0xd3: {  	_ =	swait.ge [sflag:s28], $0x2000  }
0xd4: {  	[sflag:s28] =	ssyncset.done $0x0  }
0xd5: {  	[sflag:s28] =	ssyncadd.s32 $0xFFFFE000  }
0xd6: {  	[tilespmem:s19], [sflag:$0x2] =	stream.indirect.gather [hbm4b:s6+s25], $0x80, s18, s25, $0xb8;
	[tilespmem:$0x1F800] =	vst v63  }
0xd7: {  	_ =	swait.ge [sflag:s20], $0x2000  }
0xd8: {  	[sflag:s20] =	ssyncset.done $0x0  }
0xd9: {  	[sflag:s20] =	ssyncadd.s32 $0xFFFFE000  }
0xda: {  	[spmem:s2] =	stream.indirect.scatter.add.f32 [tilespmem:s17], [sflag:$0x4], $0x80, s0, s25, $0xb8;
	[tilespmem:$0x1F800] =	vst v63  }
0xdb: {  	s30 =	sand.u32 $0x7F80, s7;
	_ =	swait.ge [sflag:s29], $0x2000  }
0xdc: {  	s0 =	sor.u32 s8, s30;
	[sflag:s29] =	ssyncset.done $0x0  }
0xdd: {  	s0 =	sadd.s32 $0x2C00, s0;
	[sflag:s29] =	ssyncadd.s32 $0xFFFFE000  }
0xde: {  	[tilespmem:s22], [sflag:$0x3] =	stream.indirect.gather [hbm4b:s6+s25], $0x80, s0, s25, $0xb8;
	[tilespmem:$0x1F800] =	vst v63  }
.Ltmp6:
0xdf: {  	_ = 	snop;
	(pc) =	sbr.rel .LBB2_8-.Ltmp6, $4  }
0xe0: {  	_ =	swait.ge [sflag:s23], $0x2000  }
0xe1: {  	[sflag:s23] =	ssyncset.done $0x0  }
0xe2: {  	s0 =	rddreg [dreg:$0x5];
	[sflag:s23] =	ssyncadd.s32 $0xFFFFE000  }
0xe3: {  	[spmem:s2] =	stream.indirect.scatter.add.f32 [tilespmem:s19], [sflag:$0x5], $0x80, s1, s25, $0xb8;
	[tilespmem:$0x1F800] =	vst v63  }
.LBB2_9:
0xe4: {  	_ =	sfence.sel $0x180000  }
0xe5: {  	[bflag:$0x0] =	sbarrier.arrive $0xFFFF  }
0xe6: {  	_ =	strace $0x9000004A  }
0xe7: {  	s0 =	stileid.u32;
	[bflag:$0x2] =	sbarrier.arrive $0xFFFF  }
0xe8: {  	p0 =	sne.s32 s0, $0x0;
	s0 =	rddreg [dreg:$0x2]  }
0xe9: {  	s0 =	sadd.s32 @!p0 $0x100000, s0  }
0xea: {  	[sflag:s0] =	ssyncadd.tile.s32 @!p0 $0x1;
	_ =	shalt  }
.Lfunc_end2:
_tile_overlayer_lowered:
.L_overlay_start_2:
0xeb: {  	(tag) =	ssettag $0x2  }
0xec: {  	s0 =	rddreg [dreg:$0x0];
	s2 =	stileid.u32  }
0xed: {  	s1 =	rddreg [dreg:$0x1];
	p0 =	sne.s32 s2, $0x0  }
0xee: {  	s3 =	rddreg [dreg:$0x2];
	[bflag:$0x3] =	sbarrier.arrive $0xFFFF;
	s2 =	simm.s32 @!p0 $0x1C07  }
0xef: {  	[timem:s3], [sflag:s2] =	dma.local @!p0 [hbm:s0], s1  }
0xf0: {  	s0 =	simm.s32 @!p0 $0x7  }
0xf1: {  	_ =	swait.ge @!p0 [sflag:s0], s1  }
0xf2: {  	s1 =	ssub.s32 @!p0 $0x0, s1;
	[sflag:s0] =	ssyncset.done @!p0 $0x0  }
0xf3: {  	[sflag:s0] =	ssyncadd.s32 @!p0 s1  }
0xf4: {  	[bflag:$0x3] =	sbarrier.arrive $0xFFFF  }
0xf5: {  	_ =	shalt  }

// kernel: kernel.19.cloned.1.call-start
scs
__scs_entry_jumppad:
0x0: {  	(pc) =	sbr.rel $0x88, $3  }
0x1: {  	(tag) =	ssettag $0x0;
	lr =	simm.s32 $0x1  }
0x2: {  	[smem:$0x3F99] =	sst lr;
	_ =	strace $0xD0000000  }
0x3: {  	_ = 	snop  }
0x4: {  	_ = 	snop  }
0x5: {  	_ = 	snop  }
0x6: {  	_ = 	snop  }
0x7: {  	_ = 	snop  }
__scs_overlays_trampoline_lowered:
0x8: {  	[smem:$0x3FA8] =	sst s0  }
0x9: {  	[smem:$0x3FA9] =	sst s1  }
0xa: {  	[smem:$0x3FAA] =	sst s2  }
0xb: {  	[smem:$0x3FAB] =	sst s3  }
0xc: {  	[smem:$0x3FAC] =	sst s4  }
0xd: {  	[smem:$0x3FAD] =	sst s5  }
0xe: {  	[smem:$0x3FAE] =	sst s6  }
0xf: {  	[smem:$0x3FAF] =	sst s7  }
0x10: {  	[smem:$0x3FB0] =	sst s8  }
0x11: {  	[smem:$0x3FB1] =	sst s9;
	s0 =	simm.s32 @!p0 $0x0  }
0x12: {  	s1 =	sld [smem:$0x3F97];
	s0 =	simm.s32 @p0 $0x1  }
0x13: {  	[smem:$0x3FB2] =	sst s0;
	s0 =	simm.s32 @!p1 $0x0  }
0x14: {  	s2 =	sld [smem:$0x3F96];
	s0 =	simm.s32 @p1 $0x1  }
0x15: {  	[smem:$0x3FB3] =	sst s0;
	s0 =	simm.s32 @!p2 $0x0  }
0x16: {  	s3 =	sld [smem:$0x3FDB];
	s0 =	simm.s32 @p2 $0x1  }
0x17: {  	s4 =	simm.s32 $0x1BF5;
	[smem:$0x3FB5] =	sst s0  }
0x18: {  	s0 =	sld [smem:$0x3F98];
	_ =	swait.ge [sflag:s4], $0x0  }
0x19: {  	s7 =	sld [smem:$0x3F99]  }
0x1a: {  	s8 =	sadd.s32 $0xFFFFE003, lr  }
0x1b: {  	s9 =	sadd.s32 $0xFFFFFEF7, lr;
	s5 =	simm.s32 $0xFFFFFFFF;
	p2 =	slt.u32 s8, $0xFFFFF086  }
0x1c: {  	p1 =	slt.u32 s9, $0xF7A;
	s5 =	simm.s32 @!p2 $0x0  }
0x1d: {  	s5 =	simm.s32 @p1 $0x1;
	p0 =	seq.s32 s7, s2  }
0x1e: {  	s7 =	smul.u32 @!p0 $0xF7A, s2;
	p2 =	seq.s32 @!p0 s5, $0x0  }
0x1f: {  	s9 =	smul.u32 $0xF7A, s1;
	s8 =	simm.s32 @!p0 $0x1BF5;
	p2 =	por !p2, p0  }
0x20: {  	[sflag:s8] =	ssyncset.s32 @!p0 $0xFFFFF086;
	s6 =	sadd.s32 @!p0 s3, s7;
	s7 =	simm.s32 @!p0 $0x108  }
0x21: {  	s3 =	sadd.s32 s3, s9;
	s6 =	sadd.s32 @!p0 $0x88, s6;
	s7 =	simm.s32 @p2 $0x1082  }
0x22: {  	[simem:s7], [sflag:s8] =	dma.local @!p0 [hbm:s6], $0xF7A  }
0x23: {  	s9 =	sor.u32 $0xD0000000, s2;
	s6 =	simm.s32 $0x108;
	_ =	swait.ge @!p0 [sflag:s8], $0x0  }
0x24: {  	s3 =	sadd.s32 $0x88, s3;
	s6 =	simm.s32 @!p1 $0x1082;
	[sflag:s4] =	ssyncset.s32 $0xFFFFF086  }
0x25: {  	[simem:s6], [sflag:s4] =	dma.local [hbm:s3], $0xF7A  }
0x26: {  	[smem:$0x3F99] =	sst s1;
	(tag) =	ssettag s2;
	_ =	strace s9  }
0x27: {  	s1 =	sld [smem:$0x3FA9]  }
0x28: {  	s2 =	sld [smem:$0x3FAA]  }
0x29: {  	s4 =	sld [smem:$0x3FAC]  }
0x2a: {  	p0 =	seq.s32 s5, $0x0;
	s5 =	sld [smem:$0x3FAD]  }
0x2b: {  	s6 =	sld [smem:$0x3FAE]  }
0x2c: {  	s7 =	sld [smem:$0x3FAF]  }
0x2d: {  	s3 =	simm.s32 $0x108;
	s8 =	sld [smem:$0x3FB0]  }
0x2e: {  	s3 =	simm.s32 @!p0 $0x1082;
	s9 =	sld [smem:$0x3FB1]  }
0x2f: {  	lr =	sadd.s32 s0, s3;
	s0 =	sld [smem:$0x3FA8]  }
0x30: {  	s3 =	sld [smem:$0x3FAB]  }
0x31: {  	[smem:$0x3FB4] =	sst s10  }
0x32: {  	s10 =	sld [smem:$0x3FB2];
	_ =	sdelay $0x3  }
0x33: {  	p0 =	seq.s32 s10, $0x1;
	s10 =	sld [smem:$0x3FB4];
	_ =	sdelay $0x3  }
0x34: {  	[smem:$0x3FB4] =	sst s10  }
0x35: {  	s10 =	sld [smem:$0x3FB3];
	_ =	sdelay $0x3  }
0x36: {  	p1 =	seq.s32 s10, $0x1;
	s10 =	sld [smem:$0x3FB4];
	_ =	sdelay $0x3  }
0x37: {  	[smem:$0x3FB4] =	sst s10  }
0x38: {  	s10 =	sld [smem:$0x3FB5]  }
0x39: {  	_ = 	snop;
	(pc) =	sbr.ind lr, $3  }
0x3a: {  	_ = 	snop  }
0x3b: {  	_ = 	snop  }
0x3c: {  	p2 =	seq.s32 s10, $0x1;
	s10 =	sld [smem:$0x3FB4]  }
0x3d: {  	_ =	shalt  }
0x3e: {  	_ =	shalt  }
0x3f: {  	_ =	shalt  }
0x40: {  	_ =	shalt  }
0x41: {  	_ =	shalt  }
0x42: {  	_ =	shalt  }
0x43: {  	_ =	shalt  }
0x44: {  	_ =	shalt  }
0x45: {  	_ =	shalt  }
0x46: {  	_ =	shalt  }
0x47: {  	_ =	shalt  }
0x48: {  	_ =	shalt  }
0x49: {  	_ =	shalt  }
0x4a: {  	_ =	shalt  }
0x4b: {  	_ =	shalt  }
0x4c: {  	_ =	shalt  }
0x4d: {  	_ =	shalt  }
0x4e: {  	_ =	shalt  }
0x4f: {  	_ =	shalt  }
0x50: {  	_ =	shalt  }
0x51: {  	_ =	shalt  }
0x52: {  	_ =	shalt  }
0x53: {  	_ =	shalt  }
0x54: {  	_ =	shalt  }
0x55: {  	_ =	shalt  }
0x56: {  	_ =	shalt  }
0x57: {  	_ =	shalt  }
0x58: {  	_ =	shalt  }
0x59: {  	_ =	shalt  }
0x5a: {  	_ =	shalt  }
0x5b: {  	_ =	shalt  }
0x5c: {  	_ =	shalt  }
0x5d: {  	_ =	shalt  }
0x5e: {  	_ =	shalt  }
0x5f: {  	_ =	shalt  }
0x60: {  	_ =	shalt  }
0x61: {  	_ =	shalt  }
0x62: {  	_ =	shalt  }
0x63: {  	_ =	shalt  }
0x64: {  	_ =	shalt  }
0x65: {  	_ =	shalt  }
0x66: {  	_ =	shalt  }
0x67: {  	_ =	shalt  }
0x68: {  	_ =	shalt  }
0x69: {  	_ =	shalt  }
0x6a: {  	_ =	shalt  }
0x6b: {  	_ =	shalt  }
0x6c: {  	_ =	shalt  }
0x6d: {  	_ =	shalt  }
0x6e: {  	_ =	shalt  }
0x6f: {  	_ =	shalt  }
0x70: {  	_ =	shalt  }
0x71: {  	_ =	shalt  }
0x72: {  	_ =	shalt  }
0x73: {  	_ =	shalt  }
0x74: {  	_ =	shalt  }
0x75: {  	_ =	shalt  }
0x76: {  	_ =	shalt  }
0x77: {  	_ =	shalt  }
0x78: {  	_ =	shalt  }
0x79: {  	_ =	shalt  }
0x7a: {  	_ =	shalt  }
0x7b: {  	_ =	shalt  }
0x7c: {  	_ =	shalt  }
0x7d: {  	_ =	shalt  }
0x7e: {  	_ =	shalt  }
0x7f: {  	_ =	shalt  }
0x80: {  	_ =	shalt  }
0x81: {  	_ =	shalt  }
0x82: {  	_ =	shalt  }
0x83: {  	_ =	shalt  }
0x84: {  	_ =	shalt  }
0x85: {  	_ =	shalt  }
0x86: {  	_ =	shalt  }
0x87: {  	_ =	shalt  }
.Lfunc_end0:
.L_simem_size_0:
called_computation.2_lowered:
.L_overlay_start_0:
0x88: {  	s2 =	sld [smem:$0x3FD9]  }
0x89: {  	s3 =	sld [smem:$0x3FFE];
	_ =	sdelay $0x1  }
0x8a: {  	s1 =	srdreg.scid  }
0x8b: {  	s0 =	sand.u32 $0x1, s1  }
0x8c: {  	s16 =	sshll.u32 s0, $0xA;
	s2 =	sadd.s32 s3, s2  }
0x8d: {  	s2 =	sadd.s32 s2, s16  }
0x8e: {  	[smem:$0x3FC0] =	sst s2  }
0x8f: {  	_ = 	snop  }
0x90: {  	(tm) =	ssettm $0x1  }
0x91: {  	s17 =	sld [smem:$0x3FFB];
	_ =	sdelay $0x3  }
0x92: {  	_ =	strace s17  }
0x93: {  	s2 =	sld [smem:$0x3FFC];
	_ =	sdelay $0x3  }
0x94: {  	_ =	strace s2  }
0x95: {  	s2 =	sld [smem:$0x3FFD];
	_ =	sdelay $0x3  }
0x96: {  	_ =	strace s2  }
0x97: {  	_ =	strace $0x8FFFFFFF  }
0x98: {  	s18 =	sld [smem:$0x3FDB];
	_ =	sdelay $0x1  }
0x99: {  	s19 =	simm.s32 $_scs_section_size  }
0x9a: {  	s4 =	simm.s32 $_size__tile_overlayer_lowered;
	s5 =	simm.s32 $_tile_overlayer_lowered  }
0x9b: {  	s22 =	simm.s32 $0x1BFF;
	s21 =	sshll.u32 s5, $0x1;
	s2 =	sadd.s32 s19, s18  }
0x9c: {  	s6 =	simm.s32 $0x0;
	s20 =	sshll.u32 s4, $0x1;
	s4 =	sadd.s32 s21, s2  }
0x9d: {  	[timem:s6], [sflag:s22] =	dma.local [hbm:s4], s20  }
0x9e: {  	_ =	swait.ge [sflag:s22], s20  }
0x9f: {  	s3 =	ssub.s32 $0x0, s20;
	[sflag:s22] =	ssyncset.done $0x0  }
0xa0: {  	[sflag:s22] =	ssyncadd.s32 s3;
	_ =	sdelay $0x1  }
0xa1: {  	s23 =	simm.s32 $0x1B8B  }
0xa2: {  	_ =	swait.ge [sflag:s23], $0x1  }
0xa3: {  	[sflag:s23] =	ssyncset.done $0x0  }
0xa4: {  	s25 =	simm.s32 $0x1B8E;
	s24 =	sld [smem:$0x3FFE];
	[sflag:s23] =	ssyncadd.s32 $0xFFFFFFFF  }
0xa5: {  	s26 =	simm.s32 $execute0_lowered;
	[smem:$0x3FD2] =	sst s25  }
0xa6: {  	s4 =	sshll.u32 s26, $0x1;
	_ =	strace $0x8000004C;
	[dreg:$0x1] =	wrdreg $0xFFFFFFFF  }
0xa7: {  	s28 =	simm.s32 $_size_execute0_lowered;
	s2 =	sadd.s32 s2, s4;
	[dreg:$0x0] =	wrdreg $0x0  }
0xa8: {  	s4 =	sshll.u32 s28, $0x1;
	[dreg:$0x2] =	wrdreg s2  }
0xa9: {  	[dreg:$0x3] =	wrdreg s4  }
0xaa: {  	[dreg:$0x4] =	wrdreg $0xC0  }
0xab: {  	_ =	task [dreg:s6], $0x5FFFF  }
0xac: {  	[dreg:$0x1] =	wrdreg $0xFFFFFFFF  }
0xad: {  	[dreg:$0x0] =	wrdreg $0x60  }
0xae: {  	[dreg:$0x2] =	wrdreg s24  }
0xaf: {  	[dreg:$0x3] =	wrdreg $0xB8000  }
0xb0: {  	[dreg:$0x4] =	wrdreg $0x9  }
0xb1: {  	_ =	task.clear_ibuf [dreg:s6], $0x5FFFF;
	_ =	strace $0x9000004C  }
0xb2: {  	s29 =	simm.s32 $0x9;
	_ =	strace $0x8000004E  }
0xb3: {  	_ =	swait.ge [sflag:s29], $0x1  }
0xb4: {  	[sflag:s29] =	ssyncadd.s32 $0xFFFFFFFF  }
0xb5: {  	_ =	strace $0x9000004E  }
0xb6: {  	_ =	sfence  }
0xb7: {  	s30 =	sld [smem:$0x0];
	_ =	sdelay $0x2  }
0xb8: {  	s31 =	sshll.u32 s1, $0xD;
	s1 =	sshrl.u32 s1, $0x2  }
0xb9: {  	s3 =	sand.u32 $0x4000, s31;
	s1 =	sadd.s32 s1, s30  }
0xba: {  	s0 =	sor.u32 s3, s0;
	s1 =	sshll.u32 s1, $0x11  }
0xbb: {  	s0 =	sor.u32 s1, s0  }
0xbc: {  	s0 =	sadd.s32 $0x8F2B, s0  }
0xbd: {  	[sflag:s0] =	ssyncadd.remote.s32 $0x1  }
0xbe: {  	_ =	sfence.sel $0xFFFF  }
0xbf: {  	[dreg:$0x0] =	wrdreg $0xFFFFFFFF;
	(pc) =	sbr.abs _section_cstart, $3  }
0xc0: {  	[dreg:$0x1] =	wrdreg $0xFFFFFFFF  }
0xc1: {  	_ =	task.clear_ibuf [dreg:s6], $0x2FFFF;
	_ =	strace $0x9FFFFFFF  }
0xc2: {  	(tm) =	ssettm $0x7FFFFFFF  }
0xc3: {  	_ =	shalt  }
tec
execute0_lowered:
.L_overlay_start_1:
0x0: {  	(tag) =	ssettag $0x1  }
0x1: {  	s0 =	rddreg [dreg:$0x0]  }
0x2: {  	s2 =	rddreg [dreg:$0x1];
	s3 =	simm.s32 $0x0;
	s5 =	stileid.u32  }
0x3: {  	s7 =	srdreg.scid;
	s13 =	simm.s32 $0x7;
	s17 =	simm.s32 $0x5800  }
0x4: {  	s19 =	simm.s32 $0x7800;
	s20 =	simm.s32 $0x1;
	s22 =	simm.s32 $0x9800  }
0x5: {  	s28 =	simm.s32 $0x5;
	s29 =	simm.s32 $0x6;
	s31 =	simm.s32 $0x0  }
0x6: {  	[smem:$0x7FF] =	sst s3;
	s1 =	smul.u32 $0x580, s5;
	s4 =	sadd.s32 $0x8D600, s0  }
0x7: {  	s8 =	smul.u32 $0x2800, s5;
	s6 =	sadd.s32 $0x31E00, s0;
	s7 =	sand.u32 $0x1, s7  }
0x8: {  	s10 =	smul.u32 $0x50000, s5;
	s11 =	sadd.s32 $0x59E00, s0;
	s30 =	sshll.u32 s5, $0x6  }
0x9: {  	s5 =	simm.s32 $0x2C00;
	_ =	strace $0x8000004D;
	s9 =	ssub.s32 $0x2, s7  }
0xa: {  	[dreg:$0x4] =	wrdreg s11;
	p0 =	seq.s32 s7, $0x0;
	s15 =	sor.u32 $0x1C07, s30  }
0xb: {  	s1 =	sadd.s32 s1, s0;
	[dreg:$0x3] =	wrdreg s8;
	s8 =	sadd.s32 s8, s0  }
0xc: {  	s0 =	sadd.s32 $0xDD600, s0;
	s23 =	sshrl.u32 s9, $0x1;
	s25 =	sshrl.u32 s10, $0x2  }
.Ltmp0:
0xd: {  	[dreg:$0x5] =	wrdreg s0;
	s0 =	ssub.s32 s9, s23;
	(pc) =	sbr.rel .LBB2_1-.Ltmp0, $4  }
0xe: {  	s24 =	sadd.s32 $0x87E00, s1;
	s1 =	sadd.s32 $0x82600, s1;
	s26 =	sadd.s32 s25, s2  }
0xf: {  	s11 =	sadd.s32 $0x9E00, s8;
	s23 =	simm.s32 $0x2;
	[dreg:$0x6] =	wrdreg s24  }
0x10: {  	s25 =	simm.s32 $0x40;
	[dreg:$0x7] =	wrdreg s1;
	s12 =	smax.u32 s0, $0x1  }
0x11: {  	s16 =	sshrl.u32 s26, $0x3;
	s24 =	simm.s32 $0x4;
	s26 =	simm.s32 $0x3  }
.LBB2_7:
0x12: {  	[spmem:s2] =	stream.indirect.scatter.add.f32 [tilespmem:s19], [sflag:$0x5], $0x80, s18, s25, $0xb8;
	[tilespmem:$0x1F800] =	vst v63  }
0x13: {  	s5 =	sand.u32 $0x3F80, s21;
	_ =	swait.ge [sflag:s24], $0x2000  }
0x14: {  	s5 =	sor.u32 s8, s5;
	[sflag:s24] =	ssyncset.done $0x0  }
0x15: {  	s9 =	sadd.s32 $0x2C00, s5;
	[sflag:s24] =	ssyncadd.s32 $0xFFFFE000  }
0x16: {  	[tilespmem:s17], [sflag:$0x1] =	stream.indirect.gather [hbm4b:s4+s25], $0x80, s9, s25, $0xb8;
	[tilespmem:$0x1F800] =	vst v63  }
0x17: {  	_ =	swait.ge [sflag:s26], $0x2000  }
0x18: {  	s21 =	sadd.s32 $0xFFFFFF40, s1;
	[sflag:s26] =	ssyncset.done $0x0  }
0x19: {  	s9 =	sand.u32 $0xFFFFFFC0, s21;
	[sflag:s26] =	ssyncadd.s32 $0xFFFFE000  }
0x1a: {  	[spmem:s2] =	stream.indirect.scatter.add.f32 [tilespmem:s22], [sflag:$0x6], $0x80, s9, s25, $0xb8;
	[tilespmem:$0x1F800] =	vst v63  }
0x1b: {  	_ =	swait.ge [sflag:s28], $0x2000  }
0x1c: {  	[sflag:s28] =	ssyncset.done $0x0  }
0x1d: {  	[sflag:s28] =	ssyncadd.s32 $0xFFFFE000  }
0x1e: {  	[tilespmem:s19], [sflag:$0x2] =	stream.indirect.gather [hbm4b:s4+s25], $0x80, s7, s25, $0xb8;
	[tilespmem:$0x1F800] =	vst v63  }
0x1f: {  	_ =	swait.ge [sflag:s20], $0x2000  }
0x20: {  	[sflag:s20] =	ssyncset.done $0x0  }
0x21: {  	[sflag:s20] =	ssyncadd.s32 $0xFFFFE000  }
0x22: {  	[spmem:s2] =	stream.indirect.scatter.add.f32 [tilespmem:s17], [sflag:$0x4], $0x80, s5, s25, $0xb8;
	[tilespmem:$0x1F800] =	vst v63  }
0x23: {  	s30 =	sand.u32 $0x7F80, s1;
	_ =	swait.ge [sflag:s29], $0x2000  }
0x24: {  	s1 =	sor.u32 s8, s30;
	[sflag:s29] =	ssyncset.done $0x0  }
0x25: {  	s1 =	sadd.s32 $0x2C00, s1;
	[sflag:s29] =	ssyncadd.s32 $0xFFFFE000  }
0x26: {  	[tilespmem:s22], [sflag:$0x3] =	stream.indirect.gather [hbm4b:s4+s25], $0x80, s1, s25, $0xb8;
	[tilespmem:$0x1F800] =	vst v63  }
0x27: {  	_ =	swait.ge [sflag:s23], $0x2000  }
0x28: {  	[sflag:s23] =	ssyncset.done $0x0  }
0x29: {  	[sflag:s23] =	ssyncadd.s32 $0xFFFFE000  }
0x2a: {  	[spmem:s2] =	stream.indirect.scatter.add.f32 [tilespmem:s19], [sflag:$0x5], $0x80, s0, s25, $0xb8;
	[tilespmem:$0x1F800] =	vst v63  }
0x2b: {  	s0 =	rddreg [dreg:$0x4]  }
.LBB2_8:
0x2c: {  	_ =	swait.ge [sflag:s26], $0x2000  }
0x2d: {  	[sflag:s26] =	ssyncset.done $0x0  }
0x2e: {  	s1 =	simm.s32 $0x2840;
	[sflag:s26] =	ssyncadd.s32 $0xFFFFE000  }
0x2f: {  	[spmem:s2] =	stream.indirect.scatter.add.f32 [tilespmem:s22], [sflag:$0x6], $0x80, s1, s25, $0xb8;
	[tilespmem:$0x1F800] =	vst v63  }
0x30: {  	_ =	swait.ge [sflag:s24], $0x2000  }
0x31: {  	[sflag:s24] =	ssyncset.done $0x0  }
0x32: {  	[sflag:s24] =	ssyncadd.s32 $0xFFFFE000  }
0x33: {  	_ =	swait.ge [sflag:s28], $0x2000  }
0x34: {  	[sflag:s28] =	ssyncset.done $0x0  }
0x35: {  	[sflag:s28] =	ssyncadd.s32 $0xFFFFE000  }
0x36: {  	_ =	swait.ge [sflag:s29], $0x2000  }
0x37: {  	s31 =	sadd.s32 $0x1, s31;
	[sflag:s29] =	ssyncset.done $0x0  }
0x38: {  	p1 =	sne.s32 s31, s12;
	s30 =	rddreg [dreg:$0x3];
	[sflag:s29] =	ssyncadd.s32 $0xFFFFE000  }
.Ltmp1:
0x39: {  	s0 =	sadd.s32 s0, s30;
	[bflag:$0x0] =	sbarrier.arrive $0xFFFF;
	(pc) =	sbr.rel @!p1 .LBB2_9-.Ltmp1, $4  }
0x3a: {  	[hbm:s0], [sflag:s15] =	dma.local [spmem:s16], $0x2800  }
0x3b: {  	_ =	swait.ge [sflag:s13], $0x2800  }
0x3c: {  	[sflag:s13] =	ssyncset.done $0x0  }
0x3d: {  	s5 =	simm.s32 $0x2C00;
	[sflag:s13] =	ssyncadd.s32 $0xFFFFD800  }
.LBB2_1:
0x3e: {  	s0 =	rddreg [dreg:$0x6]  }
0x3f: {  	[tilespmem:s3], [sflag:$0x7] =	stream.linear.gather [hbm4b:s0+s3], $0x2880, $0x38;
	[tilespmem:$0x1F800] =	vst v63  }
0x40: {  	_ =	swait.ge [sflag:s13], $0x2880  }
0x41: {  	[sflag:s13] =	ssyncset.done $0x0  }
0x42: {  	s30 =	rddreg [dreg:$0x7];
	[sflag:s13] =	ssyncadd.s32 $0xFFFFD780  }
0x43: {  	[tilespmem:s5], [sflag:$0x7] =	stream.linear.gather [hbm4b:s30+s3], $0x2880, $0x38;
	[tilespmem:$0x1F800] =	vst v63  }
0x44: {  	_ =	swait.ge [sflag:s13], $0x2880  }
0x45: {  	[sflag:s13] =	ssyncset.done $0x0  }
0x46: {  	[sflag:s13] =	ssyncadd.s32 $0xFFFFD780  }
0x47: {  	[spmem:s16], [sflag:s15] =	dma.local [hbm:s11], $0x2800  }
.Ltmp2:
0x48: {  	_ =	swait.ge [sflag:s13], $0x2800;
	(pc) =	sbr.rel @!p0 .LBB2_2-.Ltmp2, $3  }
0x49: {  	[sflag:s13] =	ssyncset.done $0x0  }
0x4a: {  	[sflag:s13] =	ssyncadd.s32 $0xFFFFD800  }
0x4b: {  	[bflag:$0x0] =	sbarrier.arrive $0xFFFF;
	_ =	sdelay $0x1  }
0x4c: {  	s0 =	simm.s32 $0x40  }
0x4d: {  	[tilespmem:s17], [sflag:$0x1] =	stream.indirect.gather [hbm4b:s4+s0], $0x80, s5, s0, $0xb8;
	[tilespmem:$0x1F800] =	vst v63  }
0x4e: {  	s1 =	simm.s32 $0x2C40  }
0x4f: {  	[tilespmem:s19], [sflag:$0x2] =	stream.indirect.gather [hbm4b:s4+s0], $0x80, s1, s0, $0xb8;
	[tilespmem:$0x1F800] =	vst v63  }
0x50: {  	_ =	swait.ge [sflag:s20], $0x2000  }
0x51: {  	[sflag:s20] =	ssyncset.done $0x0  }
0x52: {  	[sflag:s20] =	ssyncadd.s32 $0xFFFFE000  }
0x53: {  	[spmem:s2] =	stream.indirect.scatter.add.f32 [tilespmem:s17], [sflag:$0x4], $0x80, s3, s0, $0xb8;
	[tilespmem:$0x1F800] =	vst v63  }
0x54: {  	s7 =	simm.s32 $0x2C80  }
0x55: {  	[tilespmem:s22], [sflag:$0x3] =	stream.indirect.gather [hbm4b:s4+s0], $0x80, s7, s0, $0xb8;
	[tilespmem:$0x1F800] =	vst v63  }
0x56: {  	_ =	swait.ge [sflag:s23], $0x2000  }
0x57: {  	[sflag:s23] =	ssyncset.done $0x0  }
0x58: {  	s8 =	simm.s32 $0xC0;
	[sflag:s23] =	ssyncadd.s32 $0xFFFFE000  }
0x59: {  	[spmem:s2] =	stream.indirect.scatter.add.f32 [tilespmem:s19], [sflag:$0x5], $0x80, s0, s0, $0xb8;
	[tilespmem:$0x1F800] =	vst v63  }
0x5a: {  	s1 =	sand.u32 $0x3F80, s8;
	s0 =	sand.u32 $0x40, s0;
	_ =	swait.ge [sflag:s24], $0x2000  }
0x5b: {  	s1 =	sor.u32 s0, s1;
	[sflag:s24] =	ssyncset.done $0x0  }
0x5c: {  	s7 =	sadd.s32 $0x2C00, s1;
	[sflag:s24] =	ssyncadd.s32 $0xFFFFE000  }
0x5d: {  	[tilespmem:s17], [sflag:$0x1] =	stream.indirect.gather [hbm4b:s4+s25], $0x80, s7, s25, $0xb8;
	[tilespmem:$0x1F800] =	vst v63  }
0x5e: {  	_ =	swait.ge [sflag:s26], $0x2000  }
0x5f: {  	s9 =	simm.s32 $0x80;
	[sflag:s26] =	ssyncset.done $0x0  }
0x60: {  	s7 =	sand.u32 $0xFFFFFFC0, s9;
	[sflag:s26] =	ssyncadd.s32 $0xFFFFE000  }
0x61: {  	[spmem:s2] =	stream.indirect.scatter.add.f32 [tilespmem:s22], [sflag:$0x6], $0x80, s7, s25, $0xb8;
	[tilespmem:$0x1F800] =	vst v63  }
0x62: {  	_ =	swait.ge [sflag:s28], $0x2000  }
0x63: {  	[sflag:s28] =	ssyncset.done $0x0  }
0x64: {  	s10 =	simm.s32 $0x2D00;
	[sflag:s28] =	ssyncadd.s32 $0xFFFFE000  }
0x65: {  	[tilespmem:s19], [sflag:$0x2] =	stream.indirect.gather [hbm4b:s4+s25], $0x80, s10, s25, $0xb8;
	[tilespmem:$0x1F800] =	vst v63  }
0x66: {  	_ =	swait.ge [sflag:s20], $0x2000  }
0x67: {  	[sflag:s20] =	ssyncset.done $0x0  }
0x68: {  	s14 =	simm.s32 $0x140;
	[sflag:s20] =	ssyncadd.s32 $0xFFFFE000  }
0x69: {  	[spmem:s2] =	stream.indirect.scatter.add.f32 [tilespmem:s17], [sflag:$0x4], $0x80, s1, s25, $0xb8;
	[tilespmem:$0x1F800] =	vst v63  }
0x6a: {  	s18 =	simm.s32 $0x100;
	s21 =	sand.u32 $0x7F80, s14;
	_ =	swait.ge [sflag:s29], $0x2000  }
0x6b: {  	s30 =	simm.s32 $0x2C0;
	s0 =	sor.u32 s0, s21;
	[sflag:s29] =	ssyncset.done $0x0  }
0x6c: {  	s8 =	simm.s32 $0x80;
	s0 =	sadd.s32 $0x2C00, s0;
	[sflag:s29] =	ssyncadd.s32 $0xFFFFE000  }
0x6d: {  	[tilespmem:s22], [sflag:$0x3] =	stream.indirect.gather [hbm4b:s4+s25], $0x80, s0, s25, $0xb8;
	[tilespmem:$0x1F800] =	vst v63  }
0x6e: {  	s8 =	sand.u32 $0x40, s8;
	s21 =	simm.s32 $0x180;
	_ =	swait.ge [sflag:s23], $0x2000  }
0x6f: {  	s9 =	simm.s32 $0xC0;
	s7 =	simm.s32 $0x2DC0;
	[sflag:s23] =	ssyncset.done $0x0  }
0x70: {  	s1 =	simm.s32 $0x200;
	s0 =	simm.s32 $0x1C0;
	[sflag:s23] =	ssyncadd.s32 $0xFFFFE000  }
.LBB2_6:
0x71: {  	[spmem:s2] =	stream.indirect.scatter.add.f32 [tilespmem:s19], [sflag:$0x5], $0x80, s18, s25, $0xb8;
	[tilespmem:$0x1F800] =	vst v63  }
0x72: {  	s5 =	smov.u32 s9;
	s18 =	smov.u32 s0  }
0x73: {  	s10 =	sand.u32 $0x3F80, s21;
	s21 =	sadd.s32 $0xFFFFFF80, s30;
	_ =	swait.ge [sflag:s24], $0x2000  }
0x74: {  	s14 =	sadd.s32 $0x40, s9;
	s10 =	sor.u32 s8, s10;
	[sflag:s24] =	ssyncset.done $0x0  }
0x75: {  	p1 =	seq.s32 s9, $0xD40;
	s9 =	sadd.s32 $0x2C00, s10;
	[sflag:s24] =	ssyncadd.s32 $0xFFFFE000  }
0x76: {  	[tilespmem:s17], [sflag:$0x1] =	stream.indirect.gather [hbm4b:s4+s25], $0x80, s9, s25, $0xb8;
	[tilespmem:$0x1F800] =	vst v63  }
0x77: {  	_ =	swait.ge [sflag:s26], $0x2000  }
0x78: {  	s9 =	sadd.s32 $0xFFFFFF40, s1;
	[sflag:s26] =	ssyncset.done $0x0  }
0x79: {  	s9 =	sand.u32 $0xFFFFFFC0, s9;
	[sflag:s26] =	ssyncadd.s32 $0xFFFFE000  }
0x7a: {  	[spmem:s2] =	stream.indirect.scatter.add.f32 [tilespmem:s22], [sflag:$0x6], $0x80, s9, s25, $0xb8;
	[tilespmem:$0x1F800] =	vst v63  }
0x7b: {  	_ =	swait.ge [sflag:s28], $0x2000  }
0x7c: {  	[sflag:s28] =	ssyncset.done $0x0  }
0x7d: {  	[sflag:s28] =	ssyncadd.s32 $0xFFFFE000  }
0x7e: {  	[tilespmem:s19], [sflag:$0x2] =	stream.indirect.gather [hbm4b:s4+s25], $0x80, s7, s25, $0xb8;
	[tilespmem:$0x1F800] =	vst v63  }
0x7f: {  	_ =	swait.ge [sflag:s20], $0x2000  }
0x80: {  	[sflag:s20] =	ssyncset.done $0x0  }
0x81: {  	[sflag:s20] =	ssyncadd.s32 $0xFFFFE000  }
0x82: {  	[spmem:s2] =	stream.indirect.scatter.add.f32 [tilespmem:s17], [sflag:$0x4], $0x80, s10, s25, $0xb8;
	[tilespmem:$0x1F800] =	vst v63  }
0x83: {  	s9 =	sand.u32 $0x7F80, s1;
	s1 =	smov.u32 s30;
	_ =	swait.ge [sflag:s29], $0x2000  }
0x84: {  	s8 =	sor.u32 s8, s9;
	[sflag:s29] =	ssyncset.done $0x0  }
.Ltmp3:
0x85: {  	s8 =	sadd.s32 $0x2C00, s8;
	[sflag:s29] =	ssyncadd.s32 $0xFFFFE000;
	(pc) =	sbr.rel @!p1 .LBB2_6-.Ltmp3, $4  }
0x86: {  	[tilespmem:s22], [sflag:$0x3] =	stream.indirect.gather [hbm4b:s4+s25], $0x80, s8, s25, $0xb8;
	[tilespmem:$0x1F800] =	vst v63  }
0x87: {  	s0 =	sadd.s32 $0xC0, s0;
	_ =	swait.ge [sflag:s23], $0x2000  }
0x88: {  	s30 =	sadd.s32 $0xC0, s30;
	s7 =	sadd.s32 $0xC0, s7;
	[sflag:s23] =	ssyncset.done $0x0  }
0x89: {  	s9 =	smov.u32 s14;
	s8 =	sand.u32 $0x40, s5;
	[sflag:s23] =	ssyncadd.s32 $0xFFFFE000  }
.Ltmp4:
0x8a: {  	_ = 	snop;
	(pc) =	sbr.rel .LBB2_7-.Ltmp4, $1  }
0x8b: {  	_ =	sdelay $0x3  }
.LBB2_2:
0x8c: {  	s8 =	simm.s32 $0x40  }
0x8d: {  	[tilespmem:s17], [sflag:$0x1] =	stream.indirect.gather [hbm4b:s6+s8], $0x80, s5, s8, $0xb8;
	[tilespmem:$0x1F800] =	vst v63  }
0x8e: {  	s0 =	simm.s32 $0x2C40  }
0x8f: {  	[tilespmem:s19], [sflag:$0x2] =	stream.indirect.gather [hbm4b:s6+s8], $0x80, s0, s8, $0xb8;
	[tilespmem:$0x1F800] =	vst v63  }
0x90: {  	_ =	swait.ge [sflag:s20], $0x2000  }
0x91: {  	[sflag:s20] =	ssyncset.done $0x0  }
0x92: {  	[sflag:s20] =	ssyncadd.s32 $0xFFFFE000  }
0x93: {  	[spmem:s2] =	stream.indirect.scatter.add.f32 [tilespmem:s17], [sflag:$0x4], $0x80, s3, s8, $0xb8;
	[tilespmem:$0x1F800] =	vst v63  }
0x94: {  	s7 =	simm.s32 $0x2C80  }
0x95: {  	[tilespmem:s22], [sflag:$0x3] =	stream.indirect.gather [hbm4b:s6+s8], $0x80, s7, s8, $0xb8;
	[tilespmem:$0x1F800] =	vst v63  }
0x96: {  	_ =	swait.ge [sflag:s23], $0x2000  }
0x97: {  	[sflag:s23] =	ssyncset.done $0x0  }
0x98: {  	s9 =	simm.s32 $0xC0;
	[sflag:s23] =	ssyncadd.s32 $0xFFFFE000  }
0x99: {  	[spmem:s2] =	stream.indirect.scatter.add.f32 [tilespmem:s19], [sflag:$0x5], $0x80, s8, s8, $0xb8;
	[tilespmem:$0x1F800] =	vst v63  }
0x9a: {  	s5 =	sand.u32 $0x3F80, s9;
	s8 =	sand.u32 $0x40, s8;
	_ =	swait.ge [sflag:s24], $0x2000  }
0x9b: {  	s5 =	sor.u32 s8, s5;
	[sflag:s24] =	ssyncset.done $0x0  }
0x9c: {  	s9 =	sadd.s32 $0x2C00, s5;
	[sflag:s24] =	ssyncadd.s32 $0xFFFFE000  }
0x9d: {  	[tilespmem:s17], [sflag:$0x1] =	stream.indirect.gather [hbm4b:s6+s25], $0x80, s9, s25, $0xb8;
	[tilespmem:$0x1F800] =	vst v63  }
0x9e: {  	_ =	swait.ge [sflag:s26], $0x2000  }
0x9f: {  	s10 =	simm.s32 $0x80;
	[sflag:s26] =	ssyncset.done $0x0  }
0xa0: {  	s9 =	sand.u32 $0xFFFFFFC0, s10;
	[sflag:s26] =	ssyncadd.s32 $0xFFFFE000  }
0xa1: {  	[spmem:s2] =	stream.indirect.scatter.add.f32 [tilespmem:s22], [sflag:$0x6], $0x80, s9, s25, $0xb8;
	[tilespmem:$0x1F800] =	vst v63  }
0xa2: {  	_ =	swait.ge [sflag:s28], $0x2000  }
0xa3: {  	[sflag:s28] =	ssyncset.done $0x0  }
0xa4: {  	s7 =	simm.s32 $0x2D00;
	[sflag:s28] =	ssyncadd.s32 $0xFFFFE000  }
0xa5: {  	[tilespmem:s19], [sflag:$0x2] =	stream.indirect.gather [hbm4b:s6+s25], $0x80, s7, s25, $0xb8;
	[tilespmem:$0x1F800] =	vst v63  }
0xa6: {  	_ =	swait.ge [sflag:s20], $0x2000  }
0xa7: {  	[sflag:s20] =	ssyncset.done $0x0  }
0xa8: {  	s1 =	simm.s32 $0x140;
	[sflag:s20] =	ssyncadd.s32 $0xFFFFE000  }
0xa9: {  	[spmem:s2] =	stream.indirect.scatter.add.f32 [tilespmem:s17], [sflag:$0x4], $0x80, s5, s25, $0xb8;
	[tilespmem:$0x1F800] =	vst v63  }
0xaa: {  	s14 =	simm.s32 $0x80;
	s1 =	sand.u32 $0x7F80, s1;
	_ =	swait.ge [sflag:s29], $0x2000  }
0xab: {  	s21 =	simm.s32 $0x180;
	s1 =	sor.u32 s8, s1;
	[sflag:s29] =	ssyncset.done $0x0  }
0xac: {  	s18 =	simm.s32 $0x2DC0;
	s1 =	sadd.s32 $0x2C00, s1;
	[sflag:s29] =	ssyncadd.s32 $0xFFFFE000  }
0xad: {  	[tilespmem:s22], [sflag:$0x3] =	stream.indirect.gather [hbm4b:s6+s25], $0x80, s1, s25, $0xb8;
	[tilespmem:$0x1F800] =	vst v63  }
0xae: {  	s30 =	simm.s32 $0x2C0;
	s0 =	simm.s32 $0x100;
	_ =	swait.ge [sflag:s23], $0x2000  }
0xaf: {  	s8 =	sand.u32 $0x40, s14;
	s9 =	simm.s32 $0xC0;
	[sflag:s23] =	ssyncset.done $0x0  }
0xb0: {  	s7 =	simm.s32 $0x200;
	s1 =	simm.s32 $0x1C0;
	[sflag:s23] =	ssyncadd.s32 $0xFFFFE000  }
.LBB2_3:
0xb1: {  	[spmem:s2] =	stream.indirect.scatter.add.f32 [tilespmem:s19], [sflag:$0x5], $0x80, s0, s25, $0xb8;
	[tilespmem:$0x1F800] =	vst v63  }
0xb2: {  	s5 =	smov.u32 s9;
	s0 =	smov.u32 s1  }
0xb3: {  	s10 =	sand.u32 $0x3F80, s21;
	s21 =	sadd.s32 $0xFFFFFF80, s30;
	_ =	swait.ge [sflag:s24], $0x2000  }
0xb4: {  	s14 =	sadd.s32 $0x40, s9;
	s10 =	sor.u32 s8, s10;
	[sflag:s24] =	ssyncset.done $0x0  }
0xb5: {  	p1 =	sne.s32 s9, $0xD40;
	s9 =	sadd.s32 $0x2C00, s10;
	[sflag:s24] =	ssyncadd.s32 $0xFFFFE000  }
0xb6: {  	[tilespmem:s17], [sflag:$0x1] =	stream.indirect.gather [hbm4b:s6+s25], $0x80, s9, s25, $0xb8;
	[tilespmem:$0x1F800] =	vst v63  }
0xb7: {  	_ =	swait.ge [sflag:s26], $0x2000  }
0xb8: {  	s9 =	sadd.s32 $0xFFFFFF40, s7;
	[sflag:s26] =	ssyncset.done $0x0  }
0xb9: {  	s9 =	sand.u32 $0xFFFFFFC0, s9;
	[sflag:s26] =	ssyncadd.s32 $0xFFFFE000  }
0xba: {  	[spmem:s2] =	stream.indirect.scatter.add.f32 [tilespmem:s22], [sflag:$0x6], $0x80, s9, s25, $0xb8;
	[tilespmem:$0x1F800] =	vst v63  }
0xbb: {  	_ =	swait.ge [sflag:s28], $0x2000  }
0xbc: {  	[sflag:s28] =	ssyncset.done $0x0  }
0xbd: {  	[sflag:s28] =	ssyncadd.s32 $0xFFFFE000  }
0xbe: {  	[tilespmem:s19], [sflag:$0x2] =	stream.indirect.gather [hbm4b:s6+s25], $0x80, s18, s25, $0xb8;
	[tilespmem:$0x1F800] =	vst v63  }
0xbf: {  	_ =	swait.ge [sflag:s20], $0x2000  }
0xc0: {  	[sflag:s20] =	ssyncset.done $0x0  }
0xc1: {  	[sflag:s20] =	ssyncadd.s32 $0xFFFFE000  }
0xc2: {  	[spmem:s2] =	stream.indirect.scatter.add.f32 [tilespmem:s17], [sflag:$0x4], $0x80, s10, s25, $0xb8;
	[tilespmem:$0x1F800] =	vst v63  }
0xc3: {  	s9 =	sand.u32 $0x7F80, s7;
	s7 =	smov.u32 s30;
	_ =	swait.ge [sflag:s29], $0x2000  }
0xc4: {  	s8 =	sor.u32 s8, s9;
	[sflag:s29] =	ssyncset.done $0x0  }
.Ltmp5:
0xc5: {  	s8 =	sadd.s32 $0x2C00, s8;
	[sflag:s29] =	ssyncadd.s32 $0xFFFFE000;
	(pc) =	sbr.rel @p1 .LBB2_3-.Ltmp5, $4  }
0xc6: {  	[tilespmem:s22], [sflag:$0x3] =	stream.indirect.gather [hbm4b:s6+s25], $0x80, s8, s25, $0xb8;
	[tilespmem:$0x1F800] =	vst v63  }
0xc7: {  	s1 =	sadd.s32 $0xC0, s1;
	_ =	swait.ge [sflag:s23], $0x2000  }
0xc8: {  	s30 =	sadd.s32 $0xC0, s30;
	s18 =	sadd.s32 $0xC0, s18;
	[sflag:s23] =	ssyncset.done $0x0  }
0xc9: {  	s9 =	smov.u32 s14;
	s8 =	sand.u32 $0x40, s5;
	[sflag:s23] =	ssyncadd.s32 $0xFFFFE000  }
0xca: {  	[spmem:s2] =	stream.indirect.scatter.add.f32 [tilespmem:s19], [sflag:$0x5], $0x80, s0, s25, $0xb8;
	[tilespmem:$0x1F800] =	vst v63  }
0xcb: {  	s14 =	sand.u32 $0x3F80, s21;
	_ =	swait.ge [sflag:s24], $0x2000  }
0xcc: {  	s0 =	sor.u32 s8, s14;
	[sflag:s24] =	ssyncset.done $0x0  }
0xcd: {  	s5 =	sadd.s32 $0x2C00, s0;
	[sflag:s24] =	ssyncadd.s32 $0xFFFFE000  }
0xce: {  	[tilespmem:s17], [sflag:$0x1] =	stream.indirect.gather [hbm4b:s6+s25], $0x80, s5, s25, $0xb8;
	[tilespmem:$0x1F800] =	vst v63  }
0xcf: {  	_ =	swait.ge [sflag:s26], $0x2000  }
0xd0: {  	s21 =	sadd.s32 $0xFFFFFF40, s7;
	[sflag:s26] =	ssyncset.done $0x0  }
0xd1: {  	s5 =	sand.u32 $0xFFFFFFC0, s21;
	[sflag:s26] =	ssyncadd.s32 $0xFFFFE000  }
0xd2: {  	[spmem:s2] =	stream.indirect.scatter.add.f32 [tilespmem:s22], [sflag:$0x6], $0x80, s5, s25, $0xb8;
	[tilespmem:$0x1F800] =	vst v63  }
0xd3: {  	_ =	swait.ge [sflag:s28], $0x2000  }
0xd4: {  	[sflag:s28] =	ssyncset.done $0x0  }
0xd5: {  	[sflag:s28] =	ssyncadd.s32 $0xFFFFE000  }
0xd6: {  	[tilespmem:s19], [sflag:$0x2] =	stream.indirect.gather [hbm4b:s6+s25], $0x80, s18, s25, $0xb8;
	[tilespmem:$0x1F800] =	vst v63  }
0xd7: {  	_ =	swait.ge [sflag:s20], $0x2000  }
0xd8: {  	[sflag:s20] =	ssyncset.done $0x0  }
0xd9: {  	[sflag:s20] =	ssyncadd.s32 $0xFFFFE000  }
0xda: {  	[spmem:s2] =	stream.indirect.scatter.add.f32 [tilespmem:s17], [sflag:$0x4], $0x80, s0, s25, $0xb8;
	[tilespmem:$0x1F800] =	vst v63  }
0xdb: {  	s30 =	sand.u32 $0x7F80, s7;
	_ =	swait.ge [sflag:s29], $0x2000  }
0xdc: {  	s0 =	sor.u32 s8, s30;
	[sflag:s29] =	ssyncset.done $0x0  }
0xdd: {  	s0 =	sadd.s32 $0x2C00, s0;
	[sflag:s29] =	ssyncadd.s32 $0xFFFFE000  }
0xde: {  	[tilespmem:s22], [sflag:$0x3] =	stream.indirect.gather [hbm4b:s6+s25], $0x80, s0, s25, $0xb8;
	[tilespmem:$0x1F800] =	vst v63  }
.Ltmp6:
0xdf: {  	_ = 	snop;
	(pc) =	sbr.rel .LBB2_8-.Ltmp6, $4  }
0xe0: {  	_ =	swait.ge [sflag:s23], $0x2000  }
0xe1: {  	[sflag:s23] =	ssyncset.done $0x0  }
0xe2: {  	s0 =	rddreg [dreg:$0x5];
	[sflag:s23] =	ssyncadd.s32 $0xFFFFE000  }
0xe3: {  	[spmem:s2] =	stream.indirect.scatter.add.f32 [tilespmem:s19], [sflag:$0x5], $0x80, s1, s25, $0xb8;
	[tilespmem:$0x1F800] =	vst v63  }
.LBB2_9:
0xe4: {  	_ =	sfence.sel $0x180000  }
0xe5: {  	[bflag:$0x0] =	sbarrier.arrive $0xFFFF  }
0xe6: {  	_ =	strace $0x9000004D  }
0xe7: {  	s0 =	stileid.u32;
	[bflag:$0x2] =	sbarrier.arrive $0xFFFF  }
0xe8: {  	p0 =	sne.s32 s0, $0x0;
	s0 =	rddreg [dreg:$0x2]  }
0xe9: {  	s0 =	sadd.s32 @!p0 $0x100000, s0  }
0xea: {  	[sflag:s0] =	ssyncadd.tile.s32 @!p0 $0x1;
	_ =	shalt  }
.Lfunc_end2:
_tile_overlayer_lowered:
.L_overlay_start_2:
0xeb: {  	(tag) =	ssettag $0x2  }
0xec: {  	s0 =	rddreg [dreg:$0x0];
	s2 =	stileid.u32  }
0xed: {  	s1 =	rddreg [dreg:$0x1];
	p0 =	sne.s32 s2, $0x0  }
0xee: {  	s3 =	rddreg [dreg:$0x2];
	[bflag:$0x3] =	sbarrier.arrive $0xFFFF;
	s2 =	simm.s32 @!p0 $0x1C07  }
0xef: {  	[timem:s3], [sflag:s2] =	dma.local @!p0 [hbm:s0], s1  }
0xf0: {  	s0 =	simm.s32 @!p0 $0x7  }
0xf1: {  	_ =	swait.ge @!p0 [sflag:s0], s1  }
0xf2: {  	s1 =	ssub.s32 @!p0 $0x0, s1;
	[sflag:s0] =	ssyncset.done @!p0 $0x0  }
0xf3: {  	[sflag:s0] =	ssyncadd.s32 @!p0 s1  }
0xf4: {  	[bflag:$0x3] =	sbarrier.arrive $0xFFFF  }
0xf5: {  	_ =	shalt  }

// kernel: kernel.22.cloned.1.call-start
scs
__scs_entry_jumppad:
0x0: {  	(pc) =	sbr.rel $0x88, $3  }
0x1: {  	(tag) =	ssettag $0x0;
	lr =	simm.s32 $0x1  }
0x2: {  	[smem:$0x3F99] =	sst lr;
	_ =	strace $0xD0000000  }
0x3: {  	_ = 	snop  }
0x4: {  	_ = 	snop  }
0x5: {  	_ = 	snop  }
0x6: {  	_ = 	snop  }
0x7: {  	_ = 	snop  }
__scs_overlays_trampoline_lowered:
0x8: {  	[smem:$0x3FA8] =	sst s0  }
0x9: {  	[smem:$0x3FA9] =	sst s1  }
0xa: {  	[smem:$0x3FAA] =	sst s2  }
0xb: {  	[smem:$0x3FAB] =	sst s3  }
0xc: {  	[smem:$0x3FAC] =	sst s4  }
0xd: {  	[smem:$0x3FAD] =	sst s5  }
0xe: {  	[smem:$0x3FAE] =	sst s6  }
0xf: {  	[smem:$0x3FAF] =	sst s7  }
0x10: {  	[smem:$0x3FB0] =	sst s8  }
0x11: {  	[smem:$0x3FB1] =	sst s9;
	s0 =	simm.s32 @!p0 $0x0  }
0x12: {  	s1 =	sld [smem:$0x3F97];
	s0 =	simm.s32 @p0 $0x1  }
0x13: {  	[smem:$0x3FB2] =	sst s0;
	s0 =	simm.s32 @!p1 $0x0  }
0x14: {  	s2 =	sld [smem:$0x3F96];
	s0 =	simm.s32 @p1 $0x1  }
0x15: {  	[smem:$0x3FB3] =	sst s0;
	s0 =	simm.s32 @!p2 $0x0  }
0x16: {  	s3 =	sld [smem:$0x3FDB];
	s0 =	simm.s32 @p2 $0x1  }
0x17: {  	s4 =	simm.s32 $0x1BF5;
	[smem:$0x3FB5] =	sst s0  }
0x18: {  	s0 =	sld [smem:$0x3F98];
	_ =	swait.ge [sflag:s4], $0x0  }
0x19: {  	s7 =	sld [smem:$0x3F99]  }
0x1a: {  	s8 =	sadd.s32 $0xFFFFE003, lr  }
0x1b: {  	s9 =	sadd.s32 $0xFFFFFEF7, lr;
	s5 =	simm.s32 $0xFFFFFFFF;
	p2 =	slt.u32 s8, $0xFFFFF086  }
0x1c: {  	p1 =	slt.u32 s9, $0xF7A;
	s5 =	simm.s32 @!p2 $0x0  }
0x1d: {  	s5 =	simm.s32 @p1 $0x1;
	p0 =	seq.s32 s7, s2  }
0x1e: {  	s7 =	smul.u32 @!p0 $0xF7A, s2;
	p2 =	seq.s32 @!p0 s5, $0x0  }
0x1f: {  	s9 =	smul.u32 $0xF7A, s1;
	s8 =	simm.s32 @!p0 $0x1BF5;
	p2 =	por !p2, p0  }
0x20: {  	[sflag:s8] =	ssyncset.s32 @!p0 $0xFFFFF086;
	s6 =	sadd.s32 @!p0 s3, s7;
	s7 =	simm.s32 @!p0 $0x108  }
0x21: {  	s3 =	sadd.s32 s3, s9;
	s6 =	sadd.s32 @!p0 $0x88, s6;
	s7 =	simm.s32 @p2 $0x1082  }
0x22: {  	[simem:s7], [sflag:s8] =	dma.local @!p0 [hbm:s6], $0xF7A  }
0x23: {  	s9 =	sor.u32 $0xD0000000, s2;
	s6 =	simm.s32 $0x108;
	_ =	swait.ge @!p0 [sflag:s8], $0x0  }
0x24: {  	s3 =	sadd.s32 $0x88, s3;
	s6 =	simm.s32 @!p1 $0x1082;
	[sflag:s4] =	ssyncset.s32 $0xFFFFF086  }
0x25: {  	[simem:s6], [sflag:s4] =	dma.local [hbm:s3], $0xF7A  }
0x26: {  	[smem:$0x3F99] =	sst s1;
	(tag) =	ssettag s2;
	_ =	strace s9  }
0x27: {  	s1 =	sld [smem:$0x3FA9]  }
0x28: {  	s2 =	sld [smem:$0x3FAA]  }
0x29: {  	s4 =	sld [smem:$0x3FAC]  }
0x2a: {  	p0 =	seq.s32 s5, $0x0;
	s5 =	sld [smem:$0x3FAD]  }
0x2b: {  	s6 =	sld [smem:$0x3FAE]  }
0x2c: {  	s7 =	sld [smem:$0x3FAF]  }
0x2d: {  	s3 =	simm.s32 $0x108;
	s8 =	sld [smem:$0x3FB0]  }
0x2e: {  	s3 =	simm.s32 @!p0 $0x1082;
	s9 =	sld [smem:$0x3FB1]  }
0x2f: {  	lr =	sadd.s32 s0, s3;
	s0 =	sld [smem:$0x3FA8]  }
0x30: {  	s3 =	sld [smem:$0x3FAB]  }
0x31: {  	[smem:$0x3FB4] =	sst s10  }
0x32: {  	s10 =	sld [smem:$0x3FB2];
	_ =	sdelay $0x3  }
0x33: {  	p0 =	seq.s32 s10, $0x1;
	s10 =	sld [smem:$0x3FB4];
	_ =	sdelay $0x3  }
0x34: {  	[smem:$0x3FB4] =	sst s10  }
0x35: {  	s10 =	sld [smem:$0x3FB3];
	_ =	sdelay $0x3  }
0x36: {  	p1 =	seq.s32 s10, $0x1;
	s10 =	sld [smem:$0x3FB4];
	_ =	sdelay $0x3  }
0x37: {  	[smem:$0x3FB4] =	sst s10  }
0x38: {  	s10 =	sld [smem:$0x3FB5]  }
0x39: {  	_ = 	snop;
	(pc) =	sbr.ind lr, $3  }
0x3a: {  	_ = 	snop  }
0x3b: {  	_ = 	snop  }
0x3c: {  	p2 =	seq.s32 s10, $0x1;
	s10 =	sld [smem:$0x3FB4]  }
0x3d: {  	_ =	shalt  }
0x3e: {  	_ =	shalt  }
0x3f: {  	_ =	shalt  }
0x40: {  	_ =	shalt  }
0x41: {  	_ =	shalt  }
0x42: {  	_ =	shalt  }
0x43: {  	_ =	shalt  }
0x44: {  	_ =	shalt  }
0x45: {  	_ =	shalt  }
0x46: {  	_ =	shalt  }
0x47: {  	_ =	shalt  }
0x48: {  	_ =	shalt  }
0x49: {  	_ =	shalt  }
0x4a: {  	_ =	shalt  }
0x4b: {  	_ =	shalt  }
0x4c: {  	_ =	shalt  }
0x4d: {  	_ =	shalt  }
0x4e: {  	_ =	shalt  }
0x4f: {  	_ =	shalt  }
0x50: {  	_ =	shalt  }
0x51: {  	_ =	shalt  }
0x52: {  	_ =	shalt  }
0x53: {  	_ =	shalt  }
0x54: {  	_ =	shalt  }
0x55: {  	_ =	shalt  }
0x56: {  	_ =	shalt  }
0x57: {  	_ =	shalt  }
0x58: {  	_ =	shalt  }
0x59: {  	_ =	shalt  }
0x5a: {  	_ =	shalt  }
0x5b: {  	_ =	shalt  }
0x5c: {  	_ =	shalt  }
0x5d: {  	_ =	shalt  }
0x5e: {  	_ =	shalt  }
0x5f: {  	_ =	shalt  }
0x60: {  	_ =	shalt  }
0x61: {  	_ =	shalt  }
0x62: {  	_ =	shalt  }
0x63: {  	_ =	shalt  }
0x64: {  	_ =	shalt  }
0x65: {  	_ =	shalt  }
0x66: {  	_ =	shalt  }
0x67: {  	_ =	shalt  }
0x68: {  	_ =	shalt  }
0x69: {  	_ =	shalt  }
0x6a: {  	_ =	shalt  }
0x6b: {  	_ =	shalt  }
0x6c: {  	_ =	shalt  }
0x6d: {  	_ =	shalt  }
0x6e: {  	_ =	shalt  }
0x6f: {  	_ =	shalt  }
0x70: {  	_ =	shalt  }
0x71: {  	_ =	shalt  }
0x72: {  	_ =	shalt  }
0x73: {  	_ =	shalt  }
0x74: {  	_ =	shalt  }
0x75: {  	_ =	shalt  }
0x76: {  	_ =	shalt  }
0x77: {  	_ =	shalt  }
0x78: {  	_ =	shalt  }
0x79: {  	_ =	shalt  }
0x7a: {  	_ =	shalt  }
0x7b: {  	_ =	shalt  }
0x7c: {  	_ =	shalt  }
0x7d: {  	_ =	shalt  }
0x7e: {  	_ =	shalt  }
0x7f: {  	_ =	shalt  }
0x80: {  	_ =	shalt  }
0x81: {  	_ =	shalt  }
0x82: {  	_ =	shalt  }
0x83: {  	_ =	shalt  }
0x84: {  	_ =	shalt  }
0x85: {  	_ =	shalt  }
0x86: {  	_ =	shalt  }
0x87: {  	_ =	shalt  }
.Lfunc_end0:
.L_simem_size_0:
called_computation.3_lowered:
.L_overlay_start_0:
0x88: {  	s2 =	sld [smem:$0x3FD9]  }
0x89: {  	s3 =	sld [smem:$0x3FFE];
	_ =	sdelay $0x1  }
0x8a: {  	s1 =	srdreg.scid  }
0x8b: {  	s0 =	sand.u32 $0x1, s1  }
0x8c: {  	s16 =	sshll.u32 s0, $0xA;
	s2 =	sadd.s32 s3, s2  }
0x8d: {  	s2 =	sadd.s32 s2, s16  }
0x8e: {  	[smem:$0x3FC0] =	sst s2  }
0x8f: {  	_ = 	snop  }
0x90: {  	(tm) =	ssettm $0x1  }
0x91: {  	s17 =	sld [smem:$0x3FFB];
	_ =	sdelay $0x3  }
0x92: {  	_ =	strace s17  }
0x93: {  	s2 =	sld [smem:$0x3FFC];
	_ =	sdelay $0x3  }
0x94: {  	_ =	strace s2  }
0x95: {  	s2 =	sld [smem:$0x3FFD];
	_ =	sdelay $0x3  }
0x96: {  	_ =	strace s2  }
0x97: {  	_ =	strace $0x8FFFFFFF  }
0x98: {  	s18 =	sld [smem:$0x3FDB];
	_ =	sdelay $0x1  }
0x99: {  	s19 =	simm.s32 $_scs_section_size  }
0x9a: {  	s4 =	simm.s32 $_size__tile_overlayer_lowered;
	s5 =	simm.s32 $_tile_overlayer_lowered  }
0x9b: {  	s22 =	simm.s32 $0x1BFF;
	s21 =	sshll.u32 s5, $0x1;
	s2 =	sadd.s32 s19, s18  }
0x9c: {  	s6 =	simm.s32 $0x0;
	s20 =	sshll.u32 s4, $0x1;
	s4 =	sadd.s32 s21, s2  }
0x9d: {  	[timem:s6], [sflag:s22] =	dma.local [hbm:s4], s20  }
0x9e: {  	_ =	swait.ge [sflag:s22], s20  }
0x9f: {  	s3 =	ssub.s32 $0x0, s20;
	[sflag:s22] =	ssyncset.done $0x0  }
0xa0: {  	[sflag:s22] =	ssyncadd.s32 s3;
	_ =	sdelay $0x1  }
0xa1: {  	s23 =	simm.s32 $0x1B8B  }
0xa2: {  	_ =	swait.ge [sflag:s23], $0x1  }
0xa3: {  	[sflag:s23] =	ssyncset.done $0x0  }
0xa4: {  	s25 =	simm.s32 $0x1B8E;
	s24 =	sld [smem:$0x3FFE];
	[sflag:s23] =	ssyncadd.s32 $0xFFFFFFFF  }
0xa5: {  	s26 =	simm.s32 $execute0_lowered;
	[smem:$0x3FD2] =	sst s25  }
0xa6: {  	s4 =	sshll.u32 s26, $0x1;
	_ =	strace $0x8000004F;
	[dreg:$0x1] =	wrdreg $0xFFFFFFFF  }
0xa7: {  	s28 =	simm.s32 $_size_execute0_lowered;
	s2 =	sadd.s32 s2, s4;
	[dreg:$0x0] =	wrdreg $0x0  }
0xa8: {  	s4 =	sshll.u32 s28, $0x1;
	[dreg:$0x2] =	wrdreg s2  }
0xa9: {  	[dreg:$0x3] =	wrdreg s4  }
0xaa: {  	[dreg:$0x4] =	wrdreg $0xC0  }
0xab: {  	_ =	task [dreg:s6], $0x5FFFF  }
0xac: {  	[dreg:$0x1] =	wrdreg $0xFFFFFFFF  }
0xad: {  	[dreg:$0x0] =	wrdreg $0x60  }
0xae: {  	[dreg:$0x2] =	wrdreg s24  }
0xaf: {  	[dreg:$0x3] =	wrdreg $0xB8000  }
0xb0: {  	[dreg:$0x4] =	wrdreg $0x9  }
0xb1: {  	_ =	task.clear_ibuf [dreg:s6], $0x5FFFF;
	_ =	strace $0x9000004F  }
0xb2: {  	s29 =	simm.s32 $0x9;
	_ =	strace $0x80000051  }
0xb3: {  	_ =	swait.ge [sflag:s29], $0x1  }
0xb4: {  	[sflag:s29] =	ssyncadd.s32 $0xFFFFFFFF  }
0xb5: {  	_ =	strace $0x90000051  }
0xb6: {  	_ =	sfence  }
0xb7: {  	s30 =	sld [smem:$0x0];
	_ =	sdelay $0x2  }
0xb8: {  	s31 =	sshll.u32 s1, $0xD;
	s1 =	sshrl.u32 s1, $0x2  }
0xb9: {  	s3 =	sand.u32 $0x4000, s31;
	s1 =	sadd.s32 s1, s30  }
0xba: {  	s0 =	sor.u32 s3, s0;
	s1 =	sshll.u32 s1, $0x11  }
0xbb: {  	s0 =	sor.u32 s1, s0  }
0xbc: {  	s0 =	sadd.s32 $0x8F2B, s0  }
0xbd: {  	[sflag:s0] =	ssyncadd.remote.s32 $0x1  }
0xbe: {  	_ =	sfence.sel $0xFFFF  }
0xbf: {  	[dreg:$0x0] =	wrdreg $0xFFFFFFFF;
	(pc) =	sbr.abs _section_cstart, $3  }
0xc0: {  	[dreg:$0x1] =	wrdreg $0xFFFFFFFF  }
0xc1: {  	_ =	task.clear_ibuf [dreg:s6], $0x2FFFF;
	_ =	strace $0x9FFFFFFF  }
0xc2: {  	(tm) =	ssettm $0x7FFFFFFF  }
0xc3: {  	_ =	shalt  }
tec
execute0_lowered:
.L_overlay_start_1:
0x0: {  	(tag) =	ssettag $0x1  }
0x1: {  	s0 =	rddreg [dreg:$0x0]  }
0x2: {  	s2 =	rddreg [dreg:$0x1];
	s3 =	simm.s32 $0x0;
	s5 =	stileid.u32  }
0x3: {  	s7 =	srdreg.scid;
	s13 =	simm.s32 $0x7;
	s17 =	simm.s32 $0x5800  }
0x4: {  	s19 =	simm.s32 $0x7800;
	s20 =	simm.s32 $0x1;
	s22 =	simm.s32 $0x9800  }
0x5: {  	s28 =	simm.s32 $0x5;
	s29 =	simm.s32 $0x6;
	s31 =	simm.s32 $0x0  }
0x6: {  	[smem:$0x7FF] =	sst s3;
	s1 =	smul.u32 $0x580, s5;
	s4 =	sadd.s32 $0x31E00, s0  }
0x7: {  	s8 =	smul.u32 $0x2800, s5;
	s6 =	sadd.s32 $0x59000, s0;
	s7 =	sand.u32 $0x1, s7  }
0x8: {  	s10 =	smul.u32 $0x50000, s5;
	s11 =	sadd.s32 $0x8D600, s0;
	s30 =	sshll.u32 s5, $0x6  }
0x9: {  	s5 =	simm.s32 $0x2C00;
	_ =	strace $0x80000050;
	s9 =	ssub.s32 $0x2, s7  }
0xa: {  	[dreg:$0x4] =	wrdreg s11;
	p0 =	seq.s32 s7, $0x0;
	s15 =	sor.u32 $0x1C07, s30  }
0xb: {  	s1 =	sadd.s32 s1, s0;
	[dreg:$0x3] =	wrdreg s8;
	s8 =	sadd.s32 s8, s0  }
0xc: {  	s0 =	sadd.s32 $0xB5600, s0;
	s23 =	sshrl.u32 s9, $0x1;
	s25 =	sshrl.u32 s10, $0x2  }
.Ltmp0:
0xd: {  	[dreg:$0x5] =	wrdreg s0;
	s0 =	ssub.s32 s9, s23;
	(pc) =	sbr.rel .LBB2_1-.Ltmp0, $4  }
0xe: {  	s24 =	sadd.s32 $0x87E00, s1;
	s1 =	sadd.s32 $0x82600, s1;
	s26 =	sadd.s32 s25, s2  }
0xf: {  	s11 =	sadd.s32 $0x9E00, s8;
	s23 =	simm.s32 $0x2;
	[dreg:$0x6] =	wrdreg s24  }
0x10: {  	s25 =	simm.s32 $0x40;
	[dreg:$0x7] =	wrdreg s1;
	s12 =	smax.u32 s0, $0x1  }
0x11: {  	s16 =	sshrl.u32 s26, $0x3;
	s24 =	simm.s32 $0x4;
	s26 =	simm.s32 $0x3  }
.LBB2_7:
0x12: {  	[spmem:s2] =	stream.indirect.scatter.add.f32 [tilespmem:s19], [sflag:$0x5], $0x80, s18, s25, $0xb8;
	[tilespmem:$0x1F800] =	vst v63  }
0x13: {  	s5 =	sand.u32 $0x3F80, s21;
	_ =	swait.ge [sflag:s24], $0x2000  }
0x14: {  	s5 =	sor.u32 s8, s5;
	[sflag:s24] =	ssyncset.done $0x0  }
0x15: {  	s9 =	sadd.s32 $0x2C00, s5;
	[sflag:s24] =	ssyncadd.s32 $0xFFFFE000  }
0x16: {  	[tilespmem:s17], [sflag:$0x1] =	stream.indirect.gather [hbm4b:s4+s25], $0x80, s9, s25, $0xb8;
	[tilespmem:$0x1F800] =	vst v63  }
0x17: {  	_ =	swait.ge [sflag:s26], $0x2000  }
0x18: {  	s21 =	sadd.s32 $0xFFFFFF40, s1;
	[sflag:s26] =	ssyncset.done $0x0  }
0x19: {  	s9 =	sand.u32 $0xFFFFFFC0, s21;
	[sflag:s26] =	ssyncadd.s32 $0xFFFFE000  }
0x1a: {  	[spmem:s2] =	stream.indirect.scatter.add.f32 [tilespmem:s22], [sflag:$0x6], $0x80, s9, s25, $0xb8;
	[tilespmem:$0x1F800] =	vst v63  }
0x1b: {  	_ =	swait.ge [sflag:s28], $0x2000  }
0x1c: {  	[sflag:s28] =	ssyncset.done $0x0  }
0x1d: {  	[sflag:s28] =	ssyncadd.s32 $0xFFFFE000  }
0x1e: {  	[tilespmem:s19], [sflag:$0x2] =	stream.indirect.gather [hbm4b:s4+s25], $0x80, s7, s25, $0xb8;
	[tilespmem:$0x1F800] =	vst v63  }
0x1f: {  	_ =	swait.ge [sflag:s20], $0x2000  }
0x20: {  	[sflag:s20] =	ssyncset.done $0x0  }
0x21: {  	[sflag:s20] =	ssyncadd.s32 $0xFFFFE000  }
0x22: {  	[spmem:s2] =	stream.indirect.scatter.add.f32 [tilespmem:s17], [sflag:$0x4], $0x80, s5, s25, $0xb8;
	[tilespmem:$0x1F800] =	vst v63  }
0x23: {  	s30 =	sand.u32 $0x7F80, s1;
	_ =	swait.ge [sflag:s29], $0x2000  }
0x24: {  	s1 =	sor.u32 s8, s30;
	[sflag:s29] =	ssyncset.done $0x0  }
0x25: {  	s1 =	sadd.s32 $0x2C00, s1;
	[sflag:s29] =	ssyncadd.s32 $0xFFFFE000  }
0x26: {  	[tilespmem:s22], [sflag:$0x3] =	stream.indirect.gather [hbm4b:s4+s25], $0x80, s1, s25, $0xb8;
	[tilespmem:$0x1F800] =	vst v63  }
0x27: {  	_ =	swait.ge [sflag:s23], $0x2000  }
0x28: {  	[sflag:s23] =	ssyncset.done $0x0  }
0x29: {  	[sflag:s23] =	ssyncadd.s32 $0xFFFFE000  }
0x2a: {  	[spmem:s2] =	stream.indirect.scatter.add.f32 [tilespmem:s19], [sflag:$0x5], $0x80, s0, s25, $0xb8;
	[tilespmem:$0x1F800] =	vst v63  }
0x2b: {  	s0 =	rddreg [dreg:$0x4]  }
.LBB2_8:
0x2c: {  	_ =	swait.ge [sflag:s26], $0x2000  }
0x2d: {  	[sflag:s26] =	ssyncset.done $0x0  }
0x2e: {  	s1 =	simm.s32 $0x2840;
	[sflag:s26] =	ssyncadd.s32 $0xFFFFE000  }
0x2f: {  	[spmem:s2] =	stream.indirect.scatter.add.f32 [tilespmem:s22], [sflag:$0x6], $0x80, s1, s25, $0xb8;
	[tilespmem:$0x1F800] =	vst v63  }
0x30: {  	_ =	swait.ge [sflag:s24], $0x2000  }
0x31: {  	[sflag:s24] =	ssyncset.done $0x0  }
0x32: {  	[sflag:s24] =	ssyncadd.s32 $0xFFFFE000  }
0x33: {  	_ =	swait.ge [sflag:s28], $0x2000  }
0x34: {  	[sflag:s28] =	ssyncset.done $0x0  }
0x35: {  	[sflag:s28] =	ssyncadd.s32 $0xFFFFE000  }
0x36: {  	_ =	swait.ge [sflag:s29], $0x2000  }
0x37: {  	s31 =	sadd.s32 $0x1, s31;
	[sflag:s29] =	ssyncset.done $0x0  }
0x38: {  	p1 =	sne.s32 s31, s12;
	s30 =	rddreg [dreg:$0x3];
	[sflag:s29] =	ssyncadd.s32 $0xFFFFE000  }
.Ltmp1:
0x39: {  	s0 =	sadd.s32 s0, s30;
	[bflag:$0x0] =	sbarrier.arrive $0xFFFF;
	(pc) =	sbr.rel @!p1 .LBB2_9-.Ltmp1, $4  }
0x3a: {  	[hbm:s0], [sflag:s15] =	dma.local [spmem:s16], $0x2800  }
0x3b: {  	_ =	swait.ge [sflag:s13], $0x2800  }
0x3c: {  	[sflag:s13] =	ssyncset.done $0x0  }
0x3d: {  	s5 =	simm.s32 $0x2C00;
	[sflag:s13] =	ssyncadd.s32 $0xFFFFD800  }
.LBB2_1:
0x3e: {  	s0 =	rddreg [dreg:$0x6]  }
0x3f: {  	[tilespmem:s3], [sflag:$0x7] =	stream.linear.gather [hbm4b:s0+s3], $0x2880, $0x38;
	[tilespmem:$0x1F800] =	vst v63  }
0x40: {  	_ =	swait.ge [sflag:s13], $0x2880  }
0x41: {  	[sflag:s13] =	ssyncset.done $0x0  }
0x42: {  	s30 =	rddreg [dreg:$0x7];
	[sflag:s13] =	ssyncadd.s32 $0xFFFFD780  }
0x43: {  	[tilespmem:s5], [sflag:$0x7] =	stream.linear.gather [hbm4b:s30+s3], $0x2880, $0x38;
	[tilespmem:$0x1F800] =	vst v63  }
0x44: {  	_ =	swait.ge [sflag:s13], $0x2880  }
0x45: {  	[sflag:s13] =	ssyncset.done $0x0  }
0x46: {  	[sflag:s13] =	ssyncadd.s32 $0xFFFFD780  }
0x47: {  	[spmem:s16], [sflag:s15] =	dma.local [hbm:s11], $0x2800  }
.Ltmp2:
0x48: {  	_ =	swait.ge [sflag:s13], $0x2800;
	(pc) =	sbr.rel @!p0 .LBB2_2-.Ltmp2, $3  }
0x49: {  	[sflag:s13] =	ssyncset.done $0x0  }
0x4a: {  	[sflag:s13] =	ssyncadd.s32 $0xFFFFD800  }
0x4b: {  	[bflag:$0x0] =	sbarrier.arrive $0xFFFF;
	_ =	sdelay $0x1  }
0x4c: {  	s0 =	simm.s32 $0x40  }
0x4d: {  	[tilespmem:s17], [sflag:$0x1] =	stream.indirect.gather [hbm4b:s4+s0], $0x80, s5, s0, $0xb8;
	[tilespmem:$0x1F800] =	vst v63  }
0x4e: {  	s1 =	simm.s32 $0x2C40  }
0x4f: {  	[tilespmem:s19], [sflag:$0x2] =	stream.indirect.gather [hbm4b:s4+s0], $0x80, s1, s0, $0xb8;
	[tilespmem:$0x1F800] =	vst v63  }
0x50: {  	_ =	swait.ge [sflag:s20], $0x2000  }
0x51: {  	[sflag:s20] =	ssyncset.done $0x0  }
0x52: {  	[sflag:s20] =	ssyncadd.s32 $0xFFFFE000  }
0x53: {  	[spmem:s2] =	stream.indirect.scatter.add.f32 [tilespmem:s17], [sflag:$0x4], $0x80, s3, s0, $0xb8;
	[tilespmem:$0x1F800] =	vst v63  }
0x54: {  	s7 =	simm.s32 $0x2C80  }
0x55: {  	[tilespmem:s22], [sflag:$0x3] =	stream.indirect.gather [hbm4b:s4+s0], $0x80, s7, s0, $0xb8;
	[tilespmem:$0x1F800] =	vst v63  }
0x56: {  	_ =	swait.ge [sflag:s23], $0x2000  }
0x57: {  	[sflag:s23] =	ssyncset.done $0x0  }
0x58: {  	s8 =	simm.s32 $0xC0;
	[sflag:s23] =	ssyncadd.s32 $0xFFFFE000  }
0x59: {  	[spmem:s2] =	stream.indirect.scatter.add.f32 [tilespmem:s19], [sflag:$0x5], $0x80, s0, s0, $0xb8;
	[tilespmem:$0x1F800] =	vst v63  }
0x5a: {  	s1 =	sand.u32 $0x3F80, s8;
	s0 =	sand.u32 $0x40, s0;
	_ =	swait.ge [sflag:s24], $0x2000  }
0x5b: {  	s1 =	sor.u32 s0, s1;
	[sflag:s24] =	ssyncset.done $0x0  }
0x5c: {  	s7 =	sadd.s32 $0x2C00, s1;
	[sflag:s24] =	ssyncadd.s32 $0xFFFFE000  }
0x5d: {  	[tilespmem:s17], [sflag:$0x1] =	stream.indirect.gather [hbm4b:s4+s25], $0x80, s7, s25, $0xb8;
	[tilespmem:$0x1F800] =	vst v63  }
0x5e: {  	_ =	swait.ge [sflag:s26], $0x2000  }
0x5f: {  	s9 =	simm.s32 $0x80;
	[sflag:s26] =	ssyncset.done $0x0  }
0x60: {  	s7 =	sand.u32 $0xFFFFFFC0, s9;
	[sflag:s26] =	ssyncadd.s32 $0xFFFFE000  }
0x61: {  	[spmem:s2] =	stream.indirect.scatter.add.f32 [tilespmem:s22], [sflag:$0x6], $0x80, s7, s25, $0xb8;
	[tilespmem:$0x1F800] =	vst v63  }
0x62: {  	_ =	swait.ge [sflag:s28], $0x2000  }
0x63: {  	[sflag:s28] =	ssyncset.done $0x0  }
0x64: {  	s10 =	simm.s32 $0x2D00;
	[sflag:s28] =	ssyncadd.s32 $0xFFFFE000  }
0x65: {  	[tilespmem:s19], [sflag:$0x2] =	stream.indirect.gather [hbm4b:s4+s25], $0x80, s10, s25, $0xb8;
	[tilespmem:$0x1F800] =	vst v63  }
0x66: {  	_ =	swait.ge [sflag:s20], $0x2000  }
0x67: {  	[sflag:s20] =	ssyncset.done $0x0  }
0x68: {  	s14 =	simm.s32 $0x140;
	[sflag:s20] =	ssyncadd.s32 $0xFFFFE000  }
0x69: {  	[spmem:s2] =	stream.indirect.scatter.add.f32 [tilespmem:s17], [sflag:$0x4], $0x80, s1, s25, $0xb8;
	[tilespmem:$0x1F800] =	vst v63  }
0x6a: {  	s18 =	simm.s32 $0x100;
	s21 =	sand.u32 $0x7F80, s14;
	_ =	swait.ge [sflag:s29], $0x2000  }
0x6b: {  	s30 =	simm.s32 $0x2C0;
	s0 =	sor.u32 s0, s21;
	[sflag:s29] =	ssyncset.done $0x0  }
0x6c: {  	s8 =	simm.s32 $0x80;
	s0 =	sadd.s32 $0x2C00, s0;
	[sflag:s29] =	ssyncadd.s32 $0xFFFFE000  }
0x6d: {  	[tilespmem:s22], [sflag:$0x3] =	stream.indirect.gather [hbm4b:s4+s25], $0x80, s0, s25, $0xb8;
	[tilespmem:$0x1F800] =	vst v63  }
0x6e: {  	s8 =	sand.u32 $0x40, s8;
	s21 =	simm.s32 $0x180;
	_ =	swait.ge [sflag:s23], $0x2000  }
0x6f: {  	s9 =	simm.s32 $0xC0;
	s7 =	simm.s32 $0x2DC0;
	[sflag:s23] =	ssyncset.done $0x0  }
0x70: {  	s1 =	simm.s32 $0x200;
	s0 =	simm.s32 $0x1C0;
	[sflag:s23] =	ssyncadd.s32 $0xFFFFE000  }
.LBB2_6:
0x71: {  	[spmem:s2] =	stream.indirect.scatter.add.f32 [tilespmem:s19], [sflag:$0x5], $0x80, s18, s25, $0xb8;
	[tilespmem:$0x1F800] =	vst v63  }
0x72: {  	s5 =	smov.u32 s9;
	s18 =	smov.u32 s0  }
0x73: {  	s10 =	sand.u32 $0x3F80, s21;
	s21 =	sadd.s32 $0xFFFFFF80, s30;
	_ =	swait.ge [sflag:s24], $0x2000  }
0x74: {  	s14 =	sadd.s32 $0x40, s9;
	s10 =	sor.u32 s8, s10;
	[sflag:s24] =	ssyncset.done $0x0  }
0x75: {  	p1 =	seq.s32 s9, $0xD40;
	s9 =	sadd.s32 $0x2C00, s10;
	[sflag:s24] =	ssyncadd.s32 $0xFFFFE000  }
0x76: {  	[tilespmem:s17], [sflag:$0x1] =	stream.indirect.gather [hbm4b:s4+s25], $0x80, s9, s25, $0xb8;
	[tilespmem:$0x1F800] =	vst v63  }
0x77: {  	_ =	swait.ge [sflag:s26], $0x2000  }
0x78: {  	s9 =	sadd.s32 $0xFFFFFF40, s1;
	[sflag:s26] =	ssyncset.done $0x0  }
0x79: {  	s9 =	sand.u32 $0xFFFFFFC0, s9;
	[sflag:s26] =	ssyncadd.s32 $0xFFFFE000  }
0x7a: {  	[spmem:s2] =	stream.indirect.scatter.add.f32 [tilespmem:s22], [sflag:$0x6], $0x80, s9, s25, $0xb8;
	[tilespmem:$0x1F800] =	vst v63  }
0x7b: {  	_ =	swait.ge [sflag:s28], $0x2000  }
0x7c: {  	[sflag:s28] =	ssyncset.done $0x0  }
0x7d: {  	[sflag:s28] =	ssyncadd.s32 $0xFFFFE000  }
0x7e: {  	[tilespmem:s19], [sflag:$0x2] =	stream.indirect.gather [hbm4b:s4+s25], $0x80, s7, s25, $0xb8;
	[tilespmem:$0x1F800] =	vst v63  }
0x7f: {  	_ =	swait.ge [sflag:s20], $0x2000  }
0x80: {  	[sflag:s20] =	ssyncset.done $0x0  }
0x81: {  	[sflag:s20] =	ssyncadd.s32 $0xFFFFE000  }
0x82: {  	[spmem:s2] =	stream.indirect.scatter.add.f32 [tilespmem:s17], [sflag:$0x4], $0x80, s10, s25, $0xb8;
	[tilespmem:$0x1F800] =	vst v63  }
0x83: {  	s9 =	sand.u32 $0x7F80, s1;
	s1 =	smov.u32 s30;
	_ =	swait.ge [sflag:s29], $0x2000  }
0x84: {  	s8 =	sor.u32 s8, s9;
	[sflag:s29] =	ssyncset.done $0x0  }
.Ltmp3:
0x85: {  	s8 =	sadd.s32 $0x2C00, s8;
	[sflag:s29] =	ssyncadd.s32 $0xFFFFE000;
	(pc) =	sbr.rel @!p1 .LBB2_6-.Ltmp3, $4  }
0x86: {  	[tilespmem:s22], [sflag:$0x3] =	stream.indirect.gather [hbm4b:s4+s25], $0x80, s8, s25, $0xb8;
	[tilespmem:$0x1F800] =	vst v63  }
0x87: {  	s0 =	sadd.s32 $0xC0, s0;
	_ =	swait.ge [sflag:s23], $0x2000  }
0x88: {  	s30 =	sadd.s32 $0xC0, s30;
	s7 =	sadd.s32 $0xC0, s7;
	[sflag:s23] =	ssyncset.done $0x0  }
0x89: {  	s9 =	smov.u32 s14;
	s8 =	sand.u32 $0x40, s5;
	[sflag:s23] =	ssyncadd.s32 $0xFFFFE000  }
.Ltmp4:
0x8a: {  	_ = 	snop;
	(pc) =	sbr.rel .LBB2_7-.Ltmp4, $1  }
0x8b: {  	_ =	sdelay $0x3  }
.LBB2_2:
0x8c: {  	s8 =	simm.s32 $0x40  }
0x8d: {  	[tilespmem:s17], [sflag:$0x1] =	stream.indirect.gather [hbm4b:s6+s8], $0x80, s5, s8, $0xb8;
	[tilespmem:$0x1F800] =	vst v63  }
0x8e: {  	s0 =	simm.s32 $0x2C40  }
0x8f: {  	[tilespmem:s19], [sflag:$0x2] =	stream.indirect.gather [hbm4b:s6+s8], $0x80, s0, s8, $0xb8;
	[tilespmem:$0x1F800] =	vst v63  }
0x90: {  	_ =	swait.ge [sflag:s20], $0x2000  }
0x91: {  	[sflag:s20] =	ssyncset.done $0x0  }
0x92: {  	[sflag:s20] =	ssyncadd.s32 $0xFFFFE000  }
0x93: {  	[spmem:s2] =	stream.indirect.scatter.add.f32 [tilespmem:s17], [sflag:$0x4], $0x80, s3, s8, $0xb8;
	[tilespmem:$0x1F800] =	vst v63  }
0x94: {  	s7 =	simm.s32 $0x2C80  }
0x95: {  	[tilespmem:s22], [sflag:$0x3] =	stream.indirect.gather [hbm4b:s6+s8], $0x80, s7, s8, $0xb8;
	[tilespmem:$0x1F800] =	vst v63  }
0x96: {  	_ =	swait.ge [sflag:s23], $0x2000  }
0x97: {  	[sflag:s23] =	ssyncset.done $0x0  }
0x98: {  	s9 =	simm.s32 $0xC0;
	[sflag:s23] =	ssyncadd.s32 $0xFFFFE000  }
0x99: {  	[spmem:s2] =	stream.indirect.scatter.add.f32 [tilespmem:s19], [sflag:$0x5], $0x80, s8, s8, $0xb8;
	[tilespmem:$0x1F800] =	vst v63  }
0x9a: {  	s5 =	sand.u32 $0x3F80, s9;
	s8 =	sand.u32 $0x40, s8;
	_ =	swait.ge [sflag:s24], $0x2000  }
0x9b: {  	s5 =	sor.u32 s8, s5;
	[sflag:s24] =	ssyncset.done $0x0  }
0x9c: {  	s9 =	sadd.s32 $0x2C00, s5;
	[sflag:s24] =	ssyncadd.s32 $0xFFFFE000  }
0x9d: {  	[tilespmem:s17], [sflag:$0x1] =	stream.indirect.gather [hbm4b:s6+s25], $0x80, s9, s25, $0xb8;
	[tilespmem:$0x1F800] =	vst v63  }
0x9e: {  	_ =	swait.ge [sflag:s26], $0x2000  }
0x9f: {  	s10 =	simm.s32 $0x80;
	[sflag:s26] =	ssyncset.done $0x0  }
0xa0: {  	s9 =	sand.u32 $0xFFFFFFC0, s10;
	[sflag:s26] =	ssyncadd.s32 $0xFFFFE000  }
0xa1: {  	[spmem:s2] =	stream.indirect.scatter.add.f32 [tilespmem:s22], [sflag:$0x6], $0x80, s9, s25, $0xb8;
	[tilespmem:$0x1F800] =	vst v63  }
0xa2: {  	_ =	swait.ge [sflag:s28], $0x2000  }
0xa3: {  	[sflag:s28] =	ssyncset.done $0x0  }
0xa4: {  	s7 =	simm.s32 $0x2D00;
	[sflag:s28] =	ssyncadd.s32 $0xFFFFE000  }
0xa5: {  	[tilespmem:s19], [sflag:$0x2] =	stream.indirect.gather [hbm4b:s6+s25], $0x80, s7, s25, $0xb8;
	[tilespmem:$0x1F800] =	vst v63  }
0xa6: {  	_ =	swait.ge [sflag:s20], $0x2000  }
0xa7: {  	[sflag:s20] =	ssyncset.done $0x0  }
0xa8: {  	s1 =	simm.s32 $0x140;
	[sflag:s20] =	ssyncadd.s32 $0xFFFFE000  }
0xa9: {  	[spmem:s2] =	stream.indirect.scatter.add.f32 [tilespmem:s17], [sflag:$0x4], $0x80, s5, s25, $0xb8;
	[tilespmem:$0x1F800] =	vst v63  }
0xaa: {  	s14 =	simm.s32 $0x80;
	s1 =	sand.u32 $0x7F80, s1;
	_ =	swait.ge [sflag:s29], $0x2000  }
0xab: {  	s21 =	simm.s32 $0x180;
	s1 =	sor.u32 s8, s1;
	[sflag:s29] =	ssyncset.done $0x0  }
0xac: {  	s18 =	simm.s32 $0x2DC0;
	s1 =	sadd.s32 $0x2C00, s1;
	[sflag:s29] =	ssyncadd.s32 $0xFFFFE000  }
0xad: {  	[tilespmem:s22], [sflag:$0x3] =	stream.indirect.gather [hbm4b:s6+s25], $0x80, s1, s25, $0xb8;
	[tilespmem:$0x1F800] =	vst v63  }
0xae: {  	s30 =	simm.s32 $0x2C0;
	s0 =	simm.s32 $0x100;
	_ =	swait.ge [sflag:s23], $0x2000  }
0xaf: {  	s8 =	sand.u32 $0x40, s14;
	s9 =	simm.s32 $0xC0;
	[sflag:s23] =	ssyncset.done $0x0  }
0xb0: {  	s7 =	simm.s32 $0x200;
	s1 =	simm.s32 $0x1C0;
	[sflag:s23] =	ssyncadd.s32 $0xFFFFE000  }
.LBB2_3:
0xb1: {  	[spmem:s2] =	stream.indirect.scatter.add.f32 [tilespmem:s19], [sflag:$0x5], $0x80, s0, s25, $0xb8;
	[tilespmem:$0x1F800] =	vst v63  }
0xb2: {  	s5 =	smov.u32 s9;
	s0 =	smov.u32 s1  }
0xb3: {  	s10 =	sand.u32 $0x3F80, s21;
	s21 =	sadd.s32 $0xFFFFFF80, s30;
	_ =	swait.ge [sflag:s24], $0x2000  }
0xb4: {  	s14 =	sadd.s32 $0x40, s9;
	s10 =	sor.u32 s8, s10;
	[sflag:s24] =	ssyncset.done $0x0  }
0xb5: {  	p1 =	sne.s32 s9, $0xD40;
	s9 =	sadd.s32 $0x2C00, s10;
	[sflag:s24] =	ssyncadd.s32 $0xFFFFE000  }
0xb6: {  	[tilespmem:s17], [sflag:$0x1] =	stream.indirect.gather [hbm4b:s6+s25], $0x80, s9, s25, $0xb8;
	[tilespmem:$0x1F800] =	vst v63  }
0xb7: {  	_ =	swait.ge [sflag:s26], $0x2000  }
0xb8: {  	s9 =	sadd.s32 $0xFFFFFF40, s7;
	[sflag:s26] =	ssyncset.done $0x0  }
0xb9: {  	s9 =	sand.u32 $0xFFFFFFC0, s9;
	[sflag:s26] =	ssyncadd.s32 $0xFFFFE000  }
0xba: {  	[spmem:s2] =	stream.indirect.scatter.add.f32 [tilespmem:s22], [sflag:$0x6], $0x80, s9, s25, $0xb8;
	[tilespmem:$0x1F800] =	vst v63  }
0xbb: {  	_ =	swait.ge [sflag:s28], $0x2000  }
0xbc: {  	[sflag:s28] =	ssyncset.done $0x0  }
0xbd: {  	[sflag:s28] =	ssyncadd.s32 $0xFFFFE000  }
0xbe: {  	[tilespmem:s19], [sflag:$0x2] =	stream.indirect.gather [hbm4b:s6+s25], $0x80, s18, s25, $0xb8;
	[tilespmem:$0x1F800] =	vst v63  }
0xbf: {  	_ =	swait.ge [sflag:s20], $0x2000  }
0xc0: {  	[sflag:s20] =	ssyncset.done $0x0  }
0xc1: {  	[sflag:s20] =	ssyncadd.s32 $0xFFFFE000  }
0xc2: {  	[spmem:s2] =	stream.indirect.scatter.add.f32 [tilespmem:s17], [sflag:$0x4], $0x80, s10, s25, $0xb8;
	[tilespmem:$0x1F800] =	vst v63  }
0xc3: {  	s9 =	sand.u32 $0x7F80, s7;
	s7 =	smov.u32 s30;
	_ =	swait.ge [sflag:s29], $0x2000  }
0xc4: {  	s8 =	sor.u32 s8, s9;
	[sflag:s29] =	ssyncset.done $0x0  }
.Ltmp5:
0xc5: {  	s8 =	sadd.s32 $0x2C00, s8;
	[sflag:s29] =	ssyncadd.s32 $0xFFFFE000;
	(pc) =	sbr.rel @p1 .LBB2_3-.Ltmp5, $4  }
0xc6: {  	[tilespmem:s22], [sflag:$0x3] =	stream.indirect.gather [hbm4b:s6+s25], $0x80, s8, s25, $0xb8;
	[tilespmem:$0x1F800] =	vst v63  }
0xc7: {  	s1 =	sadd.s32 $0xC0, s1;
	_ =	swait.ge [sflag:s23], $0x2000  }
0xc8: {  	s30 =	sadd.s32 $0xC0, s30;
	s18 =	sadd.s32 $0xC0, s18;
	[sflag:s23] =	ssyncset.done $0x0  }
0xc9: {  	s9 =	smov.u32 s14;
	s8 =	sand.u32 $0x40, s5;
	[sflag:s23] =	ssyncadd.s32 $0xFFFFE000  }
0xca: {  	[spmem:s2] =	stream.indirect.scatter.add.f32 [tilespmem:s19], [sflag:$0x5], $0x80, s0, s25, $0xb8;
	[tilespmem:$0x1F800] =	vst v63  }
0xcb: {  	s14 =	sand.u32 $0x3F80, s21;
	_ =	swait.ge [sflag:s24], $0x2000  }
0xcc: {  	s0 =	sor.u32 s8, s14;
	[sflag:s24] =	ssyncset.done $0x0  }
0xcd: {  	s5 =	sadd.s32 $0x2C00, s0;
	[sflag:s24] =	ssyncadd.s32 $0xFFFFE000  }
0xce: {  	[tilespmem:s17], [sflag:$0x1] =	stream.indirect.gather [hbm4b:s6+s25], $0x80, s5, s25, $0xb8;
	[tilespmem:$0x1F800] =	vst v63  }
0xcf: {  	_ =	swait.ge [sflag:s26], $0x2000  }
0xd0: {  	s21 =	sadd.s32 $0xFFFFFF40, s7;
	[sflag:s26] =	ssyncset.done $0x0  }
0xd1: {  	s5 =	sand.u32 $0xFFFFFFC0, s21;
	[sflag:s26] =	ssyncadd.s32 $0xFFFFE000  }
0xd2: {  	[spmem:s2] =	stream.indirect.scatter.add.f32 [tilespmem:s22], [sflag:$0x6], $0x80, s5, s25, $0xb8;
	[tilespmem:$0x1F800] =	vst v63  }
0xd3: {  	_ =	swait.ge [sflag:s28], $0x2000  }
0xd4: {  	[sflag:s28] =	ssyncset.done $0x0  }
0xd5: {  	[sflag:s28] =	ssyncadd.s32 $0xFFFFE000  }
0xd6: {  	[tilespmem:s19], [sflag:$0x2] =	stream.indirect.gather [hbm4b:s6+s25], $0x80, s18, s25, $0xb8;
	[tilespmem:$0x1F800] =	vst v63  }
0xd7: {  	_ =	swait.ge [sflag:s20], $0x2000  }
0xd8: {  	[sflag:s20] =	ssyncset.done $0x0  }
0xd9: {  	[sflag:s20] =	ssyncadd.s32 $0xFFFFE000  }
0xda: {  	[spmem:s2] =	stream.indirect.scatter.add.f32 [tilespmem:s17], [sflag:$0x4], $0x80, s0, s25, $0xb8;
	[tilespmem:$0x1F800] =	vst v63  }
0xdb: {  	s30 =	sand.u32 $0x7F80, s7;
	_ =	swait.ge [sflag:s29], $0x2000  }
0xdc: {  	s0 =	sor.u32 s8, s30;
	[sflag:s29] =	ssyncset.done $0x0  }
0xdd: {  	s0 =	sadd.s32 $0x2C00, s0;
	[sflag:s29] =	ssyncadd.s32 $0xFFFFE000  }
0xde: {  	[tilespmem:s22], [sflag:$0x3] =	stream.indirect.gather [hbm4b:s6+s25], $0x80, s0, s25, $0xb8;
	[tilespmem:$0x1F800] =	vst v63  }
.Ltmp6:
0xdf: {  	_ = 	snop;
	(pc) =	sbr.rel .LBB2_8-.Ltmp6, $4  }
0xe0: {  	_ =	swait.ge [sflag:s23], $0x2000  }
0xe1: {  	[sflag:s23] =	ssyncset.done $0x0  }
0xe2: {  	s0 =	rddreg [dreg:$0x5];
	[sflag:s23] =	ssyncadd.s32 $0xFFFFE000  }
0xe3: {  	[spmem:s2] =	stream.indirect.scatter.add.f32 [tilespmem:s19], [sflag:$0x5], $0x80, s1, s25, $0xb8;
	[tilespmem:$0x1F800] =	vst v63  }
.LBB2_9:
0xe4: {  	_ =	sfence.sel $0x180000  }
0xe5: {  	[bflag:$0x0] =	sbarrier.arrive $0xFFFF  }
0xe6: {  	_ =	strace $0x90000050  }
0xe7: {  	s0 =	stileid.u32;
	[bflag:$0x2] =	sbarrier.arrive $0xFFFF  }
0xe8: {  	p0 =	sne.s32 s0, $0x0;
	s0 =	rddreg [dreg:$0x2]  }
0xe9: {  	s0 =	sadd.s32 @!p0 $0x100000, s0  }
0xea: {  	[sflag:s0] =	ssyncadd.tile.s32 @!p0 $0x1;
	_ =	shalt  }
.Lfunc_end2:
_tile_overlayer_lowered:
.L_overlay_start_2:
0xeb: {  	(tag) =	ssettag $0x2  }
0xec: {  	s0 =	rddreg [dreg:$0x0];
	s2 =	stileid.u32  }
0xed: {  	s1 =	rddreg [dreg:$0x1];
	p0 =	sne.s32 s2, $0x0  }
0xee: {  	s3 =	rddreg [dreg:$0x2];
	[bflag:$0x3] =	sbarrier.arrive $0xFFFF;
	s2 =	simm.s32 @!p0 $0x1C07  }
0xef: {  	[timem:s3], [sflag:s2] =	dma.local @!p0 [hbm:s0], s1  }
0xf0: {  	s0 =	simm.s32 @!p0 $0x7  }
0xf1: {  	_ =	swait.ge @!p0 [sflag:s0], s1  }
0xf2: {  	s1 =	ssub.s32 @!p0 $0x0, s1;
	[sflag:s0] =	ssyncset.done @!p0 $0x0  }
0xf3: {  	[sflag:s0] =	ssyncadd.s32 @!p0 s1  }
0xf4: {  	[bflag:$0x3] =	sbarrier.arrive $0xFFFF  }
0xf5: {  	_ =	shalt  }

// kernel: kernel.25.cloned.1.call-start
scs
__scs_entry_jumppad:
0x0: {  	(pc) =	sbr.rel $0x88, $3  }
0x1: {  	(tag) =	ssettag $0x0;
	lr =	simm.s32 $0x1  }
0x2: {  	[smem:$0x3F99] =	sst lr;
	_ =	strace $0xD0000000  }
0x3: {  	_ = 	snop  }
0x4: {  	_ = 	snop  }
0x5: {  	_ = 	snop  }
0x6: {  	_ = 	snop  }
0x7: {  	_ = 	snop  }
__scs_overlays_trampoline_lowered:
0x8: {  	[smem:$0x3FA8] =	sst s0  }
0x9: {  	[smem:$0x3FA9] =	sst s1  }
0xa: {  	[smem:$0x3FAA] =	sst s2  }
0xb: {  	[smem:$0x3FAB] =	sst s3  }
0xc: {  	[smem:$0x3FAC] =	sst s4  }
0xd: {  	[smem:$0x3FAD] =	sst s5  }
0xe: {  	[smem:$0x3FAE] =	sst s6  }
0xf: {  	[smem:$0x3FAF] =	sst s7  }
0x10: {  	[smem:$0x3FB0] =	sst s8  }
0x11: {  	[smem:$0x3FB1] =	sst s9;
	s0 =	simm.s32 @!p0 $0x0  }
0x12: {  	s1 =	sld [smem:$0x3F97];
	s0 =	simm.s32 @p0 $0x1  }
0x13: {  	[smem:$0x3FB2] =	sst s0;
	s0 =	simm.s32 @!p1 $0x0  }
0x14: {  	s2 =	sld [smem:$0x3F96];
	s0 =	simm.s32 @p1 $0x1  }
0x15: {  	[smem:$0x3FB3] =	sst s0;
	s0 =	simm.s32 @!p2 $0x0  }
0x16: {  	s3 =	sld [smem:$0x3FDB];
	s0 =	simm.s32 @p2 $0x1  }
0x17: {  	s4 =	simm.s32 $0x1BF5;
	[smem:$0x3FB5] =	sst s0  }
0x18: {  	s0 =	sld [smem:$0x3F98];
	_ =	swait.ge [sflag:s4], $0x0  }
0x19: {  	s7 =	sld [smem:$0x3F99]  }
0x1a: {  	s8 =	sadd.s32 $0xFFFFE003, lr  }
0x1b: {  	s9 =	sadd.s32 $0xFFFFFEF7, lr;
	s5 =	simm.s32 $0xFFFFFFFF;
	p2 =	slt.u32 s8, $0xFFFFF086  }
0x1c: {  	p1 =	slt.u32 s9, $0xF7A;
	s5 =	simm.s32 @!p2 $0x0  }
0x1d: {  	s5 =	simm.s32 @p1 $0x1;
	p0 =	seq.s32 s7, s2  }
0x1e: {  	s7 =	smul.u32 @!p0 $0xF7A, s2;
	p2 =	seq.s32 @!p0 s5, $0x0  }
0x1f: {  	s9 =	smul.u32 $0xF7A, s1;
	s8 =	simm.s32 @!p0 $0x1BF5;
	p2 =	por !p2, p0  }
0x20: {  	[sflag:s8] =	ssyncset.s32 @!p0 $0xFFFFF086;
	s6 =	sadd.s32 @!p0 s3, s7;
	s7 =	simm.s32 @!p0 $0x108  }
0x21: {  	s3 =	sadd.s32 s3, s9;
	s6 =	sadd.s32 @!p0 $0x88, s6;
	s7 =	simm.s32 @p2 $0x1082  }
0x22: {  	[simem:s7], [sflag:s8] =	dma.local @!p0 [hbm:s6], $0xF7A  }
0x23: {  	s9 =	sor.u32 $0xD0000000, s2;
	s6 =	simm.s32 $0x108;
	_ =	swait.ge @!p0 [sflag:s8], $0x0  }
0x24: {  	s3 =	sadd.s32 $0x88, s3;
	s6 =	simm.s32 @!p1 $0x1082;
	[sflag:s4] =	ssyncset.s32 $0xFFFFF086  }
0x25: {  	[simem:s6], [sflag:s4] =	dma.local [hbm:s3], $0xF7A  }
0x26: {  	[smem:$0x3F99] =	sst s1;
	(tag) =	ssettag s2;
	_ =	strace s9  }
0x27: {  	s1 =	sld [smem:$0x3FA9]  }
0x28: {  	s2 =	sld [smem:$0x3FAA]  }
0x29: {  	s4 =	sld [smem:$0x3FAC]  }
0x2a: {  	p0 =	seq.s32 s5, $0x0;
	s5 =	sld [smem:$0x3FAD]  }
0x2b: {  	s6 =	sld [smem:$0x3FAE]  }
0x2c: {  	s7 =	sld [smem:$0x3FAF]  }
0x2d: {  	s3 =	simm.s32 $0x108;
	s8 =	sld [smem:$0x3FB0]  }
0x2e: {  	s3 =	simm.s32 @!p0 $0x1082;
	s9 =	sld [smem:$0x3FB1]  }
0x2f: {  	lr =	sadd.s32 s0, s3;
	s0 =	sld [smem:$0x3FA8]  }
0x30: {  	s3 =	sld [smem:$0x3FAB]  }
0x31: {  	[smem:$0x3FB4] =	sst s10  }
0x32: {  	s10 =	sld [smem:$0x3FB2];
	_ =	sdelay $0x3  }
0x33: {  	p0 =	seq.s32 s10, $0x1;
	s10 =	sld [smem:$0x3FB4];
	_ =	sdelay $0x3  }
0x34: {  	[smem:$0x3FB4] =	sst s10  }
0x35: {  	s10 =	sld [smem:$0x3FB3];
	_ =	sdelay $0x3  }
0x36: {  	p1 =	seq.s32 s10, $0x1;
	s10 =	sld [smem:$0x3FB4];
	_ =	sdelay $0x3  }
0x37: {  	[smem:$0x3FB4] =	sst s10  }
0x38: {  	s10 =	sld [smem:$0x3FB5]  }
0x39: {  	_ = 	snop;
	(pc) =	sbr.ind lr, $3  }
0x3a: {  	_ = 	snop  }
0x3b: {  	_ = 	snop  }
0x3c: {  	p2 =	seq.s32 s10, $0x1;
	s10 =	sld [smem:$0x3FB4]  }
0x3d: {  	_ =	shalt  }
0x3e: {  	_ =	shalt  }
0x3f: {  	_ =	shalt  }
0x40: {  	_ =	shalt  }
0x41: {  	_ =	shalt  }
0x42: {  	_ =	shalt  }
0x43: {  	_ =	shalt  }
0x44: {  	_ =	shalt  }
0x45: {  	_ =	shalt  }
0x46: {  	_ =	shalt  }
0x47: {  	_ =	shalt  }
0x48: {  	_ =	shalt  }
0x49: {  	_ =	shalt  }
0x4a: {  	_ =	shalt  }
0x4b: {  	_ =	shalt  }
0x4c: {  	_ =	shalt  }
0x4d: {  	_ =	shalt  }
0x4e: {  	_ =	shalt  }
0x4f: {  	_ =	shalt  }
0x50: {  	_ =	shalt  }
0x51: {  	_ =	shalt  }
0x52: {  	_ =	shalt  }
0x53: {  	_ =	shalt  }
0x54: {  	_ =	shalt  }
0x55: {  	_ =	shalt  }
0x56: {  	_ =	shalt  }
0x57: {  	_ =	shalt  }
0x58: {  	_ =	shalt  }
0x59: {  	_ =	shalt  }
0x5a: {  	_ =	shalt  }
0x5b: {  	_ =	shalt  }
0x5c: {  	_ =	shalt  }
0x5d: {  	_ =	shalt  }
0x5e: {  	_ =	shalt  }
0x5f: {  	_ =	shalt  }
0x60: {  	_ =	shalt  }
0x61: {  	_ =	shalt  }
0x62: {  	_ =	shalt  }
0x63: {  	_ =	shalt  }
0x64: {  	_ =	shalt  }
0x65: {  	_ =	shalt  }
0x66: {  	_ =	shalt  }
0x67: {  	_ =	shalt  }
0x68: {  	_ =	shalt  }
0x69: {  	_ =	shalt  }
0x6a: {  	_ =	shalt  }
0x6b: {  	_ =	shalt  }
0x6c: {  	_ =	shalt  }
0x6d: {  	_ =	shalt  }
0x6e: {  	_ =	shalt  }
0x6f: {  	_ =	shalt  }
0x70: {  	_ =	shalt  }
0x71: {  	_ =	shalt  }
0x72: {  	_ =	shalt  }
0x73: {  	_ =	shalt  }
0x74: {  	_ =	shalt  }
0x75: {  	_ =	shalt  }
0x76: {  	_ =	shalt  }
0x77: {  	_ =	shalt  }
0x78: {  	_ =	shalt  }
0x79: {  	_ =	shalt  }
0x7a: {  	_ =	shalt  }
0x7b: {  	_ =	shalt  }
0x7c: {  	_ =	shalt  }
0x7d: {  	_ =	shalt  }
0x7e: {  	_ =	shalt  }
0x7f: {  	_ =	shalt  }
0x80: {  	_ =	shalt  }
0x81: {  	_ =	shalt  }
0x82: {  	_ =	shalt  }
0x83: {  	_ =	shalt  }
0x84: {  	_ =	shalt  }
0x85: {  	_ =	shalt  }
0x86: {  	_ =	shalt  }
0x87: {  	_ =	shalt  }
.Lfunc_end0:
.L_simem_size_0:
called_computation.4_lowered:
.L_overlay_start_0:
0x88: {  	s2 =	sld [smem:$0x3FD9]  }
0x89: {  	s3 =	sld [smem:$0x3FFE];
	_ =	sdelay $0x1  }
0x8a: {  	s1 =	srdreg.scid  }
0x8b: {  	s0 =	sand.u32 $0x1, s1  }
0x8c: {  	s16 =	sshll.u32 s0, $0xA;
	s2 =	sadd.s32 s3, s2  }
0x8d: {  	s2 =	sadd.s32 s2, s16  }
0x8e: {  	[smem:$0x3FC0] =	sst s2  }
0x8f: {  	_ = 	snop  }
0x90: {  	(tm) =	ssettm $0x1  }
0x91: {  	s17 =	sld [smem:$0x3FFB];
	_ =	sdelay $0x3  }
0x92: {  	_ =	strace s17  }
0x93: {  	s2 =	sld [smem:$0x3FFC];
	_ =	sdelay $0x3  }
0x94: {  	_ =	strace s2  }
0x95: {  	s2 =	sld [smem:$0x3FFD];
	_ =	sdelay $0x3  }
0x96: {  	_ =	strace s2  }
0x97: {  	_ =	strace $0x8FFFFFFF  }
0x98: {  	s18 =	sld [smem:$0x3FDB];
	_ =	sdelay $0x1  }
0x99: {  	s19 =	simm.s32 $_scs_section_size  }
0x9a: {  	s4 =	simm.s32 $_size__tile_overlayer_lowered;
	s5 =	simm.s32 $_tile_overlayer_lowered  }
0x9b: {  	s22 =	simm.s32 $0x1BFF;
	s21 =	sshll.u32 s5, $0x1;
	s2 =	sadd.s32 s19, s18  }
0x9c: {  	s6 =	simm.s32 $0x0;
	s20 =	sshll.u32 s4, $0x1;
	s4 =	sadd.s32 s21, s2  }
0x9d: {  	[timem:s6], [sflag:s22] =	dma.local [hbm:s4], s20  }
0x9e: {  	_ =	swait.ge [sflag:s22], s20  }
0x9f: {  	s3 =	ssub.s32 $0x0, s20;
	[sflag:s22] =	ssyncset.done $0x0  }
0xa0: {  	[sflag:s22] =	ssyncadd.s32 s3;
	_ =	sdelay $0x1  }
0xa1: {  	s23 =	simm.s32 $0x1B8B  }
0xa2: {  	_ =	swait.ge [sflag:s23], $0x1  }
0xa3: {  	[sflag:s23] =	ssyncset.done $0x0  }
0xa4: {  	s25 =	simm.s32 $0x1B8E;
	s24 =	sld [smem:$0x3FFE];
	[sflag:s23] =	ssyncadd.s32 $0xFFFFFFFF  }
0xa5: {  	s26 =	simm.s32 $execute0_lowered;
	[smem:$0x3FD2] =	sst s25  }
0xa6: {  	s4 =	sshll.u32 s26, $0x1;
	_ =	strace $0x80000052;
	[dreg:$0x1] =	wrdreg $0xFFFFFFFF  }
0xa7: {  	s28 =	simm.s32 $_size_execute0_lowered;
	s2 =	sadd.s32 s2, s4;
	[dreg:$0x0] =	wrdreg $0x0  }
0xa8: {  	s4 =	sshll.u32 s28, $0x1;
	[dreg:$0x2] =	wrdreg s2  }
0xa9: {  	[dreg:$0x3] =	wrdreg s4  }
0xaa: {  	[dreg:$0x4] =	wrdreg $0xC0  }
0xab: {  	_ =	task [dreg:s6], $0x5FFFF  }
0xac: {  	[dreg:$0x1] =	wrdreg $0xFFFFFFFF  }
0xad: {  	[dreg:$0x0] =	wrdreg $0x60  }
0xae: {  	[dreg:$0x2] =	wrdreg s24  }
0xaf: {  	[dreg:$0x3] =	wrdreg $0xB8000  }
0xb0: {  	[dreg:$0x4] =	wrdreg $0x9  }
0xb1: {  	_ =	task.clear_ibuf [dreg:s6], $0x5FFFF;
	_ =	strace $0x90000052  }
0xb2: {  	s29 =	simm.s32 $0x9;
	_ =	strace $0x80000054  }
0xb3: {  	_ =	swait.ge [sflag:s29], $0x1  }
0xb4: {  	[sflag:s29] =	ssyncadd.s32 $0xFFFFFFFF  }
0xb5: {  	_ =	strace $0x90000054  }
0xb6: {  	_ =	sfence  }
0xb7: {  	s30 =	sld [smem:$0x0];
	_ =	sdelay $0x2  }
0xb8: {  	s31 =	sshll.u32 s1, $0xD;
	s1 =	sshrl.u32 s1, $0x2  }
0xb9: {  	s3 =	sand.u32 $0x4000, s31;
	s1 =	sadd.s32 s1, s30  }
0xba: {  	s0 =	sor.u32 s3, s0;
	s1 =	sshll.u32 s1, $0x11  }
0xbb: {  	s0 =	sor.u32 s1, s0  }
0xbc: {  	s0 =	sadd.s32 $0x8F2B, s0  }
0xbd: {  	[sflag:s0] =	ssyncadd.remote.s32 $0x1  }
0xbe: {  	_ =	sfence.sel $0xFFFF  }
0xbf: {  	[dreg:$0x0] =	wrdreg $0xFFFFFFFF;
	(pc) =	sbr.abs _section_cstart, $3  }
0xc0: {  	[dreg:$0x1] =	wrdreg $0xFFFFFFFF  }
0xc1: {  	_ =	task.clear_ibuf [dreg:s6], $0x2FFFF;
	_ =	strace $0x9FFFFFFF  }
0xc2: {  	(tm) =	ssettm $0x7FFFFFFF  }
0xc3: {  	_ =	shalt  }
tec
execute0_lowered:
.L_overlay_start_1:
0x0: {  	(tag) =	ssettag $0x1  }
0x1: {  	s0 =	rddreg [dreg:$0x0]  }
0x2: {  	s2 =	rddreg [dreg:$0x1];
	s3 =	simm.s32 $0x0;
	s5 =	stileid.u32  }
0x3: {  	s7 =	srdreg.scid;
	s13 =	simm.s32 $0x7;
	s17 =	simm.s32 $0x5800  }
0x4: {  	s19 =	simm.s32 $0x7800;
	s20 =	simm.s32 $0x1;
	s22 =	simm.s32 $0x9800  }
0x5: {  	s28 =	simm.s32 $0x5;
	s29 =	simm.s32 $0x6;
	s31 =	simm.s32 $0x0  }
0x6: {  	[smem:$0x7FF] =	sst s3;
	s1 =	smul.u32 $0x580, s5;
	s4 =	sadd.s32 $0x59E00, s0  }
0x7: {  	s8 =	smul.u32 $0x2800, s5;
	s6 =	sadd.s32 $0x31E00, s0;
	s7 =	sand.u32 $0x1, s7  }
0x8: {  	s10 =	smul.u32 $0x50000, s5;
	s11 =	sadd.s32 $0x8D600, s0;
	s30 =	sshll.u32 s5, $0x6  }
0x9: {  	s5 =	simm.s32 $0x2C00;
	_ =	strace $0x80000053;
	s9 =	ssub.s32 $0x2, s7  }
0xa: {  	[dreg:$0x4] =	wrdreg s11;
	p0 =	seq.s32 s7, $0x0;
	s15 =	sor.u32 $0x1C07, s30  }
0xb: {  	s1 =	sadd.s32 s1, s0;
	[dreg:$0x3] =	wrdreg s8;
	s8 =	sadd.s32 s8, s0  }
0xc: {  	s0 =	sadd.s32 $0xB5600, s0;
	s23 =	sshrl.u32 s9, $0x1;
	s25 =	sshrl.u32 s10, $0x2  }
.Ltmp0:
0xd: {  	[dreg:$0x5] =	wrdreg s0;
	s0 =	ssub.s32 s9, s23;
	(pc) =	sbr.rel .LBB2_1-.Ltmp0, $4  }
0xe: {  	s24 =	sadd.s32 $0x87E00, s1;
	s1 =	sadd.s32 $0x82600, s1;
	s26 =	sadd.s32 s25, s2  }
0xf: {  	s11 =	sadd.s32 $0x9E00, s8;
	s23 =	simm.s32 $0x2;
	[dreg:$0x6] =	wrdreg s24  }
0x10: {  	s25 =	simm.s32 $0x40;
	[dreg:$0x7] =	wrdreg s1;
	s12 =	smax.u32 s0, $0x1  }
0x11: {  	s16 =	sshrl.u32 s26, $0x3;
	s24 =	simm.s32 $0x4;
	s26 =	simm.s32 $0x3  }
.LBB2_7:
0x12: {  	[spmem:s2] =	stream.indirect.scatter.add.f32 [tilespmem:s19], [sflag:$0x5], $0x80, s18, s25, $0xb8;
	[tilespmem:$0x1F800] =	vst v63  }
0x13: {  	s5 =	sand.u32 $0x3F80, s21;
	_ =	swait.ge [sflag:s24], $0x2000  }
0x14: {  	s5 =	sor.u32 s8, s5;
	[sflag:s24] =	ssyncset.done $0x0  }
0x15: {  	s9 =	sadd.s32 $0x2C00, s5;
	[sflag:s24] =	ssyncadd.s32 $0xFFFFE000  }
0x16: {  	[tilespmem:s17], [sflag:$0x1] =	stream.indirect.gather [hbm4b:s4+s25], $0x80, s9, s25, $0xb8;
	[tilespmem:$0x1F800] =	vst v63  }
0x17: {  	_ =	swait.ge [sflag:s26], $0x2000  }
0x18: {  	s21 =	sadd.s32 $0xFFFFFF40, s1;
	[sflag:s26] =	ssyncset.done $0x0  }
0x19: {  	s9 =	sand.u32 $0xFFFFFFC0, s21;
	[sflag:s26] =	ssyncadd.s32 $0xFFFFE000  }
0x1a: {  	[spmem:s2] =	stream.indirect.scatter.add.f32 [tilespmem:s22], [sflag:$0x6], $0x80, s9, s25, $0xb8;
	[tilespmem:$0x1F800] =	vst v63  }
0x1b: {  	_ =	swait.ge [sflag:s28], $0x2000  }
0x1c: {  	[sflag:s28] =	ssyncset.done $0x0  }
0x1d: {  	[sflag:s28] =	ssyncadd.s32 $0xFFFFE000  }
0x1e: {  	[tilespmem:s19], [sflag:$0x2] =	stream.indirect.gather [hbm4b:s4+s25], $0x80, s7, s25, $0xb8;
	[tilespmem:$0x1F800] =	vst v63  }
0x1f: {  	_ =	swait.ge [sflag:s20], $0x2000  }
0x20: {  	[sflag:s20] =	ssyncset.done $0x0  }
0x21: {  	[sflag:s20] =	ssyncadd.s32 $0xFFFFE000  }
0x22: {  	[spmem:s2] =	stream.indirect.scatter.add.f32 [tilespmem:s17], [sflag:$0x4], $0x80, s5, s25, $0xb8;
	[tilespmem:$0x1F800] =	vst v63  }
0x23: {  	s30 =	sand.u32 $0x7F80, s1;
	_ =	swait.ge [sflag:s29], $0x2000  }
0x24: {  	s1 =	sor.u32 s8, s30;
	[sflag:s29] =	ssyncset.done $0x0  }
0x25: {  	s1 =	sadd.s32 $0x2C00, s1;
	[sflag:s29] =	ssyncadd.s32 $0xFFFFE000  }
0x26: {  	[tilespmem:s22], [sflag:$0x3] =	stream.indirect.gather [hbm4b:s4+s25], $0x80, s1, s25, $0xb8;
	[tilespmem:$0x1F800] =	vst v63  }
0x27: {  	_ =	swait.ge [sflag:s23], $0x2000  }
0x28: {  	[sflag:s23] =	ssyncset.done $0x0  }
0x29: {  	[sflag:s23] =	ssyncadd.s32 $0xFFFFE000  }
0x2a: {  	[spmem:s2] =	stream.indirect.scatter.add.f32 [tilespmem:s19], [sflag:$0x5], $0x80, s0, s25, $0xb8;
	[tilespmem:$0x1F800] =	vst v63  }
0x2b: {  	s0 =	rddreg [dreg:$0x4]  }
.LBB2_8:
0x2c: {  	_ =	swait.ge [sflag:s26], $0x2000  }
0x2d: {  	[sflag:s26] =	ssyncset.done $0x0  }
0x2e: {  	s1 =	simm.s32 $0x2840;
	[sflag:s26] =	ssyncadd.s32 $0xFFFFE000  }
0x2f: {  	[spmem:s2] =	stream.indirect.scatter.add.f32 [tilespmem:s22], [sflag:$0x6], $0x80, s1, s25, $0xb8;
	[tilespmem:$0x1F800] =	vst v63  }
0x30: {  	_ =	swait.ge [sflag:s24], $0x2000  }
0x31: {  	[sflag:s24] =	ssyncset.done $0x0  }
0x32: {  	[sflag:s24] =	ssyncadd.s32 $0xFFFFE000  }
0x33: {  	_ =	swait.ge [sflag:s28], $0x2000  }
0x34: {  	[sflag:s28] =	ssyncset.done $0x0  }
0x35: {  	[sflag:s28] =	ssyncadd.s32 $0xFFFFE000  }
0x36: {  	_ =	swait.ge [sflag:s29], $0x2000  }
0x37: {  	s31 =	sadd.s32 $0x1, s31;
	[sflag:s29] =	ssyncset.done $0x0  }
0x38: {  	p1 =	sne.s32 s31, s12;
	s30 =	rddreg [dreg:$0x3];
	[sflag:s29] =	ssyncadd.s32 $0xFFFFE000  }
.Ltmp1:
0x39: {  	s0 =	sadd.s32 s0, s30;
	[bflag:$0x0] =	sbarrier.arrive $0xFFFF;
	(pc) =	sbr.rel @!p1 .LBB2_9-.Ltmp1, $4  }
0x3a: {  	[hbm:s0], [sflag:s15] =	dma.local [spmem:s16], $0x2800  }
0x3b: {  	_ =	swait.ge [sflag:s13], $0x2800  }
0x3c: {  	[sflag:s13] =	ssyncset.done $0x0  }
0x3d: {  	s5 =	simm.s32 $0x2C00;
	[sflag:s13] =	ssyncadd.s32 $0xFFFFD800  }
.LBB2_1:
0x3e: {  	s0 =	rddreg [dreg:$0x6]  }
0x3f: {  	[tilespmem:s3], [sflag:$0x7] =	stream.linear.gather [hbm4b:s0+s3], $0x2880, $0x38;
	[tilespmem:$0x1F800] =	vst v63  }
0x40: {  	_ =	swait.ge [sflag:s13], $0x2880  }
0x41: {  	[sflag:s13] =	ssyncset.done $0x0  }
0x42: {  	s30 =	rddreg [dreg:$0x7];
	[sflag:s13] =	ssyncadd.s32 $0xFFFFD780  }
0x43: {  	[tilespmem:s5], [sflag:$0x7] =	stream.linear.gather [hbm4b:s30+s3], $0x2880, $0x38;
	[tilespmem:$0x1F800] =	vst v63  }
0x44: {  	_ =	swait.ge [sflag:s13], $0x2880  }
0x45: {  	[sflag:s13] =	ssyncset.done $0x0  }
0x46: {  	[sflag:s13] =	ssyncadd.s32 $0xFFFFD780  }
0x47: {  	[spmem:s16], [sflag:s15] =	dma.local [hbm:s11], $0x2800  }
.Ltmp2:
0x48: {  	_ =	swait.ge [sflag:s13], $0x2800;
	(pc) =	sbr.rel @!p0 .LBB2_2-.Ltmp2, $3  }
0x49: {  	[sflag:s13] =	ssyncset.done $0x0  }
0x4a: {  	[sflag:s13] =	ssyncadd.s32 $0xFFFFD800  }
0x4b: {  	[bflag:$0x0] =	sbarrier.arrive $0xFFFF;
	_ =	sdelay $0x1  }
0x4c: {  	s0 =	simm.s32 $0x40  }
0x4d: {  	[tilespmem:s17], [sflag:$0x1] =	stream.indirect.gather [hbm4b:s4+s0], $0x80, s5, s0, $0xb8;
	[tilespmem:$0x1F800] =	vst v63  }
0x4e: {  	s1 =	simm.s32 $0x2C40  }
0x4f: {  	[tilespmem:s19], [sflag:$0x2] =	stream.indirect.gather [hbm4b:s4+s0], $0x80, s1, s0, $0xb8;
	[tilespmem:$0x1F800] =	vst v63  }
0x50: {  	_ =	swait.ge [sflag:s20], $0x2000  }
0x51: {  	[sflag:s20] =	ssyncset.done $0x0  }
0x52: {  	[sflag:s20] =	ssyncadd.s32 $0xFFFFE000  }
0x53: {  	[spmem:s2] =	stream.indirect.scatter.add.f32 [tilespmem:s17], [sflag:$0x4], $0x80, s3, s0, $0xb8;
	[tilespmem:$0x1F800] =	vst v63  }
0x54: {  	s7 =	simm.s32 $0x2C80  }
0x55: {  	[tilespmem:s22], [sflag:$0x3] =	stream.indirect.gather [hbm4b:s4+s0], $0x80, s7, s0, $0xb8;
	[tilespmem:$0x1F800] =	vst v63  }
0x56: {  	_ =	swait.ge [sflag:s23], $0x2000  }
0x57: {  	[sflag:s23] =	ssyncset.done $0x0  }
0x58: {  	s8 =	simm.s32 $0xC0;
	[sflag:s23] =	ssyncadd.s32 $0xFFFFE000  }
0x59: {  	[spmem:s2] =	stream.indirect.scatter.add.f32 [tilespmem:s19], [sflag:$0x5], $0x80, s0, s0, $0xb8;
	[tilespmem:$0x1F800] =	vst v63  }
0x5a: {  	s1 =	sand.u32 $0x3F80, s8;
	s0 =	sand.u32 $0x40, s0;
	_ =	swait.ge [sflag:s24], $0x2000  }
0x5b: {  	s1 =	sor.u32 s0, s1;
	[sflag:s24] =	ssyncset.done $0x0  }
0x5c: {  	s7 =	sadd.s32 $0x2C00, s1;
	[sflag:s24] =	ssyncadd.s32 $0xFFFFE000  }
0x5d: {  	[tilespmem:s17], [sflag:$0x1] =	stream.indirect.gather [hbm4b:s4+s25], $0x80, s7, s25, $0xb8;
	[tilespmem:$0x1F800] =	vst v63  }
0x5e: {  	_ =	swait.ge [sflag:s26], $0x2000  }
0x5f: {  	s9 =	simm.s32 $0x80;
	[sflag:s26] =	ssyncset.done $0x0  }
0x60: {  	s7 =	sand.u32 $0xFFFFFFC0, s9;
	[sflag:s26] =	ssyncadd.s32 $0xFFFFE000  }
0x61: {  	[spmem:s2] =	stream.indirect.scatter.add.f32 [tilespmem:s22], [sflag:$0x6], $0x80, s7, s25, $0xb8;
	[tilespmem:$0x1F800] =	vst v63  }
0x62: {  	_ =	swait.ge [sflag:s28], $0x2000  }
0x63: {  	[sflag:s28] =	ssyncset.done $0x0  }
0x64: {  	s10 =	simm.s32 $0x2D00;
	[sflag:s28] =	ssyncadd.s32 $0xFFFFE000  }
0x65: {  	[tilespmem:s19], [sflag:$0x2] =	stream.indirect.gather [hbm4b:s4+s25], $0x80, s10, s25, $0xb8;
	[tilespmem:$0x1F800] =	vst v63  }
0x66: {  	_ =	swait.ge [sflag:s20], $0x2000  }
0x67: {  	[sflag:s20] =	ssyncset.done $0x0  }
0x68: {  	s14 =	simm.s32 $0x140;
	[sflag:s20] =	ssyncadd.s32 $0xFFFFE000  }
0x69: {  	[spmem:s2] =	stream.indirect.scatter.add.f32 [tilespmem:s17], [sflag:$0x4], $0x80, s1, s25, $0xb8;
	[tilespmem:$0x1F800] =	vst v63  }
0x6a: {  	s18 =	simm.s32 $0x100;
	s21 =	sand.u32 $0x7F80, s14;
	_ =	swait.ge [sflag:s29], $0x2000  }
0x6b: {  	s30 =	simm.s32 $0x2C0;
	s0 =	sor.u32 s0, s21;
	[sflag:s29] =	ssyncset.done $0x0  }
0x6c: {  	s8 =	simm.s32 $0x80;
	s0 =	sadd.s32 $0x2C00, s0;
	[sflag:s29] =	ssyncadd.s32 $0xFFFFE000  }
0x6d: {  	[tilespmem:s22], [sflag:$0x3] =	stream.indirect.gather [hbm4b:s4+s25], $0x80, s0, s25, $0xb8;
	[tilespmem:$0x1F800] =	vst v63  }
0x6e: {  	s8 =	sand.u32 $0x40, s8;
	s21 =	simm.s32 $0x180;
	_ =	swait.ge [sflag:s23], $0x2000  }
0x6f: {  	s9 =	simm.s32 $0xC0;
	s7 =	simm.s32 $0x2DC0;
	[sflag:s23] =	ssyncset.done $0x0  }
0x70: {  	s1 =	simm.s32 $0x200;
	s0 =	simm.s32 $0x1C0;
	[sflag:s23] =	ssyncadd.s32 $0xFFFFE000  }
.LBB2_6:
0x71: {  	[spmem:s2] =	stream.indirect.scatter.add.f32 [tilespmem:s19], [sflag:$0x5], $0x80, s18, s25, $0xb8;
	[tilespmem:$0x1F800] =	vst v63  }
0x72: {  	s5 =	smov.u32 s9;
	s18 =	smov.u32 s0  }
0x73: {  	s10 =	sand.u32 $0x3F80, s21;
	s21 =	sadd.s32 $0xFFFFFF80, s30;
	_ =	swait.ge [sflag:s24], $0x2000  }
0x74: {  	s14 =	sadd.s32 $0x40, s9;
	s10 =	sor.u32 s8, s10;
	[sflag:s24] =	ssyncset.done $0x0  }
0x75: {  	p1 =	seq.s32 s9, $0xD40;
	s9 =	sadd.s32 $0x2C00, s10;
	[sflag:s24] =	ssyncadd.s32 $0xFFFFE000  }
0x76: {  	[tilespmem:s17], [sflag:$0x1] =	stream.indirect.gather [hbm4b:s4+s25], $0x80, s9, s25, $0xb8;
	[tilespmem:$0x1F800] =	vst v63  }
0x77: {  	_ =	swait.ge [sflag:s26], $0x2000  }
0x78: {  	s9 =	sadd.s32 $0xFFFFFF40, s1;
	[sflag:s26] =	ssyncset.done $0x0  }
0x79: {  	s9 =	sand.u32 $0xFFFFFFC0, s9;
	[sflag:s26] =	ssyncadd.s32 $0xFFFFE000  }
0x7a: {  	[spmem:s2] =	stream.indirect.scatter.add.f32 [tilespmem:s22], [sflag:$0x6], $0x80, s9, s25, $0xb8;
	[tilespmem:$0x1F800] =	vst v63  }
0x7b: {  	_ =	swait.ge [sflag:s28], $0x2000  }
0x7c: {  	[sflag:s28] =	ssyncset.done $0x0  }
0x7d: {  	[sflag:s28] =	ssyncadd.s32 $0xFFFFE000  }
0x7e: {  	[tilespmem:s19], [sflag:$0x2] =	stream.indirect.gather [hbm4b:s4+s25], $0x80, s7, s25, $0xb8;
	[tilespmem:$0x1F800] =	vst v63  }
0x7f: {  	_ =	swait.ge [sflag:s20], $0x2000  }
0x80: {  	[sflag:s20] =	ssyncset.done $0x0  }
0x81: {  	[sflag:s20] =	ssyncadd.s32 $0xFFFFE000  }
0x82: {  	[spmem:s2] =	stream.indirect.scatter.add.f32 [tilespmem:s17], [sflag:$0x4], $0x80, s10, s25, $0xb8;
	[tilespmem:$0x1F800] =	vst v63  }
0x83: {  	s9 =	sand.u32 $0x7F80, s1;
	s1 =	smov.u32 s30;
	_ =	swait.ge [sflag:s29], $0x2000  }
0x84: {  	s8 =	sor.u32 s8, s9;
	[sflag:s29] =	ssyncset.done $0x0  }
.Ltmp3:
0x85: {  	s8 =	sadd.s32 $0x2C00, s8;
	[sflag:s29] =	ssyncadd.s32 $0xFFFFE000;
	(pc) =	sbr.rel @!p1 .LBB2_6-.Ltmp3, $4  }
0x86: {  	[tilespmem:s22], [sflag:$0x3] =	stream.indirect.gather [hbm4b:s4+s25], $0x80, s8, s25, $0xb8;
	[tilespmem:$0x1F800] =	vst v63  }
0x87: {  	s0 =	sadd.s32 $0xC0, s0;
	_ =	swait.ge [sflag:s23], $0x2000  }
0x88: {  	s30 =	sadd.s32 $0xC0, s30;
	s7 =	sadd.s32 $0xC0, s7;
	[sflag:s23] =	ssyncset.done $0x0  }
0x89: {  	s9 =	smov.u32 s14;
	s8 =	sand.u32 $0x40, s5;
	[sflag:s23] =	ssyncadd.s32 $0xFFFFE000  }
.Ltmp4:
0x8a: {  	_ = 	snop;
	(pc) =	sbr.rel .LBB2_7-.Ltmp4, $1  }
0x8b: {  	_ =	sdelay $0x3  }
.LBB2_2:
0x8c: {  	s8 =	simm.s32 $0x40  }
0x8d: {  	[tilespmem:s17], [sflag:$0x1] =	stream.indirect.gather [hbm4b:s6+s8], $0x80, s5, s8, $0xb8;
	[tilespmem:$0x1F800] =	vst v63  }
0x8e: {  	s0 =	simm.s32 $0x2C40  }
0x8f: {  	[tilespmem:s19], [sflag:$0x2] =	stream.indirect.gather [hbm4b:s6+s8], $0x80, s0, s8, $0xb8;
	[tilespmem:$0x1F800] =	vst v63  }
0x90: {  	_ =	swait.ge [sflag:s20], $0x2000  }
0x91: {  	[sflag:s20] =	ssyncset.done $0x0  }
0x92: {  	[sflag:s20] =	ssyncadd.s32 $0xFFFFE000  }
0x93: {  	[spmem:s2] =	stream.indirect.scatter.add.f32 [tilespmem:s17], [sflag:$0x4], $0x80, s3, s8, $0xb8;
	[tilespmem:$0x1F800] =	vst v63  }
0x94: {  	s7 =	simm.s32 $0x2C80  }
0x95: {  	[tilespmem:s22], [sflag:$0x3] =	stream.indirect.gather [hbm4b:s6+s8], $0x80, s7, s8, $0xb8;
	[tilespmem:$0x1F800] =	vst v63  }
0x96: {  	_ =	swait.ge [sflag:s23], $0x2000  }
0x97: {  	[sflag:s23] =	ssyncset.done $0x0  }
0x98: {  	s9 =	simm.s32 $0xC0;
	[sflag:s23] =	ssyncadd.s32 $0xFFFFE000  }
0x99: {  	[spmem:s2] =	stream.indirect.scatter.add.f32 [tilespmem:s19], [sflag:$0x5], $0x80, s8, s8, $0xb8;
	[tilespmem:$0x1F800] =	vst v63  }
0x9a: {  	s5 =	sand.u32 $0x3F80, s9;
	s8 =	sand.u32 $0x40, s8;
	_ =	swait.ge [sflag:s24], $0x2000  }
0x9b: {  	s5 =	sor.u32 s8, s5;
	[sflag:s24] =	ssyncset.done $0x0  }
0x9c: {  	s9 =	sadd.s32 $0x2C00, s5;
	[sflag:s24] =	ssyncadd.s32 $0xFFFFE000  }
0x9d: {  	[tilespmem:s17], [sflag:$0x1] =	stream.indirect.gather [hbm4b:s6+s25], $0x80, s9, s25, $0xb8;
	[tilespmem:$0x1F800] =	vst v63  }
0x9e: {  	_ =	swait.ge [sflag:s26], $0x2000  }
0x9f: {  	s10 =	simm.s32 $0x80;
	[sflag:s26] =	ssyncset.done $0x0  }
0xa0: {  	s9 =	sand.u32 $0xFFFFFFC0, s10;
	[sflag:s26] =	ssyncadd.s32 $0xFFFFE000  }
0xa1: {  	[spmem:s2] =	stream.indirect.scatter.add.f32 [tilespmem:s22], [sflag:$0x6], $0x80, s9, s25, $0xb8;
	[tilespmem:$0x1F800] =	vst v63  }
0xa2: {  	_ =	swait.ge [sflag:s28], $0x2000  }
0xa3: {  	[sflag:s28] =	ssyncset.done $0x0  }
0xa4: {  	s7 =	simm.s32 $0x2D00;
	[sflag:s28] =	ssyncadd.s32 $0xFFFFE000  }
0xa5: {  	[tilespmem:s19], [sflag:$0x2] =	stream.indirect.gather [hbm4b:s6+s25], $0x80, s7, s25, $0xb8;
	[tilespmem:$0x1F800] =	vst v63  }
0xa6: {  	_ =	swait.ge [sflag:s20], $0x2000  }
0xa7: {  	[sflag:s20] =	ssyncset.done $0x0  }
0xa8: {  	s1 =	simm.s32 $0x140;
	[sflag:s20] =	ssyncadd.s32 $0xFFFFE000  }
0xa9: {  	[spmem:s2] =	stream.indirect.scatter.add.f32 [tilespmem:s17], [sflag:$0x4], $0x80, s5, s25, $0xb8;
	[tilespmem:$0x1F800] =	vst v63  }
0xaa: {  	s14 =	simm.s32 $0x80;
	s1 =	sand.u32 $0x7F80, s1;
	_ =	swait.ge [sflag:s29], $0x2000  }
0xab: {  	s21 =	simm.s32 $0x180;
	s1 =	sor.u32 s8, s1;
	[sflag:s29] =	ssyncset.done $0x0  }
0xac: {  	s18 =	simm.s32 $0x2DC0;
	s1 =	sadd.s32 $0x2C00, s1;
	[sflag:s29] =	ssyncadd.s32 $0xFFFFE000  }
0xad: {  	[tilespmem:s22], [sflag:$0x3] =	stream.indirect.gather [hbm4b:s6+s25], $0x80, s1, s25, $0xb8;
	[tilespmem:$0x1F800] =	vst v63  }
0xae: {  	s30 =	simm.s32 $0x2C0;
	s0 =	simm.s32 $0x100;
	_ =	swait.ge [sflag:s23], $0x2000  }
0xaf: {  	s8 =	sand.u32 $0x40, s14;
	s9 =	simm.s32 $0xC0;
	[sflag:s23] =	ssyncset.done $0x0  }
0xb0: {  	s7 =	simm.s32 $0x200;
	s1 =	simm.s32 $0x1C0;
	[sflag:s23] =	ssyncadd.s32 $0xFFFFE000  }
.LBB2_3:
0xb1: {  	[spmem:s2] =	stream.indirect.scatter.add.f32 [tilespmem:s19], [sflag:$0x5], $0x80, s0, s25, $0xb8;
	[tilespmem:$0x1F800] =	vst v63  }
0xb2: {  	s5 =	smov.u32 s9;
	s0 =	smov.u32 s1  }
0xb3: {  	s10 =	sand.u32 $0x3F80, s21;
	s21 =	sadd.s32 $0xFFFFFF80, s30;
	_ =	swait.ge [sflag:s24], $0x2000  }
0xb4: {  	s14 =	sadd.s32 $0x40, s9;
	s10 =	sor.u32 s8, s10;
	[sflag:s24] =	ssyncset.done $0x0  }
0xb5: {  	p1 =	sne.s32 s9, $0xD40;
	s9 =	sadd.s32 $0x2C00, s10;
	[sflag:s24] =	ssyncadd.s32 $0xFFFFE000  }
0xb6: {  	[tilespmem:s17], [sflag:$0x1] =	stream.indirect.gather [hbm4b:s6+s25], $0x80, s9, s25, $0xb8;
	[tilespmem:$0x1F800] =	vst v63  }
0xb7: {  	_ =	swait.ge [sflag:s26], $0x2000  }
0xb8: {  	s9 =	sadd.s32 $0xFFFFFF40, s7;
	[sflag:s26] =	ssyncset.done $0x0  }
0xb9: {  	s9 =	sand.u32 $0xFFFFFFC0, s9;
	[sflag:s26] =	ssyncadd.s32 $0xFFFFE000  }
0xba: {  	[spmem:s2] =	stream.indirect.scatter.add.f32 [tilespmem:s22], [sflag:$0x6], $0x80, s9, s25, $0xb8;
	[tilespmem:$0x1F800] =	vst v63  }
0xbb: {  	_ =	swait.ge [sflag:s28], $0x2000  }
0xbc: {  	[sflag:s28] =	ssyncset.done $0x0  }
0xbd: {  	[sflag:s28] =	ssyncadd.s32 $0xFFFFE000  }
0xbe: {  	[tilespmem:s19], [sflag:$0x2] =	stream.indirect.gather [hbm4b:s6+s25], $0x80, s18, s25, $0xb8;
	[tilespmem:$0x1F800] =	vst v63  }
0xbf: {  	_ =	swait.ge [sflag:s20], $0x2000  }
0xc0: {  	[sflag:s20] =	ssyncset.done $0x0  }
0xc1: {  	[sflag:s20] =	ssyncadd.s32 $0xFFFFE000  }
0xc2: {  	[spmem:s2] =	stream.indirect.scatter.add.f32 [tilespmem:s17], [sflag:$0x4], $0x80, s10, s25, $0xb8;
	[tilespmem:$0x1F800] =	vst v63  }
0xc3: {  	s9 =	sand.u32 $0x7F80, s7;
	s7 =	smov.u32 s30;
	_ =	swait.ge [sflag:s29], $0x2000  }
0xc4: {  	s8 =	sor.u32 s8, s9;
	[sflag:s29] =	ssyncset.done $0x0  }
.Ltmp5:
0xc5: {  	s8 =	sadd.s32 $0x2C00, s8;
	[sflag:s29] =	ssyncadd.s32 $0xFFFFE000;
	(pc) =	sbr.rel @p1 .LBB2_3-.Ltmp5, $4  }
0xc6: {  	[tilespmem:s22], [sflag:$0x3] =	stream.indirect.gather [hbm4b:s6+s25], $0x80, s8, s25, $0xb8;
	[tilespmem:$0x1F800] =	vst v63  }
0xc7: {  	s1 =	sadd.s32 $0xC0, s1;
	_ =	swait.ge [sflag:s23], $0x2000  }
0xc8: {  	s30 =	sadd.s32 $0xC0, s30;
	s18 =	sadd.s32 $0xC0, s18;
	[sflag:s23] =	ssyncset.done $0x0  }
0xc9: {  	s9 =	smov.u32 s14;
	s8 =	sand.u32 $0x40, s5;
	[sflag:s23] =	ssyncadd.s32 $0xFFFFE000  }
0xca: {  	[spmem:s2] =	stream.indirect.scatter.add.f32 [tilespmem:s19], [sflag:$0x5], $0x80, s0, s25, $0xb8;
	[tilespmem:$0x1F800] =	vst v63  }
0xcb: {  	s14 =	sand.u32 $0x3F80, s21;
	_ =	swait.ge [sflag:s24], $0x2000  }
0xcc: {  	s0 =	sor.u32 s8, s14;
	[sflag:s24] =	ssyncset.done $0x0  }
0xcd: {  	s5 =	sadd.s32 $0x2C00, s0;
	[sflag:s24] =	ssyncadd.s32 $0xFFFFE000  }
0xce: {  	[tilespmem:s17], [sflag:$0x1] =	stream.indirect.gather [hbm4b:s6+s25], $0x80, s5, s25, $0xb8;
	[tilespmem:$0x1F800] =	vst v63  }
0xcf: {  	_ =	swait.ge [sflag:s26], $0x2000  }
0xd0: {  	s21 =	sadd.s32 $0xFFFFFF40, s7;
	[sflag:s26] =	ssyncset.done $0x0  }
0xd1: {  	s5 =	sand.u32 $0xFFFFFFC0, s21;
	[sflag:s26] =	ssyncadd.s32 $0xFFFFE000  }
0xd2: {  	[spmem:s2] =	stream.indirect.scatter.add.f32 [tilespmem:s22], [sflag:$0x6], $0x80, s5, s25, $0xb8;
	[tilespmem:$0x1F800] =	vst v63  }
0xd3: {  	_ =	swait.ge [sflag:s28], $0x2000  }
0xd4: {  	[sflag:s28] =	ssyncset.done $0x0  }
0xd5: {  	[sflag:s28] =	ssyncadd.s32 $0xFFFFE000  }
0xd6: {  	[tilespmem:s19], [sflag:$0x2] =	stream.indirect.gather [hbm4b:s6+s25], $0x80, s18, s25, $0xb8;
	[tilespmem:$0x1F800] =	vst v63  }
0xd7: {  	_ =	swait.ge [sflag:s20], $0x2000  }
0xd8: {  	[sflag:s20] =	ssyncset.done $0x0  }
0xd9: {  	[sflag:s20] =	ssyncadd.s32 $0xFFFFE000  }
0xda: {  	[spmem:s2] =	stream.indirect.scatter.add.f32 [tilespmem:s17], [sflag:$0x4], $0x80, s0, s25, $0xb8;
	[tilespmem:$0x1F800] =	vst v63  }
0xdb: {  	s30 =	sand.u32 $0x7F80, s7;
	_ =	swait.ge [sflag:s29], $0x2000  }
0xdc: {  	s0 =	sor.u32 s8, s30;
	[sflag:s29] =	ssyncset.done $0x0  }
0xdd: {  	s0 =	sadd.s32 $0x2C00, s0;
	[sflag:s29] =	ssyncadd.s32 $0xFFFFE000  }
0xde: {  	[tilespmem:s22], [sflag:$0x3] =	stream.indirect.gather [hbm4b:s6+s25], $0x80, s0, s25, $0xb8;
	[tilespmem:$0x1F800] =	vst v63  }
.Ltmp6:
0xdf: {  	_ = 	snop;
	(pc) =	sbr.rel .LBB2_8-.Ltmp6, $4  }
0xe0: {  	_ =	swait.ge [sflag:s23], $0x2000  }
0xe1: {  	[sflag:s23] =	ssyncset.done $0x0  }
0xe2: {  	s0 =	rddreg [dreg:$0x5];
	[sflag:s23] =	ssyncadd.s32 $0xFFFFE000  }
0xe3: {  	[spmem:s2] =	stream.indirect.scatter.add.f32 [tilespmem:s19], [sflag:$0x5], $0x80, s1, s25, $0xb8;
	[tilespmem:$0x1F800] =	vst v63  }
.LBB2_9:
0xe4: {  	_ =	sfence.sel $0x180000  }
0xe5: {  	[bflag:$0x0] =	sbarrier.arrive $0xFFFF  }
0xe6: {  	_ =	strace $0x90000053  }
0xe7: {  	s0 =	stileid.u32;
	[bflag:$0x2] =	sbarrier.arrive $0xFFFF  }
0xe8: {  	p0 =	sne.s32 s0, $0x0;
	s0 =	rddreg [dreg:$0x2]  }
0xe9: {  	s0 =	sadd.s32 @!p0 $0x100000, s0  }
0xea: {  	[sflag:s0] =	ssyncadd.tile.s32 @!p0 $0x1;
	_ =	shalt  }
.Lfunc_end2:
_tile_overlayer_lowered:
.L_overlay_start_2:
0xeb: {  	(tag) =	ssettag $0x2  }
0xec: {  	s0 =	rddreg [dreg:$0x0];
	s2 =	stileid.u32  }
0xed: {  	s1 =	rddreg [dreg:$0x1];
	p0 =	sne.s32 s2, $0x0  }
0xee: {  	s3 =	rddreg [dreg:$0x2];
	[bflag:$0x3] =	sbarrier.arrive $0xFFFF;
	s2 =	simm.s32 @!p0 $0x1C07  }
0xef: {  	[timem:s3], [sflag:s2] =	dma.local @!p0 [hbm:s0], s1  }
0xf0: {  	s0 =	simm.s32 @!p0 $0x7  }
0xf1: {  	_ =	swait.ge @!p0 [sflag:s0], s1  }
0xf2: {  	s1 =	ssub.s32 @!p0 $0x0, s1;
	[sflag:s0] =	ssyncset.done @!p0 $0x0  }
0xf3: {  	[sflag:s0] =	ssyncadd.s32 @!p0 s1  }
0xf4: {  	[bflag:$0x3] =	sbarrier.arrive $0xFFFF  }
0xf5: {  	_ =	shalt  }

</sc_bundles>
